<compile_context>
chip_gen: v7x
topology: tpu7x:2x2x1
jax: 0.10.2.dev20260603
libtpu: 0.0.44.dev20260713+nightly
codegen_flags: <defaults>
</compile_context>

<pallas_src>
import functools

import jax
import jax.numpy as jnp
from jax import lax
from jax.experimental import pallas as pl
from jax.experimental.pallas import tpu as pltpu
from jax.experimental.pallas import tpu_sc as plsc

N = 10000
E = 80000
D = 512
NCH = 2
CW = D // NCH
NS = 16
EPT = E // NS
BE = 125
NB = EPT // BE
NA = 10240
RPT = NA // NS
ZR = 64

HT = 8
HEPT = E // HT
NH = 10240
HS = NH // NS

_f32 = jnp.float32
_bf16 = jnp.bfloat16
_i32 = jnp.int32


def _sc_mesh():
    return plsc.VectorSubcoreMesh(core_axis_name="c", subcore_axis_name="s",
                                  num_cores=2, num_subcores=NS)


_SC_PARAMS = pltpu.CompilerParams(needs_layout_passes=False,
                                  use_tc_tiling_on_sc=False)



def _sc_degrees(ia, ib, ic, id_):
    out_t = tuple(jax.ShapeDtypeStruct((NH,), _f32) for _ in range(4))

    @functools.partial(
        pl.kernel, out_type=out_t, mesh=_sc_mesh(),
        compiler_params=_SC_PARAMS,
        scratch_types=dict(
            idxv=pltpu.VMEM((HEPT,), _i32),
            hist=pltpu.VMEM((NH,), _f32),
            red=pltpu.VMEM((HT, HS), _f32),
            res=pltpu.VMEM((HS,), _f32),
            shist=pltpu.VMEM_SHARED((2, HT, NH), _f32),
        ),
    )
    def k(a_hbm, b_hbm, c_hbm, d_hbm, oa, ob, oc, od,
          idxv, hist, red, res, shist):
        c = lax.axis_index("c")
        s = lax.axis_index("s")
        grp = s // HT
        row = s - grp * HT

        for cc, g, ref in ((0, 0, a_hbm), (0, 1, b_hbm),
                           (1, 0, c_hbm), (1, 1, d_hbm)):
            @pl.when(jnp.logical_and(c == cc, grp == g))
            def _(ref=ref):
                pltpu.sync_copy(ref.at[row], idxv)

        zero16 = jnp.zeros((16,), _f32)

        @pl.loop(0, NH, step=16)
        def _(i):
            hist[pl.ds(i, 16)] = zero16

        ones16 = jnp.ones((16,), _f32)

        @pl.loop(0, HEPT, step=16)
        def _(i):
            idx16 = idxv[pl.ds(i, 16)]
            plsc.addupdate_scatter(hist, [idx16], ones16)

        pltpu.sync_copy(hist, shist.at[grp, row])
        plsc.subcore_barrier()

        for g in range(2):
            pltpu.sync_copy(shist.at[g, :, pl.ds(s * HS, HS)], red)

            @pl.loop(0, HS, step=16)
            def _(i):
                acc = red[0, pl.ds(i, 16)]
                for r in range(1, HT):
                    acc = acc + red[r, pl.ds(i, 16)]
                res[pl.ds(i, 16)] = acc

            for cc, out in ((0, (oa, ob)[g]), (1, (oc, od)[g])):
                @pl.when(c == cc)
                def _(out=out):
                    pltpu.sync_copy(res, out.at[pl.ds(s * HS, HS)])

    return k(ia, ib, ic, id_)



def _edge_pass(h, srcv, dstv, g0, g1, acc, sem0, sem1):
    pltpu.async_copy(h.at[srcv.at[0]], g0, sem0)

    @pl.loop(0, NB, step=2)
    def _(j):
        pltpu.async_copy(h.at[srcv.at[j + 1]], g1, sem1)
        pltpu.make_async_copy(h.at[srcv.at[j]], g0, sem0).wait()
        pltpu.sync_copy(g0, acc.at[dstv.at[j]], add=True)

        @pl.when(j + 2 < NB)
        def _():
            pltpu.async_copy(h.at[srcv.at[j + 2]], g0, sem0)

        pltpu.make_async_copy(h.at[srcv.at[j + 1]], g1, sem1).wait()
        pltpu.sync_copy(g1, acc.at[dstv.at[j + 1]], add=True)


def _sc_aggregate(h0, h1, src_g, dst_g):
    out_t = tuple(jax.ShapeDtypeStruct((NA, CW), _bf16) for _ in range(2))

    @functools.partial(
        pl.kernel, out_type=out_t, mesh=_sc_mesh(),
        compiler_params=_SC_PARAMS,
        scratch_types=dict(
            srcv=pltpu.VMEM((NB, BE), _i32),
            dstv=pltpu.VMEM((NB, BE), _i32),
            g0=pltpu.VMEM((BE, CW), _bf16),
            g1=pltpu.VMEM((BE, CW), _bf16),
            acc=pltpu.VMEM_SHARED((NA, CW), _bf16),
            sem0=pltpu.SemaphoreType.DMA,
            sem1=pltpu.SemaphoreType.DMA,
        ),
    )
    def k(h0_hbm, h1_hbm, src_hbm, dst_hbm, o0, o1,
          srcv, dstv, g0, g1, acc, sem0, sem1):
        c = lax.axis_index("c")
        s = lax.axis_index("s")
        pltpu.sync_copy(src_hbm.at[s], srcv)
        pltpu.sync_copy(dst_hbm.at[s], dstv)

        zero32 = jnp.zeros((32,), _bf16)

        @pl.loop(0, ZR)
        def _(i):
            for j in range(CW // 32):
                g0[i, pl.ds(j * 32, 32)] = zero32

        for z in range(RPT // ZR):
            pltpu.sync_copy(g0.at[pl.ds(0, ZR)],
                            acc.at[pl.ds(s * RPT + z * ZR, ZR)])
        plsc.subcore_barrier()
        for core, h in ((0, h0_hbm), (1, h1_hbm)):
            @pl.when(c == core)
            def _(h=h):
                _edge_pass(h, srcv, dstv, g0, g1, acc, sem0, sem1)
        plsc.subcore_barrier()
        for core, o in ((0, o0), (1, o1)):
            @pl.when(c == core)
            def _(o=o):
                pltpu.sync_copy(acc.at[pl.ds(s * RPT, RPT)],
                                o.at[pl.ds(s * RPT, RPT)])

    return k(h0, h1, src_g, dst_g)



_BN = 2000


def _rsqrt_clip(d):
    return lax.rsqrt(jnp.maximum(d, 1.0))


def _tc_project(x, W, b, deg_out):
    def body(x_ref, w_ref, b_ref, d_ref, *o_refs):
        y = jnp.dot(x_ref[...].astype(_bf16), w_ref[...].astype(_bf16),
                    preferred_element_type=_f32)
        y = (y + b_ref[...]) * _rsqrt_clip(d_ref[...])
        for ci in range(NCH):
            o_refs[ci][...] = y[:, ci * CW:(ci + 1) * CW].astype(_bf16)

    return pl.pallas_call(
        body,
        grid=(N // _BN,),
        in_specs=[
            pl.BlockSpec((_BN, D), lambda i: (i, 0)),
            pl.BlockSpec((D, D), lambda i: (0, 0)),
            pl.BlockSpec((1, D), lambda i: (0, 0)),
            pl.BlockSpec((_BN, 1), lambda i: (i, 0)),
        ],
        out_specs=[pl.BlockSpec((_BN, CW), lambda i: (i, 0))] * NCH,
        out_shape=[jax.ShapeDtypeStruct((N, CW), _bf16)] * NCH,
    )(x, W, b.reshape(1, D), deg_out)


def _tc_mid(a0, a1, deg_in, W, b, deg_out):
    def body(a0r, a1r, di_r, w_ref, b_ref, do_r, *o_refs):
        x = jnp.concatenate([a0r[...], a1r[...]], axis=1).astype(_f32)
        x = (x * _rsqrt_clip(di_r[...])).astype(_bf16)
        y = (jnp.dot(x, w_ref[...].astype(_bf16), preferred_element_type=_f32)
             + b_ref[...])
        y = jnp.maximum(y, 0.0) * _rsqrt_clip(do_r[...])
        for ci in range(NCH):
            o_refs[ci][...] = y[:, ci * CW:(ci + 1) * CW].astype(_bf16)

    return pl.pallas_call(
        body,
        grid=(N // _BN,),
        in_specs=[pl.BlockSpec((_BN, CW), lambda i: (i, 0))] * NCH + [
            pl.BlockSpec((_BN, 1), lambda i: (i, 0)),
            pl.BlockSpec((D, D), lambda i: (0, 0)),
            pl.BlockSpec((1, D), lambda i: (0, 0)),
            pl.BlockSpec((_BN, 1), lambda i: (i, 0)),
        ],
        out_specs=[pl.BlockSpec((_BN, CW), lambda i: (i, 0))] * NCH,
        out_shape=[jax.ShapeDtypeStruct((NA, CW), _bf16)] * NCH,
    )(a0, a1, deg_in, W, b.reshape(1, D), deg_out)


def _tc_final(a0, a1, deg_in, W, b, half, prev=None):
    def body(a0r, a1r, di_r, w_ref, b_ref, *refs):
        o_ref = refs[-1]
        x = jnp.concatenate([a0r[...], a1r[...]], axis=1).astype(_f32)
        x = (x * _rsqrt_clip(di_r[...])).astype(_bf16)
        o_ref[...] = (jnp.dot(x, w_ref[...].astype(_bf16),
                              preferred_element_type=_f32) + b_ref[...])

    nb = N // _BN
    in_specs = [pl.BlockSpec((_BN, CW), lambda i: (i, 0))] * NCH + [
        pl.BlockSpec((_BN, 1), lambda i: (i, 0)),
        pl.BlockSpec((D, D), lambda i: (0, 0)),
        pl.BlockSpec((1, D), lambda i: (0, 0)),
    ]
    args = [a0, a1, deg_in, W, b.reshape(1, D)]
    aliases = {}
    if prev is not None:
        in_specs = in_specs + [pl.BlockSpec(memory_space=pl.ANY)]
        args.append(prev)
        aliases = {len(args) - 1: 0}
    return pl.pallas_call(
        body,
        grid=(nb,),
        in_specs=in_specs,
        out_specs=pl.BlockSpec((_BN, D), lambda i: (i + half * nb, 0)),
        out_shape=jax.ShapeDtypeStruct((2 * N, D), _f32),
        input_output_aliases=aliases,
    )(*args)



def kernel(x_user, x_item, edge_rates, edge_rated_by,
           W_in_user, b_in_user, W_in_item, b_in_item,
           W1_rates, b1_rates, W1_rated_by, b1_rated_by,
           W2_rates, b2_rates, W2_rated_by, b2_rated_by):
    er_src = edge_rates[0].astype(_i32)
    er_dst = edge_rates[1].astype(_i32)
    eb_src = edge_rated_by[0].astype(_i32)
    eb_dst = edge_rated_by[1].astype(_i32)

    hu_out, hi_in, hi_out, hu_in = _sc_degrees(
        er_src.reshape(HT, HEPT), er_dst.reshape(HT, HEPT),
        eb_src.reshape(HT, HEPT), eb_dst.reshape(HT, HEPT))
    du_out = hu_out.reshape(NH, 1)
    di_in = hi_in.reshape(NH, 1)
    di_out = hi_out.reshape(NH, 1)
    du_in = hu_in.reshape(NH, 1)

    srg = er_src.reshape(NS, NB, BE)
    drg = er_dst.reshape(NS, NB, BE)
    srb = eb_src.reshape(NS, NB, BE)
    drb = eb_dst.reshape(NS, NB, BE)

    hu = _tc_project(x_user, W_in_user, b_in_user, du_out)
    hi = _tc_project(x_item, W_in_item, b_in_item, di_out)

    ai1 = _sc_aggregate(*hu, srg, drg)
    au1 = _sc_aggregate(*hi, srb, drb)

    h1i = _tc_mid(*ai1, di_in, W1_rates, b1_rates, di_out)
    h1u = _tc_mid(*au1, du_in, W1_rated_by, b1_rated_by, du_out)

    ai2 = _sc_aggregate(*h1u, srg, drg)
    au2 = _sc_aggregate(*h1i, srb, drb)

    out = _tc_final(*au2, du_in, W2_rated_by, b2_rated_by, half=0)
    out = _tc_final(*ai2, di_in, W2_rates, b2_rates, half=1, prev=out)
    return out

# --- scband reference (transcript-rebuilt; emitter-appended) ---
"""Pipeline reference for scband-relational-graph-convolutional-network-75591424409994 (READ-ONLY COPY).

The authoritative reference and input builder live on the scoring server;
editing this copy changes nothing except your own understanding.
"""

import jax, jax.numpy as jnp
import numpy as np

N_USER = 10000
N_ITEM = 10000
E = 80000
D_IN = 512
D_H = 512
D_OUT = 512


def setup_inputs(seed: int = 0) -> dict:
    key = jax.random.key(seed)
    ks = jax.random.split(key, 24)
    inp = {}
    inp["x_user"] = jax.random.normal(ks[0], (N_USER, D_IN), dtype=jnp.float32)
    inp["x_item"] = jax.random.normal(ks[1], (N_ITEM, D_IN), dtype=jnp.float32)
    # edge_rates: row 0 = src user ids, row 1 = dst item ids
    inp["edge_rates"] = jax.random.randint(ks[2], (2, E), 0, N_USER, dtype=jnp.int64)
    # edge_rated_by: row 0 = src item ids, row 1 = dst user ids
    inp["edge_rated_by"] = jax.random.randint(ks[3], (2, E), 0, N_ITEM, dtype=jnp.int64)
    # learned parameters (input projection per node type + GraphConv per layer per relation)
    def lin_w(k, din, dout):
        return (0.02 * jax.random.normal(k, (din, dout))).astype(jnp.float32)
    inp["W_in_user"] = lin_w(ks[4], D_IN, D_H)
    inp["b_in_user"] = jnp.zeros((D_H,), dtype=jnp.float32)
    inp["W_in_item"] = lin_w(ks[5], D_IN, D_H)
    inp["b_in_item"] = jnp.zeros((D_H,), dtype=jnp.float32)
    inp["W1_rates"] = lin_w(ks[6], D_H, D_H)
    inp["b1_rates"] = jnp.zeros((D_H,), dtype=jnp.float32)
    inp["W1_rated_by"] = lin_w(ks[7], D_H, D_H)
    inp["b1_rated_by"] = jnp.zeros((D_H,), dtype=jnp.float32)
    inp["W2_rates"] = lin_w(ks[8], D_H, D_OUT)
    inp["b2_rates"] = jnp.zeros((D_OUT,), dtype=jnp.float32)
    inp["W2_rated_by"] = lin_w(ks[9], D_H, D_OUT)
    inp["b2_rated_by"] = jnp.zeros((D_OUT,), dtype=jnp.float32)
    return inp


def _gcn_conv(x_src, src_idx, dst_idx, n_src, n_dst, W, b):
    # DGL GraphConv with norm='both': out = D_dst^{-1/2} A D_src^{-1/2} X W + b
    deg_out = jnp.clip(jnp.zeros((n_src,), jnp.float32).at[src_idx].add(1.0), 1.0, None)
    deg_in = jnp.clip(jnp.zeros((n_dst,), jnp.float32).at[dst_idx].add(1.0), 1.0, None)
    h = x_src * (deg_out ** -0.5)[:, None]
    agg = jnp.zeros((n_dst, x_src.shape[1]), jnp.float32).at[dst_idx].add(h[src_idx])
    agg = agg * (deg_in ** -0.5)[:, None]
    return agg @ W + b


def reference(x_user, x_item, edge_rates, edge_rated_by,
              W_in_user, b_in_user, W_in_item, b_in_item,
              W1_rates, b1_rates, W1_rated_by, b1_rated_by,
              W2_rates, b2_rates, W2_rated_by, b2_rated_by):
    # input projection per node type
    h_user = x_user @ W_in_user + b_in_user
    h_item = x_item @ W_in_item + b_in_item
    # layer 1 (HeteroGraphConv, aggregate='mean'; each dst type receives one relation)
    h_item_new = _gcn_conv(h_user, edge_rates[0], edge_rates[1], N_USER, N_ITEM, W1_rates, b1_rates)
    h_user_new = _gcn_conv(h_item, edge_rated_by[0], edge_rated_by[1], N_ITEM, N_USER, W1_rated_by, b1_rated_by)
    # mean over contributing relations (1 each here)
    h_user = jax.nn.relu(h_user_new)
    h_item = jax.nn.relu(h_item_new)
    # layer 2 (final layer, no relu)
    h_item_out = _gcn_conv(h_user, edge_rates[0], edge_rates[1], N_USER, N_ITEM, W2_rates, b2_rates)
    h_user_out = _gcn_conv(h_item, edge_rated_by[0], edge_rated_by[1], N_ITEM, N_USER, W2_rated_by, b2_rated_by)
    return jnp.concatenate([h_user_out, h_item_out], axis=0)

if __name__ == "__main__":
    import jax
    _d = setup_inputs()
    print(jax.jit(kernel)(*tuple(_d.values())))

</pallas_src>

<mosaic_0001>
#map = affine_map<(d0, d1) -> (0, 0)>
#map1 = affine_map<(d0, d1) -> (0, 0, 0)>
module attributes {stable_mosaic.version = 14 : i64} {
  func.func @k(%arg0: i32, %arg1: i32, %arg2: memref<10000x256xbf16, #tpu.memory_space<hbm>>, %arg3: memref<10000x256xbf16, #tpu.memory_space<hbm>>, %arg4: memref<16x40x125xi32, #tpu.memory_space<hbm>>, %arg5: memref<16x40x125xi32, #tpu.memory_space<hbm>>, %arg6: memref<10240x256xbf16, #tpu.memory_space<hbm>>, %arg7: memref<10240x256xbf16, #tpu.memory_space<hbm>>, %arg8: memref<10240x256xbf16, #tpu.memory_space<vmem_shared>>, %arg9: memref<40x125xi32, #tpu.memory_space<vmem>>, %arg10: memref<125x256xbf16, #tpu.memory_space<vmem>>, %arg11: memref<125x256xbf16, #tpu.memory_space<vmem>>, %arg12: memref<!tpu.dma_semaphore, #tpu.memory_space<semaphore_mem>>, %arg13: memref<!tpu.dma_semaphore, #tpu.memory_space<semaphore_mem>>, %arg14: memref<40x125xi32, #tpu.memory_space<vmem>>) attributes {dimension_semantics = [#tpu.dimension_semantics<core_parallel>, #tpu.dimension_semantics<subcore_parallel>], iteration_bounds = array<i64: 2, 16>, scalar_prefetch = 0 : i64, scratch_operands = 7 : i64, tpu.core_type = #tpu.core_type<sc_vector_subcore>, window_params = [{transform_indices = #map}, {transform_indices = #map}, {transform_indices = #map1}, {transform_indices = #map1}, {transform_indices = #map}, {transform_indices = #map}]} {
    "tpu.region"() ({
      %run_scoped3A = tpu.sem_alloc : memref<!tpu.dma_semaphore, #tpu.memory_space<semaphore_mem>>
      %dma_start3A = arith.constant 0 : i32
      %dma_start3A_61 = arith.constant 0 : i32
      %dma_start3A_62 = tpu.memref_slice %arg4[%arg1, %dma_start3A, %dma_start3A_61] : memref<16x40x125xi32, #tpu.memory_space<hbm>> -> memref<1x40x125xi32, #tpu.memory_space<hbm>>
      %dma_start3A_63 = tpu.memref_squeeze %dma_start3A_62 : memref<1x40x125xi32, #tpu.memory_space<hbm>> -> memref<40x125xi32, #tpu.memory_space<hbm>>
      %dma_start3A_64 = arith.constant 0 : i32
      %dma_start3A_65 = arith.constant 0 : i32
      %dma_start3A_66 = tpu.memref_slice %arg4[%arg1, %dma_start3A_64, %dma_start3A_65] : memref<16x40x125xi32, #tpu.memory_space<hbm>> -> memref<1x40x125xi32, #tpu.memory_space<hbm>>
      %dma_start3A_67 = tpu.memref_squeeze %dma_start3A_66 : memref<1x40x125xi32, #tpu.memory_space<hbm>> -> memref<40x125xi32, #tpu.memory_space<hbm>>
      tpu.enqueue_dma source(%dma_start3A_67 : memref<40x125xi32, #tpu.memory_space<hbm>>) target(%arg14 : memref<40x125xi32, #tpu.memory_space<vmem>>) target_semaphore(%run_scoped3A : memref<!tpu.dma_semaphore, #tpu.memory_space<semaphore_mem>>)
      %dma_wait3A = arith.constant 0 : i32
      %dma_wait3A_68 = arith.constant 0 : i32
      %dma_wait3A_69 = tpu.memref_slice %arg4[%arg1, %dma_wait3A, %dma_wait3A_68] : memref<16x40x125xi32, #tpu.memory_space<hbm>> -> memref<1x40x125xi32, #tpu.memory_space<hbm>>
      %dma_wait3A_70 = tpu.memref_squeeze %dma_wait3A_69 : memref<1x40x125xi32, #tpu.memory_space<hbm>> -> memref<40x125xi32, #tpu.memory_space<hbm>>
      %dma_wait3A_71 = arith.constant 0 : i32
      %dma_wait3A_72 = arith.constant 0 : i32
      %dma_wait3A_73 = tpu.memref_slice %arg4[%arg1, %dma_wait3A_71, %dma_wait3A_72] : memref<16x40x125xi32, #tpu.memory_space<hbm>> -> memref<1x40x125xi32, #tpu.memory_space<hbm>>
      %dma_wait3A_74 = tpu.memref_squeeze %dma_wait3A_73 : memref<1x40x125xi32, #tpu.memory_space<hbm>> -> memref<40x125xi32, #tpu.memory_space<hbm>>
      tpu.wait_dma2 semaphore(%run_scoped3A : memref<!tpu.dma_semaphore, #tpu.memory_space<semaphore_mem>>) src(%dma_wait3A_74 : memref<40x125xi32, #tpu.memory_space<hbm>>) dst(%arg14 : memref<40x125xi32, #tpu.memory_space<vmem>>)
      tpu.yield
    }) : () -> ()
    "tpu.region"() ({
      %run_scoped3A = tpu.sem_alloc : memref<!tpu.dma_semaphore, #tpu.memory_space<semaphore_mem>>
      %dma_start3A = arith.constant 0 : i32
      %dma_start3A_61 = arith.constant 0 : i32
      %dma_start3A_62 = tpu.memref_slice %arg5[%arg1, %dma_start3A, %dma_start3A_61] : memref<16x40x125xi32, #tpu.memory_space<hbm>> -> memref<1x40x125xi32, #tpu.memory_space<hbm>>
      %dma_start3A_63 = tpu.memref_squeeze %dma_start3A_62 : memref<1x40x125xi32, #tpu.memory_space<hbm>> -> memref<40x125xi32, #tpu.memory_space<hbm>>
      %dma_start3A_64 = arith.constant 0 : i32
      %dma_start3A_65 = arith.constant 0 : i32
      %dma_start3A_66 = tpu.memref_slice %arg5[%arg1, %dma_start3A_64, %dma_start3A_65] : memref<16x40x125xi32, #tpu.memory_space<hbm>> -> memref<1x40x125xi32, #tpu.memory_space<hbm>>
      %dma_start3A_67 = tpu.memref_squeeze %dma_start3A_66 : memref<1x40x125xi32, #tpu.memory_space<hbm>> -> memref<40x125xi32, #tpu.memory_space<hbm>>
      tpu.enqueue_dma source(%dma_start3A_67 : memref<40x125xi32, #tpu.memory_space<hbm>>) target(%arg9 : memref<40x125xi32, #tpu.memory_space<vmem>>) target_semaphore(%run_scoped3A : memref<!tpu.dma_semaphore, #tpu.memory_space<semaphore_mem>>)
      %dma_wait3A = arith.constant 0 : i32
      %dma_wait3A_68 = arith.constant 0 : i32
      %dma_wait3A_69 = tpu.memref_slice %arg5[%arg1, %dma_wait3A, %dma_wait3A_68] : memref<16x40x125xi32, #tpu.memory_space<hbm>> -> memref<1x40x125xi32, #tpu.memory_space<hbm>>
      %dma_wait3A_70 = tpu.memref_squeeze %dma_wait3A_69 : memref<1x40x125xi32, #tpu.memory_space<hbm>> -> memref<40x125xi32, #tpu.memory_space<hbm>>
      %dma_wait3A_71 = arith.constant 0 : i32
      %dma_wait3A_72 = arith.constant 0 : i32
      %dma_wait3A_73 = tpu.memref_slice %arg5[%arg1, %dma_wait3A_71, %dma_wait3A_72] : memref<16x40x125xi32, #tpu.memory_space<hbm>> -> memref<1x40x125xi32, #tpu.memory_space<hbm>>
      %dma_wait3A_74 = tpu.memref_squeeze %dma_wait3A_73 : memref<1x40x125xi32, #tpu.memory_space<hbm>> -> memref<40x125xi32, #tpu.memory_space<hbm>>
      tpu.wait_dma2 semaphore(%run_scoped3A : memref<!tpu.dma_semaphore, #tpu.memory_space<semaphore_mem>>) src(%dma_wait3A_74 : memref<40x125xi32, #tpu.memory_space<hbm>>) dst(%arg9 : memref<40x125xi32, #tpu.memory_space<vmem>>)
      tpu.yield
    }) : () -> ()
    %broadcast_in_dim3A = arith.constant 0.000000e+00 : bf16
    %broadcast_in_dim3A_0 = vector.broadcast %broadcast_in_dim3A : bf16 to vector<32xbf16>
    %scan3A = arith.constant 0 : i32
    %scan3A_1 = arith.constant 64 : i32
    %scan3A_2 = arith.addi %scan3A, %scan3A_1 : i32
    %scan3A_3 = arith.constant 1 : i32
    scf.for %scan3A_61 = %scan3A to %scan3A_2 step %scan3A_3  : i32 {
      %mul3A_62 = arith.constant 1 : i32
      %mul3A_63 = arith.muli %scan3A_61, %mul3A_62 : i32
      %add3A_64 = arith.constant 0 : i32
      %add3A_65 = arith.addi %add3A_64, %mul3A_63 : i32
      %swap3A = arith.index_cast %add3A_65 : i32 to index
      %swap3A_66 = arith.constant 0 : index
      %swap3A_67 = tpu.vector_load %arg10[%swap3A, %swap3A_66] {strides = array<i32>} : memref<125x256xbf16, #tpu.memory_space<vmem>>, vector<32xbf16>,
      tpu.vector_store %arg10[%swap3A, %swap3A_66], %broadcast_in_dim3A_0 {strides = array<i32>} : memref<125x256xbf16, #tpu.memory_space<vmem>>, vector<32xbf16>,
      %swap3A_68 = arith.index_cast %add3A_65 : i32 to index
      %swap3A_69 = arith.constant 32 : index
      %swap3A_70 = tpu.vector_load %arg10[%swap3A_68, %swap3A_69] {strides = array<i32>} : memref<125x256xbf16, #tpu.memory_space<vmem>>, vector<32xbf16>,
      tpu.vector_store %arg10[%swap3A_68, %swap3A_69], %broadcast_in_dim3A_0 {strides = array<i32>} : memref<125x256xbf16, #tpu.memory_space<vmem>>, vector<32xbf16>,
      %swap3A_71 = arith.index_cast %add3A_65 : i32 to index
      %swap3A_72 = arith.constant 64 : index
      %swap3A_73 = tpu.vector_load %arg10[%swap3A_71, %swap3A_72] {strides = array<i32>} : memref<125x256xbf16, #tpu.memory_space<vmem>>, vector<32xbf16>,
      tpu.vector_store %arg10[%swap3A_71, %swap3A_72], %broadcast_in_dim3A_0 {strides = array<i32>} : memref<125x256xbf16, #tpu.memory_space<vmem>>, vector<32xbf16>,
      %swap3A_74 = arith.index_cast %add3A_65 : i32 to index
      %swap3A_75 = arith.constant 96 : index
      %swap3A_76 = tpu.vector_load %arg10[%swap3A_74, %swap3A_75] {strides = array<i32>} : memref<125x256xbf16, #tpu.memory_space<vmem>>, vector<32xbf16>,
      tpu.vector_store %arg10[%swap3A_74, %swap3A_75], %broadcast_in_dim3A_0 {strides = array<i32>} : memref<125x256xbf16, #tpu.memory_space<vmem>>, vector<32xbf16>,
      %swap3A_77 = arith.index_cast %add3A_65 : i32 to index
      %swap3A_78 = arith.constant 128 : index
      %swap3A_79 = tpu.vector_load %arg10[%swap3A_77, %swap3A_78] {strides = array<i32>} : memref<125x256xbf16, #tpu.memory_space<vmem>>, vector<32xbf16>,
      tpu.vector_store %arg10[%swap3A_77, %swap3A_78], %broadcast_in_dim3A_0 {strides = array<i32>} : memref<125x256xbf16, #tpu.memory_space<vmem>>, vector<32xbf16>,
      %swap3A_80 = arith.index_cast %add3A_65 : i32 to index
      %swap3A_81 = arith.constant 160 : index
      %swap3A_82 = tpu.vector_load %arg10[%swap3A_80, %swap3A_81] {strides = array<i32>} : memref<125x256xbf16, #tpu.memory_space<vmem>>, vector<32xbf16>,
      tpu.vector_store %arg10[%swap3A_80, %swap3A_81], %broadcast_in_dim3A_0 {strides = array<i32>} : memref<125x256xbf16, #tpu.memory_space<vmem>>, vector<32xbf16>,
      %swap3A_83 = arith.index_cast %add3A_65 : i32 to index
      %swap3A_84 = arith.constant 192 : index
      %swap3A_85 = tpu.vector_load %arg10[%swap3A_83, %swap3A_84] {strides = array<i32>} : memref<125x256xbf16, #tpu.memory_space<vmem>>, vector<32xbf16>,
      tpu.vector_store %arg10[%swap3A_83, %swap3A_84], %broadcast_in_dim3A_0 {strides = array<i32>} : memref<125x256xbf16, #tpu.memory_space<vmem>>, vector<32xbf16>,
      %swap3A_86 = arith.index_cast %add3A_65 : i32 to index
      %swap3A_87 = arith.constant 224 : index
      %swap3A_88 = tpu.vector_load %arg10[%swap3A_86, %swap3A_87] {strides = array<i32>} : memref<125x256xbf16, #tpu.memory_space<vmem>>, vector<32xbf16>,
      tpu.vector_store %arg10[%swap3A_86, %swap3A_87], %broadcast_in_dim3A_0 {strides = array<i32>} : memref<125x256xbf16, #tpu.memory_space<vmem>>, vector<32xbf16>,
    }
    %scan3A_4 = arith.constant 64 : i32
    %mul3A = arith.constant 640 : i32
    %mul3A_5 = arith.muli %arg1, %mul3A : i32
    %add3A = arith.constant 0 : i32
    %add3A_6 = arith.addi %mul3A_5, %add3A : i32
    "tpu.region"() ({
      %run_scoped3A = tpu.sem_alloc : memref<!tpu.dma_semaphore, #tpu.memory_space<semaphore_mem>>
      %dma_start3A = arith.constant 0 : i32
      %dma_start3A_61 = arith.constant 0 : i32
      %dma_start3A_62 = tpu.memref_slice %arg10[%dma_start3A, %dma_start3A_61] : memref<125x256xbf16, #tpu.memory_space<vmem>> -> memref<64x256xbf16, #tpu.memory_space<vmem>>
      %dma_start3A_63 = arith.constant 0 : i32
      %dma_start3A_64 = tpu.memref_slice %arg8[%add3A_6, %dma_start3A_63] : memref<10240x256xbf16, #tpu.memory_space<vmem_shared>> -> memref<64x256xbf16, #tpu.memory_space<vmem_shared>>
      %dma_start3A_65 = arith.constant 0 : i32
      %dma_start3A_66 = tpu.memref_slice %arg8[%add3A_6, %dma_start3A_65] : memref<10240x256xbf16, #tpu.memory_space<vmem_shared>> -> memref<64x256xbf16, #tpu.memory_space<vmem_shared>>
      %dma_start3A_67 = arith.constant 0 : i32
      %dma_start3A_68 = arith.constant 0 : i32
      %dma_start3A_69 = tpu.memref_slice %arg10[%dma_start3A_67, %dma_start3A_68] : memref<125x256xbf16, #tpu.memory_space<vmem>> -> memref<64x256xbf16, #tpu.memory_space<vmem>>
      tpu.enqueue_dma source(%dma_start3A_69 : memref<64x256xbf16, #tpu.memory_space<vmem>>) target(%dma_start3A_66 : memref<64x256xbf16, #tpu.memory_space<vmem_shared>>) target_semaphore(%run_scoped3A : memref<!tpu.dma_semaphore, #tpu.memory_space<semaphore_mem>>)
      %dma_wait3A = arith.constant 0 : i32
      %dma_wait3A_70 = arith.constant 0 : i32
      %dma_wait3A_71 = tpu.memref_slice %arg10[%dma_wait3A, %dma_wait3A_70] : memref<125x256xbf16, #tpu.memory_space<vmem>> -> memref<64x256xbf16, #tpu.memory_space<vmem>>
      %dma_wait3A_72 = arith.constant 0 : i32
      %dma_wait3A_73 = tpu.memref_slice %arg8[%add3A_6, %dma_wait3A_72] : memref<10240x256xbf16, #tpu.memory_space<vmem_shared>> -> memref<64x256xbf16, #tpu.memory_space<vmem_shared>>
      %dma_wait3A_74 = arith.constant 0 : i32
      %dma_wait3A_75 = tpu.memref_slice %arg8[%add3A_6, %dma_wait3A_74] : memref<10240x256xbf16, #tpu.memory_space<vmem_shared>> -> memref<64x256xbf16, #tpu.memory_space<vmem_shared>>
      %dma_wait3A_76 = arith.constant 0 : i32
      %dma_wait3A_77 = arith.constant 0 : i32
      %dma_wait3A_78 = tpu.memref_slice %arg10[%dma_wait3A_76, %dma_wait3A_77] : memref<125x256xbf16, #tpu.memory_space<vmem>> -> memref<64x256xbf16, #tpu.memory_space<vmem>>
      tpu.wait_dma2 semaphore(%run_scoped3A : memref<!tpu.dma_semaphore, #tpu.memory_space<semaphore_mem>>) src(%dma_wait3A_78 : memref<64x256xbf16, #tpu.memory_space<vmem>>) dst(%dma_wait3A_75 : memref<64x256xbf16, #tpu.memory_space<vmem_shared>>)
      tpu.yield
    }) : () -> ()
    %mul3A_7 = arith.constant 640 : i32
    %mul3A_8 = arith.muli %arg1, %mul3A_7 : i32
    %add3A_9 = arith.constant 64 : i32
    %add3A_10 = arith.addi %mul3A_8, %add3A_9 : i32
    "tpu.region"() ({
      %run_scoped3A = tpu.sem_alloc : memref<!tpu.dma_semaphore, #tpu.memory_space<semaphore_mem>>
      %dma_start3A = arith.constant 0 : i32
      %dma_start3A_61 = arith.constant 0 : i32
      %dma_start3A_62 = tpu.memref_slice %arg10[%dma_start3A, %dma_start3A_61] : memref<125x256xbf16, #tpu.memory_space<vmem>> -> memref<64x256xbf16, #tpu.memory_space<vmem>>
      %dma_start3A_63 = arith.constant 0 : i32
      %dma_start3A_64 = tpu.memref_slice %arg8[%add3A_10, %dma_start3A_63] : memref<10240x256xbf16, #tpu.memory_space<vmem_shared>> -> memref<64x256xbf16, #tpu.memory_space<vmem_shared>>
      %dma_start3A_65 = arith.constant 0 : i32
      %dma_start3A_66 = tpu.memref_slice %arg8[%add3A_10, %dma_start3A_65] : memref<10240x256xbf16, #tpu.memory_space<vmem_shared>> -> memref<64x256xbf16, #tpu.memory_space<vmem_shared>>
      %dma_start3A_67 = arith.constant 0 : i32
      %dma_start3A_68 = arith.constant 0 : i32
      %dma_start3A_69 = tpu.memref_slice %arg10[%dma_start3A_67, %dma_start3A_68] : memref<125x256xbf16, #tpu.memory_space<vmem>> -> memref<64x256xbf16, #tpu.memory_space<vmem>>
      tpu.enqueue_dma source(%dma_start3A_69 : memref<64x256xbf16, #tpu.memory_space<vmem>>) target(%dma_start3A_66 : memref<64x256xbf16, #tpu.memory_space<vmem_shared>>) target_semaphore(%run_scoped3A : memref<!tpu.dma_semaphore, #tpu.memory_space<semaphore_mem>>)
      %dma_wait3A = arith.constant 0 : i32
      %dma_wait3A_70 = arith.constant 0 : i32
      %dma_wait3A_71 = tpu.memref_slice %arg10[%dma_wait3A, %dma_wait3A_70] : memref<125x256xbf16, #tpu.memory_space<vmem>> -> memref<64x256xbf16, #tpu.memory_space<vmem>>
      %dma_wait3A_72 = arith.constant 0 : i32
      %dma_wait3A_73 = tpu.memref_slice %arg8[%add3A_10, %dma_wait3A_72] : memref<10240x256xbf16, #tpu.memory_space<vmem_shared>> -> memref<64x256xbf16, #tpu.memory_space<vmem_shared>>
      %dma_wait3A_74 = arith.constant 0 : i32
      %dma_wait3A_75 = tpu.memref_slice %arg8[%add3A_10, %dma_wait3A_74] : memref<10240x256xbf16, #tpu.memory_space<vmem_shared>> -> memref<64x256xbf16, #tpu.memory_space<vmem_shared>>
      %dma_wait3A_76 = arith.constant 0 : i32
      %dma_wait3A_77 = arith.constant 0 : i32
      %dma_wait3A_78 = tpu.memref_slice %arg10[%dma_wait3A_76, %dma_wait3A_77] : memref<125x256xbf16, #tpu.memory_space<vmem>> -> memref<64x256xbf16, #tpu.memory_space<vmem>>
      tpu.wait_dma2 semaphore(%run_scoped3A : memref<!tpu.dma_semaphore, #tpu.memory_space<semaphore_mem>>) src(%dma_wait3A_78 : memref<64x256xbf16, #tpu.memory_space<vmem>>) dst(%dma_wait3A_75 : memref<64x256xbf16, #tpu.memory_space<vmem_shared>>)
      tpu.yield
    }) : () -> ()
    %mul3A_11 = arith.constant 640 : i32
    %mul3A_12 = arith.muli %arg1, %mul3A_11 : i32
    %add3A_13 = arith.constant 128 : i32
    %add3A_14 = arith.addi %mul3A_12, %add3A_13 : i32
    "tpu.region"() ({
      %run_scoped3A = tpu.sem_alloc : memref<!tpu.dma_semaphore, #tpu.memory_space<semaphore_mem>>
      %dma_start3A = arith.constant 0 : i32
      %dma_start3A_61 = arith.constant 0 : i32
      %dma_start3A_62 = tpu.memref_slice %arg10[%dma_start3A, %dma_start3A_61] : memref<125x256xbf16, #tpu.memory_space<vmem>> -> memref<64x256xbf16, #tpu.memory_space<vmem>>
      %dma_start3A_63 = arith.constant 0 : i32
      %dma_start3A_64 = tpu.memref_slice %arg8[%add3A_14, %dma_start3A_63] : memref<10240x256xbf16, #tpu.memory_space<vmem_shared>> -> memref<64x256xbf16, #tpu.memory_space<vmem_shared>>
      %dma_start3A_65 = arith.constant 0 : i32
      %dma_start3A_66 = tpu.memref_slice %arg8[%add3A_14, %dma_start3A_65] : memref<10240x256xbf16, #tpu.memory_space<vmem_shared>> -> memref<64x256xbf16, #tpu.memory_space<vmem_shared>>
      %dma_start3A_67 = arith.constant 0 : i32
      %dma_start3A_68 = arith.constant 0 : i32
      %dma_start3A_69 = tpu.memref_slice %arg10[%dma_start3A_67, %dma_start3A_68] : memref<125x256xbf16, #tpu.memory_space<vmem>> -> memref<64x256xbf16, #tpu.memory_space<vmem>>
      tpu.enqueue_dma source(%dma_start3A_69 : memref<64x256xbf16, #tpu.memory_space<vmem>>) target(%dma_start3A_66 : memref<64x256xbf16, #tpu.memory_space<vmem_shared>>) target_semaphore(%run_scoped3A : memref<!tpu.dma_semaphore, #tpu.memory_space<semaphore_mem>>)
      %dma_wait3A = arith.constant 0 : i32
      %dma_wait3A_70 = arith.constant 0 : i32
      %dma_wait3A_71 = tpu.memref_slice %arg10[%dma_wait3A, %dma_wait3A_70] : memref<125x256xbf16, #tpu.memory_space<vmem>> -> memref<64x256xbf16, #tpu.memory_space<vmem>>
      %dma_wait3A_72 = arith.constant 0 : i32
      %dma_wait3A_73 = tpu.memref_slice %arg8[%add3A_14, %dma_wait3A_72] : memref<10240x256xbf16, #tpu.memory_space<vmem_shared>> -> memref<64x256xbf16, #tpu.memory_space<vmem_shared>>
      %dma_wait3A_74 = arith.constant 0 : i32
      %dma_wait3A_75 = tpu.memref_slice %arg8[%add3A_14, %dma_wait3A_74] : memref<10240x256xbf16, #tpu.memory_space<vmem_shared>> -> memref<64x256xbf16, #tpu.memory_space<vmem_shared>>
      %dma_wait3A_76 = arith.constant 0 : i32
      %dma_wait3A_77 = arith.constant 0 : i32
      %dma_wait3A_78 = tpu.memref_slice %arg10[%dma_wait3A_76, %dma_wait3A_77] : memref<125x256xbf16, #tpu.memory_space<vmem>> -> memref<64x256xbf16, #tpu.memory_space<vmem>>
      tpu.wait_dma2 semaphore(%run_scoped3A : memref<!tpu.dma_semaphore, #tpu.memory_space<semaphore_mem>>) src(%dma_wait3A_78 : memref<64x256xbf16, #tpu.memory_space<vmem>>) dst(%dma_wait3A_75 : memref<64x256xbf16, #tpu.memory_space<vmem_shared>>)
      tpu.yield
    }) : () -> ()
    %mul3A_15 = arith.constant 640 : i32
    %mul3A_16 = arith.muli %arg1, %mul3A_15 : i32
    %add3A_17 = arith.constant 192 : i32
    %add3A_18 = arith.addi %mul3A_16, %add3A_17 : i32
    "tpu.region"() ({
      %run_scoped3A = tpu.sem_alloc : memref<!tpu.dma_semaphore, #tpu.memory_space<semaphore_mem>>
      %dma_start3A = arith.constant 0 : i32
      %dma_start3A_61 = arith.constant 0 : i32
      %dma_start3A_62 = tpu.memref_slice %arg10[%dma_start3A, %dma_start3A_61] : memref<125x256xbf16, #tpu.memory_space<vmem>> -> memref<64x256xbf16, #tpu.memory_space<vmem>>
      %dma_start3A_63 = arith.constant 0 : i32
      %dma_start3A_64 = tpu.memref_slice %arg8[%add3A_18, %dma_start3A_63] : memref<10240x256xbf16, #tpu.memory_space<vmem_shared>> -> memref<64x256xbf16, #tpu.memory_space<vmem_shared>>
      %dma_start3A_65 = arith.constant 0 : i32
      %dma_start3A_66 = tpu.memref_slice %arg8[%add3A_18, %dma_start3A_65] : memref<10240x256xbf16, #tpu.memory_space<vmem_shared>> -> memref<64x256xbf16, #tpu.memory_space<vmem_shared>>
      %dma_start3A_67 = arith.constant 0 : i32
      %dma_start3A_68 = arith.constant 0 : i32
      %dma_start3A_69 = tpu.memref_slice %arg10[%dma_start3A_67, %dma_start3A_68] : memref<125x256xbf16, #tpu.memory_space<vmem>> -> memref<64x256xbf16, #tpu.memory_space<vmem>>
      tpu.enqueue_dma source(%dma_start3A_69 : memref<64x256xbf16, #tpu.memory_space<vmem>>) target(%dma_start3A_66 : memref<64x256xbf16, #tpu.memory_space<vmem_shared>>) target_semaphore(%run_scoped3A : memref<!tpu.dma_semaphore, #tpu.memory_space<semaphore_mem>>)
      %dma_wait3A = arith.constant 0 : i32
      %dma_wait3A_70 = arith.constant 0 : i32
      %dma_wait3A_71 = tpu.memref_slice %arg10[%dma_wait3A, %dma_wait3A_70] : memref<125x256xbf16, #tpu.memory_space<vmem>> -> memref<64x256xbf16, #tpu.memory_space<vmem>>
      %dma_wait3A_72 = arith.constant 0 : i32
      %dma_wait3A_73 = tpu.memref_slice %arg8[%add3A_18, %dma_wait3A_72] : memref<10240x256xbf16, #tpu.memory_space<vmem_shared>> -> memref<64x256xbf16, #tpu.memory_space<vmem_shared>>
      %dma_wait3A_74 = arith.constant 0 : i32
      %dma_wait3A_75 = tpu.memref_slice %arg8[%add3A_18, %dma_wait3A_74] : memref<10240x256xbf16, #tpu.memory_space<vmem_shared>> -> memref<64x256xbf16, #tpu.memory_space<vmem_shared>>
      %dma_wait3A_76 = arith.constant 0 : i32
      %dma_wait3A_77 = arith.constant 0 : i32
      %dma_wait3A_78 = tpu.memref_slice %arg10[%dma_wait3A_76, %dma_wait3A_77] : memref<125x256xbf16, #tpu.memory_space<vmem>> -> memref<64x256xbf16, #tpu.memory_space<vmem>>
      tpu.wait_dma2 semaphore(%run_scoped3A : memref<!tpu.dma_semaphore, #tpu.memory_space<semaphore_mem>>) src(%dma_wait3A_78 : memref<64x256xbf16, #tpu.memory_space<vmem>>) dst(%dma_wait3A_75 : memref<64x256xbf16, #tpu.memory_space<vmem_shared>>)
      tpu.yield
    }) : () -> ()
    %mul3A_19 = arith.constant 640 : i32
    %mul3A_20 = arith.muli %arg1, %mul3A_19 : i32
    %add3A_21 = arith.constant 256 : i32
    %add3A_22 = arith.addi %mul3A_20, %add3A_21 : i32
    "tpu.region"() ({
      %run_scoped3A = tpu.sem_alloc : memref<!tpu.dma_semaphore, #tpu.memory_space<semaphore_mem>>
      %dma_start3A = arith.constant 0 : i32
      %dma_start3A_61 = arith.constant 0 : i32
      %dma_start3A_62 = tpu.memref_slice %arg10[%dma_start3A, %dma_start3A_61] : memref<125x256xbf16, #tpu.memory_space<vmem>> -> memref<64x256xbf16, #tpu.memory_space<vmem>>
      %dma_start3A_63 = arith.constant 0 : i32
      %dma_start3A_64 = tpu.memref_slice %arg8[%add3A_22, %dma_start3A_63] : memref<10240x256xbf16, #tpu.memory_space<vmem_shared>> -> memref<64x256xbf16, #tpu.memory_space<vmem_shared>>
      %dma_start3A_65 = arith.constant 0 : i32
      %dma_start3A_66 = tpu.memref_slice %arg8[%add3A_22, %dma_start3A_65] : memref<10240x256xbf16, #tpu.memory_space<vmem_shared>> -> memref<64x256xbf16, #tpu.memory_space<vmem_shared>>
      %dma_start3A_67 = arith.constant 0 : i32
      %dma_start3A_68 = arith.constant 0 : i32
      %dma_start3A_69 = tpu.memref_slice %arg10[%dma_start3A_67, %dma_start3A_68] : memref<125x256xbf16, #tpu.memory_space<vmem>> -> memref<64x256xbf16, #tpu.memory_space<vmem>>
      tpu.enqueue_dma source(%dma_start3A_69 : memref<64x256xbf16, #tpu.memory_space<vmem>>) target(%dma_start3A_66 : memref<64x256xbf16, #tpu.memory_space<vmem_shared>>) target_semaphore(%run_scoped3A : memref<!tpu.dma_semaphore, #tpu.memory_space<semaphore_mem>>)
      %dma_wait3A = arith.constant 0 : i32
      %dma_wait3A_70 = arith.constant 0 : i32
      %dma_wait3A_71 = tpu.memref_slice %arg10[%dma_wait3A, %dma_wait3A_70] : memref<125x256xbf16, #tpu.memory_space<vmem>> -> memref<64x256xbf16, #tpu.memory_space<vmem>>
      %dma_wait3A_72 = arith.constant 0 : i32
      %dma_wait3A_73 = tpu.memref_slice %arg8[%add3A_22, %dma_wait3A_72] : memref<10240x256xbf16, #tpu.memory_space<vmem_shared>> -> memref<64x256xbf16, #tpu.memory_space<vmem_shared>>
      %dma_wait3A_74 = arith.constant 0 : i32
      %dma_wait3A_75 = tpu.memref_slice %arg8[%add3A_22, %dma_wait3A_74] : memref<10240x256xbf16, #tpu.memory_space<vmem_shared>> -> memref<64x256xbf16, #tpu.memory_space<vmem_shared>>
      %dma_wait3A_76 = arith.constant 0 : i32
      %dma_wait3A_77 = arith.constant 0 : i32
      %dma_wait3A_78 = tpu.memref_slice %arg10[%dma_wait3A_76, %dma_wait3A_77] : memref<125x256xbf16, #tpu.memory_space<vmem>> -> memref<64x256xbf16, #tpu.memory_space<vmem>>
      tpu.wait_dma2 semaphore(%run_scoped3A : memref<!tpu.dma_semaphore, #tpu.memory_space<semaphore_mem>>) src(%dma_wait3A_78 : memref<64x256xbf16, #tpu.memory_space<vmem>>) dst(%dma_wait3A_75 : memref<64x256xbf16, #tpu.memory_space<vmem_shared>>)
      tpu.yield
    }) : () -> ()
    %mul3A_23 = arith.constant 640 : i32
    %mul3A_24 = arith.muli %arg1, %mul3A_23 : i32
    %add3A_25 = arith.constant 320 : i32
    %add3A_26 = arith.addi %mul3A_24, %add3A_25 : i32
    "tpu.region"() ({
      %run_scoped3A = tpu.sem_alloc : memref<!tpu.dma_semaphore, #tpu.memory_space<semaphore_mem>>
      %dma_start3A = arith.constant 0 : i32
      %dma_start3A_61 = arith.constant 0 : i32
      %dma_start3A_62 = tpu.memref_slice %arg10[%dma_start3A, %dma_start3A_61] : memref<125x256xbf16, #tpu.memory_space<vmem>> -> memref<64x256xbf16, #tpu.memory_space<vmem>>
      %dma_start3A_63 = arith.constant 0 : i32
      %dma_start3A_64 = tpu.memref_slice %arg8[%add3A_26, %dma_start3A_63] : memref<10240x256xbf16, #tpu.memory_space<vmem_shared>> -> memref<64x256xbf16, #tpu.memory_space<vmem_shared>>
      %dma_start3A_65 = arith.constant 0 : i32
      %dma_start3A_66 = tpu.memref_slice %arg8[%add3A_26, %dma_start3A_65] : memref<10240x256xbf16, #tpu.memory_space<vmem_shared>> -> memref<64x256xbf16, #tpu.memory_space<vmem_shared>>
      %dma_start3A_67 = arith.constant 0 : i32
      %dma_start3A_68 = arith.constant 0 : i32
      %dma_start3A_69 = tpu.memref_slice %arg10[%dma_start3A_67, %dma_start3A_68] : memref<125x256xbf16, #tpu.memory_space<vmem>> -> memref<64x256xbf16, #tpu.memory_space<vmem>>
      tpu.enqueue_dma source(%dma_start3A_69 : memref<64x256xbf16, #tpu.memory_space<vmem>>) target(%dma_start3A_66 : memref<64x256xbf16, #tpu.memory_space<vmem_shared>>) target_semaphore(%run_scoped3A : memref<!tpu.dma_semaphore, #tpu.memory_space<semaphore_mem>>)
      %dma_wait3A = arith.constant 0 : i32
      %dma_wait3A_70 = arith.constant 0 : i32
      %dma_wait3A_71 = tpu.memref_slice %arg10[%dma_wait3A, %dma_wait3A_70] : memref<125x256xbf16, #tpu.memory_space<vmem>> -> memref<64x256xbf16, #tpu.memory_space<vmem>>
      %dma_wait3A_72 = arith.constant 0 : i32
      %dma_wait3A_73 = tpu.memref_slice %arg8[%add3A_26, %dma_wait3A_72] : memref<10240x256xbf16, #tpu.memory_space<vmem_shared>> -> memref<64x256xbf16, #tpu.memory_space<vmem_shared>>
      %dma_wait3A_74 = arith.constant 0 : i32
      %dma_wait3A_75 = tpu.memref_slice %arg8[%add3A_26, %dma_wait3A_74] : memref<10240x256xbf16, #tpu.memory_space<vmem_shared>> -> memref<64x256xbf16, #tpu.memory_space<vmem_shared>>
      %dma_wait3A_76 = arith.constant 0 : i32
      %dma_wait3A_77 = arith.constant 0 : i32
      %dma_wait3A_78 = tpu.memref_slice %arg10[%dma_wait3A_76, %dma_wait3A_77] : memref<125x256xbf16, #tpu.memory_space<vmem>> -> memref<64x256xbf16, #tpu.memory_space<vmem>>
      tpu.wait_dma2 semaphore(%run_scoped3A : memref<!tpu.dma_semaphore, #tpu.memory_space<semaphore_mem>>) src(%dma_wait3A_78 : memref<64x256xbf16, #tpu.memory_space<vmem>>) dst(%dma_wait3A_75 : memref<64x256xbf16, #tpu.memory_space<vmem_shared>>)
      tpu.yield
    }) : () -> ()
    %mul3A_27 = arith.constant 640 : i32
    %mul3A_28 = arith.muli %arg1, %mul3A_27 : i32
    %add3A_29 = arith.constant 384 : i32
    %add3A_30 = arith.addi %mul3A_28, %add3A_29 : i32
    "tpu.region"() ({
      %run_scoped3A = tpu.sem_alloc : memref<!tpu.dma_semaphore, #tpu.memory_space<semaphore_mem>>
      %dma_start3A = arith.constant 0 : i32
      %dma_start3A_61 = arith.constant 0 : i32
      %dma_start3A_62 = tpu.memref_slice %arg10[%dma_start3A, %dma_start3A_61] : memref<125x256xbf16, #tpu.memory_space<vmem>> -> memref<64x256xbf16, #tpu.memory_space<vmem>>
      %dma_start3A_63 = arith.constant 0 : i32
      %dma_start3A_64 = tpu.memref_slice %arg8[%add3A_30, %dma_start3A_63] : memref<10240x256xbf16, #tpu.memory_space<vmem_shared>> -> memref<64x256xbf16, #tpu.memory_space<vmem_shared>>
      %dma_start3A_65 = arith.constant 0 : i32
      %dma_start3A_66 = tpu.memref_slice %arg8[%add3A_30, %dma_start3A_65] : memref<10240x256xbf16, #tpu.memory_space<vmem_shared>> -> memref<64x256xbf16, #tpu.memory_space<vmem_shared>>
      %dma_start3A_67 = arith.constant 0 : i32
      %dma_start3A_68 = arith.constant 0 : i32
      %dma_start3A_69 = tpu.memref_slice %arg10[%dma_start3A_67, %dma_start3A_68] : memref<125x256xbf16, #tpu.memory_space<vmem>> -> memref<64x256xbf16, #tpu.memory_space<vmem>>
      tpu.enqueue_dma source(%dma_start3A_69 : memref<64x256xbf16, #tpu.memory_space<vmem>>) target(%dma_start3A_66 : memref<64x256xbf16, #tpu.memory_space<vmem_shared>>) target_semaphore(%run_scoped3A : memref<!tpu.dma_semaphore, #tpu.memory_space<semaphore_mem>>)
      %dma_wait3A = arith.constant 0 : i32
      %dma_wait3A_70 = arith.constant 0 : i32
      %dma_wait3A_71 = tpu.memref_slice %arg10[%dma_wait3A, %dma_wait3A_70] : memref<125x256xbf16, #tpu.memory_space<vmem>> -> memref<64x256xbf16, #tpu.memory_space<vmem>>
      %dma_wait3A_72 = arith.constant 0 : i32
      %dma_wait3A_73 = tpu.memref_slice %arg8[%add3A_30, %dma_wait3A_72] : memref<10240x256xbf16, #tpu.memory_space<vmem_shared>> -> memref<64x256xbf16, #tpu.memory_space<vmem_shared>>
      %dma_wait3A_74 = arith.constant 0 : i32
      %dma_wait3A_75 = tpu.memref_slice %arg8[%add3A_30, %dma_wait3A_74] : memref<10240x256xbf16, #tpu.memory_space<vmem_shared>> -> memref<64x256xbf16, #tpu.memory_space<vmem_shared>>
      %dma_wait3A_76 = arith.constant 0 : i32
      %dma_wait3A_77 = arith.constant 0 : i32
      %dma_wait3A_78 = tpu.memref_slice %arg10[%dma_wait3A_76, %dma_wait3A_77] : memref<125x256xbf16, #tpu.memory_space<vmem>> -> memref<64x256xbf16, #tpu.memory_space<vmem>>
      tpu.wait_dma2 semaphore(%run_scoped3A : memref<!tpu.dma_semaphore, #tpu.memory_space<semaphore_mem>>) src(%dma_wait3A_78 : memref<64x256xbf16, #tpu.memory_space<vmem>>) dst(%dma_wait3A_75 : memref<64x256xbf16, #tpu.memory_space<vmem_shared>>)
      tpu.yield
    }) : () -> ()
    %mul3A_31 = arith.constant 640 : i32
    %mul3A_32 = arith.muli %arg1, %mul3A_31 : i32
    %add3A_33 = arith.constant 448 : i32
    %add3A_34 = arith.addi %mul3A_32, %add3A_33 : i32
    "tpu.region"() ({
      %run_scoped3A = tpu.sem_alloc : memref<!tpu.dma_semaphore, #tpu.memory_space<semaphore_mem>>
      %dma_start3A = arith.constant 0 : i32
      %dma_start3A_61 = arith.constant 0 : i32
      %dma_start3A_62 = tpu.memref_slice %arg10[%dma_start3A, %dma_start3A_61] : memref<125x256xbf16, #tpu.memory_space<vmem>> -> memref<64x256xbf16, #tpu.memory_space<vmem>>
      %dma_start3A_63 = arith.constant 0 : i32
      %dma_start3A_64 = tpu.memref_slice %arg8[%add3A_34, %dma_start3A_63] : memref<10240x256xbf16, #tpu.memory_space<vmem_shared>> -> memref<64x256xbf16, #tpu.memory_space<vmem_shared>>
      %dma_start3A_65 = arith.constant 0 : i32
      %dma_start3A_66 = tpu.memref_slice %arg8[%add3A_34, %dma_start3A_65] : memref<10240x256xbf16, #tpu.memory_space<vmem_shared>> -> memref<64x256xbf16, #tpu.memory_space<vmem_shared>>
      %dma_start3A_67 = arith.constant 0 : i32
      %dma_start3A_68 = arith.constant 0 : i32
      %dma_start3A_69 = tpu.memref_slice %arg10[%dma_start3A_67, %dma_start3A_68] : memref<125x256xbf16, #tpu.memory_space<vmem>> -> memref<64x256xbf16, #tpu.memory_space<vmem>>
      tpu.enqueue_dma source(%dma_start3A_69 : memref<64x256xbf16, #tpu.memory_space<vmem>>) target(%dma_start3A_66 : memref<64x256xbf16, #tpu.memory_space<vmem_shared>>) target_semaphore(%run_scoped3A : memref<!tpu.dma_semaphore, #tpu.memory_space<semaphore_mem>>)
      %dma_wait3A = arith.constant 0 : i32
      %dma_wait3A_70 = arith.constant 0 : i32
      %dma_wait3A_71 = tpu.memref_slice %arg10[%dma_wait3A, %dma_wait3A_70] : memref<125x256xbf16, #tpu.memory_space<vmem>> -> memref<64x256xbf16, #tpu.memory_space<vmem>>
      %dma_wait3A_72 = arith.constant 0 : i32
      %dma_wait3A_73 = tpu.memref_slice %arg8[%add3A_34, %dma_wait3A_72] : memref<10240x256xbf16, #tpu.memory_space<vmem_shared>> -> memref<64x256xbf16, #tpu.memory_space<vmem_shared>>
      %dma_wait3A_74 = arith.constant 0 : i32
      %dma_wait3A_75 = tpu.memref_slice %arg8[%add3A_34, %dma_wait3A_74] : memref<10240x256xbf16, #tpu.memory_space<vmem_shared>> -> memref<64x256xbf16, #tpu.memory_space<vmem_shared>>
      %dma_wait3A_76 = arith.constant 0 : i32
      %dma_wait3A_77 = arith.constant 0 : i32
      %dma_wait3A_78 = tpu.memref_slice %arg10[%dma_wait3A_76, %dma_wait3A_77] : memref<125x256xbf16, #tpu.memory_space<vmem>> -> memref<64x256xbf16, #tpu.memory_space<vmem>>
      tpu.wait_dma2 semaphore(%run_scoped3A : memref<!tpu.dma_semaphore, #tpu.memory_space<semaphore_mem>>) src(%dma_wait3A_78 : memref<64x256xbf16, #tpu.memory_space<vmem>>) dst(%dma_wait3A_75 : memref<64x256xbf16, #tpu.memory_space<vmem_shared>>)
      tpu.yield
    }) : () -> ()
    %mul3A_35 = arith.constant 640 : i32
    %mul3A_36 = arith.muli %arg1, %mul3A_35 : i32
    %add3A_37 = arith.constant 512 : i32
    %add3A_38 = arith.addi %mul3A_36, %add3A_37 : i32
    "tpu.region"() ({
      %run_scoped3A = tpu.sem_alloc : memref<!tpu.dma_semaphore, #tpu.memory_space<semaphore_mem>>
      %dma_start3A = arith.constant 0 : i32
      %dma_start3A_61 = arith.constant 0 : i32
      %dma_start3A_62 = tpu.memref_slice %arg10[%dma_start3A, %dma_start3A_61] : memref<125x256xbf16, #tpu.memory_space<vmem>> -> memref<64x256xbf16, #tpu.memory_space<vmem>>
      %dma_start3A_63 = arith.constant 0 : i32
      %dma_start3A_64 = tpu.memref_slice %arg8[%add3A_38, %dma_start3A_63] : memref<10240x256xbf16, #tpu.memory_space<vmem_shared>> -> memref<64x256xbf16, #tpu.memory_space<vmem_shared>>
      %dma_start3A_65 = arith.constant 0 : i32
      %dma_start3A_66 = tpu.memref_slice %arg8[%add3A_38, %dma_start3A_65] : memref<10240x256xbf16, #tpu.memory_space<vmem_shared>> -> memref<64x256xbf16, #tpu.memory_space<vmem_shared>>
      %dma_start3A_67 = arith.constant 0 : i32
      %dma_start3A_68 = arith.constant 0 : i32
      %dma_start3A_69 = tpu.memref_slice %arg10[%dma_start3A_67, %dma_start3A_68] : memref<125x256xbf16, #tpu.memory_space<vmem>> -> memref<64x256xbf16, #tpu.memory_space<vmem>>
      tpu.enqueue_dma source(%dma_start3A_69 : memref<64x256xbf16, #tpu.memory_space<vmem>>) target(%dma_start3A_66 : memref<64x256xbf16, #tpu.memory_space<vmem_shared>>) target_semaphore(%run_scoped3A : memref<!tpu.dma_semaphore, #tpu.memory_space<semaphore_mem>>)
      %dma_wait3A = arith.constant 0 : i32
      %dma_wait3A_70 = arith.constant 0 : i32
      %dma_wait3A_71 = tpu.memref_slice %arg10[%dma_wait3A, %dma_wait3A_70] : memref<125x256xbf16, #tpu.memory_space<vmem>> -> memref<64x256xbf16, #tpu.memory_space<vmem>>
      %dma_wait3A_72 = arith.constant 0 : i32
      %dma_wait3A_73 = tpu.memref_slice %arg8[%add3A_38, %dma_wait3A_72] : memref<10240x256xbf16, #tpu.memory_space<vmem_shared>> -> memref<64x256xbf16, #tpu.memory_space<vmem_shared>>
      %dma_wait3A_74 = arith.constant 0 : i32
      %dma_wait3A_75 = tpu.memref_slice %arg8[%add3A_38, %dma_wait3A_74] : memref<10240x256xbf16, #tpu.memory_space<vmem_shared>> -> memref<64x256xbf16, #tpu.memory_space<vmem_shared>>
      %dma_wait3A_76 = arith.constant 0 : i32
      %dma_wait3A_77 = arith.constant 0 : i32
      %dma_wait3A_78 = tpu.memref_slice %arg10[%dma_wait3A_76, %dma_wait3A_77] : memref<125x256xbf16, #tpu.memory_space<vmem>> -> memref<64x256xbf16, #tpu.memory_space<vmem>>
      tpu.wait_dma2 semaphore(%run_scoped3A : memref<!tpu.dma_semaphore, #tpu.memory_space<semaphore_mem>>) src(%dma_wait3A_78 : memref<64x256xbf16, #tpu.memory_space<vmem>>) dst(%dma_wait3A_75 : memref<64x256xbf16, #tpu.memory_space<vmem_shared>>)
      tpu.yield
    }) : () -> ()
    %mul3A_39 = arith.constant 640 : i32
    %mul3A_40 = arith.muli %arg1, %mul3A_39 : i32
    %add3A_41 = arith.constant 576 : i32
    %add3A_42 = arith.addi %mul3A_40, %add3A_41 : i32
    "tpu.region"() ({
      %run_scoped3A = tpu.sem_alloc : memref<!tpu.dma_semaphore, #tpu.memory_space<semaphore_mem>>
      %dma_start3A = arith.constant 0 : i32
      %dma_start3A_61 = arith.constant 0 : i32
      %dma_start3A_62 = tpu.memref_slice %arg10[%dma_start3A, %dma_start3A_61] : memref<125x256xbf16, #tpu.memory_space<vmem>> -> memref<64x256xbf16, #tpu.memory_space<vmem>>
      %dma_start3A_63 = arith.constant 0 : i32
      %dma_start3A_64 = tpu.memref_slice %arg8[%add3A_42, %dma_start3A_63] : memref<10240x256xbf16, #tpu.memory_space<vmem_shared>> -> memref<64x256xbf16, #tpu.memory_space<vmem_shared>>
      %dma_start3A_65 = arith.constant 0 : i32
      %dma_start3A_66 = tpu.memref_slice %arg8[%add3A_42, %dma_start3A_65] : memref<10240x256xbf16, #tpu.memory_space<vmem_shared>> -> memref<64x256xbf16, #tpu.memory_space<vmem_shared>>
      %dma_start3A_67 = arith.constant 0 : i32
      %dma_start3A_68 = arith.constant 0 : i32
      %dma_start3A_69 = tpu.memref_slice %arg10[%dma_start3A_67, %dma_start3A_68] : memref<125x256xbf16, #tpu.memory_space<vmem>> -> memref<64x256xbf16, #tpu.memory_space<vmem>>
      tpu.enqueue_dma source(%dma_start3A_69 : memref<64x256xbf16, #tpu.memory_space<vmem>>) target(%dma_start3A_66 : memref<64x256xbf16, #tpu.memory_space<vmem_shared>>) target_semaphore(%run_scoped3A : memref<!tpu.dma_semaphore, #tpu.memory_space<semaphore_mem>>)
      %dma_wait3A = arith.constant 0 : i32
      %dma_wait3A_70 = arith.constant 0 : i32
      %dma_wait3A_71 = tpu.memref_slice %arg10[%dma_wait3A, %dma_wait3A_70] : memref<125x256xbf16, #tpu.memory_space<vmem>> -> memref<64x256xbf16, #tpu.memory_space<vmem>>
      %dma_wait3A_72 = arith.constant 0 : i32
      %dma_wait3A_73 = tpu.memref_slice %arg8[%add3A_42, %dma_wait3A_72] : memref<10240x256xbf16, #tpu.memory_space<vmem_shared>> -> memref<64x256xbf16, #tpu.memory_space<vmem_shared>>
      %dma_wait3A_74 = arith.constant 0 : i32
      %dma_wait3A_75 = tpu.memref_slice %arg8[%add3A_42, %dma_wait3A_74] : memref<10240x256xbf16, #tpu.memory_space<vmem_shared>> -> memref<64x256xbf16, #tpu.memory_space<vmem_shared>>
      %dma_wait3A_76 = arith.constant 0 : i32
      %dma_wait3A_77 = arith.constant 0 : i32
      %dma_wait3A_78 = tpu.memref_slice %arg10[%dma_wait3A_76, %dma_wait3A_77] : memref<125x256xbf16, #tpu.memory_space<vmem>> -> memref<64x256xbf16, #tpu.memory_space<vmem>>
      tpu.wait_dma2 semaphore(%run_scoped3A : memref<!tpu.dma_semaphore, #tpu.memory_space<semaphore_mem>>) src(%dma_wait3A_78 : memref<64x256xbf16, #tpu.memory_space<vmem>>) dst(%dma_wait3A_75 : memref<64x256xbf16, #tpu.memory_space<vmem_shared>>)
      tpu.yield
    }) : () -> ()
    %barrier3A = arith.constant 0 : index
    tpu.barrier barrier_id(%barrier3A)
    %eq3A = arith.constant 0 : i32
    %eq3A_43 = arith.cmpi eq, %arg0, %eq3A : i32
    %convert_element_type3A = arith.extui %eq3A_43 : i1 to i32
    %cond3A = arith.constant 0 : i32
    %cond3A_44 = arith.cmpi ne, %convert_element_type3A, %cond3A : i32
    scf.if %cond3A_44 {
      %dma_start3A = arith.constant 0 : i32
      %dma_start3A_61 = arith.constant 0 : i32
      %dma_start3A_62 = tpu.memref_slice %arg14[%dma_start3A, %dma_start3A_61] : memref<40x125xi32, #tpu.memory_space<vmem>> -> memref<1x125xi32, #tpu.memory_space<vmem>>
      %dma_start3A_63 = tpu.memref_squeeze %dma_start3A_62 : memref<1x125xi32, #tpu.memory_space<vmem>> -> memref<125xi32, #tpu.memory_space<vmem>>
      %dma_start3A_64 = arith.constant 0 : i32
      %dma_start3A_65 = arith.constant 0 : i32
      %dma_start3A_66 = tpu.memref_slice %arg2[%dma_start3A_64, %dma_start3A_65] : memref<10000x256xbf16, #tpu.memory_space<hbm>> -> memref<10000x256xbf16, #tpu.memory_space<hbm>>
      tpu.enqueue_indirect_dma source(%dma_start3A_66 : memref<10000x256xbf16, #tpu.memory_space<hbm>>) target(%arg10 : memref<125x256xbf16, #tpu.memory_space<vmem>>) offsets(%dma_start3A_63 : memref<125xi32, #tpu.memory_space<vmem>>) semaphore(%arg12 : memref<!tpu.dma_semaphore, #tpu.memory_space<semaphore_mem>>)
      %scan3A_67 = arith.constant 0 : i32
      %scan3A_68 = arith.constant 20 : i32
      %scan3A_69 = arith.addi %scan3A_67, %scan3A_68 : i32
      %scan3A_70 = arith.constant 1 : i32
      scf.for %scan3A_72 = %scan3A_67 to %scan3A_69 step %scan3A_70  : i32 {
        %mul3A_73 = arith.constant 2 : i32
        %mul3A_74 = arith.muli %scan3A_72, %mul3A_73 : i32
        %add3A_75 = arith.constant 0 : i32
        %add3A_76 = arith.addi %add3A_75, %mul3A_74 : i32
        %add3A_77 = arith.constant 1 : i32
        %add3A_78 = arith.addi %add3A_76, %add3A_77 : i32
        %dma_start3A_79 = arith.constant 0 : i32
        %dma_start3A_80 = tpu.memref_slice %arg14[%add3A_78, %dma_start3A_79] : memref<40x125xi32, #tpu.memory_space<vmem>> -> memref<1x125xi32, #tpu.memory_space<vmem>>
        %dma_start3A_81 = tpu.memref_squeeze %dma_start3A_80 : memref<1x125xi32, #tpu.memory_space<vmem>> -> memref<125xi32, #tpu.memory_space<vmem>>
        %dma_start3A_82 = arith.constant 0 : i32
        %dma_start3A_83 = arith.constant 0 : i32
        %dma_start3A_84 = tpu.memref_slice %arg2[%dma_start3A_82, %dma_start3A_83] : memref<10000x256xbf16, #tpu.memory_space<hbm>> -> memref<10000x256xbf16, #tpu.memory_space<hbm>>
        tpu.enqueue_indirect_dma source(%dma_start3A_84 : memref<10000x256xbf16, #tpu.memory_space<hbm>>) target(%arg11 : memref<125x256xbf16, #tpu.memory_space<vmem>>) offsets(%dma_start3A_81 : memref<125xi32, #tpu.memory_space<vmem>>) semaphore(%arg13 : memref<!tpu.dma_semaphore, #tpu.memory_space<semaphore_mem>>)
        %dma_wait3A = arith.constant 0 : i32
        %dma_wait3A_85 = tpu.memref_slice %arg14[%add3A_76, %dma_wait3A] : memref<40x125xi32, #tpu.memory_space<vmem>> -> memref<1x125xi32, #tpu.memory_space<vmem>>
        %dma_wait3A_86 = tpu.memref_squeeze %dma_wait3A_85 : memref<1x125xi32, #tpu.memory_space<vmem>> -> memref<125xi32, #tpu.memory_space<vmem>>
        %dma_wait3A_87 = arith.constant 0 : i32
        %dma_wait3A_88 = arith.constant 0 : i32
        %dma_wait3A_89 = tpu.memref_slice %arg2[%dma_wait3A_87, %dma_wait3A_88] : memref<10000x256xbf16, #tpu.memory_space<hbm>> -> memref<10000x256xbf16, #tpu.memory_space<hbm>>
        tpu.wait_indirect_dma semaphore(%arg12 : memref<!tpu.dma_semaphore, #tpu.memory_space<semaphore_mem>>) src(%dma_wait3A_89 : memref<10000x256xbf16, #tpu.memory_space<hbm>>) dst(%arg10 : memref<125x256xbf16, #tpu.memory_space<vmem>>)
        "tpu.region"() ({
          %run_scoped3A = tpu.sem_alloc : memref<!tpu.dma_semaphore, #tpu.memory_space<semaphore_mem>>
          %dma_start3A_106 = arith.constant 0 : i32
          %dma_start3A_107 = tpu.memref_slice %arg9[%add3A_76, %dma_start3A_106] : memref<40x125xi32, #tpu.memory_space<vmem>> -> memref<1x125xi32, #tpu.memory_space<vmem>>
          %dma_start3A_108 = tpu.memref_squeeze %dma_start3A_107 : memref<1x125xi32, #tpu.memory_space<vmem>> -> memref<125xi32, #tpu.memory_space<vmem>>
          %dma_start3A_109 = arith.constant 0 : i32
          %dma_start3A_110 = arith.constant 0 : i32
          %dma_start3A_111 = tpu.memref_slice %arg8[%dma_start3A_109, %dma_start3A_110] : memref<10240x256xbf16, #tpu.memory_space<vmem_shared>> -> memref<10240x256xbf16, #tpu.memory_space<vmem_shared>>
          tpu.enqueue_indirect_dma source(%arg10 : memref<125x256xbf16, #tpu.memory_space<vmem>>) target(%dma_start3A_111 : memref<10240x256xbf16, #tpu.memory_space<vmem_shared>>) offsets(%dma_start3A_108 : memref<125xi32, #tpu.memory_space<vmem>>) semaphore(%run_scoped3A : memref<!tpu.dma_semaphore, #tpu.memory_space<semaphore_mem>>) {add = true}
          %dma_wait3A_112 = arith.constant 0 : i32
          %dma_wait3A_113 = tpu.memref_slice %arg9[%add3A_76, %dma_wait3A_112] : memref<40x125xi32, #tpu.memory_space<vmem>> -> memref<1x125xi32, #tpu.memory_space<vmem>>
          %dma_wait3A_114 = tpu.memref_squeeze %dma_wait3A_113 : memref<1x125xi32, #tpu.memory_space<vmem>> -> memref<125xi32, #tpu.memory_space<vmem>>
          %dma_wait3A_115 = arith.constant 0 : i32
          %dma_wait3A_116 = arith.constant 0 : i32
          %dma_wait3A_117 = tpu.memref_slice %arg8[%dma_wait3A_115, %dma_wait3A_116] : memref<10240x256xbf16, #tpu.memory_space<vmem_shared>> -> memref<10240x256xbf16, #tpu.memory_space<vmem_shared>>
          tpu.wait_indirect_dma semaphore(%run_scoped3A : memref<!tpu.dma_semaphore, #tpu.memory_space<semaphore_mem>>) src(%arg10 : memref<125x256xbf16, #tpu.memory_space<vmem>>) dst(%dma_wait3A_117 : memref<10240x256xbf16, #tpu.memory_space<vmem_shared>>)
          tpu.yield
        }) : () -> ()
        %add3A_90 = arith.constant 2 : i32
        %add3A_91 = arith.addi %add3A_76, %add3A_90 : i32
        %lt3A = arith.constant 40 : i32
        %lt3A_92 = arith.cmpi slt, %add3A_91, %lt3A : i32
        %convert_element_type3A_93 = arith.extui %lt3A_92 : i1 to i32
        %cond3A_94 = arith.constant 0 : i32
        %cond3A_95 = arith.cmpi ne, %convert_element_type3A_93, %cond3A_94 : i32
        scf.if %cond3A_95 {
          %add3A_106 = arith.constant 2 : i32
          %add3A_107 = arith.addi %add3A_76, %add3A_106 : i32
          %dma_start3A_108 = arith.constant 0 : i32
          %dma_start3A_109 = tpu.memref_slice %arg14[%add3A_107, %dma_start3A_108] : memref<40x125xi32, #tpu.memory_space<vmem>> -> memref<1x125xi32, #tpu.memory_space<vmem>>
          %dma_start3A_110 = tpu.memref_squeeze %dma_start3A_109 : memref<1x125xi32, #tpu.memory_space<vmem>> -> memref<125xi32, #tpu.memory_space<vmem>>
          %dma_start3A_111 = arith.constant 0 : i32
          %dma_start3A_112 = arith.constant 0 : i32
          %dma_start3A_113 = tpu.memref_slice %arg2[%dma_start3A_111, %dma_start3A_112] : memref<10000x256xbf16, #tpu.memory_space<hbm>> -> memref<10000x256xbf16, #tpu.memory_space<hbm>>
          tpu.enqueue_indirect_dma source(%dma_start3A_113 : memref<10000x256xbf16, #tpu.memory_space<hbm>>) target(%arg10 : memref<125x256xbf16, #tpu.memory_space<vmem>>) offsets(%dma_start3A_110 : memref<125xi32, #tpu.memory_space<vmem>>) semaphore(%arg12 : memref<!tpu.dma_semaphore, #tpu.memory_space<semaphore_mem>>)
        } else {
        }
        %add3A_96 = arith.constant 1 : i32
        %add3A_97 = arith.addi %add3A_76, %add3A_96 : i32
        %dma_wait3A_98 = arith.constant 0 : i32
        %dma_wait3A_99 = tpu.memref_slice %arg14[%add3A_97, %dma_wait3A_98] : memref<40x125xi32, #tpu.memory_space<vmem>> -> memref<1x125xi32, #tpu.memory_space<vmem>>
        %dma_wait3A_100 = tpu.memref_squeeze %dma_wait3A_99 : memref<1x125xi32, #tpu.memory_space<vmem>> -> memref<125xi32, #tpu.memory_space<vmem>>
        %dma_wait3A_101 = arith.constant 0 : i32
        %dma_wait3A_102 = arith.constant 0 : i32
        %dma_wait3A_103 = tpu.memref_slice %arg2[%dma_wait3A_101, %dma_wait3A_102] : memref<10000x256xbf16, #tpu.memory_space<hbm>> -> memref<10000x256xbf16, #tpu.memory_space<hbm>>
        tpu.wait_indirect_dma semaphore(%arg13 : memref<!tpu.dma_semaphore, #tpu.memory_space<semaphore_mem>>) src(%dma_wait3A_103 : memref<10000x256xbf16, #tpu.memory_space<hbm>>) dst(%arg11 : memref<125x256xbf16, #tpu.memory_space<vmem>>)
        %add3A_104 = arith.constant 1 : i32
        %add3A_105 = arith.addi %add3A_76, %add3A_104 : i32
        "tpu.region"() ({
          %run_scoped3A = tpu.sem_alloc : memref<!tpu.dma_semaphore, #tpu.memory_space<semaphore_mem>>
          %dma_start3A_106 = arith.constant 0 : i32
          %dma_start3A_107 = tpu.memref_slice %arg9[%add3A_105, %dma_start3A_106] : memref<40x125xi32, #tpu.memory_space<vmem>> -> memref<1x125xi32, #tpu.memory_space<vmem>>
          %dma_start3A_108 = tpu.memref_squeeze %dma_start3A_107 : memref<1x125xi32, #tpu.memory_space<vmem>> -> memref<125xi32, #tpu.memory_space<vmem>>
          %dma_start3A_109 = arith.constant 0 : i32
          %dma_start3A_110 = arith.constant 0 : i32
          %dma_start3A_111 = tpu.memref_slice %arg8[%dma_start3A_109, %dma_start3A_110] : memref<10240x256xbf16, #tpu.memory_space<vmem_shared>> -> memref<10240x256xbf16, #tpu.memory_space<vmem_shared>>
          tpu.enqueue_indirect_dma source(%arg11 : memref<125x256xbf16, #tpu.memory_space<vmem>>) target(%dma_start3A_111 : memref<10240x256xbf16, #tpu.memory_space<vmem_shared>>) offsets(%dma_start3A_108 : memref<125xi32, #tpu.memory_space<vmem>>) semaphore(%run_scoped3A : memref<!tpu.dma_semaphore, #tpu.memory_space<semaphore_mem>>) {add = true}
          %dma_wait3A_112 = arith.constant 0 : i32
          %dma_wait3A_113 = tpu.memref_slice %arg9[%add3A_105, %dma_wait3A_112] : memref<40x125xi32, #tpu.memory_space<vmem>> -> memref<1x125xi32, #tpu.memory_space<vmem>>
          %dma_wait3A_114 = tpu.memref_squeeze %dma_wait3A_113 : memref<1x125xi32, #tpu.memory_space<vmem>> -> memref<125xi32, #tpu.memory_space<vmem>>
          %dma_wait3A_115 = arith.constant 0 : i32
          %dma_wait3A_116 = arith.constant 0 : i32
          %dma_wait3A_117 = tpu.memref_slice %arg8[%dma_wait3A_115, %dma_wait3A_116] : memref<10240x256xbf16, #tpu.memory_space<vmem_shared>> -> memref<10240x256xbf16, #tpu.memory_space<vmem_shared>>
          tpu.wait_indirect_dma semaphore(%run_scoped3A : memref<!tpu.dma_semaphore, #tpu.memory_space<semaphore_mem>>) src(%arg11 : memref<125x256xbf16, #tpu.memory_space<vmem>>) dst(%dma_wait3A_117 : memref<10240x256xbf16, #tpu.memory_space<vmem_shared>>)
          tpu.yield
        }) : () -> ()
      }
      %scan3A_71 = arith.constant 20 : i32
    } else {
    }
    %eq3A_45 = arith.constant 1 : i32
    %eq3A_46 = arith.cmpi eq, %arg0, %eq3A_45 : i32
    %convert_element_type3A_47 = arith.extui %eq3A_46 : i1 to i32
    %cond3A_48 = arith.constant 0 : i32
    %cond3A_49 = arith.cmpi ne, %convert_element_type3A_47, %cond3A_48 : i32
    scf.if %cond3A_49 {
      %dma_start3A = arith.constant 0 : i32
      %dma_start3A_61 = arith.constant 0 : i32
      %dma_start3A_62 = tpu.memref_slice %arg14[%dma_start3A, %dma_start3A_61] : memref<40x125xi32, #tpu.memory_space<vmem>> -> memref<1x125xi32, #tpu.memory_space<vmem>>
      %dma_start3A_63 = tpu.memref_squeeze %dma_start3A_62 : memref<1x125xi32, #tpu.memory_space<vmem>> -> memref<125xi32, #tpu.memory_space<vmem>>
      %dma_start3A_64 = arith.constant 0 : i32
      %dma_start3A_65 = arith.constant 0 : i32
      %dma_start3A_66 = tpu.memref_slice %arg3[%dma_start3A_64, %dma_start3A_65] : memref<10000x256xbf16, #tpu.memory_space<hbm>> -> memref<10000x256xbf16, #tpu.memory_space<hbm>>
      tpu.enqueue_indirect_dma source(%dma_start3A_66 : memref<10000x256xbf16, #tpu.memory_space<hbm>>) target(%arg10 : memref<125x256xbf16, #tpu.memory_space<vmem>>) offsets(%dma_start3A_63 : memref<125xi32, #tpu.memory_space<vmem>>) semaphore(%arg12 : memref<!tpu.dma_semaphore, #tpu.memory_space<semaphore_mem>>)
      %scan3A_67 = arith.constant 0 : i32
      %scan3A_68 = arith.constant 20 : i32
      %scan3A_69 = arith.addi %scan3A_67, %scan3A_68 : i32
      %scan3A_70 = arith.constant 1 : i32
      scf.for %scan3A_72 = %scan3A_67 to %scan3A_69 step %scan3A_70  : i32 {
        %mul3A_73 = arith.constant 2 : i32
        %mul3A_74 = arith.muli %scan3A_72, %mul3A_73 : i32
        %add3A_75 = arith.constant 0 : i32
        %add3A_76 = arith.addi %add3A_75, %mul3A_74 : i32
        %add3A_77 = arith.constant 1 : i32
        %add3A_78 = arith.addi %add3A_76, %add3A_77 : i32
        %dma_start3A_79 = arith.constant 0 : i32
        %dma_start3A_80 = tpu.memref_slice %arg14[%add3A_78, %dma_start3A_79] : memref<40x125xi32, #tpu.memory_space<vmem>> -> memref<1x125xi32, #tpu.memory_space<vmem>>
        %dma_start3A_81 = tpu.memref_squeeze %dma_start3A_80 : memref<1x125xi32, #tpu.memory_space<vmem>> -> memref<125xi32, #tpu.memory_space<vmem>>
        %dma_start3A_82 = arith.constant 0 : i32
        %dma_start3A_83 = arith.constant 0 : i32
        %dma_start3A_84 = tpu.memref_slice %arg3[%dma_start3A_82, %dma_start3A_83] : memref<10000x256xbf16, #tpu.memory_space<hbm>> -> memref<10000x256xbf16, #tpu.memory_space<hbm>>
        tpu.enqueue_indirect_dma source(%dma_start3A_84 : memref<10000x256xbf16, #tpu.memory_space<hbm>>) target(%arg11 : memref<125x256xbf16, #tpu.memory_space<vmem>>) offsets(%dma_start3A_81 : memref<125xi32, #tpu.memory_space<vmem>>) semaphore(%arg13 : memref<!tpu.dma_semaphore, #tpu.memory_space<semaphore_mem>>)
        %dma_wait3A = arith.constant 0 : i32
        %dma_wait3A_85 = tpu.memref_slice %arg14[%add3A_76, %dma_wait3A] : memref<40x125xi32, #tpu.memory_space<vmem>> -> memref<1x125xi32, #tpu.memory_space<vmem>>
        %dma_wait3A_86 = tpu.memref_squeeze %dma_wait3A_85 : memref<1x125xi32, #tpu.memory_space<vmem>> -> memref<125xi32, #tpu.memory_space<vmem>>
        %dma_wait3A_87 = arith.constant 0 : i32
        %dma_wait3A_88 = arith.constant 0 : i32
        %dma_wait3A_89 = tpu.memref_slice %arg3[%dma_wait3A_87, %dma_wait3A_88] : memref<10000x256xbf16, #tpu.memory_space<hbm>> -> memref<10000x256xbf16, #tpu.memory_space<hbm>>
        tpu.wait_indirect_dma semaphore(%arg12 : memref<!tpu.dma_semaphore, #tpu.memory_space<semaphore_mem>>) src(%dma_wait3A_89 : memref<10000x256xbf16, #tpu.memory_space<hbm>>) dst(%arg10 : memref<125x256xbf16, #tpu.memory_space<vmem>>)
        "tpu.region"() ({
          %run_scoped3A = tpu.sem_alloc : memref<!tpu.dma_semaphore, #tpu.memory_space<semaphore_mem>>
          %dma_start3A_106 = arith.constant 0 : i32
          %dma_start3A_107 = tpu.memref_slice %arg9[%add3A_76, %dma_start3A_106] : memref<40x125xi32, #tpu.memory_space<vmem>> -> memref<1x125xi32, #tpu.memory_space<vmem>>
          %dma_start3A_108 = tpu.memref_squeeze %dma_start3A_107 : memref<1x125xi32, #tpu.memory_space<vmem>> -> memref<125xi32, #tpu.memory_space<vmem>>
          %dma_start3A_109 = arith.constant 0 : i32
          %dma_start3A_110 = arith.constant 0 : i32
          %dma_start3A_111 = tpu.memref_slice %arg8[%dma_start3A_109, %dma_start3A_110] : memref<10240x256xbf16, #tpu.memory_space<vmem_shared>> -> memref<10240x256xbf16, #tpu.memory_space<vmem_shared>>
          tpu.enqueue_indirect_dma source(%arg10 : memref<125x256xbf16, #tpu.memory_space<vmem>>) target(%dma_start3A_111 : memref<10240x256xbf16, #tpu.memory_space<vmem_shared>>) offsets(%dma_start3A_108 : memref<125xi32, #tpu.memory_space<vmem>>) semaphore(%run_scoped3A : memref<!tpu.dma_semaphore, #tpu.memory_space<semaphore_mem>>) {add = true}
          %dma_wait3A_112 = arith.constant 0 : i32
          %dma_wait3A_113 = tpu.memref_slice %arg9[%add3A_76, %dma_wait3A_112] : memref<40x125xi32, #tpu.memory_space<vmem>> -> memref<1x125xi32, #tpu.memory_space<vmem>>
          %dma_wait3A_114 = tpu.memref_squeeze %dma_wait3A_113 : memref<1x125xi32, #tpu.memory_space<vmem>> -> memref<125xi32, #tpu.memory_space<vmem>>
          %dma_wait3A_115 = arith.constant 0 : i32
          %dma_wait3A_116 = arith.constant 0 : i32
          %dma_wait3A_117 = tpu.memref_slice %arg8[%dma_wait3A_115, %dma_wait3A_116] : memref<10240x256xbf16, #tpu.memory_space<vmem_shared>> -> memref<10240x256xbf16, #tpu.memory_space<vmem_shared>>
          tpu.wait_indirect_dma semaphore(%run_scoped3A : memref<!tpu.dma_semaphore, #tpu.memory_space<semaphore_mem>>) src(%arg10 : memref<125x256xbf16, #tpu.memory_space<vmem>>) dst(%dma_wait3A_117 : memref<10240x256xbf16, #tpu.memory_space<vmem_shared>>)
          tpu.yield
        }) : () -> ()
        %add3A_90 = arith.constant 2 : i32
        %add3A_91 = arith.addi %add3A_76, %add3A_90 : i32
        %lt3A = arith.constant 40 : i32
        %lt3A_92 = arith.cmpi slt, %add3A_91, %lt3A : i32
        %convert_element_type3A_93 = arith.extui %lt3A_92 : i1 to i32
        %cond3A_94 = arith.constant 0 : i32
        %cond3A_95 = arith.cmpi ne, %convert_element_type3A_93, %cond3A_94 : i32
        scf.if %cond3A_95 {
          %add3A_106 = arith.constant 2 : i32
          %add3A_107 = arith.addi %add3A_76, %add3A_106 : i32
          %dma_start3A_108 = arith.constant 0 : i32
          %dma_start3A_109 = tpu.memref_slice %arg14[%add3A_107, %dma_start3A_108] : memref<40x125xi32, #tpu.memory_space<vmem>> -> memref<1x125xi32, #tpu.memory_space<vmem>>
          %dma_start3A_110 = tpu.memref_squeeze %dma_start3A_109 : memref<1x125xi32, #tpu.memory_space<vmem>> -> memref<125xi32, #tpu.memory_space<vmem>>
          %dma_start3A_111 = arith.constant 0 : i32
          %dma_start3A_112 = arith.constant 0 : i32
          %dma_start3A_113 = tpu.memref_slice %arg3[%dma_start3A_111, %dma_start3A_112] : memref<10000x256xbf16, #tpu.memory_space<hbm>> -> memref<10000x256xbf16, #tpu.memory_space<hbm>>
          tpu.enqueue_indirect_dma source(%dma_start3A_113 : memref<10000x256xbf16, #tpu.memory_space<hbm>>) target(%arg10 : memref<125x256xbf16, #tpu.memory_space<vmem>>) offsets(%dma_start3A_110 : memref<125xi32, #tpu.memory_space<vmem>>) semaphore(%arg12 : memref<!tpu.dma_semaphore, #tpu.memory_space<semaphore_mem>>)
        } else {
        }
        %add3A_96 = arith.constant 1 : i32
        %add3A_97 = arith.addi %add3A_76, %add3A_96 : i32
        %dma_wait3A_98 = arith.constant 0 : i32
        %dma_wait3A_99 = tpu.memref_slice %arg14[%add3A_97, %dma_wait3A_98] : memref<40x125xi32, #tpu.memory_space<vmem>> -> memref<1x125xi32, #tpu.memory_space<vmem>>
        %dma_wait3A_100 = tpu.memref_squeeze %dma_wait3A_99 : memref<1x125xi32, #tpu.memory_space<vmem>> -> memref<125xi32, #tpu.memory_space<vmem>>
        %dma_wait3A_101 = arith.constant 0 : i32
        %dma_wait3A_102 = arith.constant 0 : i32
        %dma_wait3A_103 = tpu.memref_slice %arg3[%dma_wait3A_101, %dma_wait3A_102] : memref<10000x256xbf16, #tpu.memory_space<hbm>> -> memref<10000x256xbf16, #tpu.memory_space<hbm>>
        tpu.wait_indirect_dma semaphore(%arg13 : memref<!tpu.dma_semaphore, #tpu.memory_space<semaphore_mem>>) src(%dma_wait3A_103 : memref<10000x256xbf16, #tpu.memory_space<hbm>>) dst(%arg11 : memref<125x256xbf16, #tpu.memory_space<vmem>>)
        %add3A_104 = arith.constant 1 : i32
        %add3A_105 = arith.addi %add3A_76, %add3A_104 : i32
        "tpu.region"() ({
          %run_scoped3A = tpu.sem_alloc : memref<!tpu.dma_semaphore, #tpu.memory_space<semaphore_mem>>
          %dma_start3A_106 = arith.constant 0 : i32
          %dma_start3A_107 = tpu.memref_slice %arg9[%add3A_105, %dma_start3A_106] : memref<40x125xi32, #tpu.memory_space<vmem>> -> memref<1x125xi32, #tpu.memory_space<vmem>>
          %dma_start3A_108 = tpu.memref_squeeze %dma_start3A_107 : memref<1x125xi32, #tpu.memory_space<vmem>> -> memref<125xi32, #tpu.memory_space<vmem>>
          %dma_start3A_109 = arith.constant 0 : i32
          %dma_start3A_110 = arith.constant 0 : i32
          %dma_start3A_111 = tpu.memref_slice %arg8[%dma_start3A_109, %dma_start3A_110] : memref<10240x256xbf16, #tpu.memory_space<vmem_shared>> -> memref<10240x256xbf16, #tpu.memory_space<vmem_shared>>
          tpu.enqueue_indirect_dma source(%arg11 : memref<125x256xbf16, #tpu.memory_space<vmem>>) target(%dma_start3A_111 : memref<10240x256xbf16, #tpu.memory_space<vmem_shared>>) offsets(%dma_start3A_108 : memref<125xi32, #tpu.memory_space<vmem>>) semaphore(%run_scoped3A : memref<!tpu.dma_semaphore, #tpu.memory_space<semaphore_mem>>) {add = true}
          %dma_wait3A_112 = arith.constant 0 : i32
          %dma_wait3A_113 = tpu.memref_slice %arg9[%add3A_105, %dma_wait3A_112] : memref<40x125xi32, #tpu.memory_space<vmem>> -> memref<1x125xi32, #tpu.memory_space<vmem>>
          %dma_wait3A_114 = tpu.memref_squeeze %dma_wait3A_113 : memref<1x125xi32, #tpu.memory_space<vmem>> -> memref<125xi32, #tpu.memory_space<vmem>>
          %dma_wait3A_115 = arith.constant 0 : i32
          %dma_wait3A_116 = arith.constant 0 : i32
          %dma_wait3A_117 = tpu.memref_slice %arg8[%dma_wait3A_115, %dma_wait3A_116] : memref<10240x256xbf16, #tpu.memory_space<vmem_shared>> -> memref<10240x256xbf16, #tpu.memory_space<vmem_shared>>
          tpu.wait_indirect_dma semaphore(%run_scoped3A : memref<!tpu.dma_semaphore, #tpu.memory_space<semaphore_mem>>) src(%arg11 : memref<125x256xbf16, #tpu.memory_space<vmem>>) dst(%dma_wait3A_117 : memref<10240x256xbf16, #tpu.memory_space<vmem_shared>>)
          tpu.yield
        }) : () -> ()
      }
      %scan3A_71 = arith.constant 20 : i32
    } else {
    }
    %barrier3A_50 = arith.constant 0 : index
    tpu.barrier barrier_id(%barrier3A_50)
    %eq3A_51 = arith.constant 0 : i32
    %eq3A_52 = arith.cmpi eq, %arg0, %eq3A_51 : i32
    %convert_element_type3A_53 = arith.extui %eq3A_52 : i1 to i32
    %cond3A_54 = arith.constant 0 : i32
    %cond3A_55 = arith.cmpi ne, %convert_element_type3A_53, %cond3A_54 : i32
    scf.if %cond3A_55 {
      %mul3A_61 = arith.constant 640 : i32
      %mul3A_62 = arith.muli %arg1, %mul3A_61 : i32
      %mul3A_63 = arith.constant 640 : i32
      %mul3A_64 = arith.muli %arg1, %mul3A_63 : i32
      "tpu.region"() ({
        %run_scoped3A = tpu.sem_alloc : memref<!tpu.dma_semaphore, #tpu.memory_space<semaphore_mem>>
        %dma_start3A = arith.constant 0 : i32
        %dma_start3A_65 = tpu.memref_slice %arg6[%mul3A_64, %dma_start3A] : memref<10240x256xbf16, #tpu.memory_space<hbm>> -> memref<640x256xbf16, #tpu.memory_space<hbm>>
        %dma_start3A_66 = arith.constant 0 : i32
        %dma_start3A_67 = tpu.memref_slice %arg8[%mul3A_62, %dma_start3A_66] : memref<10240x256xbf16, #tpu.memory_space<vmem_shared>> -> memref<640x256xbf16, #tpu.memory_space<vmem_shared>>
        tpu.enqueue_dma source(%dma_start3A_67 : memref<640x256xbf16, #tpu.memory_space<vmem_shared>>) target(%dma_start3A_65 : memref<640x256xbf16, #tpu.memory_space<hbm>>) target_semaphore(%run_scoped3A : memref<!tpu.dma_semaphore, #tpu.memory_space<semaphore_mem>>)
        %dma_wait3A = arith.constant 0 : i32
        %dma_wait3A_68 = tpu.memref_slice %arg6[%mul3A_64, %dma_wait3A] : memref<10240x256xbf16, #tpu.memory_space<hbm>> -> memref<640x256xbf16, #tpu.memory_space<hbm>>
        %dma_wait3A_69 = arith.constant 0 : i32
        %dma_wait3A_70 = tpu.memref_slice %arg8[%mul3A_62, %dma_wait3A_69] : memref<10240x256xbf16, #tpu.memory_space<vmem_shared>> -> memref<640x256xbf16, #tpu.memory_space<vmem_shared>>
        tpu.wait_dma2 semaphore(%run_scoped3A : memref<!tpu.dma_semaphore, #tpu.memory_space<semaphore_mem>>) src(%dma_wait3A_70 : memref<640x256xbf16, #tpu.memory_space<vmem_shared>>) dst(%dma_wait3A_68 : memref<640x256xbf16, #tpu.memory_space<hbm>>)
        tpu.yield
      }) : () -> ()
    } else {
    }
    %eq3A_56 = arith.constant 1 : i32
    %eq3A_57 = arith.cmpi eq, %arg0, %eq3A_56 : i32
    %convert_element_type3A_58 = arith.extui %eq3A_57 : i1 to i32
    %cond3A_59 = arith.constant 0 : i32
    %cond3A_60 = arith.cmpi ne, %convert_element_type3A_58, %cond3A_59 : i32
    scf.if %cond3A_60 {
      %mul3A_61 = arith.constant 640 : i32
      %mul3A_62 = arith.muli %arg1, %mul3A_61 : i32
      %mul3A_63 = arith.constant 640 : i32
      %mul3A_64 = arith.muli %arg1, %mul3A_63 : i32
      "tpu.region"() ({
        %run_scoped3A = tpu.sem_alloc : memref<!tpu.dma_semaphore, #tpu.memory_space<semaphore_mem>>
        %dma_start3A = arith.constant 0 : i32
        %dma_start3A_65 = tpu.memref_slice %arg7[%mul3A_64, %dma_start3A] : memref<10240x256xbf16, #tpu.memory_space<hbm>> -> memref<640x256xbf16, #tpu.memory_space<hbm>>
        %dma_start3A_66 = arith.constant 0 : i32
        %dma_start3A_67 = tpu.memref_slice %arg8[%mul3A_62, %dma_start3A_66] : memref<10240x256xbf16, #tpu.memory_space<vmem_shared>> -> memref<640x256xbf16, #tpu.memory_space<vmem_shared>>
        tpu.enqueue_dma source(%dma_start3A_67 : memref<640x256xbf16, #tpu.memory_space<vmem_shared>>) target(%dma_start3A_65 : memref<640x256xbf16, #tpu.memory_space<hbm>>) target_semaphore(%run_scoped3A : memref<!tpu.dma_semaphore, #tpu.memory_space<semaphore_mem>>)
        %dma_wait3A = arith.constant 0 : i32
        %dma_wait3A_68 = tpu.memref_slice %arg7[%mul3A_64, %dma_wait3A] : memref<10240x256xbf16, #tpu.memory_space<hbm>> -> memref<640x256xbf16, #tpu.memory_space<hbm>>
        %dma_wait3A_69 = arith.constant 0 : i32
        %dma_wait3A_70 = tpu.memref_slice %arg8[%mul3A_62, %dma_wait3A_69] : memref<10240x256xbf16, #tpu.memory_space<vmem_shared>> -> memref<640x256xbf16, #tpu.memory_space<vmem_shared>>
        tpu.wait_dma2 semaphore(%run_scoped3A : memref<!tpu.dma_semaphore, #tpu.memory_space<semaphore_mem>>) src(%dma_wait3A_70 : memref<640x256xbf16, #tpu.memory_space<vmem_shared>>) dst(%dma_wait3A_68 : memref<640x256xbf16, #tpu.memory_space<hbm>>)
        tpu.yield
      }) : () -> ()
    } else {
    }
    return
  }
}

#map = affine_map<(d0, d1) -> (0, 0)>
#map1 = affine_map<(d0, d1) -> (0, 0, 0)>
module attributes {stable_mosaic.version = 14 : i64} {
  func.func @k(%arg0: i32, %arg1: i32, %arg2: memref<10240x256xbf16, #tpu.memory_space<hbm>>, %arg3: memref<10240x256xbf16, #tpu.memory_space<hbm>>, %arg4: memref<16x40x125xi32, #tpu.memory_space<hbm>>, %arg5: memref<16x40x125xi32, #tpu.memory_space<hbm>>, %arg6: memref<10240x256xbf16, #tpu.memory_space<hbm>>, %arg7: memref<10240x256xbf16, #tpu.memory_space<hbm>>, %arg8: memref<10240x256xbf16, #tpu.memory_space<vmem_shared>>, %arg9: memref<40x125xi32, #tpu.memory_space<vmem>>, %arg10: memref<125x256xbf16, #tpu.memory_space<vmem>>, %arg11: memref<125x256xbf16, #tpu.memory_space<vmem>>, %arg12: memref<!tpu.dma_semaphore, #tpu.memory_space<semaphore_mem>>, %arg13: memref<!tpu.dma_semaphore, #tpu.memory_space<semaphore_mem>>, %arg14: memref<40x125xi32, #tpu.memory_space<vmem>>) attributes {dimension_semantics = [#tpu.dimension_semantics<core_parallel>, #tpu.dimension_semantics<subcore_parallel>], iteration_bounds = array<i64: 2, 16>, scalar_prefetch = 0 : i64, scratch_operands = 7 : i64, tpu.core_type = #tpu.core_type<sc_vector_subcore>, window_params = [{transform_indices = #map}, {transform_indices = #map}, {transform_indices = #map1}, {transform_indices = #map1}, {transform_indices = #map}, {transform_indices = #map}]} {
    "tpu.region"() ({
      %run_scoped3A = tpu.sem_alloc : memref<!tpu.dma_semaphore, #tpu.memory_space<semaphore_mem>>
      %dma_start3A = arith.constant 0 : i32
      %dma_start3A_61 = arith.constant 0 : i32
      %dma_start3A_62 = tpu.memref_slice %arg4[%arg1, %dma_start3A, %dma_start3A_61] : memref<16x40x125xi32, #tpu.memory_space<hbm>> -> memref<1x40x125xi32, #tpu.memory_space<hbm>>
      %dma_start3A_63 = tpu.memref_squeeze %dma_start3A_62 : memref<1x40x125xi32, #tpu.memory_space<hbm>> -> memref<40x125xi32, #tpu.memory_space<hbm>>
      %dma_start3A_64 = arith.constant 0 : i32
      %dma_start3A_65 = arith.constant 0 : i32
      %dma_start3A_66 = tpu.memref_slice %arg4[%arg1, %dma_start3A_64, %dma_start3A_65] : memref<16x40x125xi32, #tpu.memory_space<hbm>> -> memref<1x40x125xi32, #tpu.memory_space<hbm>>
      %dma_start3A_67 = tpu.memref_squeeze %dma_start3A_66 : memref<1x40x125xi32, #tpu.memory_space<hbm>> -> memref<40x125xi32, #tpu.memory_space<hbm>>
      tpu.enqueue_dma source(%dma_start3A_67 : memref<40x125xi32, #tpu.memory_space<hbm>>) target(%arg14 : memref<40x125xi32, #tpu.memory_space<vmem>>) target_semaphore(%run_scoped3A : memref<!tpu.dma_semaphore, #tpu.memory_space<semaphore_mem>>)
      %dma_wait3A = arith.constant 0 : i32
      %dma_wait3A_68 = arith.constant 0 : i32
      %dma_wait3A_69 = tpu.memref_slice %arg4[%arg1, %dma_wait3A, %dma_wait3A_68] : memref<16x40x125xi32, #tpu.memory_space<hbm>> -> memref<1x40x125xi32, #tpu.memory_space<hbm>>
      %dma_wait3A_70 = tpu.memref_squeeze %dma_wait3A_69 : memref<1x40x125xi32, #tpu.memory_space<hbm>> -> memref<40x125xi32, #tpu.memory_space<hbm>>
      %dma_wait3A_71 = arith.constant 0 : i32
      %dma_wait3A_72 = arith.constant 0 : i32
      %dma_wait3A_73 = tpu.memref_slice %arg4[%arg1, %dma_wait3A_71, %dma_wait3A_72] : memref<16x40x125xi32, #tpu.memory_space<hbm>> -> memref<1x40x125xi32, #tpu.memory_space<hbm>>
      %dma_wait3A_74 = tpu.memref_squeeze %dma_wait3A_73 : memref<1x40x125xi32, #tpu.memory_space<hbm>> -> memref<40x125xi32, #tpu.memory_space<hbm>>
      tpu.wait_dma2 semaphore(%run_scoped3A : memref<!tpu.dma_semaphore, #tpu.memory_space<semaphore_mem>>) src(%dma_wait3A_74 : memref<40x125xi32, #tpu.memory_space<hbm>>) dst(%arg14 : memref<40x125xi32, #tpu.memory_space<vmem>>)
      tpu.yield
    }) : () -> ()
    "tpu.region"() ({
      %run_scoped3A = tpu.sem_alloc : memref<!tpu.dma_semaphore, #tpu.memory_space<semaphore_mem>>
      %dma_start3A = arith.constant 0 : i32
      %dma_start3A_61 = arith.constant 0 : i32
      %dma_start3A_62 = tpu.memref_slice %arg5[%arg1, %dma_start3A, %dma_start3A_61] : memref<16x40x125xi32, #tpu.memory_space<hbm>> -> memref<1x40x125xi32, #tpu.memory_space<hbm>>
      %dma_start3A_63 = tpu.memref_squeeze %dma_start3A_62 : memref<1x40x125xi32, #tpu.memory_space<hbm>> -> memref<40x125xi32, #tpu.memory_space<hbm>>
      %dma_start3A_64 = arith.constant 0 : i32
      %dma_start3A_65 = arith.constant 0 : i32
      %dma_start3A_66 = tpu.memref_slice %arg5[%arg1, %dma_start3A_64, %dma_start3A_65] : memref<16x40x125xi32, #tpu.memory_space<hbm>> -> memref<1x40x125xi32, #tpu.memory_space<hbm>>
      %dma_start3A_67 = tpu.memref_squeeze %dma_start3A_66 : memref<1x40x125xi32, #tpu.memory_space<hbm>> -> memref<40x125xi32, #tpu.memory_space<hbm>>
      tpu.enqueue_dma source(%dma_start3A_67 : memref<40x125xi32, #tpu.memory_space<hbm>>) target(%arg9 : memref<40x125xi32, #tpu.memory_space<vmem>>) target_semaphore(%run_scoped3A : memref<!tpu.dma_semaphore, #tpu.memory_space<semaphore_mem>>)
      %dma_wait3A = arith.constant 0 : i32
      %dma_wait3A_68 = arith.constant 0 : i32
      %dma_wait3A_69 = tpu.memref_slice %arg5[%arg1, %dma_wait3A, %dma_wait3A_68] : memref<16x40x125xi32, #tpu.memory_space<hbm>> -> memref<1x40x125xi32, #tpu.memory_space<hbm>>
      %dma_wait3A_70 = tpu.memref_squeeze %dma_wait3A_69 : memref<1x40x125xi32, #tpu.memory_space<hbm>> -> memref<40x125xi32, #tpu.memory_space<hbm>>
      %dma_wait3A_71 = arith.constant 0 : i32
      %dma_wait3A_72 = arith.constant 0 : i32
      %dma_wait3A_73 = tpu.memref_slice %arg5[%arg1, %dma_wait3A_71, %dma_wait3A_72] : memref<16x40x125xi32, #tpu.memory_space<hbm>> -> memref<1x40x125xi32, #tpu.memory_space<hbm>>
      %dma_wait3A_74 = tpu.memref_squeeze %dma_wait3A_73 : memref<1x40x125xi32, #tpu.memory_space<hbm>> -> memref<40x125xi32, #tpu.memory_space<hbm>>
      tpu.wait_dma2 semaphore(%run_scoped3A : memref<!tpu.dma_semaphore, #tpu.memory_space<semaphore_mem>>) src(%dma_wait3A_74 : memref<40x125xi32, #tpu.memory_space<hbm>>) dst(%arg9 : memref<40x125xi32, #tpu.memory_space<vmem>>)
      tpu.yield
    }) : () -> ()
    %broadcast_in_dim3A = arith.constant 0.000000e+00 : bf16
    %broadcast_in_dim3A_0 = vector.broadcast %broadcast_in_dim3A : bf16 to vector<32xbf16>
    %scan3A = arith.constant 0 : i32
    %scan3A_1 = arith.constant 64 : i32
    %scan3A_2 = arith.addi %scan3A, %scan3A_1 : i32
    %scan3A_3 = arith.constant 1 : i32
    scf.for %scan3A_61 = %scan3A to %scan3A_2 step %scan3A_3  : i32 {
      %mul3A_62 = arith.constant 1 : i32
      %mul3A_63 = arith.muli %scan3A_61, %mul3A_62 : i32
      %add3A_64 = arith.constant 0 : i32
      %add3A_65 = arith.addi %add3A_64, %mul3A_63 : i32
      %swap3A = arith.index_cast %add3A_65 : i32 to index
      %swap3A_66 = arith.constant 0 : index
      %swap3A_67 = tpu.vector_load %arg10[%swap3A, %swap3A_66] {strides = array<i32>} : memref<125x256xbf16, #tpu.memory_space<vmem>>, vector<32xbf16>,
      tpu.vector_store %arg10[%swap3A, %swap3A_66], %broadcast_in_dim3A_0 {strides = array<i32>} : memref<125x256xbf16, #tpu.memory_space<vmem>>, vector<32xbf16>,
      %swap3A_68 = arith.index_cast %add3A_65 : i32 to index
      %swap3A_69 = arith.constant 32 : index
      %swap3A_70 = tpu.vector_load %arg10[%swap3A_68, %swap3A_69] {strides = array<i32>} : memref<125x256xbf16, #tpu.memory_space<vmem>>, vector<32xbf16>,
      tpu.vector_store %arg10[%swap3A_68, %swap3A_69], %broadcast_in_dim3A_0 {strides = array<i32>} : memref<125x256xbf16, #tpu.memory_space<vmem>>, vector<32xbf16>,
      %swap3A_71 = arith.index_cast %add3A_65 : i32 to index
      %swap3A_72 = arith.constant 64 : index
      %swap3A_73 = tpu.vector_load %arg10[%swap3A_71, %swap3A_72] {strides = array<i32>} : memref<125x256xbf16, #tpu.memory_space<vmem>>, vector<32xbf16>,
      tpu.vector_store %arg10[%swap3A_71, %swap3A_72], %broadcast_in_dim3A_0 {strides = array<i32>} : memref<125x256xbf16, #tpu.memory_space<vmem>>, vector<32xbf16>,
      %swap3A_74 = arith.index_cast %add3A_65 : i32 to index
      %swap3A_75 = arith.constant 96 : index
      %swap3A_76 = tpu.vector_load %arg10[%swap3A_74, %swap3A_75] {strides = array<i32>} : memref<125x256xbf16, #tpu.memory_space<vmem>>, vector<32xbf16>,
      tpu.vector_store %arg10[%swap3A_74, %swap3A_75], %broadcast_in_dim3A_0 {strides = array<i32>} : memref<125x256xbf16, #tpu.memory_space<vmem>>, vector<32xbf16>,
      %swap3A_77 = arith.index_cast %add3A_65 : i32 to index
      %swap3A_78 = arith.constant 128 : index
      %swap3A_79 = tpu.vector_load %arg10[%swap3A_77, %swap3A_78] {strides = array<i32>} : memref<125x256xbf16, #tpu.memory_space<vmem>>, vector<32xbf16>,
      tpu.vector_store %arg10[%swap3A_77, %swap3A_78], %broadcast_in_dim3A_0 {strides = array<i32>} : memref<125x256xbf16, #tpu.memory_space<vmem>>, vector<32xbf16>,
      %swap3A_80 = arith.index_cast %add3A_65 : i32 to index
      %swap3A_81 = arith.constant 160 : index
      %swap3A_82 = tpu.vector_load %arg10[%swap3A_80, %swap3A_81] {strides = array<i32>} : memref<125x256xbf16, #tpu.memory_space<vmem>>, vector<32xbf16>,
      tpu.vector_store %arg10[%swap3A_80, %swap3A_81], %broadcast_in_dim3A_0 {strides = array<i32>} : memref<125x256xbf16, #tpu.memory_space<vmem>>, vector<32xbf16>,
      %swap3A_83 = arith.index_cast %add3A_65 : i32 to index
      %swap3A_84 = arith.constant 192 : index
      %swap3A_85 = tpu.vector_load %arg10[%swap3A_83, %swap3A_84] {strides = array<i32>} : memref<125x256xbf16, #tpu.memory_space<vmem>>, vector<32xbf16>,
      tpu.vector_store %arg10[%swap3A_83, %swap3A_84], %broadcast_in_dim3A_0 {strides = array<i32>} : memref<125x256xbf16, #tpu.memory_space<vmem>>, vector<32xbf16>,
      %swap3A_86 = arith.index_cast %add3A_65 : i32 to index
      %swap3A_87 = arith.constant 224 : index
      %swap3A_88 = tpu.vector_load %arg10[%swap3A_86, %swap3A_87] {strides = array<i32>} : memref<125x256xbf16, #tpu.memory_space<vmem>>, vector<32xbf16>,
      tpu.vector_store %arg10[%swap3A_86, %swap3A_87], %broadcast_in_dim3A_0 {strides = array<i32>} : memref<125x256xbf16, #tpu.memory_space<vmem>>, vector<32xbf16>,
    }
    %scan3A_4 = arith.constant 64 : i32
    %mul3A = arith.constant 640 : i32
    %mul3A_5 = arith.muli %arg1, %mul3A : i32
    %add3A = arith.constant 0 : i32
    %add3A_6 = arith.addi %mul3A_5, %add3A : i32
    "tpu.region"() ({
      %run_scoped3A = tpu.sem_alloc : memref<!tpu.dma_semaphore, #tpu.memory_space<semaphore_mem>>
      %dma_start3A = arith.constant 0 : i32
      %dma_start3A_61 = arith.constant 0 : i32
      %dma_start3A_62 = tpu.memref_slice %arg10[%dma_start3A, %dma_start3A_61] : memref<125x256xbf16, #tpu.memory_space<vmem>> -> memref<64x256xbf16, #tpu.memory_space<vmem>>
      %dma_start3A_63 = arith.constant 0 : i32
      %dma_start3A_64 = tpu.memref_slice %arg8[%add3A_6, %dma_start3A_63] : memref<10240x256xbf16, #tpu.memory_space<vmem_shared>> -> memref<64x256xbf16, #tpu.memory_space<vmem_shared>>
      %dma_start3A_65 = arith.constant 0 : i32
      %dma_start3A_66 = tpu.memref_slice %arg8[%add3A_6, %dma_start3A_65] : memref<10240x256xbf16, #tpu.memory_space<vmem_shared>> -> memref<64x256xbf16, #tpu.memory_space<vmem_shared>>
      %dma_start3A_67 = arith.constant 0 : i32
      %dma_start3A_68 = arith.constant 0 : i32
      %dma_start3A_69 = tpu.memref_slice %arg10[%dma_start3A_67, %dma_start3A_68] : memref<125x256xbf16, #tpu.memory_space<vmem>> -> memref<64x256xbf16, #tpu.memory_space<vmem>>
      tpu.enqueue_dma source(%dma_start3A_69 : memref<64x256xbf16, #tpu.memory_space<vmem>>) target(%dma_start3A_66 : memref<64x256xbf16, #tpu.memory_space<vmem_shared>>) target_semaphore(%run_scoped3A : memref<!tpu.dma_semaphore, #tpu.memory_space<semaphore_mem>>)
      %dma_wait3A = arith.constant 0 : i32
      %dma_wait3A_70 = arith.constant 0 : i32
      %dma_wait3A_71 = tpu.memref_slice %arg10[%dma_wait3A, %dma_wait3A_70] : memref<125x256xbf16, #tpu.memory_space<vmem>> -> memref<64x256xbf16, #tpu.memory_space<vmem>>
      %dma_wait3A_72 = arith.constant 0 : i32
      %dma_wait3A_73 = tpu.memref_slice %arg8[%add3A_6, %dma_wait3A_72] : memref<10240x256xbf16, #tpu.memory_space<vmem_shared>> -> memref<64x256xbf16, #tpu.memory_space<vmem_shared>>
      %dma_wait3A_74 = arith.constant 0 : i32
      %dma_wait3A_75 = tpu.memref_slice %arg8[%add3A_6, %dma_wait3A_74] : memref<10240x256xbf16, #tpu.memory_space<vmem_shared>> -> memref<64x256xbf16, #tpu.memory_space<vmem_shared>>
      %dma_wait3A_76 = arith.constant 0 : i32
      %dma_wait3A_77 = arith.constant 0 : i32
      %dma_wait3A_78 = tpu.memref_slice %arg10[%dma_wait3A_76, %dma_wait3A_77] : memref<125x256xbf16, #tpu.memory_space<vmem>> -> memref<64x256xbf16, #tpu.memory_space<vmem>>
      tpu.wait_dma2 semaphore(%run_scoped3A : memref<!tpu.dma_semaphore, #tpu.memory_space<semaphore_mem>>) src(%dma_wait3A_78 : memref<64x256xbf16, #tpu.memory_space<vmem>>) dst(%dma_wait3A_75 : memref<64x256xbf16, #tpu.memory_space<vmem_shared>>)
      tpu.yield
    }) : () -> ()
    %mul3A_7 = arith.constant 640 : i32
    %mul3A_8 = arith.muli %arg1, %mul3A_7 : i32
    %add3A_9 = arith.constant 64 : i32
    %add3A_10 = arith.addi %mul3A_8, %add3A_9 : i32
    "tpu.region"() ({
      %run_scoped3A = tpu.sem_alloc : memref<!tpu.dma_semaphore, #tpu.memory_space<semaphore_mem>>
      %dma_start3A = arith.constant 0 : i32
      %dma_start3A_61 = arith.constant 0 : i32
      %dma_start3A_62 = tpu.memref_slice %arg10[%dma_start3A, %dma_start3A_61] : memref<125x256xbf16, #tpu.memory_space<vmem>> -> memref<64x256xbf16, #tpu.memory_space<vmem>>
      %dma_start3A_63 = arith.constant 0 : i32
      %dma_start3A_64 = tpu.memref_slice %arg8[%add3A_10, %dma_start3A_63] : memref<10240x256xbf16, #tpu.memory_space<vmem_shared>> -> memref<64x256xbf16, #tpu.memory_space<vmem_shared>>
      %dma_start3A_65 = arith.constant 0 : i32
      %dma_start3A_66 = tpu.memref_slice %arg8[%add3A_10, %dma_start3A_65] : memref<10240x256xbf16, #tpu.memory_space<vmem_shared>> -> memref<64x256xbf16, #tpu.memory_space<vmem_shared>>
      %dma_start3A_67 = arith.constant 0 : i32
      %dma_start3A_68 = arith.constant 0 : i32
      %dma_start3A_69 = tpu.memref_slice %arg10[%dma_start3A_67, %dma_start3A_68] : memref<125x256xbf16, #tpu.memory_space<vmem>> -> memref<64x256xbf16, #tpu.memory_space<vmem>>
      tpu.enqueue_dma source(%dma_start3A_69 : memref<64x256xbf16, #tpu.memory_space<vmem>>) target(%dma_start3A_66 : memref<64x256xbf16, #tpu.memory_space<vmem_shared>>) target_semaphore(%run_scoped3A : memref<!tpu.dma_semaphore, #tpu.memory_space<semaphore_mem>>)
      %dma_wait3A = arith.constant 0 : i32
      %dma_wait3A_70 = arith.constant 0 : i32
      %dma_wait3A_71 = tpu.memref_slice %arg10[%dma_wait3A, %dma_wait3A_70] : memref<125x256xbf16, #tpu.memory_space<vmem>> -> memref<64x256xbf16, #tpu.memory_space<vmem>>
      %dma_wait3A_72 = arith.constant 0 : i32
      %dma_wait3A_73 = tpu.memref_slice %arg8[%add3A_10, %dma_wait3A_72] : memref<10240x256xbf16, #tpu.memory_space<vmem_shared>> -> memref<64x256xbf16, #tpu.memory_space<vmem_shared>>
      %dma_wait3A_74 = arith.constant 0 : i32
      %dma_wait3A_75 = tpu.memref_slice %arg8[%add3A_10, %dma_wait3A_74] : memref<10240x256xbf16, #tpu.memory_space<vmem_shared>> -> memref<64x256xbf16, #tpu.memory_space<vmem_shared>>
      %dma_wait3A_76 = arith.constant 0 : i32
      %dma_wait3A_77 = arith.constant 0 : i32
      %dma_wait3A_78 = tpu.memref_slice %arg10[%dma_wait3A_76, %dma_wait3A_77] : memref<125x256xbf16, #tpu.memory_space<vmem>> -> memref<64x256xbf16, #tpu.memory_space<vmem>>
      tpu.wait_dma2 semaphore(%run_scoped3A : memref<!tpu.dma_semaphore, #tpu.memory_space<semaphore_mem>>) src(%dma_wait3A_78 : memref<64x256xbf16, #tpu.memory_space<vmem>>) dst(%dma_wait3A_75 : memref<64x256xbf16, #tpu.memory_space<vmem_shared>>)
      tpu.yield
    }) : () -> ()
    %mul3A_11 = arith.constant 640 : i32
    %mul3A_12 = arith.muli %arg1, %mul3A_11 : i32
    %add3A_13 = arith.constant 128 : i32
    %add3A_14 = arith.addi %mul3A_12, %add3A_13 : i32
    "tpu.region"() ({
      %run_scoped3A = tpu.sem_alloc : memref<!tpu.dma_semaphore, #tpu.memory_space<semaphore_mem>>
      %dma_start3A = arith.constant 0 : i32
      %dma_start3A_61 = arith.constant 0 : i32
      %dma_start3A_62 = tpu.memref_slice %arg10[%dma_start3A, %dma_start3A_61] : memref<125x256xbf16, #tpu.memory_space<vmem>> -> memref<64x256xbf16, #tpu.memory_space<vmem>>
      %dma_start3A_63 = arith.constant 0 : i32
      %dma_start3A_64 = tpu.memref_slice %arg8[%add3A_14, %dma_start3A_63] : memref<10240x256xbf16, #tpu.memory_space<vmem_shared>> -> memref<64x256xbf16, #tpu.memory_space<vmem_shared>>
      %dma_start3A_65 = arith.constant 0 : i32
      %dma_start3A_66 = tpu.memref_slice %arg8[%add3A_14, %dma_start3A_65] : memref<10240x256xbf16, #tpu.memory_space<vmem_shared>> -> memref<64x256xbf16, #tpu.memory_space<vmem_shared>>
      %dma_start3A_67 = arith.constant 0 : i32
      %dma_start3A_68 = arith.constant 0 : i32
      %dma_start3A_69 = tpu.memref_slice %arg10[%dma_start3A_67, %dma_start3A_68] : memref<125x256xbf16, #tpu.memory_space<vmem>> -> memref<64x256xbf16, #tpu.memory_space<vmem>>
      tpu.enqueue_dma source(%dma_start3A_69 : memref<64x256xbf16, #tpu.memory_space<vmem>>) target(%dma_start3A_66 : memref<64x256xbf16, #tpu.memory_space<vmem_shared>>) target_semaphore(%run_scoped3A : memref<!tpu.dma_semaphore, #tpu.memory_space<semaphore_mem>>)
      %dma_wait3A = arith.constant 0 : i32
      %dma_wait3A_70 = arith.constant 0 : i32
      %dma_wait3A_71 = tpu.memref_slice %arg10[%dma_wait3A, %dma_wait3A_70] : memref<125x256xbf16, #tpu.memory_space<vmem>> -> memref<64x256xbf16, #tpu.memory_space<vmem>>
      %dma_wait3A_72 = arith.constant 0 : i32
      %dma_wait3A_73 = tpu.memref_slice %arg8[%add3A_14, %dma_wait3A_72] : memref<10240x256xbf16, #tpu.memory_space<vmem_shared>> -> memref<64x256xbf16, #tpu.memory_space<vmem_shared>>
      %dma_wait3A_74 = arith.constant 0 : i32
      %dma_wait3A_75 = tpu.memref_slice %arg8[%add3A_14, %dma_wait3A_74] : memref<10240x256xbf16, #tpu.memory_space<vmem_shared>> -> memref<64x256xbf16, #tpu.memory_space<vmem_shared>>
      %dma_wait3A_76 = arith.constant 0 : i32
      %dma_wait3A_77 = arith.constant 0 : i32
      %dma_wait3A_78 = tpu.memref_slice %arg10[%dma_wait3A_76, %dma_wait3A_77] : memref<125x256xbf16, #tpu.memory_space<vmem>> -> memref<64x256xbf16, #tpu.memory_space<vmem>>
      tpu.wait_dma2 semaphore(%run_scoped3A : memref<!tpu.dma_semaphore, #tpu.memory_space<semaphore_mem>>) src(%dma_wait3A_78 : memref<64x256xbf16, #tpu.memory_space<vmem>>) dst(%dma_wait3A_75 : memref<64x256xbf16, #tpu.memory_space<vmem_shared>>)
      tpu.yield
    }) : () -> ()
    %mul3A_15 = arith.constant 640 : i32
    %mul3A_16 = arith.muli %arg1, %mul3A_15 : i32
    %add3A_17 = arith.constant 192 : i32
    %add3A_18 = arith.addi %mul3A_16, %add3A_17 : i32
    "tpu.region"() ({
      %run_scoped3A = tpu.sem_alloc : memref<!tpu.dma_semaphore, #tpu.memory_space<semaphore_mem>>
      %dma_start3A = arith.constant 0 : i32
      %dma_start3A_61 = arith.constant 0 : i32
      %dma_start3A_62 = tpu.memref_slice %arg10[%dma_start3A, %dma_start3A_61] : memref<125x256xbf16, #tpu.memory_space<vmem>> -> memref<64x256xbf16, #tpu.memory_space<vmem>>
      %dma_start3A_63 = arith.constant 0 : i32
      %dma_start3A_64 = tpu.memref_slice %arg8[%add3A_18, %dma_start3A_63] : memref<10240x256xbf16, #tpu.memory_space<vmem_shared>> -> memref<64x256xbf16, #tpu.memory_space<vmem_shared>>
      %dma_start3A_65 = arith.constant 0 : i32
      %dma_start3A_66 = tpu.memref_slice %arg8[%add3A_18, %dma_start3A_65] : memref<10240x256xbf16, #tpu.memory_space<vmem_shared>> -> memref<64x256xbf16, #tpu.memory_space<vmem_shared>>
      %dma_start3A_67 = arith.constant 0 : i32
      %dma_start3A_68 = arith.constant 0 : i32
      %dma_start3A_69 = tpu.memref_slice %arg10[%dma_start3A_67, %dma_start3A_68] : memref<125x256xbf16, #tpu.memory_space<vmem>> -> memref<64x256xbf16, #tpu.memory_space<vmem>>
      tpu.enqueue_dma source(%dma_start3A_69 : memref<64x256xbf16, #tpu.memory_space<vmem>>) target(%dma_start3A_66 : memref<64x256xbf16, #tpu.memory_space<vmem_shared>>) target_semaphore(%run_scoped3A : memref<!tpu.dma_semaphore, #tpu.memory_space<semaphore_mem>>)
      %dma_wait3A = arith.constant 0 : i32
      %dma_wait3A_70 = arith.constant 0 : i32
      %dma_wait3A_71 = tpu.memref_slice %arg10[%dma_wait3A, %dma_wait3A_70] : memref<125x256xbf16, #tpu.memory_space<vmem>> -> memref<64x256xbf16, #tpu.memory_space<vmem>>
      %dma_wait3A_72 = arith.constant 0 : i32
      %dma_wait3A_73 = tpu.memref_slice %arg8[%add3A_18, %dma_wait3A_72] : memref<10240x256xbf16, #tpu.memory_space<vmem_shared>> -> memref<64x256xbf16, #tpu.memory_space<vmem_shared>>
      %dma_wait3A_74 = arith.constant 0 : i32
      %dma_wait3A_75 = tpu.memref_slice %arg8[%add3A_18, %dma_wait3A_74] : memref<10240x256xbf16, #tpu.memory_space<vmem_shared>> -> memref<64x256xbf16, #tpu.memory_space<vmem_shared>>
      %dma_wait3A_76 = arith.constant 0 : i32
      %dma_wait3A_77 = arith.constant 0 : i32
      %dma_wait3A_78 = tpu.memref_slice %arg10[%dma_wait3A_76, %dma_wait3A_77] : memref<125x256xbf16, #tpu.memory_space<vmem>> -> memref<64x256xbf16, #tpu.memory_space<vmem>>
      tpu.wait_dma2 semaphore(%run_scoped3A : memref<!tpu.dma_semaphore, #tpu.memory_space<semaphore_mem>>) src(%dma_wait3A_78 : memref<64x256xbf16, #tpu.memory_space<vmem>>) dst(%dma_wait3A_75 : memref<64x256xbf16, #tpu.memory_space<vmem_shared>>)
      tpu.yield
    }) : () -> ()
    %mul3A_19 = arith.constant 640 : i32
    %mul3A_20 = arith.muli %arg1, %mul3A_19 : i32
    %add3A_21 = arith.constant 256 : i32
    %add3A_22 = arith.addi %mul3A_20, %add3A_21 : i32
    "tpu.region"() ({
      %run_scoped3A = tpu.sem_alloc : memref<!tpu.dma_semaphore, #tpu.memory_space<semaphore_mem>>
      %dma_start3A = arith.constant 0 : i32
      %dma_start3A_61 = arith.constant 0 : i32
      %dma_start3A_62 = tpu.memref_slice %arg10[%dma_start3A, %dma_start3A_61] : memref<125x256xbf16, #tpu.memory_space<vmem>> -> memref<64x256xbf16, #tpu.memory_space<vmem>>
      %dma_start3A_63 = arith.constant 0 : i32
      %dma_start3A_64 = tpu.memref_slice %arg8[%add3A_22, %dma_start3A_63] : memref<10240x256xbf16, #tpu.memory_space<vmem_shared>> -> memref<64x256xbf16, #tpu.memory_space<vmem_shared>>
      %dma_start3A_65 = arith.constant 0 : i32
      %dma_start3A_66 = tpu.memref_slice %arg8[%add3A_22, %dma_start3A_65] : memref<10240x256xbf16, #tpu.memory_space<vmem_shared>> -> memref<64x256xbf16, #tpu.memory_space<vmem_shared>>
      %dma_start3A_67 = arith.constant 0 : i32
      %dma_start3A_68 = arith.constant 0 : i32
      %dma_start3A_69 = tpu.memref_slice %arg10[%dma_start3A_67, %dma_start3A_68] : memref<125x256xbf16, #tpu.memory_space<vmem>> -> memref<64x256xbf16, #tpu.memory_space<vmem>>
      tpu.enqueue_dma source(%dma_start3A_69 : memref<64x256xbf16, #tpu.memory_space<vmem>>) target(%dma_start3A_66 : memref<64x256xbf16, #tpu.memory_space<vmem_shared>>) target_semaphore(%run_scoped3A : memref<!tpu.dma_semaphore, #tpu.memory_space<semaphore_mem>>)
      %dma_wait3A = arith.constant 0 : i32
      %dma_wait3A_70 = arith.constant 0 : i32
      %dma_wait3A_71 = tpu.memref_slice %arg10[%dma_wait3A, %dma_wait3A_70] : memref<125x256xbf16, #tpu.memory_space<vmem>> -> memref<64x256xbf16, #tpu.memory_space<vmem>>
      %dma_wait3A_72 = arith.constant 0 : i32
      %dma_wait3A_73 = tpu.memref_slice %arg8[%add3A_22, %dma_wait3A_72] : memref<10240x256xbf16, #tpu.memory_space<vmem_shared>> -> memref<64x256xbf16, #tpu.memory_space<vmem_shared>>
      %dma_wait3A_74 = arith.constant 0 : i32
      %dma_wait3A_75 = tpu.memref_slice %arg8[%add3A_22, %dma_wait3A_74] : memref<10240x256xbf16, #tpu.memory_space<vmem_shared>> -> memref<64x256xbf16, #tpu.memory_space<vmem_shared>>
      %dma_wait3A_76 = arith.constant 0 : i32
      %dma_wait3A_77 = arith.constant 0 : i32
      %dma_wait3A_78 = tpu.memref_slice %arg10[%dma_wait3A_76, %dma_wait3A_77] : memref<125x256xbf16, #tpu.memory_space<vmem>> -> memref<64x256xbf16, #tpu.memory_space<vmem>>
      tpu.wait_dma2 semaphore(%run_scoped3A : memref<!tpu.dma_semaphore, #tpu.memory_space<semaphore_mem>>) src(%dma_wait3A_78 : memref<64x256xbf16, #tpu.memory_space<vmem>>) dst(%dma_wait3A_75 : memref<64x256xbf16, #tpu.memory_space<vmem_shared>>)
      tpu.yield
    }) : () -> ()
    %mul3A_23 = arith.constant 640 : i32
    %mul3A_24 = arith.muli %arg1, %mul3A_23 : i32
    %add3A_25 = arith.constant 320 : i32
    %add3A_26 = arith.addi %mul3A_24, %add3A_25 : i32
    "tpu.region"() ({
      %run_scoped3A = tpu.sem_alloc : memref<!tpu.dma_semaphore, #tpu.memory_space<semaphore_mem>>
      %dma_start3A = arith.constant 0 : i32
      %dma_start3A_61 = arith.constant 0 : i32
      %dma_start3A_62 = tpu.memref_slice %arg10[%dma_start3A, %dma_start3A_61] : memref<125x256xbf16, #tpu.memory_space<vmem>> -> memref<64x256xbf16, #tpu.memory_space<vmem>>
      %dma_start3A_63 = arith.constant 0 : i32
      %dma_start3A_64 = tpu.memref_slice %arg8[%add3A_26, %dma_start3A_63] : memref<10240x256xbf16, #tpu.memory_space<vmem_shared>> -> memref<64x256xbf16, #tpu.memory_space<vmem_shared>>
      %dma_start3A_65 = arith.constant 0 : i32
      %dma_start3A_66 = tpu.memref_slice %arg8[%add3A_26, %dma_start3A_65] : memref<10240x256xbf16, #tpu.memory_space<vmem_shared>> -> memref<64x256xbf16, #tpu.memory_space<vmem_shared>>
      %dma_start3A_67 = arith.constant 0 : i32
      %dma_start3A_68 = arith.constant 0 : i32
      %dma_start3A_69 = tpu.memref_slice %arg10[%dma_start3A_67, %dma_start3A_68] : memref<125x256xbf16, #tpu.memory_space<vmem>> -> memref<64x256xbf16, #tpu.memory_space<vmem>>
      tpu.enqueue_dma source(%dma_start3A_69 : memref<64x256xbf16, #tpu.memory_space<vmem>>) target(%dma_start3A_66 : memref<64x256xbf16, #tpu.memory_space<vmem_shared>>) target_semaphore(%run_scoped3A : memref<!tpu.dma_semaphore, #tpu.memory_space<semaphore_mem>>)
      %dma_wait3A = arith.constant 0 : i32
      %dma_wait3A_70 = arith.constant 0 : i32
      %dma_wait3A_71 = tpu.memref_slice %arg10[%dma_wait3A, %dma_wait3A_70] : memref<125x256xbf16, #tpu.memory_space<vmem>> -> memref<64x256xbf16, #tpu.memory_space<vmem>>
      %dma_wait3A_72 = arith.constant 0 : i32
      %dma_wait3A_73 = tpu.memref_slice %arg8[%add3A_26, %dma_wait3A_72] : memref<10240x256xbf16, #tpu.memory_space<vmem_shared>> -> memref<64x256xbf16, #tpu.memory_space<vmem_shared>>
      %dma_wait3A_74 = arith.constant 0 : i32
      %dma_wait3A_75 = tpu.memref_slice %arg8[%add3A_26, %dma_wait3A_74] : memref<10240x256xbf16, #tpu.memory_space<vmem_shared>> -> memref<64x256xbf16, #tpu.memory_space<vmem_shared>>
      %dma_wait3A_76 = arith.constant 0 : i32
      %dma_wait3A_77 = arith.constant 0 : i32
      %dma_wait3A_78 = tpu.memref_slice %arg10[%dma_wait3A_76, %dma_wait3A_77] : memref<125x256xbf16, #tpu.memory_space<vmem>> -> memref<64x256xbf16, #tpu.memory_space<vmem>>
      tpu.wait_dma2 semaphore(%run_scoped3A : memref<!tpu.dma_semaphore, #tpu.memory_space<semaphore_mem>>) src(%dma_wait3A_78 : memref<64x256xbf16, #tpu.memory_space<vmem>>) dst(%dma_wait3A_75 : memref<64x256xbf16, #tpu.memory_space<vmem_shared>>)
      tpu.yield
    }) : () -> ()
    %mul3A_27 = arith.constant 640 : i32
    %mul3A_28 = arith.muli %arg1, %mul3A_27 : i32
    %add3A_29 = arith.constant 384 : i32
    %add3A_30 = arith.addi %mul3A_28, %add3A_29 : i32
    "tpu.region"() ({
      %run_scoped3A = tpu.sem_alloc : memref<!tpu.dma_semaphore, #tpu.memory_space<semaphore_mem>>
      %dma_start3A = arith.constant 0 : i32
      %dma_start3A_61 = arith.constant 0 : i32
      %dma_start3A_62 = tpu.memref_slice %arg10[%dma_start3A, %dma_start3A_61] : memref<125x256xbf16, #tpu.memory_space<vmem>> -> memref<64x256xbf16, #tpu.memory_space<vmem>>
      %dma_start3A_63 = arith.constant 0 : i32
      %dma_start3A_64 = tpu.memref_slice %arg8[%add3A_30, %dma_start3A_63] : memref<10240x256xbf16, #tpu.memory_space<vmem_shared>> -> memref<64x256xbf16, #tpu.memory_space<vmem_shared>>
      %dma_start3A_65 = arith.constant 0 : i32
      %dma_start3A_66 = tpu.memref_slice %arg8[%add3A_30, %dma_start3A_65] : memref<10240x256xbf16, #tpu.memory_space<vmem_shared>> -> memref<64x256xbf16, #tpu.memory_space<vmem_shared>>
      %dma_start3A_67 = arith.constant 0 : i32
      %dma_start3A_68 = arith.constant 0 : i32
      %dma_start3A_69 = tpu.memref_slice %arg10[%dma_start3A_67, %dma_start3A_68] : memref<125x256xbf16, #tpu.memory_space<vmem>> -> memref<64x256xbf16, #tpu.memory_space<vmem>>
      tpu.enqueue_dma source(%dma_start3A_69 : memref<64x256xbf16, #tpu.memory_space<vmem>>) target(%dma_start3A_66 : memref<64x256xbf16, #tpu.memory_space<vmem_shared>>) target_semaphore(%run_scoped3A : memref<!tpu.dma_semaphore, #tpu.memory_space<semaphore_mem>>)
      %dma_wait3A = arith.constant 0 : i32
      %dma_wait3A_70 = arith.constant 0 : i32
      %dma_wait3A_71 = tpu.memref_slice %arg10[%dma_wait3A, %dma_wait3A_70] : memref<125x256xbf16, #tpu.memory_space<vmem>> -> memref<64x256xbf16, #tpu.memory_space<vmem>>
      %dma_wait3A_72 = arith.constant 0 : i32
      %dma_wait3A_73 = tpu.memref_slice %arg8[%add3A_30, %dma_wait3A_72] : memref<10240x256xbf16, #tpu.memory_space<vmem_shared>> -> memref<64x256xbf16, #tpu.memory_space<vmem_shared>>
      %dma_wait3A_74 = arith.constant 0 : i32
      %dma_wait3A_75 = tpu.memref_slice %arg8[%add3A_30, %dma_wait3A_74] : memref<10240x256xbf16, #tpu.memory_space<vmem_shared>> -> memref<64x256xbf16, #tpu.memory_space<vmem_shared>>
      %dma_wait3A_76 = arith.constant 0 : i32
      %dma_wait3A_77 = arith.constant 0 : i32
      %dma_wait3A_78 = tpu.memref_slice %arg10[%dma_wait3A_76, %dma_wait3A_77] : memref<125x256xbf16, #tpu.memory_space<vmem>> -> memref<64x256xbf16, #tpu.memory_space<vmem>>
      tpu.wait_dma2 semaphore(%run_scoped3A : memref<!tpu.dma_semaphore, #tpu.memory_space<semaphore_mem>>) src(%dma_wait3A_78 : memref<64x256xbf16, #tpu.memory_space<vmem>>) dst(%dma_wait3A_75 : memref<64x256xbf16, #tpu.memory_space<vmem_shared>>)
      tpu.yield
    }) : () -> ()
    %mul3A_31 = arith.constant 640 : i32
    %mul3A_32 = arith.muli %arg1, %mul3A_31 : i32
    %add3A_33 = arith.constant 448 : i32
    %add3A_34 = arith.addi %mul3A_32, %add3A_33 : i32
    "tpu.region"() ({
      %run_scoped3A = tpu.sem_alloc : memref<!tpu.dma_semaphore, #tpu.memory_space<semaphore_mem>>
      %dma_start3A = arith.constant 0 : i32
      %dma_start3A_61 = arith.constant 0 : i32
      %dma_start3A_62 = tpu.memref_slice %arg10[%dma_start3A, %dma_start3A_61] : memref<125x256xbf16, #tpu.memory_space<vmem>> -> memref<64x256xbf16, #tpu.memory_space<vmem>>
      %dma_start3A_63 = arith.constant 0 : i32
      %dma_start3A_64 = tpu.memref_slice %arg8[%add3A_34, %dma_start3A_63] : memref<10240x256xbf16, #tpu.memory_space<vmem_shared>> -> memref<64x256xbf16, #tpu.memory_space<vmem_shared>>
      %dma_start3A_65 = arith.constant 0 : i32
      %dma_start3A_66 = tpu.memref_slice %arg8[%add3A_34, %dma_start3A_65] : memref<10240x256xbf16, #tpu.memory_space<vmem_shared>> -> memref<64x256xbf16, #tpu.memory_space<vmem_shared>>
      %dma_start3A_67 = arith.constant 0 : i32
      %dma_start3A_68 = arith.constant 0 : i32
      %dma_start3A_69 = tpu.memref_slice %arg10[%dma_start3A_67, %dma_start3A_68] : memref<125x256xbf16, #tpu.memory_space<vmem>> -> memref<64x256xbf16, #tpu.memory_space<vmem>>
      tpu.enqueue_dma source(%dma_start3A_69 : memref<64x256xbf16, #tpu.memory_space<vmem>>) target(%dma_start3A_66 : memref<64x256xbf16, #tpu.memory_space<vmem_shared>>) target_semaphore(%run_scoped3A : memref<!tpu.dma_semaphore, #tpu.memory_space<semaphore_mem>>)
      %dma_wait3A = arith.constant 0 : i32
      %dma_wait3A_70 = arith.constant 0 : i32
      %dma_wait3A_71 = tpu.memref_slice %arg10[%dma_wait3A, %dma_wait3A_70] : memref<125x256xbf16, #tpu.memory_space<vmem>> -> memref<64x256xbf16, #tpu.memory_space<vmem>>
      %dma_wait3A_72 = arith.constant 0 : i32
      %dma_wait3A_73 = tpu.memref_slice %arg8[%add3A_34, %dma_wait3A_72] : memref<10240x256xbf16, #tpu.memory_space<vmem_shared>> -> memref<64x256xbf16, #tpu.memory_space<vmem_shared>>
      %dma_wait3A_74 = arith.constant 0 : i32
      %dma_wait3A_75 = tpu.memref_slice %arg8[%add3A_34, %dma_wait3A_74] : memref<10240x256xbf16, #tpu.memory_space<vmem_shared>> -> memref<64x256xbf16, #tpu.memory_space<vmem_shared>>
      %dma_wait3A_76 = arith.constant 0 : i32
      %dma_wait3A_77 = arith.constant 0 : i32
      %dma_wait3A_78 = tpu.memref_slice %arg10[%dma_wait3A_76, %dma_wait3A_77] : memref<125x256xbf16, #tpu.memory_space<vmem>> -> memref<64x256xbf16, #tpu.memory_space<vmem>>
      tpu.wait_dma2 semaphore(%run_scoped3A : memref<!tpu.dma_semaphore, #tpu.memory_space<semaphore_mem>>) src(%dma_wait3A_78 : memref<64x256xbf16, #tpu.memory_space<vmem>>) dst(%dma_wait3A_75 : memref<64x256xbf16, #tpu.memory_space<vmem_shared>>)
      tpu.yield
    }) : () -> ()
    %mul3A_35 = arith.constant 640 : i32
    %mul3A_36 = arith.muli %arg1, %mul3A_35 : i32
    %add3A_37 = arith.constant 512 : i32
    %add3A_38 = arith.addi %mul3A_36, %add3A_37 : i32
    "tpu.region"() ({
      %run_scoped3A = tpu.sem_alloc : memref<!tpu.dma_semaphore, #tpu.memory_space<semaphore_mem>>
      %dma_start3A = arith.constant 0 : i32
      %dma_start3A_61 = arith.constant 0 : i32
      %dma_start3A_62 = tpu.memref_slice %arg10[%dma_start3A, %dma_start3A_61] : memref<125x256xbf16, #tpu.memory_space<vmem>> -> memref<64x256xbf16, #tpu.memory_space<vmem>>
      %dma_start3A_63 = arith.constant 0 : i32
      %dma_start3A_64 = tpu.memref_slice %arg8[%add3A_38, %dma_start3A_63] : memref<10240x256xbf16, #tpu.memory_space<vmem_shared>> -> memref<64x256xbf16, #tpu.memory_space<vmem_shared>>
      %dma_start3A_65 = arith.constant 0 : i32
      %dma_start3A_66 = tpu.memref_slice %arg8[%add3A_38, %dma_start3A_65] : memref<10240x256xbf16, #tpu.memory_space<vmem_shared>> -> memref<64x256xbf16, #tpu.memory_space<vmem_shared>>
      %dma_start3A_67 = arith.constant 0 : i32
      %dma_start3A_68 = arith.constant 0 : i32
      %dma_start3A_69 = tpu.memref_slice %arg10[%dma_start3A_67, %dma_start3A_68] : memref<125x256xbf16, #tpu.memory_space<vmem>> -> memref<64x256xbf16, #tpu.memory_space<vmem>>
      tpu.enqueue_dma source(%dma_start3A_69 : memref<64x256xbf16, #tpu.memory_space<vmem>>) target(%dma_start3A_66 : memref<64x256xbf16, #tpu.memory_space<vmem_shared>>) target_semaphore(%run_scoped3A : memref<!tpu.dma_semaphore, #tpu.memory_space<semaphore_mem>>)
      %dma_wait3A = arith.constant 0 : i32
      %dma_wait3A_70 = arith.constant 0 : i32
      %dma_wait3A_71 = tpu.memref_slice %arg10[%dma_wait3A, %dma_wait3A_70] : memref<125x256xbf16, #tpu.memory_space<vmem>> -> memref<64x256xbf16, #tpu.memory_space<vmem>>
      %dma_wait3A_72 = arith.constant 0 : i32
      %dma_wait3A_73 = tpu.memref_slice %arg8[%add3A_38, %dma_wait3A_72] : memref<10240x256xbf16, #tpu.memory_space<vmem_shared>> -> memref<64x256xbf16, #tpu.memory_space<vmem_shared>>
      %dma_wait3A_74 = arith.constant 0 : i32
      %dma_wait3A_75 = tpu.memref_slice %arg8[%add3A_38, %dma_wait3A_74] : memref<10240x256xbf16, #tpu.memory_space<vmem_shared>> -> memref<64x256xbf16, #tpu.memory_space<vmem_shared>>
      %dma_wait3A_76 = arith.constant 0 : i32
      %dma_wait3A_77 = arith.constant 0 : i32
      %dma_wait3A_78 = tpu.memref_slice %arg10[%dma_wait3A_76, %dma_wait3A_77] : memref<125x256xbf16, #tpu.memory_space<vmem>> -> memref<64x256xbf16, #tpu.memory_space<vmem>>
      tpu.wait_dma2 semaphore(%run_scoped3A : memref<!tpu.dma_semaphore, #tpu.memory_space<semaphore_mem>>) src(%dma_wait3A_78 : memref<64x256xbf16, #tpu.memory_space<vmem>>) dst(%dma_wait3A_75 : memref<64x256xbf16, #tpu.memory_space<vmem_shared>>)
      tpu.yield
    }) : () -> ()
    %mul3A_39 = arith.constant 640 : i32
    %mul3A_40 = arith.muli %arg1, %mul3A_39 : i32
    %add3A_41 = arith.constant 576 : i32
    %add3A_42 = arith.addi %mul3A_40, %add3A_41 : i32
    "tpu.region"() ({
      %run_scoped3A = tpu.sem_alloc : memref<!tpu.dma_semaphore, #tpu.memory_space<semaphore_mem>>
      %dma_start3A = arith.constant 0 : i32
      %dma_start3A_61 = arith.constant 0 : i32
      %dma_start3A_62 = tpu.memref_slice %arg10[%dma_start3A, %dma_start3A_61] : memref<125x256xbf16, #tpu.memory_space<vmem>> -> memref<64x256xbf16, #tpu.memory_space<vmem>>
      %dma_start3A_63 = arith.constant 0 : i32
      %dma_start3A_64 = tpu.memref_slice %arg8[%add3A_42, %dma_start3A_63] : memref<10240x256xbf16, #tpu.memory_space<vmem_shared>> -> memref<64x256xbf16, #tpu.memory_space<vmem_shared>>
      %dma_start3A_65 = arith.constant 0 : i32
      %dma_start3A_66 = tpu.memref_slice %arg8[%add3A_42, %dma_start3A_65] : memref<10240x256xbf16, #tpu.memory_space<vmem_shared>> -> memref<64x256xbf16, #tpu.memory_space<vmem_shared>>
      %dma_start3A_67 = arith.constant 0 : i32
      %dma_start3A_68 = arith.constant 0 : i32
      %dma_start3A_69 = tpu.memref_slice %arg10[%dma_start3A_67, %dma_start3A_68] : memref<125x256xbf16, #tpu.memory_space<vmem>> -> memref<64x256xbf16, #tpu.memory_space<vmem>>
      tpu.enqueue_dma source(%dma_start3A_69 : memref<64x256xbf16, #tpu.memory_space<vmem>>) target(%dma_start3A_66 : memref<64x256xbf16, #tpu.memory_space<vmem_shared>>) target_semaphore(%run_scoped3A : memref<!tpu.dma_semaphore, #tpu.memory_space<semaphore_mem>>)
      %dma_wait3A = arith.constant 0 : i32
      %dma_wait3A_70 = arith.constant 0 : i32
      %dma_wait3A_71 = tpu.memref_slice %arg10[%dma_wait3A, %dma_wait3A_70] : memref<125x256xbf16, #tpu.memory_space<vmem>> -> memref<64x256xbf16, #tpu.memory_space<vmem>>
      %dma_wait3A_72 = arith.constant 0 : i32
      %dma_wait3A_73 = tpu.memref_slice %arg8[%add3A_42, %dma_wait3A_72] : memref<10240x256xbf16, #tpu.memory_space<vmem_shared>> -> memref<64x256xbf16, #tpu.memory_space<vmem_shared>>
      %dma_wait3A_74 = arith.constant 0 : i32
      %dma_wait3A_75 = tpu.memref_slice %arg8[%add3A_42, %dma_wait3A_74] : memref<10240x256xbf16, #tpu.memory_space<vmem_shared>> -> memref<64x256xbf16, #tpu.memory_space<vmem_shared>>
      %dma_wait3A_76 = arith.constant 0 : i32
      %dma_wait3A_77 = arith.constant 0 : i32
      %dma_wait3A_78 = tpu.memref_slice %arg10[%dma_wait3A_76, %dma_wait3A_77] : memref<125x256xbf16, #tpu.memory_space<vmem>> -> memref<64x256xbf16, #tpu.memory_space<vmem>>
      tpu.wait_dma2 semaphore(%run_scoped3A : memref<!tpu.dma_semaphore, #tpu.memory_space<semaphore_mem>>) src(%dma_wait3A_78 : memref<64x256xbf16, #tpu.memory_space<vmem>>) dst(%dma_wait3A_75 : memref<64x256xbf16, #tpu.memory_space<vmem_shared>>)
      tpu.yield
    }) : () -> ()
    %barrier3A = arith.constant 0 : index
    tpu.barrier barrier_id(%barrier3A)
    %eq3A = arith.constant 0 : i32
    %eq3A_43 = arith.cmpi eq, %arg0, %eq3A : i32
    %convert_element_type3A = arith.extui %eq3A_43 : i1 to i32
    %cond3A = arith.constant 0 : i32
    %cond3A_44 = arith.cmpi ne, %convert_element_type3A, %cond3A : i32
    scf.if %cond3A_44 {
      %dma_start3A = arith.constant 0 : i32
      %dma_start3A_61 = arith.constant 0 : i32
      %dma_start3A_62 = tpu.memref_slice %arg14[%dma_start3A, %dma_start3A_61] : memref<40x125xi32, #tpu.memory_space<vmem>> -> memref<1x125xi32, #tpu.memory_space<vmem>>
      %dma_start3A_63 = tpu.memref_squeeze %dma_start3A_62 : memref<1x125xi32, #tpu.memory_space<vmem>> -> memref<125xi32, #tpu.memory_space<vmem>>
      %dma_start3A_64 = arith.constant 0 : i32
      %dma_start3A_65 = arith.constant 0 : i32
      %dma_start3A_66 = tpu.memref_slice %arg2[%dma_start3A_64, %dma_start3A_65] : memref<10240x256xbf16, #tpu.memory_space<hbm>> -> memref<10240x256xbf16, #tpu.memory_space<hbm>>
      tpu.enqueue_indirect_dma source(%dma_start3A_66 : memref<10240x256xbf16, #tpu.memory_space<hbm>>) target(%arg10 : memref<125x256xbf16, #tpu.memory_space<vmem>>) offsets(%dma_start3A_63 : memref<125xi32, #tpu.memory_space<vmem>>) semaphore(%arg12 : memref<!tpu.dma_semaphore, #tpu.memory_space<semaphore_mem>>)
      %scan3A_67 = arith.constant 0 : i32
      %scan3A_68 = arith.constant 20 : i32
      %scan3A_69 = arith.addi %scan3A_67, %scan3A_68 : i32
      %scan3A_70 = arith.constant 1 : i32
      scf.for %scan3A_72 = %scan3A_67 to %scan3A_69 step %scan3A_70  : i32 {
        %mul3A_73 = arith.constant 2 : i32
        %mul3A_74 = arith.muli %scan3A_72, %mul3A_73 : i32
        %add3A_75 = arith.constant 0 : i32
        %add3A_76 = arith.addi %add3A_75, %mul3A_74 : i32
        %add3A_77 = arith.constant 1 : i32
        %add3A_78 = arith.addi %add3A_76, %add3A_77 : i32
        %dma_start3A_79 = arith.constant 0 : i32
        %dma_start3A_80 = tpu.memref_slice %arg14[%add3A_78, %dma_start3A_79] : memref<40x125xi32, #tpu.memory_space<vmem>> -> memref<1x125xi32, #tpu.memory_space<vmem>>
        %dma_start3A_81 = tpu.memref_squeeze %dma_start3A_80 : memref<1x125xi32, #tpu.memory_space<vmem>> -> memref<125xi32, #tpu.memory_space<vmem>>
        %dma_start3A_82 = arith.constant 0 : i32
        %dma_start3A_83 = arith.constant 0 : i32
        %dma_start3A_84 = tpu.memref_slice %arg2[%dma_start3A_82, %dma_start3A_83] : memref<10240x256xbf16, #tpu.memory_space<hbm>> -> memref<10240x256xbf16, #tpu.memory_space<hbm>>
        tpu.enqueue_indirect_dma source(%dma_start3A_84 : memref<10240x256xbf16, #tpu.memory_space<hbm>>) target(%arg11 : memref<125x256xbf16, #tpu.memory_space<vmem>>) offsets(%dma_start3A_81 : memref<125xi32, #tpu.memory_space<vmem>>) semaphore(%arg13 : memref<!tpu.dma_semaphore, #tpu.memory_space<semaphore_mem>>)
        %dma_wait3A = arith.constant 0 : i32
        %dma_wait3A_85 = tpu.memref_slice %arg14[%add3A_76, %dma_wait3A] : memref<40x125xi32, #tpu.memory_space<vmem>> -> memref<1x125xi32, #tpu.memory_space<vmem>>
        %dma_wait3A_86 = tpu.memref_squeeze %dma_wait3A_85 : memref<1x125xi32, #tpu.memory_space<vmem>> -> memref<125xi32, #tpu.memory_space<vmem>>
        %dma_wait3A_87 = arith.constant 0 : i32
        %dma_wait3A_88 = arith.constant 0 : i32
        %dma_wait3A_89 = tpu.memref_slice %arg2[%dma_wait3A_87, %dma_wait3A_88] : memref<10240x256xbf16, #tpu.memory_space<hbm>> -> memref<10240x256xbf16, #tpu.memory_space<hbm>>
        tpu.wait_indirect_dma semaphore(%arg12 : memref<!tpu.dma_semaphore, #tpu.memory_space<semaphore_mem>>) src(%dma_wait3A_89 : memref<10240x256xbf16, #tpu.memory_space<hbm>>) dst(%arg10 : memref<125x256xbf16, #tpu.memory_space<vmem>>)
        "tpu.region"() ({
          %run_scoped3A = tpu.sem_alloc : memref<!tpu.dma_semaphore, #tpu.memory_space<semaphore_mem>>
          %dma_start3A_106 = arith.constant 0 : i32
          %dma_start3A_107 = tpu.memref_slice %arg9[%add3A_76, %dma_start3A_106] : memref<40x125xi32, #tpu.memory_space<vmem>> -> memref<1x125xi32, #tpu.memory_space<vmem>>
          %dma_start3A_108 = tpu.memref_squeeze %dma_start3A_107 : memref<1x125xi32, #tpu.memory_space<vmem>> -> memref<125xi32, #tpu.memory_space<vmem>>
          %dma_start3A_109 = arith.constant 0 : i32
          %dma_start3A_110 = arith.constant 0 : i32
          %dma_start3A_111 = tpu.memref_slice %arg8[%dma_start3A_109, %dma_start3A_110] : memref<10240x256xbf16, #tpu.memory_space<vmem_shared>> -> memref<10240x256xbf16, #tpu.memory_space<vmem_shared>>
          tpu.enqueue_indirect_dma source(%arg10 : memref<125x256xbf16, #tpu.memory_space<vmem>>) target(%dma_start3A_111 : memref<10240x256xbf16, #tpu.memory_space<vmem_shared>>) offsets(%dma_start3A_108 : memref<125xi32, #tpu.memory_space<vmem>>) semaphore(%run_scoped3A : memref<!tpu.dma_semaphore, #tpu.memory_space<semaphore_mem>>) {add = true}
          %dma_wait3A_112 = arith.constant 0 : i32
          %dma_wait3A_113 = tpu.memref_slice %arg9[%add3A_76, %dma_wait3A_112] : memref<40x125xi32, #tpu.memory_space<vmem>> -> memref<1x125xi32, #tpu.memory_space<vmem>>
          %dma_wait3A_114 = tpu.memref_squeeze %dma_wait3A_113 : memref<1x125xi32, #tpu.memory_space<vmem>> -> memref<125xi32, #tpu.memory_space<vmem>>
          %dma_wait3A_115 = arith.constant 0 : i32
          %dma_wait3A_116 = arith.constant 0 : i32
          %dma_wait3A_117 = tpu.memref_slice %arg8[%dma_wait3A_115, %dma_wait3A_116] : memref<10240x256xbf16, #tpu.memory_space<vmem_shared>> -> memref<10240x256xbf16, #tpu.memory_space<vmem_shared>>
          tpu.wait_indirect_dma semaphore(%run_scoped3A : memref<!tpu.dma_semaphore, #tpu.memory_space<semaphore_mem>>) src(%arg10 : memref<125x256xbf16, #tpu.memory_space<vmem>>) dst(%dma_wait3A_117 : memref<10240x256xbf16, #tpu.memory_space<vmem_shared>>)
          tpu.yield
        }) : () -> ()
        %add3A_90 = arith.constant 2 : i32
        %add3A_91 = arith.addi %add3A_76, %add3A_90 : i32
        %lt3A = arith.constant 40 : i32
        %lt3A_92 = arith.cmpi slt, %add3A_91, %lt3A : i32
        %convert_element_type3A_93 = arith.extui %lt3A_92 : i1 to i32
        %cond3A_94 = arith.constant 0 : i32
        %cond3A_95 = arith.cmpi ne, %convert_element_type3A_93, %cond3A_94 : i32
        scf.if %cond3A_95 {
          %add3A_106 = arith.constant 2 : i32
          %add3A_107 = arith.addi %add3A_76, %add3A_106 : i32
          %dma_start3A_108 = arith.constant 0 : i32
          %dma_start3A_109 = tpu.memref_slice %arg14[%add3A_107, %dma_start3A_108] : memref<40x125xi32, #tpu.memory_space<vmem>> -> memref<1x125xi32, #tpu.memory_space<vmem>>
          %dma_start3A_110 = tpu.memref_squeeze %dma_start3A_109 : memref<1x125xi32, #tpu.memory_space<vmem>> -> memref<125xi32, #tpu.memory_space<vmem>>
          %dma_start3A_111 = arith.constant 0 : i32
          %dma_start3A_112 = arith.constant 0 : i32
          %dma_start3A_113 = tpu.memref_slice %arg2[%dma_start3A_111, %dma_start3A_112] : memref<10240x256xbf16, #tpu.memory_space<hbm>> -> memref<10240x256xbf16, #tpu.memory_space<hbm>>
          tpu.enqueue_indirect_dma source(%dma_start3A_113 : memref<10240x256xbf16, #tpu.memory_space<hbm>>) target(%arg10 : memref<125x256xbf16, #tpu.memory_space<vmem>>) offsets(%dma_start3A_110 : memref<125xi32, #tpu.memory_space<vmem>>) semaphore(%arg12 : memref<!tpu.dma_semaphore, #tpu.memory_space<semaphore_mem>>)
        } else {
        }
        %add3A_96 = arith.constant 1 : i32
        %add3A_97 = arith.addi %add3A_76, %add3A_96 : i32
        %dma_wait3A_98 = arith.constant 0 : i32
        %dma_wait3A_99 = tpu.memref_slice %arg14[%add3A_97, %dma_wait3A_98] : memref<40x125xi32, #tpu.memory_space<vmem>> -> memref<1x125xi32, #tpu.memory_space<vmem>>
        %dma_wait3A_100 = tpu.memref_squeeze %dma_wait3A_99 : memref<1x125xi32, #tpu.memory_space<vmem>> -> memref<125xi32, #tpu.memory_space<vmem>>
        %dma_wait3A_101 = arith.constant 0 : i32
        %dma_wait3A_102 = arith.constant 0 : i32
        %dma_wait3A_103 = tpu.memref_slice %arg2[%dma_wait3A_101, %dma_wait3A_102] : memref<10240x256xbf16, #tpu.memory_space<hbm>> -> memref<10240x256xbf16, #tpu.memory_space<hbm>>
        tpu.wait_indirect_dma semaphore(%arg13 : memref<!tpu.dma_semaphore, #tpu.memory_space<semaphore_mem>>) src(%dma_wait3A_103 : memref<10240x256xbf16, #tpu.memory_space<hbm>>) dst(%arg11 : memref<125x256xbf16, #tpu.memory_space<vmem>>)
        %add3A_104 = arith.constant 1 : i32
        %add3A_105 = arith.addi %add3A_76, %add3A_104 : i32
        "tpu.region"() ({
          %run_scoped3A = tpu.sem_alloc : memref<!tpu.dma_semaphore, #tpu.memory_space<semaphore_mem>>
          %dma_start3A_106 = arith.constant 0 : i32
          %dma_start3A_107 = tpu.memref_slice %arg9[%add3A_105, %dma_start3A_106] : memref<40x125xi32, #tpu.memory_space<vmem>> -> memref<1x125xi32, #tpu.memory_space<vmem>>
          %dma_start3A_108 = tpu.memref_squeeze %dma_start3A_107 : memref<1x125xi32, #tpu.memory_space<vmem>> -> memref<125xi32, #tpu.memory_space<vmem>>
          %dma_start3A_109 = arith.constant 0 : i32
          %dma_start3A_110 = arith.constant 0 : i32
          %dma_start3A_111 = tpu.memref_slice %arg8[%dma_start3A_109, %dma_start3A_110] : memref<10240x256xbf16, #tpu.memory_space<vmem_shared>> -> memref<10240x256xbf16, #tpu.memory_space<vmem_shared>>
          tpu.enqueue_indirect_dma source(%arg11 : memref<125x256xbf16, #tpu.memory_space<vmem>>) target(%dma_start3A_111 : memref<10240x256xbf16, #tpu.memory_space<vmem_shared>>) offsets(%dma_start3A_108 : memref<125xi32, #tpu.memory_space<vmem>>) semaphore(%run_scoped3A : memref<!tpu.dma_semaphore, #tpu.memory_space<semaphore_mem>>) {add = true}
          %dma_wait3A_112 = arith.constant 0 : i32
          %dma_wait3A_113 = tpu.memref_slice %arg9[%add3A_105, %dma_wait3A_112] : memref<40x125xi32, #tpu.memory_space<vmem>> -> memref<1x125xi32, #tpu.memory_space<vmem>>
          %dma_wait3A_114 = tpu.memref_squeeze %dma_wait3A_113 : memref<1x125xi32, #tpu.memory_space<vmem>> -> memref<125xi32, #tpu.memory_space<vmem>>
          %dma_wait3A_115 = arith.constant 0 : i32
          %dma_wait3A_116 = arith.constant 0 : i32
          %dma_wait3A_117 = tpu.memref_slice %arg8[%dma_wait3A_115, %dma_wait3A_116] : memref<10240x256xbf16, #tpu.memory_space<vmem_shared>> -> memref<10240x256xbf16, #tpu.memory_space<vmem_shared>>
          tpu.wait_indirect_dma semaphore(%run_scoped3A : memref<!tpu.dma_semaphore, #tpu.memory_space<semaphore_mem>>) src(%arg11 : memref<125x256xbf16, #tpu.memory_space<vmem>>) dst(%dma_wait3A_117 : memref<10240x256xbf16, #tpu.memory_space<vmem_shared>>)
          tpu.yield
        }) : () -> ()
      }
      %scan3A_71 = arith.constant 20 : i32
    } else {
    }
    %eq3A_45 = arith.constant 1 : i32
    %eq3A_46 = arith.cmpi eq, %arg0, %eq3A_45 : i32
    %convert_element_type3A_47 = arith.extui %eq3A_46 : i1 to i32
    %cond3A_48 = arith.constant 0 : i32
    %cond3A_49 = arith.cmpi ne, %convert_element_type3A_47, %cond3A_48 : i32
    scf.if %cond3A_49 {
      %dma_start3A = arith.constant 0 : i32
      %dma_start3A_61 = arith.constant 0 : i32
      %dma_start3A_62 = tpu.memref_slice %arg14[%dma_start3A, %dma_start3A_61] : memref<40x125xi32, #tpu.memory_space<vmem>> -> memref<1x125xi32, #tpu.memory_space<vmem>>
      %dma_start3A_63 = tpu.memref_squeeze %dma_start3A_62 : memref<1x125xi32, #tpu.memory_space<vmem>> -> memref<125xi32, #tpu.memory_space<vmem>>
      %dma_start3A_64 = arith.constant 0 : i32
      %dma_start3A_65 = arith.constant 0 : i32
      %dma_start3A_66 = tpu.memref_slice %arg3[%dma_start3A_64, %dma_start3A_65] : memref<10240x256xbf16, #tpu.memory_space<hbm>> -> memref<10240x256xbf16, #tpu.memory_space<hbm>>
      tpu.enqueue_indirect_dma source(%dma_start3A_66 : memref<10240x256xbf16, #tpu.memory_space<hbm>>) target(%arg10 : memref<125x256xbf16, #tpu.memory_space<vmem>>) offsets(%dma_start3A_63 : memref<125xi32, #tpu.memory_space<vmem>>) semaphore(%arg12 : memref<!tpu.dma_semaphore, #tpu.memory_space<semaphore_mem>>)
      %scan3A_67 = arith.constant 0 : i32
      %scan3A_68 = arith.constant 20 : i32
      %scan3A_69 = arith.addi %scan3A_67, %scan3A_68 : i32
      %scan3A_70 = arith.constant 1 : i32
      scf.for %scan3A_72 = %scan3A_67 to %scan3A_69 step %scan3A_70  : i32 {
        %mul3A_73 = arith.constant 2 : i32
        %mul3A_74 = arith.muli %scan3A_72, %mul3A_73 : i32
        %add3A_75 = arith.constant 0 : i32
        %add3A_76 = arith.addi %add3A_75, %mul3A_74 : i32
        %add3A_77 = arith.constant 1 : i32
        %add3A_78 = arith.addi %add3A_76, %add3A_77 : i32
        %dma_start3A_79 = arith.constant 0 : i32
        %dma_start3A_80 = tpu.memref_slice %arg14[%add3A_78, %dma_start3A_79] : memref<40x125xi32, #tpu.memory_space<vmem>> -> memref<1x125xi32, #tpu.memory_space<vmem>>
        %dma_start3A_81 = tpu.memref_squeeze %dma_start3A_80 : memref<1x125xi32, #tpu.memory_space<vmem>> -> memref<125xi32, #tpu.memory_space<vmem>>
        %dma_start3A_82 = arith.constant 0 : i32
        %dma_start3A_83 = arith.constant 0 : i32
        %dma_start3A_84 = tpu.memref_slice %arg3[%dma_start3A_82, %dma_start3A_83] : memref<10240x256xbf16, #tpu.memory_space<hbm>> -> memref<10240x256xbf16, #tpu.memory_space<hbm>>
        tpu.enqueue_indirect_dma source(%dma_start3A_84 : memref<10240x256xbf16, #tpu.memory_space<hbm>>) target(%arg11 : memref<125x256xbf16, #tpu.memory_space<vmem>>) offsets(%dma_start3A_81 : memref<125xi32, #tpu.memory_space<vmem>>) semaphore(%arg13 : memref<!tpu.dma_semaphore, #tpu.memory_space<semaphore_mem>>)
        %dma_wait3A = arith.constant 0 : i32
        %dma_wait3A_85 = tpu.memref_slice %arg14[%add3A_76, %dma_wait3A] : memref<40x125xi32, #tpu.memory_space<vmem>> -> memref<1x125xi32, #tpu.memory_space<vmem>>
        %dma_wait3A_86 = tpu.memref_squeeze %dma_wait3A_85 : memref<1x125xi32, #tpu.memory_space<vmem>> -> memref<125xi32, #tpu.memory_space<vmem>>
        %dma_wait3A_87 = arith.constant 0 : i32
        %dma_wait3A_88 = arith.constant 0 : i32
        %dma_wait3A_89 = tpu.memref_slice %arg3[%dma_wait3A_87, %dma_wait3A_88] : memref<10240x256xbf16, #tpu.memory_space<hbm>> -> memref<10240x256xbf16, #tpu.memory_space<hbm>>
        tpu.wait_indirect_dma semaphore(%arg12 : memref<!tpu.dma_semaphore, #tpu.memory_space<semaphore_mem>>) src(%dma_wait3A_89 : memref<10240x256xbf16, #tpu.memory_space<hbm>>) dst(%arg10 : memref<125x256xbf16, #tpu.memory_space<vmem>>)
        "tpu.region"() ({
          %run_scoped3A = tpu.sem_alloc : memref<!tpu.dma_semaphore, #tpu.memory_space<semaphore_mem>>
          %dma_start3A_106 = arith.constant 0 : i32
          %dma_start3A_107 = tpu.memref_slice %arg9[%add3A_76, %dma_start3A_106] : memref<40x125xi32, #tpu.memory_space<vmem>> -> memref<1x125xi32, #tpu.memory_space<vmem>>
          %dma_start3A_108 = tpu.memref_squeeze %dma_start3A_107 : memref<1x125xi32, #tpu.memory_space<vmem>> -> memref<125xi32, #tpu.memory_space<vmem>>
          %dma_start3A_109 = arith.constant 0 : i32
          %dma_start3A_110 = arith.constant 0 : i32
          %dma_start3A_111 = tpu.memref_slice %arg8[%dma_start3A_109, %dma_start3A_110] : memref<10240x256xbf16, #tpu.memory_space<vmem_shared>> -> memref<10240x256xbf16, #tpu.memory_space<vmem_shared>>
          tpu.enqueue_indirect_dma source(%arg10 : memref<125x256xbf16, #tpu.memory_space<vmem>>) target(%dma_start3A_111 : memref<10240x256xbf16, #tpu.memory_space<vmem_shared>>) offsets(%dma_start3A_108 : memref<125xi32, #tpu.memory_space<vmem>>) semaphore(%run_scoped3A : memref<!tpu.dma_semaphore, #tpu.memory_space<semaphore_mem>>) {add = true}
          %dma_wait3A_112 = arith.constant 0 : i32
          %dma_wait3A_113 = tpu.memref_slice %arg9[%add3A_76, %dma_wait3A_112] : memref<40x125xi32, #tpu.memory_space<vmem>> -> memref<1x125xi32, #tpu.memory_space<vmem>>
          %dma_wait3A_114 = tpu.memref_squeeze %dma_wait3A_113 : memref<1x125xi32, #tpu.memory_space<vmem>> -> memref<125xi32, #tpu.memory_space<vmem>>
          %dma_wait3A_115 = arith.constant 0 : i32
          %dma_wait3A_116 = arith.constant 0 : i32
          %dma_wait3A_117 = tpu.memref_slice %arg8[%dma_wait3A_115, %dma_wait3A_116] : memref<10240x256xbf16, #tpu.memory_space<vmem_shared>> -> memref<10240x256xbf16, #tpu.memory_space<vmem_shared>>
          tpu.wait_indirect_dma semaphore(%run_scoped3A : memref<!tpu.dma_semaphore, #tpu.memory_space<semaphore_mem>>) src(%arg10 : memref<125x256xbf16, #tpu.memory_space<vmem>>) dst(%dma_wait3A_117 : memref<10240x256xbf16, #tpu.memory_space<vmem_shared>>)
          tpu.yield
        }) : () -> ()
        %add3A_90 = arith.constant 2 : i32
        %add3A_91 = arith.addi %add3A_76, %add3A_90 : i32
        %lt3A = arith.constant 40 : i32
        %lt3A_92 = arith.cmpi slt, %add3A_91, %lt3A : i32
        %convert_element_type3A_93 = arith.extui %lt3A_92 : i1 to i32
        %cond3A_94 = arith.constant 0 : i32
        %cond3A_95 = arith.cmpi ne, %convert_element_type3A_93, %cond3A_94 : i32
        scf.if %cond3A_95 {
          %add3A_106 = arith.constant 2 : i32
          %add3A_107 = arith.addi %add3A_76, %add3A_106 : i32
          %dma_start3A_108 = arith.constant 0 : i32
          %dma_start3A_109 = tpu.memref_slice %arg14[%add3A_107, %dma_start3A_108] : memref<40x125xi32, #tpu.memory_space<vmem>> -> memref<1x125xi32, #tpu.memory_space<vmem>>
          %dma_start3A_110 = tpu.memref_squeeze %dma_start3A_109 : memref<1x125xi32, #tpu.memory_space<vmem>> -> memref<125xi32, #tpu.memory_space<vmem>>
          %dma_start3A_111 = arith.constant 0 : i32
          %dma_start3A_112 = arith.constant 0 : i32
          %dma_start3A_113 = tpu.memref_slice %arg3[%dma_start3A_111, %dma_start3A_112] : memref<10240x256xbf16, #tpu.memory_space<hbm>> -> memref<10240x256xbf16, #tpu.memory_space<hbm>>
          tpu.enqueue_indirect_dma source(%dma_start3A_113 : memref<10240x256xbf16, #tpu.memory_space<hbm>>) target(%arg10 : memref<125x256xbf16, #tpu.memory_space<vmem>>) offsets(%dma_start3A_110 : memref<125xi32, #tpu.memory_space<vmem>>) semaphore(%arg12 : memref<!tpu.dma_semaphore, #tpu.memory_space<semaphore_mem>>)
        } else {
        }
        %add3A_96 = arith.constant 1 : i32
        %add3A_97 = arith.addi %add3A_76, %add3A_96 : i32
        %dma_wait3A_98 = arith.constant 0 : i32
        %dma_wait3A_99 = tpu.memref_slice %arg14[%add3A_97, %dma_wait3A_98] : memref<40x125xi32, #tpu.memory_space<vmem>> -> memref<1x125xi32, #tpu.memory_space<vmem>>
        %dma_wait3A_100 = tpu.memref_squeeze %dma_wait3A_99 : memref<1x125xi32, #tpu.memory_space<vmem>> -> memref<125xi32, #tpu.memory_space<vmem>>
        %dma_wait3A_101 = arith.constant 0 : i32
        %dma_wait3A_102 = arith.constant 0 : i32
        %dma_wait3A_103 = tpu.memref_slice %arg3[%dma_wait3A_101, %dma_wait3A_102] : memref<10240x256xbf16, #tpu.memory_space<hbm>> -> memref<10240x256xbf16, #tpu.memory_space<hbm>>
        tpu.wait_indirect_dma semaphore(%arg13 : memref<!tpu.dma_semaphore, #tpu.memory_space<semaphore_mem>>) src(%dma_wait3A_103 : memref<10240x256xbf16, #tpu.memory_space<hbm>>) dst(%arg11 : memref<125x256xbf16, #tpu.memory_space<vmem>>)
        %add3A_104 = arith.constant 1 : i32
        %add3A_105 = arith.addi %add3A_76, %add3A_104 : i32
        "tpu.region"() ({
          %run_scoped3A = tpu.sem_alloc : memref<!tpu.dma_semaphore, #tpu.memory_space<semaphore_mem>>
          %dma_start3A_106 = arith.constant 0 : i32
          %dma_start3A_107 = tpu.memref_slice %arg9[%add3A_105, %dma_start3A_106] : memref<40x125xi32, #tpu.memory_space<vmem>> -> memref<1x125xi32, #tpu.memory_space<vmem>>
          %dma_start3A_108 = tpu.memref_squeeze %dma_start3A_107 : memref<1x125xi32, #tpu.memory_space<vmem>> -> memref<125xi32, #tpu.memory_space<vmem>>
          %dma_start3A_109 = arith.constant 0 : i32
          %dma_start3A_110 = arith.constant 0 : i32
          %dma_start3A_111 = tpu.memref_slice %arg8[%dma_start3A_109, %dma_start3A_110] : memref<10240x256xbf16, #tpu.memory_space<vmem_shared>> -> memref<10240x256xbf16, #tpu.memory_space<vmem_shared>>
          tpu.enqueue_indirect_dma source(%arg11 : memref<125x256xbf16, #tpu.memory_space<vmem>>) target(%dma_start3A_111 : memref<10240x256xbf16, #tpu.memory_space<vmem_shared>>) offsets(%dma_start3A_108 : memref<125xi32, #tpu.memory_space<vmem>>) semaphore(%run_scoped3A : memref<!tpu.dma_semaphore, #tpu.memory_space<semaphore_mem>>) {add = true}
          %dma_wait3A_112 = arith.constant 0 : i32
          %dma_wait3A_113 = tpu.memref_slice %arg9[%add3A_105, %dma_wait3A_112] : memref<40x125xi32, #tpu.memory_space<vmem>> -> memref<1x125xi32, #tpu.memory_space<vmem>>
          %dma_wait3A_114 = tpu.memref_squeeze %dma_wait3A_113 : memref<1x125xi32, #tpu.memory_space<vmem>> -> memref<125xi32, #tpu.memory_space<vmem>>
          %dma_wait3A_115 = arith.constant 0 : i32
          %dma_wait3A_116 = arith.constant 0 : i32
          %dma_wait3A_117 = tpu.memref_slice %arg8[%dma_wait3A_115, %dma_wait3A_116] : memref<10240x256xbf16, #tpu.memory_space<vmem_shared>> -> memref<10240x256xbf16, #tpu.memory_space<vmem_shared>>
          tpu.wait_indirect_dma semaphore(%run_scoped3A : memref<!tpu.dma_semaphore, #tpu.memory_space<semaphore_mem>>) src(%arg11 : memref<125x256xbf16, #tpu.memory_space<vmem>>) dst(%dma_wait3A_117 : memref<10240x256xbf16, #tpu.memory_space<vmem_shared>>)
          tpu.yield
        }) : () -> ()
      }
      %scan3A_71 = arith.constant 20 : i32
    } else {
    }
    %barrier3A_50 = arith.constant 0 : index
    tpu.barrier barrier_id(%barrier3A_50)
    %eq3A_51 = arith.constant 0 : i32
    %eq3A_52 = arith.cmpi eq, %arg0, %eq3A_51 : i32
    %convert_element_type3A_53 = arith.extui %eq3A_52 : i1 to i32
    %cond3A_54 = arith.constant 0 : i32
    %cond3A_55 = arith.cmpi ne, %convert_element_type3A_53, %cond3A_54 : i32
    scf.if %cond3A_55 {
      %mul3A_61 = arith.constant 640 : i32
      %mul3A_62 = arith.muli %arg1, %mul3A_61 : i32
      %mul3A_63 = arith.constant 640 : i32
      %mul3A_64 = arith.muli %arg1, %mul3A_63 : i32
      "tpu.region"() ({
        %run_scoped3A = tpu.sem_alloc : memref<!tpu.dma_semaphore, #tpu.memory_space<semaphore_mem>>
        %dma_start3A = arith.constant 0 : i32
        %dma_start3A_65 = tpu.memref_slice %arg6[%mul3A_64, %dma_start3A] : memref<10240x256xbf16, #tpu.memory_space<hbm>> -> memref<640x256xbf16, #tpu.memory_space<hbm>>
        %dma_start3A_66 = arith.constant 0 : i32
        %dma_start3A_67 = tpu.memref_slice %arg8[%mul3A_62, %dma_start3A_66] : memref<10240x256xbf16, #tpu.memory_space<vmem_shared>> -> memref<640x256xbf16, #tpu.memory_space<vmem_shared>>
        tpu.enqueue_dma source(%dma_start3A_67 : memref<640x256xbf16, #tpu.memory_space<vmem_shared>>) target(%dma_start3A_65 : memref<640x256xbf16, #tpu.memory_space<hbm>>) target_semaphore(%run_scoped3A : memref<!tpu.dma_semaphore, #tpu.memory_space<semaphore_mem>>)
        %dma_wait3A = arith.constant 0 : i32
        %dma_wait3A_68 = tpu.memref_slice %arg6[%mul3A_64, %dma_wait3A] : memref<10240x256xbf16, #tpu.memory_space<hbm>> -> memref<640x256xbf16, #tpu.memory_space<hbm>>
        %dma_wait3A_69 = arith.constant 0 : i32
        %dma_wait3A_70 = tpu.memref_slice %arg8[%mul3A_62, %dma_wait3A_69] : memref<10240x256xbf16, #tpu.memory_space<vmem_shared>> -> memref<640x256xbf16, #tpu.memory_space<vmem_shared>>
        tpu.wait_dma2 semaphore(%run_scoped3A : memref<!tpu.dma_semaphore, #tpu.memory_space<semaphore_mem>>) src(%dma_wait3A_70 : memref<640x256xbf16, #tpu.memory_space<vmem_shared>>) dst(%dma_wait3A_68 : memref<640x256xbf16, #tpu.memory_space<hbm>>)
        tpu.yield
      }) : () -> ()
    } else {
    }
    %eq3A_56 = arith.constant 1 : i32
    %eq3A_57 = arith.cmpi eq, %arg0, %eq3A_56 : i32
    %convert_element_type3A_58 = arith.extui %eq3A_57 : i1 to i32
    %cond3A_59 = arith.constant 0 : i32
    %cond3A_60 = arith.cmpi ne, %convert_element_type3A_58, %cond3A_59 : i32
    scf.if %cond3A_60 {
      %mul3A_61 = arith.constant 640 : i32
      %mul3A_62 = arith.muli %arg1, %mul3A_61 : i32
      %mul3A_63 = arith.constant 640 : i32
      %mul3A_64 = arith.muli %arg1, %mul3A_63 : i32
      "tpu.region"() ({
        %run_scoped3A = tpu.sem_alloc : memref<!tpu.dma_semaphore, #tpu.memory_space<semaphore_mem>>
        %dma_start3A = arith.constant 0 : i32
        %dma_start3A_65 = tpu.memref_slice %arg7[%mul3A_64, %dma_start3A] : memref<10240x256xbf16, #tpu.memory_space<hbm>> -> memref<640x256xbf16, #tpu.memory_space<hbm>>
        %dma_start3A_66 = arith.constant 0 : i32
        %dma_start3A_67 = tpu.memref_slice %arg8[%mul3A_62, %dma_start3A_66] : memref<10240x256xbf16, #tpu.memory_space<vmem_shared>> -> memref<640x256xbf16, #tpu.memory_space<vmem_shared>>
        tpu.enqueue_dma source(%dma_start3A_67 : memref<640x256xbf16, #tpu.memory_space<vmem_shared>>) target(%dma_start3A_65 : memref<640x256xbf16, #tpu.memory_space<hbm>>) target_semaphore(%run_scoped3A : memref<!tpu.dma_semaphore, #tpu.memory_space<semaphore_mem>>)
        %dma_wait3A = arith.constant 0 : i32
        %dma_wait3A_68 = tpu.memref_slice %arg7[%mul3A_64, %dma_wait3A] : memref<10240x256xbf16, #tpu.memory_space<hbm>> -> memref<640x256xbf16, #tpu.memory_space<hbm>>
        %dma_wait3A_69 = arith.constant 0 : i32
        %dma_wait3A_70 = tpu.memref_slice %arg8[%mul3A_62, %dma_wait3A_69] : memref<10240x256xbf16, #tpu.memory_space<vmem_shared>> -> memref<640x256xbf16, #tpu.memory_space<vmem_shared>>
        tpu.wait_dma2 semaphore(%run_scoped3A : memref<!tpu.dma_semaphore, #tpu.memory_space<semaphore_mem>>) src(%dma_wait3A_70 : memref<640x256xbf16, #tpu.memory_space<vmem_shared>>) dst(%dma_wait3A_68 : memref<640x256xbf16, #tpu.memory_space<hbm>>)
        tpu.yield
      }) : () -> ()
    } else {
    }
    return
  }
}

#map = affine_map<(d0, d1) -> (0, 0)>
#map1 = affine_map<(d0, d1) -> (0, 0, 0)>
module attributes {stable_mosaic.version = 14 : i64} {
  func.func @k(%arg0: i32, %arg1: i32, %arg2: memref<10000x256xbf16, #tpu.memory_space<hbm>>, %arg3: memref<10000x256xbf16, #tpu.memory_space<hbm>>, %arg4: memref<16x40x125xi32, #tpu.memory_space<hbm>>, %arg5: memref<16x40x125xi32, #tpu.memory_space<hbm>>, %arg6: memref<10240x256xbf16, #tpu.memory_space<hbm>>, %arg7: memref<10240x256xbf16, #tpu.memory_space<hbm>>, %arg8: memref<10240x256xbf16, #tpu.memory_space<vmem_shared>>, %arg9: memref<40x125xi32, #tpu.memory_space<vmem>>, %arg10: memref<125x256xbf16, #tpu.memory_space<vmem>>, %arg11: memref<125x256xbf16, #tpu.memory_space<vmem>>, %arg12: memref<!tpu.dma_semaphore, #tpu.memory_space<semaphore_mem>>, %arg13: memref<!tpu.dma_semaphore, #tpu.memory_space<semaphore_mem>>, %arg14: memref<40x125xi32, #tpu.memory_space<vmem>>) attributes {dimension_semantics = [#tpu.dimension_semantics<core_parallel>, #tpu.dimension_semantics<subcore_parallel>], iteration_bounds = array<i64: 2, 16>, scalar_prefetch = 0 : i64, scratch_operands = 7 : i64, tpu.core_type = #tpu.core_type<sc_vector_subcore>, window_params = [{transform_indices = #map}, {transform_indices = #map}, {transform_indices = #map1}, {transform_indices = #map1}, {transform_indices = #map}, {transform_indices = #map}]} {
    "tpu.region"() ({
      %run_scoped3A = tpu.sem_alloc : memref<!tpu.dma_semaphore, #tpu.memory_space<semaphore_mem>>
      %dma_start3A = arith.constant 0 : i32
      %dma_start3A_61 = arith.constant 0 : i32
      %dma_start3A_62 = tpu.memref_slice %arg4[%arg1, %dma_start3A, %dma_start3A_61] : memref<16x40x125xi32, #tpu.memory_space<hbm>> -> memref<1x40x125xi32, #tpu.memory_space<hbm>>
      %dma_start3A_63 = tpu.memref_squeeze %dma_start3A_62 : memref<1x40x125xi32, #tpu.memory_space<hbm>> -> memref<40x125xi32, #tpu.memory_space<hbm>>
      %dma_start3A_64 = arith.constant 0 : i32
      %dma_start3A_65 = arith.constant 0 : i32
      %dma_start3A_66 = tpu.memref_slice %arg4[%arg1, %dma_start3A_64, %dma_start3A_65] : memref<16x40x125xi32, #tpu.memory_space<hbm>> -> memref<1x40x125xi32, #tpu.memory_space<hbm>>
      %dma_start3A_67 = tpu.memref_squeeze %dma_start3A_66 : memref<1x40x125xi32, #tpu.memory_space<hbm>> -> memref<40x125xi32, #tpu.memory_space<hbm>>
      tpu.enqueue_dma source(%dma_start3A_67 : memref<40x125xi32, #tpu.memory_space<hbm>>) target(%arg14 : memref<40x125xi32, #tpu.memory_space<vmem>>) target_semaphore(%run_scoped3A : memref<!tpu.dma_semaphore, #tpu.memory_space<semaphore_mem>>)
      %dma_wait3A = arith.constant 0 : i32
      %dma_wait3A_68 = arith.constant 0 : i32
      %dma_wait3A_69 = tpu.memref_slice %arg4[%arg1, %dma_wait3A, %dma_wait3A_68] : memref<16x40x125xi32, #tpu.memory_space<hbm>> -> memref<1x40x125xi32, #tpu.memory_space<hbm>>
      %dma_wait3A_70 = tpu.memref_squeeze %dma_wait3A_69 : memref<1x40x125xi32, #tpu.memory_space<hbm>> -> memref<40x125xi32, #tpu.memory_space<hbm>>
      %dma_wait3A_71 = arith.constant 0 : i32
      %dma_wait3A_72 = arith.constant 0 : i32
      %dma_wait3A_73 = tpu.memref_slice %arg4[%arg1, %dma_wait3A_71, %dma_wait3A_72] : memref<16x40x125xi32, #tpu.memory_space<hbm>> -> memref<1x40x125xi32, #tpu.memory_space<hbm>>
      %dma_wait3A_74 = tpu.memref_squeeze %dma_wait3A_73 : memref<1x40x125xi32, #tpu.memory_space<hbm>> -> memref<40x125xi32, #tpu.memory_space<hbm>>
      tpu.wait_dma2 semaphore(%run_scoped3A : memref<!tpu.dma_semaphore, #tpu.memory_space<semaphore_mem>>) src(%dma_wait3A_74 : memref<40x125xi32, #tpu.memory_space<hbm>>) dst(%arg14 : memref<40x125xi32, #tpu.memory_space<vmem>>)
      tpu.yield
    }) : () -> ()
    "tpu.region"() ({
      %run_scoped3A = tpu.sem_alloc : memref<!tpu.dma_semaphore, #tpu.memory_space<semaphore_mem>>
      %dma_start3A = arith.constant 0 : i32
      %dma_start3A_61 = arith.constant 0 : i32
      %dma_start3A_62 = tpu.memref_slice %arg5[%arg1, %dma_start3A, %dma_start3A_61] : memref<16x40x125xi32, #tpu.memory_space<hbm>> -> memref<1x40x125xi32, #tpu.memory_space<hbm>>
      %dma_start3A_63 = tpu.memref_squeeze %dma_start3A_62 : memref<1x40x125xi32, #tpu.memory_space<hbm>> -> memref<40x125xi32, #tpu.memory_space<hbm>>
      %dma_start3A_64 = arith.constant 0 : i32
      %dma_start3A_65 = arith.constant 0 : i32
      %dma_start3A_66 = tpu.memref_slice %arg5[%arg1, %dma_start3A_64, %dma_start3A_65] : memref<16x40x125xi32, #tpu.memory_space<hbm>> -> memref<1x40x125xi32, #tpu.memory_space<hbm>>
      %dma_start3A_67 = tpu.memref_squeeze %dma_start3A_66 : memref<1x40x125xi32, #tpu.memory_space<hbm>> -> memref<40x125xi32, #tpu.memory_space<hbm>>
      tpu.enqueue_dma source(%dma_start3A_67 : memref<40x125xi32, #tpu.memory_space<hbm>>) target(%arg9 : memref<40x125xi32, #tpu.memory_space<vmem>>) target_semaphore(%run_scoped3A : memref<!tpu.dma_semaphore, #tpu.memory_space<semaphore_mem>>)
      %dma_wait3A = arith.constant 0 : i32
      %dma_wait3A_68 = arith.constant 0 : i32
      %dma_wait3A_69 = tpu.memref_slice %arg5[%arg1, %dma_wait3A, %dma_wait3A_68] : memref<16x40x125xi32, #tpu.memory_space<hbm>> -> memref<1x40x125xi32, #tpu.memory_space<hbm>>
      %dma_wait3A_70 = tpu.memref_squeeze %dma_wait3A_69 : memref<1x40x125xi32, #tpu.memory_space<hbm>> -> memref<40x125xi32, #tpu.memory_space<hbm>>
      %dma_wait3A_71 = arith.constant 0 : i32
      %dma_wait3A_72 = arith.constant 0 : i32
      %dma_wait3A_73 = tpu.memref_slice %arg5[%arg1, %dma_wait3A_71, %dma_wait3A_72] : memref<16x40x125xi32, #tpu.memory_space<hbm>> -> memref<1x40x125xi32, #tpu.memory_space<hbm>>
      %dma_wait3A_74 = tpu.memref_squeeze %dma_wait3A_73 : memref<1x40x125xi32, #tpu.memory_space<hbm>> -> memref<40x125xi32, #tpu.memory_space<hbm>>
      tpu.wait_dma2 semaphore(%run_scoped3A : memref<!tpu.dma_semaphore, #tpu.memory_space<semaphore_mem>>) src(%dma_wait3A_74 : memref<40x125xi32, #tpu.memory_space<hbm>>) dst(%arg9 : memref<40x125xi32, #tpu.memory_space<vmem>>)
      tpu.yield
    }) : () -> ()
    %broadcast_in_dim3A = arith.constant 0.000000e+00 : bf16
    %broadcast_in_dim3A_0 = vector.broadcast %broadcast_in_dim3A : bf16 to vector<32xbf16>
    %scan3A = arith.constant 0 : i32
    %scan3A_1 = arith.constant 64 : i32
    %scan3A_2 = arith.addi %scan3A, %scan3A_1 : i32
    %scan3A_3 = arith.constant 1 : i32
    scf.for %scan3A_61 = %scan3A to %scan3A_2 step %scan3A_3  : i32 {
      %mul3A_62 = arith.constant 1 : i32
      %mul3A_63 = arith.muli %scan3A_61, %mul3A_62 : i32
      %add3A_64 = arith.constant 0 : i32
      %add3A_65 = arith.addi %add3A_64, %mul3A_63 : i32
      %swap3A = arith.index_cast %add3A_65 : i32 to index
      %swap3A_66 = arith.constant 0 : index
      %swap3A_67 = tpu.vector_load %arg10[%swap3A, %swap3A_66] {strides = array<i32>} : memref<125x256xbf16, #tpu.memory_space<vmem>>, vector<32xbf16>,
      tpu.vector_store %arg10[%swap3A, %swap3A_66], %broadcast_in_dim3A_0 {strides = array<i32>} : memref<125x256xbf16, #tpu.memory_space<vmem>>, vector<32xbf16>,
      %swap3A_68 = arith.index_cast %add3A_65 : i32 to index
      %swap3A_69 = arith.constant 32 : index
      %swap3A_70 = tpu.vector_load %arg10[%swap3A_68, %swap3A_69] {strides = array<i32>} : memref<125x256xbf16, #tpu.memory_space<vmem>>, vector<32xbf16>,
      tpu.vector_store %arg10[%swap3A_68, %swap3A_69], %broadcast_in_dim3A_0 {strides = array<i32>} : memref<125x256xbf16, #tpu.memory_space<vmem>>, vector<32xbf16>,
      %swap3A_71 = arith.index_cast %add3A_65 : i32 to index
      %swap3A_72 = arith.constant 64 : index
      %swap3A_73 = tpu.vector_load %arg10[%swap3A_71, %swap3A_72] {strides = array<i32>} : memref<125x256xbf16, #tpu.memory_space<vmem>>, vector<32xbf16>,
      tpu.vector_store %arg10[%swap3A_71, %swap3A_72], %broadcast_in_dim3A_0 {strides = array<i32>} : memref<125x256xbf16, #tpu.memory_space<vmem>>, vector<32xbf16>,
      %swap3A_74 = arith.index_cast %add3A_65 : i32 to index
      %swap3A_75 = arith.constant 96 : index
      %swap3A_76 = tpu.vector_load %arg10[%swap3A_74, %swap3A_75] {strides = array<i32>} : memref<125x256xbf16, #tpu.memory_space<vmem>>, vector<32xbf16>,
      tpu.vector_store %arg10[%swap3A_74, %swap3A_75], %broadcast_in_dim3A_0 {strides = array<i32>} : memref<125x256xbf16, #tpu.memory_space<vmem>>, vector<32xbf16>,
      %swap3A_77 = arith.index_cast %add3A_65 : i32 to index
      %swap3A_78 = arith.constant 128 : index
      %swap3A_79 = tpu.vector_load %arg10[%swap3A_77, %swap3A_78] {strides = array<i32>} : memref<125x256xbf16, #tpu.memory_space<vmem>>, vector<32xbf16>,
      tpu.vector_store %arg10[%swap3A_77, %swap3A_78], %broadcast_in_dim3A_0 {strides = array<i32>} : memref<125x256xbf16, #tpu.memory_space<vmem>>, vector<32xbf16>,
      %swap3A_80 = arith.index_cast %add3A_65 : i32 to index
      %swap3A_81 = arith.constant 160 : index
      %swap3A_82 = tpu.vector_load %arg10[%swap3A_80, %swap3A_81] {strides = array<i32>} : memref<125x256xbf16, #tpu.memory_space<vmem>>, vector<32xbf16>,
      tpu.vector_store %arg10[%swap3A_80, %swap3A_81], %broadcast_in_dim3A_0 {strides = array<i32>} : memref<125x256xbf16, #tpu.memory_space<vmem>>, vector<32xbf16>,
      %swap3A_83 = arith.index_cast %add3A_65 : i32 to index
      %swap3A_84 = arith.constant 192 : index
      %swap3A_85 = tpu.vector_load %arg10[%swap3A_83, %swap3A_84] {strides = array<i32>} : memref<125x256xbf16, #tpu.memory_space<vmem>>, vector<32xbf16>,
      tpu.vector_store %arg10[%swap3A_83, %swap3A_84], %broadcast_in_dim3A_0 {strides = array<i32>} : memref<125x256xbf16, #tpu.memory_space<vmem>>, vector<32xbf16>,
      %swap3A_86 = arith.index_cast %add3A_65 : i32 to index
      %swap3A_87 = arith.constant 224 : index
      %swap3A_88 = tpu.vector_load %arg10[%swap3A_86, %swap3A_87] {strides = array<i32>} : memref<125x256xbf16, #tpu.memory_space<vmem>>, vector<32xbf16>,
      tpu.vector_store %arg10[%swap3A_86, %swap3A_87], %broadcast_in_dim3A_0 {strides = array<i32>} : memref<125x256xbf16, #tpu.memory_space<vmem>>, vector<32xbf16>,
    }
    %scan3A_4 = arith.constant 64 : i32
    %mul3A = arith.constant 640 : i32
    %mul3A_5 = arith.muli %arg1, %mul3A : i32
    %add3A = arith.constant 0 : i32
    %add3A_6 = arith.addi %mul3A_5, %add3A : i32
    "tpu.region"() ({
      %run_scoped3A = tpu.sem_alloc : memref<!tpu.dma_semaphore, #tpu.memory_space<semaphore_mem>>
      %dma_start3A = arith.constant 0 : i32
      %dma_start3A_61 = arith.constant 0 : i32
      %dma_start3A_62 = tpu.memref_slice %arg10[%dma_start3A, %dma_start3A_61] : memref<125x256xbf16, #tpu.memory_space<vmem>> -> memref<64x256xbf16, #tpu.memory_space<vmem>>
      %dma_start3A_63 = arith.constant 0 : i32
      %dma_start3A_64 = tpu.memref_slice %arg8[%add3A_6, %dma_start3A_63] : memref<10240x256xbf16, #tpu.memory_space<vmem_shared>> -> memref<64x256xbf16, #tpu.memory_space<vmem_shared>>
      %dma_start3A_65 = arith.constant 0 : i32
      %dma_start3A_66 = tpu.memref_slice %arg8[%add3A_6, %dma_start3A_65] : memref<10240x256xbf16, #tpu.memory_space<vmem_shared>> -> memref<64x256xbf16, #tpu.memory_space<vmem_shared>>
      %dma_start3A_67 = arith.constant 0 : i32
      %dma_start3A_68 = arith.constant 0 : i32
      %dma_start3A_69 = tpu.memref_slice %arg10[%dma_start3A_67, %dma_start3A_68] : memref<125x256xbf16, #tpu.memory_space<vmem>> -> memref<64x256xbf16, #tpu.memory_space<vmem>>
      tpu.enqueue_dma source(%dma_start3A_69 : memref<64x256xbf16, #tpu.memory_space<vmem>>) target(%dma_start3A_66 : memref<64x256xbf16, #tpu.memory_space<vmem_shared>>) target_semaphore(%run_scoped3A : memref<!tpu.dma_semaphore, #tpu.memory_space<semaphore_mem>>)
      %dma_wait3A = arith.constant 0 : i32
      %dma_wait3A_70 = arith.constant 0 : i32
      %dma_wait3A_71 = tpu.memref_slice %arg10[%dma_wait3A, %dma_wait3A_70] : memref<125x256xbf16, #tpu.memory_space<vmem>> -> memref<64x256xbf16, #tpu.memory_space<vmem>>
      %dma_wait3A_72 = arith.constant 0 : i32
      %dma_wait3A_73 = tpu.memref_slice %arg8[%add3A_6, %dma_wait3A_72] : memref<10240x256xbf16, #tpu.memory_space<vmem_shared>> -> memref<64x256xbf16, #tpu.memory_space<vmem_shared>>
      %dma_wait3A_74 = arith.constant 0 : i32
      %dma_wait3A_75 = tpu.memref_slice %arg8[%add3A_6, %dma_wait3A_74] : memref<10240x256xbf16, #tpu.memory_space<vmem_shared>> -> memref<64x256xbf16, #tpu.memory_space<vmem_shared>>
      %dma_wait3A_76 = arith.constant 0 : i32
      %dma_wait3A_77 = arith.constant 0 : i32
      %dma_wait3A_78 = tpu.memref_slice %arg10[%dma_wait3A_76, %dma_wait3A_77] : memref<125x256xbf16, #tpu.memory_space<vmem>> -> memref<64x256xbf16, #tpu.memory_space<vmem>>
      tpu.wait_dma2 semaphore(%run_scoped3A : memref<!tpu.dma_semaphore, #tpu.memory_space<semaphore_mem>>) src(%dma_wait3A_78 : memref<64x256xbf16, #tpu.memory_space<vmem>>) dst(%dma_wait3A_75 : memref<64x256xbf16, #tpu.memory_space<vmem_shared>>)
      tpu.yield
    }) : () -> ()
    %mul3A_7 = arith.constant 640 : i32
    %mul3A_8 = arith.muli %arg1, %mul3A_7 : i32
    %add3A_9 = arith.constant 64 : i32
    %add3A_10 = arith.addi %mul3A_8, %add3A_9 : i32
    "tpu.region"() ({
      %run_scoped3A = tpu.sem_alloc : memref<!tpu.dma_semaphore, #tpu.memory_space<semaphore_mem>>
      %dma_start3A = arith.constant 0 : i32
      %dma_start3A_61 = arith.constant 0 : i32
      %dma_start3A_62 = tpu.memref_slice %arg10[%dma_start3A, %dma_start3A_61] : memref<125x256xbf16, #tpu.memory_space<vmem>> -> memref<64x256xbf16, #tpu.memory_space<vmem>>
      %dma_start3A_63 = arith.constant 0 : i32
      %dma_start3A_64 = tpu.memref_slice %arg8[%add3A_10, %dma_start3A_63] : memref<10240x256xbf16, #tpu.memory_space<vmem_shared>> -> memref<64x256xbf16, #tpu.memory_space<vmem_shared>>
      %dma_start3A_65 = arith.constant 0 : i32
      %dma_start3A_66 = tpu.memref_slice %arg8[%add3A_10, %dma_start3A_65] : memref<10240x256xbf16, #tpu.memory_space<vmem_shared>> -> memref<64x256xbf16, #tpu.memory_space<vmem_shared>>
      %dma_start3A_67 = arith.constant 0 : i32
      %dma_start3A_68 = arith.constant 0 : i32
      %dma_start3A_69 = tpu.memref_slice %arg10[%dma_start3A_67, %dma_start3A_68] : memref<125x256xbf16, #tpu.memory_space<vmem>> -> memref<64x256xbf16, #tpu.memory_space<vmem>>
      tpu.enqueue_dma source(%dma_start3A_69 : memref<64x256xbf16, #tpu.memory_space<vmem>>) target(%dma_start3A_66 : memref<64x256xbf16, #tpu.memory_space<vmem_shared>>) target_semaphore(%run_scoped3A : memref<!tpu.dma_semaphore, #tpu.memory_space<semaphore_mem>>)
      %dma_wait3A = arith.constant 0 : i32
      %dma_wait3A_70 = arith.constant 0 : i32
      %dma_wait3A_71 = tpu.memref_slice %arg10[%dma_wait3A, %dma_wait3A_70] : memref<125x256xbf16, #tpu.memory_space<vmem>> -> memref<64x256xbf16, #tpu.memory_space<vmem>>
      %dma_wait3A_72 = arith.constant 0 : i32
      %dma_wait3A_73 = tpu.memref_slice %arg8[%add3A_10, %dma_wait3A_72] : memref<10240x256xbf16, #tpu.memory_space<vmem_shared>> -> memref<64x256xbf16, #tpu.memory_space<vmem_shared>>
      %dma_wait3A_74 = arith.constant 0 : i32
      %dma_wait3A_75 = tpu.memref_slice %arg8[%add3A_10, %dma_wait3A_74] : memref<10240x256xbf16, #tpu.memory_space<vmem_shared>> -> memref<64x256xbf16, #tpu.memory_space<vmem_shared>>
      %dma_wait3A_76 = arith.constant 0 : i32
      %dma_wait3A_77 = arith.constant 0 : i32
      %dma_wait3A_78 = tpu.memref_slice %arg10[%dma_wait3A_76, %dma_wait3A_77] : memref<125x256xbf16, #tpu.memory_space<vmem>> -> memref<64x256xbf16, #tpu.memory_space<vmem>>
      tpu.wait_dma2 semaphore(%run_scoped3A : memref<!tpu.dma_semaphore, #tpu.memory_space<semaphore_mem>>) src(%dma_wait3A_78 : memref<64x256xbf16, #tpu.memory_space<vmem>>) dst(%dma_wait3A_75 : memref<64x256xbf16, #tpu.memory_space<vmem_shared>>)
      tpu.yield
    }) : () -> ()
    %mul3A_11 = arith.constant 640 : i32
    %mul3A_12 = arith.muli %arg1, %mul3A_11 : i32
    %add3A_13 = arith.constant 128 : i32
    %add3A_14 = arith.addi %mul3A_12, %add3A_13 : i32
    "tpu.region"() ({
      %run_scoped3A = tpu.sem_alloc : memref<!tpu.dma_semaphore, #tpu.memory_space<semaphore_mem>>
      %dma_start3A = arith.constant 0 : i32
      %dma_start3A_61 = arith.constant 0 : i32
      %dma_start3A_62 = tpu.memref_slice %arg10[%dma_start3A, %dma_start3A_61] : memref<125x256xbf16, #tpu.memory_space<vmem>> -> memref<64x256xbf16, #tpu.memory_space<vmem>>
      %dma_start3A_63 = arith.constant 0 : i32
      %dma_start3A_64 = tpu.memref_slice %arg8[%add3A_14, %dma_start3A_63] : memref<10240x256xbf16, #tpu.memory_space<vmem_shared>> -> memref<64x256xbf16, #tpu.memory_space<vmem_shared>>
      %dma_start3A_65 = arith.constant 0 : i32
      %dma_start3A_66 = tpu.memref_slice %arg8[%add3A_14, %dma_start3A_65] : memref<10240x256xbf16, #tpu.memory_space<vmem_shared>> -> memref<64x256xbf16, #tpu.memory_space<vmem_shared>>
      %dma_start3A_67 = arith.constant 0 : i32
      %dma_start3A_68 = arith.constant 0 : i32
      %dma_start3A_69 = tpu.memref_slice %arg10[%dma_start3A_67, %dma_start3A_68] : memref<125x256xbf16, #tpu.memory_space<vmem>> -> memref<64x256xbf16, #tpu.memory_space<vmem>>
      tpu.enqueue_dma source(%dma_start3A_69 : memref<64x256xbf16, #tpu.memory_space<vmem>>) target(%dma_start3A_66 : memref<64x256xbf16, #tpu.memory_space<vmem_shared>>) target_semaphore(%run_scoped3A : memref<!tpu.dma_semaphore, #tpu.memory_space<semaphore_mem>>)
      %dma_wait3A = arith.constant 0 : i32
      %dma_wait3A_70 = arith.constant 0 : i32
      %dma_wait3A_71 = tpu.memref_slice %arg10[%dma_wait3A, %dma_wait3A_70] : memref<125x256xbf16, #tpu.memory_space<vmem>> -> memref<64x256xbf16, #tpu.memory_space<vmem>>
      %dma_wait3A_72 = arith.constant 0 : i32
      %dma_wait3A_73 = tpu.memref_slice %arg8[%add3A_14, %dma_wait3A_72] : memref<10240x256xbf16, #tpu.memory_space<vmem_shared>> -> memref<64x256xbf16, #tpu.memory_space<vmem_shared>>
      %dma_wait3A_74 = arith.constant 0 : i32
      %dma_wait3A_75 = tpu.memref_slice %arg8[%add3A_14, %dma_wait3A_74] : memref<10240x256xbf16, #tpu.memory_space<vmem_shared>> -> memref<64x256xbf16, #tpu.memory_space<vmem_shared>>
      %dma_wait3A_76 = arith.constant 0 : i32
      %dma_wait3A_77 = arith.constant 0 : i32
      %dma_wait3A_78 = tpu.memref_slice %arg10[%dma_wait3A_76, %dma_wait3A_77] : memref<125x256xbf16, #tpu.memory_space<vmem>> -> memref<64x256xbf16, #tpu.memory_space<vmem>>
      tpu.wait_dma2 semaphore(%run_scoped3A : memref<!tpu.dma_semaphore, #tpu.memory_space<semaphore_mem>>) src(%dma_wait3A_78 : memref<64x256xbf16, #tpu.memory_space<vmem>>) dst(%dma_wait3A_75 : memref<64x256xbf16, #tpu.memory_space<vmem_shared>>)
      tpu.yield
    }) : () -> ()
    %mul3A_15 = arith.constant 640 : i32
    %mul3A_16 = arith.muli %arg1, %mul3A_15 : i32
    %add3A_17 = arith.constant 192 : i32
    %add3A_18 = arith.addi %mul3A_16, %add3A_17 : i32
    "tpu.region"() ({
      %run_scoped3A = tpu.sem_alloc : memref<!tpu.dma_semaphore, #tpu.memory_space<semaphore_mem>>
      %dma_start3A = arith.constant 0 : i32
      %dma_start3A_61 = arith.constant 0 : i32
      %dma_start3A_62 = tpu.memref_slice %arg10[%dma_start3A, %dma_start3A_61] : memref<125x256xbf16, #tpu.memory_space<vmem>> -> memref<64x256xbf16, #tpu.memory_space<vmem>>
      %dma_start3A_63 = arith.constant 0 : i32
      %dma_start3A_64 = tpu.memref_slice %arg8[%add3A_18, %dma_start3A_63] : memref<10240x256xbf16, #tpu.memory_space<vmem_shared>> -> memref<64x256xbf16, #tpu.memory_space<vmem_shared>>
      %dma_start3A_65 = arith.constant 0 : i32
      %dma_start3A_66 = tpu.memref_slice %arg8[%add3A_18, %dma_start3A_65] : memref<10240x256xbf16, #tpu.memory_space<vmem_shared>> -> memref<64x256xbf16, #tpu.memory_space<vmem_shared>>
      %dma_start3A_67 = arith.constant 0 : i32
      %dma_start3A_68 = arith.constant 0 : i32
      %dma_start3A_69 = tpu.memref_slice %arg10[%dma_start3A_67, %dma_start3A_68] : memref<125x256xbf16, #tpu.memory_space<vmem>> -> memref<64x256xbf16, #tpu.memory_space<vmem>>
      tpu.enqueue_dma source(%dma_start3A_69 : memref<64x256xbf16, #tpu.memory_space<vmem>>) target(%dma_start3A_66 : memref<64x256xbf16, #tpu.memory_space<vmem_shared>>) target_semaphore(%run_scoped3A : memref<!tpu.dma_semaphore, #tpu.memory_space<semaphore_mem>>)
      %dma_wait3A = arith.constant 0 : i32
      %dma_wait3A_70 = arith.constant 0 : i32
      %dma_wait3A_71 = tpu.memref_slice %arg10[%dma_wait3A, %dma_wait3A_70] : memref<125x256xbf16, #tpu.memory_space<vmem>> -> memref<64x256xbf16, #tpu.memory_space<vmem>>
      %dma_wait3A_72 = arith.constant 0 : i32
      %dma_wait3A_73 = tpu.memref_slice %arg8[%add3A_18, %dma_wait3A_72] : memref<10240x256xbf16, #tpu.memory_space<vmem_shared>> -> memref<64x256xbf16, #tpu.memory_space<vmem_shared>>
      %dma_wait3A_74 = arith.constant 0 : i32
      %dma_wait3A_75 = tpu.memref_slice %arg8[%add3A_18, %dma_wait3A_74] : memref<10240x256xbf16, #tpu.memory_space<vmem_shared>> -> memref<64x256xbf16, #tpu.memory_space<vmem_shared>>
      %dma_wait3A_76 = arith.constant 0 : i32
      %dma_wait3A_77 = arith.constant 0 : i32
      %dma_wait3A_78 = tpu.memref_slice %arg10[%dma_wait3A_76, %dma_wait3A_77] : memref<125x256xbf16, #tpu.memory_space<vmem>> -> memref<64x256xbf16, #tpu.memory_space<vmem>>
      tpu.wait_dma2 semaphore(%run_scoped3A : memref<!tpu.dma_semaphore, #tpu.memory_space<semaphore_mem>>) src(%dma_wait3A_78 : memref<64x256xbf16, #tpu.memory_space<vmem>>) dst(%dma_wait3A_75 : memref<64x256xbf16, #tpu.memory_space<vmem_shared>>)
      tpu.yield
    }) : () -> ()
    %mul3A_19 = arith.constant 640 : i32
    %mul3A_20 = arith.muli %arg1, %mul3A_19 : i32
    %add3A_21 = arith.constant 256 : i32
    %add3A_22 = arith.addi %mul3A_20, %add3A_21 : i32
    "tpu.region"() ({
      %run_scoped3A = tpu.sem_alloc : memref<!tpu.dma_semaphore, #tpu.memory_space<semaphore_mem>>
      %dma_start3A = arith.constant 0 : i32
      %dma_start3A_61 = arith.constant 0 : i32
      %dma_start3A_62 = tpu.memref_slice %arg10[%dma_start3A, %dma_start3A_61] : memref<125x256xbf16, #tpu.memory_space<vmem>> -> memref<64x256xbf16, #tpu.memory_space<vmem>>
      %dma_start3A_63 = arith.constant 0 : i32
      %dma_start3A_64 = tpu.memref_slice %arg8[%add3A_22, %dma_start3A_63] : memref<10240x256xbf16, #tpu.memory_space<vmem_shared>> -> memref<64x256xbf16, #tpu.memory_space<vmem_shared>>
      %dma_start3A_65 = arith.constant 0 : i32
      %dma_start3A_66 = tpu.memref_slice %arg8[%add3A_22, %dma_start3A_65] : memref<10240x256xbf16, #tpu.memory_space<vmem_shared>> -> memref<64x256xbf16, #tpu.memory_space<vmem_shared>>
      %dma_start3A_67 = arith.constant 0 : i32
      %dma_start3A_68 = arith.constant 0 : i32
      %dma_start3A_69 = tpu.memref_slice %arg10[%dma_start3A_67, %dma_start3A_68] : memref<125x256xbf16, #tpu.memory_space<vmem>> -> memref<64x256xbf16, #tpu.memory_space<vmem>>
      tpu.enqueue_dma source(%dma_start3A_69 : memref<64x256xbf16, #tpu.memory_space<vmem>>) target(%dma_start3A_66 : memref<64x256xbf16, #tpu.memory_space<vmem_shared>>) target_semaphore(%run_scoped3A : memref<!tpu.dma_semaphore, #tpu.memory_space<semaphore_mem>>)
      %dma_wait3A = arith.constant 0 : i32
      %dma_wait3A_70 = arith.constant 0 : i32
      %dma_wait3A_71 = tpu.memref_slice %arg10[%dma_wait3A, %dma_wait3A_70] : memref<125x256xbf16, #tpu.memory_space<vmem>> -> memref<64x256xbf16, #tpu.memory_space<vmem>>
      %dma_wait3A_72 = arith.constant 0 : i32
      %dma_wait3A_73 = tpu.memref_slice %arg8[%add3A_22, %dma_wait3A_72] : memref<10240x256xbf16, #tpu.memory_space<vmem_shared>> -> memref<64x256xbf16, #tpu.memory_space<vmem_shared>>
      %dma_wait3A_74 = arith.constant 0 : i32
      %dma_wait3A_75 = tpu.memref_slice %arg8[%add3A_22, %dma_wait3A_74] : memref<10240x256xbf16, #tpu.memory_space<vmem_shared>> -> memref<64x256xbf16, #tpu.memory_space<vmem_shared>>
      %dma_wait3A_76 = arith.constant 0 : i32
      %dma_wait3A_77 = arith.constant 0 : i32
      %dma_wait3A_78 = tpu.memref_slice %arg10[%dma_wait3A_76, %dma_wait3A_77] : memref<125x256xbf16, #tpu.memory_space<vmem>> -> memref<64x256xbf16, #tpu.memory_space<vmem>>
      tpu.wait_dma2 semaphore(%run_scoped3A : memref<!tpu.dma_semaphore, #tpu.memory_space<semaphore_mem>>) src(%dma_wait3A_78 : memref<64x256xbf16, #tpu.memory_space<vmem>>) dst(%dma_wait3A_75 : memref<64x256xbf16, #tpu.memory_space<vmem_shared>>)
      tpu.yield
    }) : () -> ()
    %mul3A_23 = arith.constant 640 : i32
    %mul3A_24 = arith.muli %arg1, %mul3A_23 : i32
    %add3A_25 = arith.constant 320 : i32
    %add3A_26 = arith.addi %mul3A_24, %add3A_25 : i32
    "tpu.region"() ({
      %run_scoped3A = tpu.sem_alloc : memref<!tpu.dma_semaphore, #tpu.memory_space<semaphore_mem>>
      %dma_start3A = arith.constant 0 : i32
      %dma_start3A_61 = arith.constant 0 : i32
      %dma_start3A_62 = tpu.memref_slice %arg10[%dma_start3A, %dma_start3A_61] : memref<125x256xbf16, #tpu.memory_space<vmem>> -> memref<64x256xbf16, #tpu.memory_space<vmem>>
      %dma_start3A_63 = arith.constant 0 : i32
      %dma_start3A_64 = tpu.memref_slice %arg8[%add3A_26, %dma_start3A_63] : memref<10240x256xbf16, #tpu.memory_space<vmem_shared>> -> memref<64x256xbf16, #tpu.memory_space<vmem_shared>>
      %dma_start3A_65 = arith.constant 0 : i32
      %dma_start3A_66 = tpu.memref_slice %arg8[%add3A_26, %dma_start3A_65] : memref<10240x256xbf16, #tpu.memory_space<vmem_shared>> -> memref<64x256xbf16, #tpu.memory_space<vmem_shared>>
      %dma_start3A_67 = arith.constant 0 : i32
      %dma_start3A_68 = arith.constant 0 : i32
      %dma_start3A_69 = tpu.memref_slice %arg10[%dma_start3A_67, %dma_start3A_68] : memref<125x256xbf16, #tpu.memory_space<vmem>> -> memref<64x256xbf16, #tpu.memory_space<vmem>>
      tpu.enqueue_dma source(%dma_start3A_69 : memref<64x256xbf16, #tpu.memory_space<vmem>>) target(%dma_start3A_66 : memref<64x256xbf16, #tpu.memory_space<vmem_shared>>) target_semaphore(%run_scoped3A : memref<!tpu.dma_semaphore, #tpu.memory_space<semaphore_mem>>)
      %dma_wait3A = arith.constant 0 : i32
      %dma_wait3A_70 = arith.constant 0 : i32
      %dma_wait3A_71 = tpu.memref_slice %arg10[%dma_wait3A, %dma_wait3A_70] : memref<125x256xbf16, #tpu.memory_space<vmem>> -> memref<64x256xbf16, #tpu.memory_space<vmem>>
      %dma_wait3A_72 = arith.constant 0 : i32
      %dma_wait3A_73 = tpu.memref_slice %arg8[%add3A_26, %dma_wait3A_72] : memref<10240x256xbf16, #tpu.memory_space<vmem_shared>> -> memref<64x256xbf16, #tpu.memory_space<vmem_shared>>
      %dma_wait3A_74 = arith.constant 0 : i32
      %dma_wait3A_75 = tpu.memref_slice %arg8[%add3A_26, %dma_wait3A_74] : memref<10240x256xbf16, #tpu.memory_space<vmem_shared>> -> memref<64x256xbf16, #tpu.memory_space<vmem_shared>>
      %dma_wait3A_76 = arith.constant 0 : i32
      %dma_wait3A_77 = arith.constant 0 : i32
      %dma_wait3A_78 = tpu.memref_slice %arg10[%dma_wait3A_76, %dma_wait3A_77] : memref<125x256xbf16, #tpu.memory_space<vmem>> -> memref<64x256xbf16, #tpu.memory_space<vmem>>
      tpu.wait_dma2 semaphore(%run_scoped3A : memref<!tpu.dma_semaphore, #tpu.memory_space<semaphore_mem>>) src(%dma_wait3A_78 : memref<64x256xbf16, #tpu.memory_space<vmem>>) dst(%dma_wait3A_75 : memref<64x256xbf16, #tpu.memory_space<vmem_shared>>)
      tpu.yield
    }) : () -> ()
    %mul3A_27 = arith.constant 640 : i32
    %mul3A_28 = arith.muli %arg1, %mul3A_27 : i32
    %add3A_29 = arith.constant 384 : i32
    %add3A_30 = arith.addi %mul3A_28, %add3A_29 : i32
    "tpu.region"() ({
      %run_scoped3A = tpu.sem_alloc : memref<!tpu.dma_semaphore, #tpu.memory_space<semaphore_mem>>
      %dma_start3A = arith.constant 0 : i32
      %dma_start3A_61 = arith.constant 0 : i32
      %dma_start3A_62 = tpu.memref_slice %arg10[%dma_start3A, %dma_start3A_61] : memref<125x256xbf16, #tpu.memory_space<vmem>> -> memref<64x256xbf16, #tpu.memory_space<vmem>>
      %dma_start3A_63 = arith.constant 0 : i32
      %dma_start3A_64 = tpu.memref_slice %arg8[%add3A_30, %dma_start3A_63] : memref<10240x256xbf16, #tpu.memory_space<vmem_shared>> -> memref<64x256xbf16, #tpu.memory_space<vmem_shared>>
      %dma_start3A_65 = arith.constant 0 : i32
      %dma_start3A_66 = tpu.memref_slice %arg8[%add3A_30, %dma_start3A_65] : memref<10240x256xbf16, #tpu.memory_space<vmem_shared>> -> memref<64x256xbf16, #tpu.memory_space<vmem_shared>>
      %dma_start3A_67 = arith.constant 0 : i32
      %dma_start3A_68 = arith.constant 0 : i32
      %dma_start3A_69 = tpu.memref_slice %arg10[%dma_start3A_67, %dma_start3A_68] : memref<125x256xbf16, #tpu.memory_space<vmem>> -> memref<64x256xbf16, #tpu.memory_space<vmem>>
      tpu.enqueue_dma source(%dma_start3A_69 : memref<64x256xbf16, #tpu.memory_space<vmem>>) target(%dma_start3A_66 : memref<64x256xbf16, #tpu.memory_space<vmem_shared>>) target_semaphore(%run_scoped3A : memref<!tpu.dma_semaphore, #tpu.memory_space<semaphore_mem>>)
      %dma_wait3A = arith.constant 0 : i32
      %dma_wait3A_70 = arith.constant 0 : i32
      %dma_wait3A_71 = tpu.memref_slice %arg10[%dma_wait3A, %dma_wait3A_70] : memref<125x256xbf16, #tpu.memory_space<vmem>> -> memref<64x256xbf16, #tpu.memory_space<vmem>>
      %dma_wait3A_72 = arith.constant 0 : i32
      %dma_wait3A_73 = tpu.memref_slice %arg8[%add3A_30, %dma_wait3A_72] : memref<10240x256xbf16, #tpu.memory_space<vmem_shared>> -> memref<64x256xbf16, #tpu.memory_space<vmem_shared>>
      %dma_wait3A_74 = arith.constant 0 : i32
      %dma_wait3A_75 = tpu.memref_slice %arg8[%add3A_30, %dma_wait3A_74] : memref<10240x256xbf16, #tpu.memory_space<vmem_shared>> -> memref<64x256xbf16, #tpu.memory_space<vmem_shared>>
      %dma_wait3A_76 = arith.constant 0 : i32
      %dma_wait3A_77 = arith.constant 0 : i32
      %dma_wait3A_78 = tpu.memref_slice %arg10[%dma_wait3A_76, %dma_wait3A_77] : memref<125x256xbf16, #tpu.memory_space<vmem>> -> memref<64x256xbf16, #tpu.memory_space<vmem>>
      tpu.wait_dma2 semaphore(%run_scoped3A : memref<!tpu.dma_semaphore, #tpu.memory_space<semaphore_mem>>) src(%dma_wait3A_78 : memref<64x256xbf16, #tpu.memory_space<vmem>>) dst(%dma_wait3A_75 : memref<64x256xbf16, #tpu.memory_space<vmem_shared>>)
      tpu.yield
    }) : () -> ()
    %mul3A_31 = arith.constant 640 : i32
    %mul3A_32 = arith.muli %arg1, %mul3A_31 : i32
    %add3A_33 = arith.constant 448 : i32
    %add3A_34 = arith.addi %mul3A_32, %add3A_33 : i32
    "tpu.region"() ({
      %run_scoped3A = tpu.sem_alloc : memref<!tpu.dma_semaphore, #tpu.memory_space<semaphore_mem>>
      %dma_start3A = arith.constant 0 : i32
      %dma_start3A_61 = arith.constant 0 : i32
      %dma_start3A_62 = tpu.memref_slice %arg10[%dma_start3A, %dma_start3A_61] : memref<125x256xbf16, #tpu.memory_space<vmem>> -> memref<64x256xbf16, #tpu.memory_space<vmem>>
      %dma_start3A_63 = arith.constant 0 : i32
      %dma_start3A_64 = tpu.memref_slice %arg8[%add3A_34, %dma_start3A_63] : memref<10240x256xbf16, #tpu.memory_space<vmem_shared>> -> memref<64x256xbf16, #tpu.memory_space<vmem_shared>>
      %dma_start3A_65 = arith.constant 0 : i32
      %dma_start3A_66 = tpu.memref_slice %arg8[%add3A_34, %dma_start3A_65] : memref<10240x256xbf16, #tpu.memory_space<vmem_shared>> -> memref<64x256xbf16, #tpu.memory_space<vmem_shared>>
      %dma_start3A_67 = arith.constant 0 : i32
      %dma_start3A_68 = arith.constant 0 : i32
      %dma_start3A_69 = tpu.memref_slice %arg10[%dma_start3A_67, %dma_start3A_68] : memref<125x256xbf16, #tpu.memory_space<vmem>> -> memref<64x256xbf16, #tpu.memory_space<vmem>>
      tpu.enqueue_dma source(%dma_start3A_69 : memref<64x256xbf16, #tpu.memory_space<vmem>>) target(%dma_start3A_66 : memref<64x256xbf16, #tpu.memory_space<vmem_shared>>) target_semaphore(%run_scoped3A : memref<!tpu.dma_semaphore, #tpu.memory_space<semaphore_mem>>)
      %dma_wait3A = arith.constant 0 : i32
      %dma_wait3A_70 = arith.constant 0 : i32
      %dma_wait3A_71 = tpu.memref_slice %arg10[%dma_wait3A, %dma_wait3A_70] : memref<125x256xbf16, #tpu.memory_space<vmem>> -> memref<64x256xbf16, #tpu.memory_space<vmem>>
      %dma_wait3A_72 = arith.constant 0 : i32
      %dma_wait3A_73 = tpu.memref_slice %arg8[%add3A_34, %dma_wait3A_72] : memref<10240x256xbf16, #tpu.memory_space<vmem_shared>> -> memref<64x256xbf16, #tpu.memory_space<vmem_shared>>
      %dma_wait3A_74 = arith.constant 0 : i32
      %dma_wait3A_75 = tpu.memref_slice %arg8[%add3A_34, %dma_wait3A_74] : memref<10240x256xbf16, #tpu.memory_space<vmem_shared>> -> memref<64x256xbf16, #tpu.memory_space<vmem_shared>>
      %dma_wait3A_76 = arith.constant 0 : i32
      %dma_wait3A_77 = arith.constant 0 : i32
      %dma_wait3A_78 = tpu.memref_slice %arg10[%dma_wait3A_76, %dma_wait3A_77] : memref<125x256xbf16, #tpu.memory_space<vmem>> -> memref<64x256xbf16, #tpu.memory_space<vmem>>
      tpu.wait_dma2 semaphore(%run_scoped3A : memref<!tpu.dma_semaphore, #tpu.memory_space<semaphore_mem>>) src(%dma_wait3A_78 : memref<64x256xbf16, #tpu.memory_space<vmem>>) dst(%dma_wait3A_75 : memref<64x256xbf16, #tpu.memory_space<vmem_shared>>)
      tpu.yield
    }) : () -> ()
    %mul3A_35 = arith.constant 640 : i32
    %mul3A_36 = arith.muli %arg1, %mul3A_35 : i32
    %add3A_37 = arith.constant 512 : i32
    %add3A_38 = arith.addi %mul3A_36, %add3A_37 : i32
    "tpu.region"() ({
      %run_scoped3A = tpu.sem_alloc : memref<!tpu.dma_semaphore, #tpu.memory_space<semaphore_mem>>
      %dma_start3A = arith.constant 0 : i32
      %dma_start3A_61 = arith.constant 0 : i32
      %dma_start3A_62 = tpu.memref_slice %arg10[%dma_start3A, %dma_start3A_61] : memref<125x256xbf16, #tpu.memory_space<vmem>> -> memref<64x256xbf16, #tpu.memory_space<vmem>>
      %dma_start3A_63 = arith.constant 0 : i32
      %dma_start3A_64 = tpu.memref_slice %arg8[%add3A_38, %dma_start3A_63] : memref<10240x256xbf16, #tpu.memory_space<vmem_shared>> -> memref<64x256xbf16, #tpu.memory_space<vmem_shared>>
      %dma_start3A_65 = arith.constant 0 : i32
      %dma_start3A_66 = tpu.memref_slice %arg8[%add3A_38, %dma_start3A_65] : memref<10240x256xbf16, #tpu.memory_space<vmem_shared>> -> memref<64x256xbf16, #tpu.memory_space<vmem_shared>>
      %dma_start3A_67 = arith.constant 0 : i32
      %dma_start3A_68 = arith.constant 0 : i32
      %dma_start3A_69 = tpu.memref_slice %arg10[%dma_start3A_67, %dma_start3A_68] : memref<125x256xbf16, #tpu.memory_space<vmem>> -> memref<64x256xbf16, #tpu.memory_space<vmem>>
      tpu.enqueue_dma source(%dma_start3A_69 : memref<64x256xbf16, #tpu.memory_space<vmem>>) target(%dma_start3A_66 : memref<64x256xbf16, #tpu.memory_space<vmem_shared>>) target_semaphore(%run_scoped3A : memref<!tpu.dma_semaphore, #tpu.memory_space<semaphore_mem>>)
      %dma_wait3A = arith.constant 0 : i32
      %dma_wait3A_70 = arith.constant 0 : i32
      %dma_wait3A_71 = tpu.memref_slice %arg10[%dma_wait3A, %dma_wait3A_70] : memref<125x256xbf16, #tpu.memory_space<vmem>> -> memref<64x256xbf16, #tpu.memory_space<vmem>>
      %dma_wait3A_72 = arith.constant 0 : i32
      %dma_wait3A_73 = tpu.memref_slice %arg8[%add3A_38, %dma_wait3A_72] : memref<10240x256xbf16, #tpu.memory_space<vmem_shared>> -> memref<64x256xbf16, #tpu.memory_space<vmem_shared>>
      %dma_wait3A_74 = arith.constant 0 : i32
      %dma_wait3A_75 = tpu.memref_slice %arg8[%add3A_38, %dma_wait3A_74] : memref<10240x256xbf16, #tpu.memory_space<vmem_shared>> -> memref<64x256xbf16, #tpu.memory_space<vmem_shared>>
      %dma_wait3A_76 = arith.constant 0 : i32
      %dma_wait3A_77 = arith.constant 0 : i32
      %dma_wait3A_78 = tpu.memref_slice %arg10[%dma_wait3A_76, %dma_wait3A_77] : memref<125x256xbf16, #tpu.memory_space<vmem>> -> memref<64x256xbf16, #tpu.memory_space<vmem>>
      tpu.wait_dma2 semaphore(%run_scoped3A : memref<!tpu.dma_semaphore, #tpu.memory_space<semaphore_mem>>) src(%dma_wait3A_78 : memref<64x256xbf16, #tpu.memory_space<vmem>>) dst(%dma_wait3A_75 : memref<64x256xbf16, #tpu.memory_space<vmem_shared>>)
      tpu.yield
    }) : () -> ()
    %mul3A_39 = arith.constant 640 : i32
    %mul3A_40 = arith.muli %arg1, %mul3A_39 : i32
    %add3A_41 = arith.constant 576 : i32
    %add3A_42 = arith.addi %mul3A_40, %add3A_41 : i32
    "tpu.region"() ({
      %run_scoped3A = tpu.sem_alloc : memref<!tpu.dma_semaphore, #tpu.memory_space<semaphore_mem>>
      %dma_start3A = arith.constant 0 : i32
      %dma_start3A_61 = arith.constant 0 : i32
      %dma_start3A_62 = tpu.memref_slice %arg10[%dma_start3A, %dma_start3A_61] : memref<125x256xbf16, #tpu.memory_space<vmem>> -> memref<64x256xbf16, #tpu.memory_space<vmem>>
      %dma_start3A_63 = arith.constant 0 : i32
      %dma_start3A_64 = tpu.memref_slice %arg8[%add3A_42, %dma_start3A_63] : memref<10240x256xbf16, #tpu.memory_space<vmem_shared>> -> memref<64x256xbf16, #tpu.memory_space<vmem_shared>>
      %dma_start3A_65 = arith.constant 0 : i32
      %dma_start3A_66 = tpu.memref_slice %arg8[%add3A_42, %dma_start3A_65] : memref<10240x256xbf16, #tpu.memory_space<vmem_shared>> -> memref<64x256xbf16, #tpu.memory_space<vmem_shared>>
      %dma_start3A_67 = arith.constant 0 : i32
      %dma_start3A_68 = arith.constant 0 : i32
      %dma_start3A_69 = tpu.memref_slice %arg10[%dma_start3A_67, %dma_start3A_68] : memref<125x256xbf16, #tpu.memory_space<vmem>> -> memref<64x256xbf16, #tpu.memory_space<vmem>>
      tpu.enqueue_dma source(%dma_start3A_69 : memref<64x256xbf16, #tpu.memory_space<vmem>>) target(%dma_start3A_66 : memref<64x256xbf16, #tpu.memory_space<vmem_shared>>) target_semaphore(%run_scoped3A : memref<!tpu.dma_semaphore, #tpu.memory_space<semaphore_mem>>)
      %dma_wait3A = arith.constant 0 : i32
      %dma_wait3A_70 = arith.constant 0 : i32
      %dma_wait3A_71 = tpu.memref_slice %arg10[%dma_wait3A, %dma_wait3A_70] : memref<125x256xbf16, #tpu.memory_space<vmem>> -> memref<64x256xbf16, #tpu.memory_space<vmem>>
      %dma_wait3A_72 = arith.constant 0 : i32
      %dma_wait3A_73 = tpu.memref_slice %arg8[%add3A_42, %dma_wait3A_72] : memref<10240x256xbf16, #tpu.memory_space<vmem_shared>> -> memref<64x256xbf16, #tpu.memory_space<vmem_shared>>
      %dma_wait3A_74 = arith.constant 0 : i32
      %dma_wait3A_75 = tpu.memref_slice %arg8[%add3A_42, %dma_wait3A_74] : memref<10240x256xbf16, #tpu.memory_space<vmem_shared>> -> memref<64x256xbf16, #tpu.memory_space<vmem_shared>>
      %dma_wait3A_76 = arith.constant 0 : i32
      %dma_wait3A_77 = arith.constant 0 : i32
      %dma_wait3A_78 = tpu.memref_slice %arg10[%dma_wait3A_76, %dma_wait3A_77] : memref<125x256xbf16, #tpu.memory_space<vmem>> -> memref<64x256xbf16, #tpu.memory_space<vmem>>
      tpu.wait_dma2 semaphore(%run_scoped3A : memref<!tpu.dma_semaphore, #tpu.memory_space<semaphore_mem>>) src(%dma_wait3A_78 : memref<64x256xbf16, #tpu.memory_space<vmem>>) dst(%dma_wait3A_75 : memref<64x256xbf16, #tpu.memory_space<vmem_shared>>)
      tpu.yield
    }) : () -> ()
    %barrier3A = arith.constant 0 : index
    tpu.barrier barrier_id(%barrier3A)
    %eq3A = arith.constant 0 : i32
    %eq3A_43 = arith.cmpi eq, %arg0, %eq3A : i32
    %convert_element_type3A = arith.extui %eq3A_43 : i1 to i32
    %cond3A = arith.constant 0 : i32
    %cond3A_44 = arith.cmpi ne, %convert_element_type3A, %cond3A : i32
    scf.if %cond3A_44 {
      %dma_start3A = arith.constant 0 : i32
      %dma_start3A_61 = arith.constant 0 : i32
      %dma_start3A_62 = tpu.memref_slice %arg14[%dma_start3A, %dma_start3A_61] : memref<40x125xi32, #tpu.memory_space<vmem>> -> memref<1x125xi32, #tpu.memory_space<vmem>>
      %dma_start3A_63 = tpu.memref_squeeze %dma_start3A_62 : memref<1x125xi32, #tpu.memory_space<vmem>> -> memref<125xi32, #tpu.memory_space<vmem>>
      %dma_start3A_64 = arith.constant 0 : i32
      %dma_start3A_65 = arith.constant 0 : i32
      %dma_start3A_66 = tpu.memref_slice %arg2[%dma_start3A_64, %dma_start3A_65] : memref<10000x256xbf16, #tpu.memory_space<hbm>> -> memref<10000x256xbf16, #tpu.memory_space<hbm>>
      tpu.enqueue_indirect_dma source(%dma_start3A_66 : memref<10000x256xbf16, #tpu.memory_space<hbm>>) target(%arg10 : memref<125x256xbf16, #tpu.memory_space<vmem>>) offsets(%dma_start3A_63 : memref<125xi32, #tpu.memory_space<vmem>>) semaphore(%arg12 : memref<!tpu.dma_semaphore, #tpu.memory_space<semaphore_mem>>)
      %scan3A_67 = arith.constant 0 : i32
      %scan3A_68 = arith.constant 20 : i32
      %scan3A_69 = arith.addi %scan3A_67, %scan3A_68 : i32
      %scan3A_70 = arith.constant 1 : i32
      scf.for %scan3A_72 = %scan3A_67 to %scan3A_69 step %scan3A_70  : i32 {
        %mul3A_73 = arith.constant 2 : i32
        %mul3A_74 = arith.muli %scan3A_72, %mul3A_73 : i32
        %add3A_75 = arith.constant 0 : i32
        %add3A_76 = arith.addi %add3A_75, %mul3A_74 : i32
        %add3A_77 = arith.constant 1 : i32
        %add3A_78 = arith.addi %add3A_76, %add3A_77 : i32
        %dma_start3A_79 = arith.constant 0 : i32
        %dma_start3A_80 = tpu.memref_slice %arg14[%add3A_78, %dma_start3A_79] : memref<40x125xi32, #tpu.memory_space<vmem>> -> memref<1x125xi32, #tpu.memory_space<vmem>>
        %dma_start3A_81 = tpu.memref_squeeze %dma_start3A_80 : memref<1x125xi32, #tpu.memory_space<vmem>> -> memref<125xi32, #tpu.memory_space<vmem>>
        %dma_start3A_82 = arith.constant 0 : i32
        %dma_start3A_83 = arith.constant 0 : i32
        %dma_start3A_84 = tpu.memref_slice %arg2[%dma_start3A_82, %dma_start3A_83] : memref<10000x256xbf16, #tpu.memory_space<hbm>> -> memref<10000x256xbf16, #tpu.memory_space<hbm>>
        tpu.enqueue_indirect_dma source(%dma_start3A_84 : memref<10000x256xbf16, #tpu.memory_space<hbm>>) target(%arg11 : memref<125x256xbf16, #tpu.memory_space<vmem>>) offsets(%dma_start3A_81 : memref<125xi32, #tpu.memory_space<vmem>>) semaphore(%arg13 : memref<!tpu.dma_semaphore, #tpu.memory_space<semaphore_mem>>)
        %dma_wait3A = arith.constant 0 : i32
        %dma_wait3A_85 = tpu.memref_slice %arg14[%add3A_76, %dma_wait3A] : memref<40x125xi32, #tpu.memory_space<vmem>> -> memref<1x125xi32, #tpu.memory_space<vmem>>
        %dma_wait3A_86 = tpu.memref_squeeze %dma_wait3A_85 : memref<1x125xi32, #tpu.memory_space<vmem>> -> memref<125xi32, #tpu.memory_space<vmem>>
        %dma_wait3A_87 = arith.constant 0 : i32
        %dma_wait3A_88 = arith.constant 0 : i32
        %dma_wait3A_89 = tpu.memref_slice %arg2[%dma_wait3A_87, %dma_wait3A_88] : memref<10000x256xbf16, #tpu.memory_space<hbm>> -> memref<10000x256xbf16, #tpu.memory_space<hbm>>
        tpu.wait_indirect_dma semaphore(%arg12 : memref<!tpu.dma_semaphore, #tpu.memory_space<semaphore_mem>>) src(%dma_wait3A_89 : memref<10000x256xbf16, #tpu.memory_space<hbm>>) dst(%arg10 : memref<125x256xbf16, #tpu.memory_space<vmem>>)
        "tpu.region"() ({
          %run_scoped3A = tpu.sem_alloc : memref<!tpu.dma_semaphore, #tpu.memory_space<semaphore_mem>>
          %dma_start3A_106 = arith.constant 0 : i32
          %dma_start3A_107 = tpu.memref_slice %arg9[%add3A_76, %dma_start3A_106] : memref<40x125xi32, #tpu.memory_space<vmem>> -> memref<1x125xi32, #tpu.memory_space<vmem>>
          %dma_start3A_108 = tpu.memref_squeeze %dma_start3A_107 : memref<1x125xi32, #tpu.memory_space<vmem>> -> memref<125xi32, #tpu.memory_space<vmem>>
          %dma_start3A_109 = arith.constant 0 : i32
          %dma_start3A_110 = arith.constant 0 : i32
          %dma_start3A_111 = tpu.memref_slice %arg8[%dma_start3A_109, %dma_start3A_110] : memref<10240x256xbf16, #tpu.memory_space<vmem_shared>> -> memref<10240x256xbf16, #tpu.memory_space<vmem_shared>>
          tpu.enqueue_indirect_dma source(%arg10 : memref<125x256xbf16, #tpu.memory_space<vmem>>) target(%dma_start3A_111 : memref<10240x256xbf16, #tpu.memory_space<vmem_shared>>) offsets(%dma_start3A_108 : memref<125xi32, #tpu.memory_space<vmem>>) semaphore(%run_scoped3A : memref<!tpu.dma_semaphore, #tpu.memory_space<semaphore_mem>>) {add = true}
          %dma_wait3A_112 = arith.constant 0 : i32
          %dma_wait3A_113 = tpu.memref_slice %arg9[%add3A_76, %dma_wait3A_112] : memref<40x125xi32, #tpu.memory_space<vmem>> -> memref<1x125xi32, #tpu.memory_space<vmem>>
          %dma_wait3A_114 = tpu.memref_squeeze %dma_wait3A_113 : memref<1x125xi32, #tpu.memory_space<vmem>> -> memref<125xi32, #tpu.memory_space<vmem>>
          %dma_wait3A_115 = arith.constant 0 : i32
          %dma_wait3A_116 = arith.constant 0 : i32
          %dma_wait3A_117 = tpu.memref_slice %arg8[%dma_wait3A_115, %dma_wait3A_116] : memref<10240x256xbf16, #tpu.memory_space<vmem_shared>> -> memref<10240x256xbf16, #tpu.memory_space<vmem_shared>>
          tpu.wait_indirect_dma semaphore(%run_scoped3A : memref<!tpu.dma_semaphore, #tpu.memory_space<semaphore_mem>>) src(%arg10 : memref<125x256xbf16, #tpu.memory_space<vmem>>) dst(%dma_wait3A_117 : memref<10240x256xbf16, #tpu.memory_space<vmem_shared>>)
          tpu.yield
        }) : () -> ()
        %add3A_90 = arith.constant 2 : i32
        %add3A_91 = arith.addi %add3A_76, %add3A_90 : i32
        %lt3A = arith.constant 40 : i32
        %lt3A_92 = arith.cmpi slt, %add3A_91, %lt3A : i32
        %convert_element_type3A_93 = arith.extui %lt3A_92 : i1 to i32
        %cond3A_94 = arith.constant 0 : i32
        %cond3A_95 = arith.cmpi ne, %convert_element_type3A_93, %cond3A_94 : i32
        scf.if %cond3A_95 {
          %add3A_106 = arith.constant 2 : i32
          %add3A_107 = arith.addi %add3A_76, %add3A_106 : i32
          %dma_start3A_108 = arith.constant 0 : i32
          %dma_start3A_109 = tpu.memref_slice %arg14[%add3A_107, %dma_start3A_108] : memref<40x125xi32, #tpu.memory_space<vmem>> -> memref<1x125xi32, #tpu.memory_space<vmem>>
          %dma_start3A_110 = tpu.memref_squeeze %dma_start3A_109 : memref<1x125xi32, #tpu.memory_space<vmem>> -> memref<125xi32, #tpu.memory_space<vmem>>
          %dma_start3A_111 = arith.constant 0 : i32
          %dma_start3A_112 = arith.constant 0 : i32
          %dma_start3A_113 = tpu.memref_slice %arg2[%dma_start3A_111, %dma_start3A_112] : memref<10000x256xbf16, #tpu.memory_space<hbm>> -> memref<10000x256xbf16, #tpu.memory_space<hbm>>
          tpu.enqueue_indirect_dma source(%dma_start3A_113 : memref<10000x256xbf16, #tpu.memory_space<hbm>>) target(%arg10 : memref<125x256xbf16, #tpu.memory_space<vmem>>) offsets(%dma_start3A_110 : memref<125xi32, #tpu.memory_space<vmem>>) semaphore(%arg12 : memref<!tpu.dma_semaphore, #tpu.memory_space<semaphore_mem>>)
        } else {
        }
        %add3A_96 = arith.constant 1 : i32
        %add3A_97 = arith.addi %add3A_76, %add3A_96 : i32
        %dma_wait3A_98 = arith.constant 0 : i32
        %dma_wait3A_99 = tpu.memref_slice %arg14[%add3A_97, %dma_wait3A_98] : memref<40x125xi32, #tpu.memory_space<vmem>> -> memref<1x125xi32, #tpu.memory_space<vmem>>
        %dma_wait3A_100 = tpu.memref_squeeze %dma_wait3A_99 : memref<1x125xi32, #tpu.memory_space<vmem>> -> memref<125xi32, #tpu.memory_space<vmem>>
        %dma_wait3A_101 = arith.constant 0 : i32
        %dma_wait3A_102 = arith.constant 0 : i32
        %dma_wait3A_103 = tpu.memref_slice %arg2[%dma_wait3A_101, %dma_wait3A_102] : memref<10000x256xbf16, #tpu.memory_space<hbm>> -> memref<10000x256xbf16, #tpu.memory_space<hbm>>
        tpu.wait_indirect_dma semaphore(%arg13 : memref<!tpu.dma_semaphore, #tpu.memory_space<semaphore_mem>>) src(%dma_wait3A_103 : memref<10000x256xbf16, #tpu.memory_space<hbm>>) dst(%arg11 : memref<125x256xbf16, #tpu.memory_space<vmem>>)
        %add3A_104 = arith.constant 1 : i32
        %add3A_105 = arith.addi %add3A_76, %add3A_104 : i32
        "tpu.region"() ({
          %run_scoped3A = tpu.sem_alloc : memref<!tpu.dma_semaphore, #tpu.memory_space<semaphore_mem>>
          %dma_start3A_106 = arith.constant 0 : i32
          %dma_start3A_107 = tpu.memref_slice %arg9[%add3A_105, %dma_start3A_106] : memref<40x125xi32, #tpu.memory_space<vmem>> -> memref<1x125xi32, #tpu.memory_space<vmem>>
          %dma_start3A_108 = tpu.memref_squeeze %dma_start3A_107 : memref<1x125xi32, #tpu.memory_space<vmem>> -> memref<125xi32, #tpu.memory_space<vmem>>
          %dma_start3A_109 = arith.constant 0 : i32
          %dma_start3A_110 = arith.constant 0 : i32
          %dma_start3A_111 = tpu.memref_slice %arg8[%dma_start3A_109, %dma_start3A_110] : memref<10240x256xbf16, #tpu.memory_space<vmem_shared>> -> memref<10240x256xbf16, #tpu.memory_space<vmem_shared>>
          tpu.enqueue_indirect_dma source(%arg11 : memref<125x256xbf16, #tpu.memory_space<vmem>>) target(%dma_start3A_111 : memref<10240x256xbf16, #tpu.memory_space<vmem_shared>>) offsets(%dma_start3A_108 : memref<125xi32, #tpu.memory_space<vmem>>) semaphore(%run_scoped3A : memref<!tpu.dma_semaphore, #tpu.memory_space<semaphore_mem>>) {add = true}
          %dma_wait3A_112 = arith.constant 0 : i32
          %dma_wait3A_113 = tpu.memref_slice %arg9[%add3A_105, %dma_wait3A_112] : memref<40x125xi32, #tpu.memory_space<vmem>> -> memref<1x125xi32, #tpu.memory_space<vmem>>
          %dma_wait3A_114 = tpu.memref_squeeze %dma_wait3A_113 : memref<1x125xi32, #tpu.memory_space<vmem>> -> memref<125xi32, #tpu.memory_space<vmem>>
          %dma_wait3A_115 = arith.constant 0 : i32
          %dma_wait3A_116 = arith.constant 0 : i32
          %dma_wait3A_117 = tpu.memref_slice %arg8[%dma_wait3A_115, %dma_wait3A_116] : memref<10240x256xbf16, #tpu.memory_space<vmem_shared>> -> memref<10240x256xbf16, #tpu.memory_space<vmem_shared>>
          tpu.wait_indirect_dma semaphore(%run_scoped3A : memref<!tpu.dma_semaphore, #tpu.memory_space<semaphore_mem>>) src(%arg11 : memref<125x256xbf16, #tpu.memory_space<vmem>>) dst(%dma_wait3A_117 : memref<10240x256xbf16, #tpu.memory_space<vmem_shared>>)
          tpu.yield
        }) : () -> ()
      }
      %scan3A_71 = arith.constant 20 : i32
    } else {
    }
    %eq3A_45 = arith.constant 1 : i32
    %eq3A_46 = arith.cmpi eq, %arg0, %eq3A_45 : i32
    %convert_element_type3A_47 = arith.extui %eq3A_46 : i1 to i32
    %cond3A_48 = arith.constant 0 : i32
    %cond3A_49 = arith.cmpi ne, %convert_element_type3A_47, %cond3A_48 : i32
    scf.if %cond3A_49 {
      %dma_start3A = arith.constant 0 : i32
      %dma_start3A_61 = arith.constant 0 : i32
      %dma_start3A_62 = tpu.memref_slice %arg14[%dma_start3A, %dma_start3A_61] : memref<40x125xi32, #tpu.memory_space<vmem>> -> memref<1x125xi32, #tpu.memory_space<vmem>>
      %dma_start3A_63 = tpu.memref_squeeze %dma_start3A_62 : memref<1x125xi32, #tpu.memory_space<vmem>> -> memref<125xi32, #tpu.memory_space<vmem>>
      %dma_start3A_64 = arith.constant 0 : i32
      %dma_start3A_65 = arith.constant 0 : i32
      %dma_start3A_66 = tpu.memref_slice %arg3[%dma_start3A_64, %dma_start3A_65] : memref<10000x256xbf16, #tpu.memory_space<hbm>> -> memref<10000x256xbf16, #tpu.memory_space<hbm>>
      tpu.enqueue_indirect_dma source(%dma_start3A_66 : memref<10000x256xbf16, #tpu.memory_space<hbm>>) target(%arg10 : memref<125x256xbf16, #tpu.memory_space<vmem>>) offsets(%dma_start3A_63 : memref<125xi32, #tpu.memory_space<vmem>>) semaphore(%arg12 : memref<!tpu.dma_semaphore, #tpu.memory_space<semaphore_mem>>)
      %scan3A_67 = arith.constant 0 : i32
      %scan3A_68 = arith.constant 20 : i32
      %scan3A_69 = arith.addi %scan3A_67, %scan3A_68 : i32
      %scan3A_70 = arith.constant 1 : i32
      scf.for %scan3A_72 = %scan3A_67 to %scan3A_69 step %scan3A_70  : i32 {
        %mul3A_73 = arith.constant 2 : i32
        %mul3A_74 = arith.muli %scan3A_72, %mul3A_73 : i32
        %add3A_75 = arith.constant 0 : i32
        %add3A_76 = arith.addi %add3A_75, %mul3A_74 : i32
        %add3A_77 = arith.constant 1 : i32
        %add3A_78 = arith.addi %add3A_76, %add3A_77 : i32
        %dma_start3A_79 = arith.constant 0 : i32
        %dma_start3A_80 = tpu.memref_slice %arg14[%add3A_78, %dma_start3A_79] : memref<40x125xi32, #tpu.memory_space<vmem>> -> memref<1x125xi32, #tpu.memory_space<vmem>>
        %dma_start3A_81 = tpu.memref_squeeze %dma_start3A_80 : memref<1x125xi32, #tpu.memory_space<vmem>> -> memref<125xi32, #tpu.memory_space<vmem>>
        %dma_start3A_82 = arith.constant 0 : i32
        %dma_start3A_83 = arith.constant 0 : i32
        %dma_start3A_84 = tpu.memref_slice %arg3[%dma_start3A_82, %dma_start3A_83] : memref<10000x256xbf16, #tpu.memory_space<hbm>> -> memref<10000x256xbf16, #tpu.memory_space<hbm>>
        tpu.enqueue_indirect_dma source(%dma_start3A_84 : memref<10000x256xbf16, #tpu.memory_space<hbm>>) target(%arg11 : memref<125x256xbf16, #tpu.memory_space<vmem>>) offsets(%dma_start3A_81 : memref<125xi32, #tpu.memory_space<vmem>>) semaphore(%arg13 : memref<!tpu.dma_semaphore, #tpu.memory_space<semaphore_mem>>)
        %dma_wait3A = arith.constant 0 : i32
        %dma_wait3A_85 = tpu.memref_slice %arg14[%add3A_76, %dma_wait3A] : memref<40x125xi32, #tpu.memory_space<vmem>> -> memref<1x125xi32, #tpu.memory_space<vmem>>
        %dma_wait3A_86 = tpu.memref_squeeze %dma_wait3A_85 : memref<1x125xi32, #tpu.memory_space<vmem>> -> memref<125xi32, #tpu.memory_space<vmem>>
        %dma_wait3A_87 = arith.constant 0 : i32
        %dma_wait3A_88 = arith.constant 0 : i32
        %dma_wait3A_89 = tpu.memref_slice %arg3[%dma_wait3A_87, %dma_wait3A_88] : memref<10000x256xbf16, #tpu.memory_space<hbm>> -> memref<10000x256xbf16, #tpu.memory_space<hbm>>
        tpu.wait_indirect_dma semaphore(%arg12 : memref<!tpu.dma_semaphore, #tpu.memory_space<semaphore_mem>>) src(%dma_wait3A_89 : memref<10000x256xbf16, #tpu.memory_space<hbm>>) dst(%arg10 : memref<125x256xbf16, #tpu.memory_space<vmem>>)
        "tpu.region"() ({
          %run_scoped3A = tpu.sem_alloc : memref<!tpu.dma_semaphore, #tpu.memory_space<semaphore_mem>>
          %dma_start3A_106 = arith.constant 0 : i32
          %dma_start3A_107 = tpu.memref_slice %arg9[%add3A_76, %dma_start3A_106] : memref<40x125xi32, #tpu.memory_space<vmem>> -> memref<1x125xi32, #tpu.memory_space<vmem>>
          %dma_start3A_108 = tpu.memref_squeeze %dma_start3A_107 : memref<1x125xi32, #tpu.memory_space<vmem>> -> memref<125xi32, #tpu.memory_space<vmem>>
          %dma_start3A_109 = arith.constant 0 : i32
          %dma_start3A_110 = arith.constant 0 : i32
          %dma_start3A_111 = tpu.memref_slice %arg8[%dma_start3A_109, %dma_start3A_110] : memref<10240x256xbf16, #tpu.memory_space<vmem_shared>> -> memref<10240x256xbf16, #tpu.memory_space<vmem_shared>>
          tpu.enqueue_indirect_dma source(%arg10 : memref<125x256xbf16, #tpu.memory_space<vmem>>) target(%dma_start3A_111 : memref<10240x256xbf16, #tpu.memory_space<vmem_shared>>) offsets(%dma_start3A_108 : memref<125xi32, #tpu.memory_space<vmem>>) semaphore(%run_scoped3A : memref<!tpu.dma_semaphore, #tpu.memory_space<semaphore_mem>>) {add = true}
          %dma_wait3A_112 = arith.constant 0 : i32
          %dma_wait3A_113 = tpu.memref_slice %arg9[%add3A_76, %dma_wait3A_112] : memref<40x125xi32, #tpu.memory_space<vmem>> -> memref<1x125xi32, #tpu.memory_space<vmem>>
          %dma_wait3A_114 = tpu.memref_squeeze %dma_wait3A_113 : memref<1x125xi32, #tpu.memory_space<vmem>> -> memref<125xi32, #tpu.memory_space<vmem>>
          %dma_wait3A_115 = arith.constant 0 : i32
          %dma_wait3A_116 = arith.constant 0 : i32
          %dma_wait3A_117 = tpu.memref_slice %arg8[%dma_wait3A_115, %dma_wait3A_116] : memref<10240x256xbf16, #tpu.memory_space<vmem_shared>> -> memref<10240x256xbf16, #tpu.memory_space<vmem_shared>>
          tpu.wait_indirect_dma semaphore(%run_scoped3A : memref<!tpu.dma_semaphore, #tpu.memory_space<semaphore_mem>>) src(%arg10 : memref<125x256xbf16, #tpu.memory_space<vmem>>) dst(%dma_wait3A_117 : memref<10240x256xbf16, #tpu.memory_space<vmem_shared>>)
          tpu.yield
        }) : () -> ()
        %add3A_90 = arith.constant 2 : i32
        %add3A_91 = arith.addi %add3A_76, %add3A_90 : i32
        %lt3A = arith.constant 40 : i32
        %lt3A_92 = arith.cmpi slt, %add3A_91, %lt3A : i32
        %convert_element_type3A_93 = arith.extui %lt3A_92 : i1 to i32
        %cond3A_94 = arith.constant 0 : i32
        %cond3A_95 = arith.cmpi ne, %convert_element_type3A_93, %cond3A_94 : i32
        scf.if %cond3A_95 {
          %add3A_106 = arith.constant 2 : i32
          %add3A_107 = arith.addi %add3A_76, %add3A_106 : i32
          %dma_start3A_108 = arith.constant 0 : i32
          %dma_start3A_109 = tpu.memref_slice %arg14[%add3A_107, %dma_start3A_108] : memref<40x125xi32, #tpu.memory_space<vmem>> -> memref<1x125xi32, #tpu.memory_space<vmem>>
          %dma_start3A_110 = tpu.memref_squeeze %dma_start3A_109 : memref<1x125xi32, #tpu.memory_space<vmem>> -> memref<125xi32, #tpu.memory_space<vmem>>
          %dma_start3A_111 = arith.constant 0 : i32
          %dma_start3A_112 = arith.constant 0 : i32
          %dma_start3A_113 = tpu.memref_slice %arg3[%dma_start3A_111, %dma_start3A_112] : memref<10000x256xbf16, #tpu.memory_space<hbm>> -> memref<10000x256xbf16, #tpu.memory_space<hbm>>
          tpu.enqueue_indirect_dma source(%dma_start3A_113 : memref<10000x256xbf16, #tpu.memory_space<hbm>>) target(%arg10 : memref<125x256xbf16, #tpu.memory_space<vmem>>) offsets(%dma_start3A_110 : memref<125xi32, #tpu.memory_space<vmem>>) semaphore(%arg12 : memref<!tpu.dma_semaphore, #tpu.memory_space<semaphore_mem>>)
        } else {
        }
        %add3A_96 = arith.constant 1 : i32
        %add3A_97 = arith.addi %add3A_76, %add3A_96 : i32
        %dma_wait3A_98 = arith.constant 0 : i32
        %dma_wait3A_99 = tpu.memref_slice %arg14[%add3A_97, %dma_wait3A_98] : memref<40x125xi32, #tpu.memory_space<vmem>> -> memref<1x125xi32, #tpu.memory_space<vmem>>
        %dma_wait3A_100 = tpu.memref_squeeze %dma_wait3A_99 : memref<1x125xi32, #tpu.memory_space<vmem>> -> memref<125xi32, #tpu.memory_space<vmem>>
        %dma_wait3A_101 = arith.constant 0 : i32
        %dma_wait3A_102 = arith.constant 0 : i32
        %dma_wait3A_103 = tpu.memref_slice %arg3[%dma_wait3A_101, %dma_wait3A_102] : memref<10000x256xbf16, #tpu.memory_space<hbm>> -> memref<10000x256xbf16, #tpu.memory_space<hbm>>
        tpu.wait_indirect_dma semaphore(%arg13 : memref<!tpu.dma_semaphore, #tpu.memory_space<semaphore_mem>>) src(%dma_wait3A_103 : memref<10000x256xbf16, #tpu.memory_space<hbm>>) dst(%arg11 : memref<125x256xbf16, #tpu.memory_space<vmem>>)
        %add3A_104 = arith.constant 1 : i32
        %add3A_105 = arith.addi %add3A_76, %add3A_104 : i32
        "tpu.region"() ({
          %run_scoped3A = tpu.sem_alloc : memref<!tpu.dma_semaphore, #tpu.memory_space<semaphore_mem>>
          %dma_start3A_106 = arith.constant 0 : i32
          %dma_start3A_107 = tpu.memref_slice %arg9[%add3A_105, %dma_start3A_106] : memref<40x125xi32, #tpu.memory_space<vmem>> -> memref<1x125xi32, #tpu.memory_space<vmem>>
          %dma_start3A_108 = tpu.memref_squeeze %dma_start3A_107 : memref<1x125xi32, #tpu.memory_space<vmem>> -> memref<125xi32, #tpu.memory_space<vmem>>
          %dma_start3A_109 = arith.constant 0 : i32
          %dma_start3A_110 = arith.constant 0 : i32
          %dma_start3A_111 = tpu.memref_slice %arg8[%dma_start3A_109, %dma_start3A_110] : memref<10240x256xbf16, #tpu.memory_space<vmem_shared>> -> memref<10240x256xbf16, #tpu.memory_space<vmem_shared>>
          tpu.enqueue_indirect_dma source(%arg11 : memref<125x256xbf16, #tpu.memory_space<vmem>>) target(%dma_start3A_111 : memref<10240x256xbf16, #tpu.memory_space<vmem_shared>>) offsets(%dma_start3A_108 : memref<125xi32, #tpu.memory_space<vmem>>) semaphore(%run_scoped3A : memref<!tpu.dma_semaphore, #tpu.memory_space<semaphore_mem>>) {add = true}
          %dma_wait3A_112 = arith.constant 0 : i32
          %dma_wait3A_113 = tpu.memref_slice %arg9[%add3A_105, %dma_wait3A_112] : memref<40x125xi32, #tpu.memory_space<vmem>> -> memref<1x125xi32, #tpu.memory_space<vmem>>
          %dma_wait3A_114 = tpu.memref_squeeze %dma_wait3A_113 : memref<1x125xi32, #tpu.memory_space<vmem>> -> memref<125xi32, #tpu.memory_space<vmem>>
          %dma_wait3A_115 = arith.constant 0 : i32
          %dma_wait3A_116 = arith.constant 0 : i32
          %dma_wait3A_117 = tpu.memref_slice %arg8[%dma_wait3A_115, %dma_wait3A_116] : memref<10240x256xbf16, #tpu.memory_space<vmem_shared>> -> memref<10240x256xbf16, #tpu.memory_space<vmem_shared>>
          tpu.wait_indirect_dma semaphore(%run_scoped3A : memref<!tpu.dma_semaphore, #tpu.memory_space<semaphore_mem>>) src(%arg11 : memref<125x256xbf16, #tpu.memory_space<vmem>>) dst(%dma_wait3A_117 : memref<10240x256xbf16, #tpu.memory_space<vmem_shared>>)
          tpu.yield
        }) : () -> ()
      }
      %scan3A_71 = arith.constant 20 : i32
    } else {
    }
    %barrier3A_50 = arith.constant 0 : index
    tpu.barrier barrier_id(%barrier3A_50)
    %eq3A_51 = arith.constant 0 : i32
    %eq3A_52 = arith.cmpi eq, %arg0, %eq3A_51 : i32
    %convert_element_type3A_53 = arith.extui %eq3A_52 : i1 to i32
    %cond3A_54 = arith.constant 0 : i32
    %cond3A_55 = arith.cmpi ne, %convert_element_type3A_53, %cond3A_54 : i32
    scf.if %cond3A_55 {
      %mul3A_61 = arith.constant 640 : i32
      %mul3A_62 = arith.muli %arg1, %mul3A_61 : i32
      %mul3A_63 = arith.constant 640 : i32
      %mul3A_64 = arith.muli %arg1, %mul3A_63 : i32
      "tpu.region"() ({
        %run_scoped3A = tpu.sem_alloc : memref<!tpu.dma_semaphore, #tpu.memory_space<semaphore_mem>>
        %dma_start3A = arith.constant 0 : i32
        %dma_start3A_65 = tpu.memref_slice %arg6[%mul3A_64, %dma_start3A] : memref<10240x256xbf16, #tpu.memory_space<hbm>> -> memref<640x256xbf16, #tpu.memory_space<hbm>>
        %dma_start3A_66 = arith.constant 0 : i32
        %dma_start3A_67 = tpu.memref_slice %arg8[%mul3A_62, %dma_start3A_66] : memref<10240x256xbf16, #tpu.memory_space<vmem_shared>> -> memref<640x256xbf16, #tpu.memory_space<vmem_shared>>
        tpu.enqueue_dma source(%dma_start3A_67 : memref<640x256xbf16, #tpu.memory_space<vmem_shared>>) target(%dma_start3A_65 : memref<640x256xbf16, #tpu.memory_space<hbm>>) target_semaphore(%run_scoped3A : memref<!tpu.dma_semaphore, #tpu.memory_space<semaphore_mem>>)
        %dma_wait3A = arith.constant 0 : i32
        %dma_wait3A_68 = tpu.memref_slice %arg6[%mul3A_64, %dma_wait3A] : memref<10240x256xbf16, #tpu.memory_space<hbm>> -> memref<640x256xbf16, #tpu.memory_space<hbm>>
        %dma_wait3A_69 = arith.constant 0 : i32
        %dma_wait3A_70 = tpu.memref_slice %arg8[%mul3A_62, %dma_wait3A_69] : memref<10240x256xbf16, #tpu.memory_space<vmem_shared>> -> memref<640x256xbf16, #tpu.memory_space<vmem_shared>>
        tpu.wait_dma2 semaphore(%run_scoped3A : memref<!tpu.dma_semaphore, #tpu.memory_space<semaphore_mem>>) src(%dma_wait3A_70 : memref<640x256xbf16, #tpu.memory_space<vmem_shared>>) dst(%dma_wait3A_68 : memref<640x256xbf16, #tpu.memory_space<hbm>>)
        tpu.yield
      }) : () -> ()
    } else {
    }
    %eq3A_56 = arith.constant 1 : i32
    %eq3A_57 = arith.cmpi eq, %arg0, %eq3A_56 : i32
    %convert_element_type3A_58 = arith.extui %eq3A_57 : i1 to i32
    %cond3A_59 = arith.constant 0 : i32
    %cond3A_60 = arith.cmpi ne, %convert_element_type3A_58, %cond3A_59 : i32
    scf.if %cond3A_60 {
      %mul3A_61 = arith.constant 640 : i32
      %mul3A_62 = arith.muli %arg1, %mul3A_61 : i32
      %mul3A_63 = arith.constant 640 : i32
      %mul3A_64 = arith.muli %arg1, %mul3A_63 : i32
      "tpu.region"() ({
        %run_scoped3A = tpu.sem_alloc : memref<!tpu.dma_semaphore, #tpu.memory_space<semaphore_mem>>
        %dma_start3A = arith.constant 0 : i32
        %dma_start3A_65 = tpu.memref_slice %arg7[%mul3A_64, %dma_start3A] : memref<10240x256xbf16, #tpu.memory_space<hbm>> -> memref<640x256xbf16, #tpu.memory_space<hbm>>
        %dma_start3A_66 = arith.constant 0 : i32
        %dma_start3A_67 = tpu.memref_slice %arg8[%mul3A_62, %dma_start3A_66] : memref<10240x256xbf16, #tpu.memory_space<vmem_shared>> -> memref<640x256xbf16, #tpu.memory_space<vmem_shared>>
        tpu.enqueue_dma source(%dma_start3A_67 : memref<640x256xbf16, #tpu.memory_space<vmem_shared>>) target(%dma_start3A_65 : memref<640x256xbf16, #tpu.memory_space<hbm>>) target_semaphore(%run_scoped3A : memref<!tpu.dma_semaphore, #tpu.memory_space<semaphore_mem>>)
        %dma_wait3A = arith.constant 0 : i32
        %dma_wait3A_68 = tpu.memref_slice %arg7[%mul3A_64, %dma_wait3A] : memref<10240x256xbf16, #tpu.memory_space<hbm>> -> memref<640x256xbf16, #tpu.memory_space<hbm>>
        %dma_wait3A_69 = arith.constant 0 : i32
        %dma_wait3A_70 = tpu.memref_slice %arg8[%mul3A_62, %dma_wait3A_69] : memref<10240x256xbf16, #tpu.memory_space<vmem_shared>> -> memref<640x256xbf16, #tpu.memory_space<vmem_shared>>
        tpu.wait_dma2 semaphore(%run_scoped3A : memref<!tpu.dma_semaphore, #tpu.memory_space<semaphore_mem>>) src(%dma_wait3A_70 : memref<640x256xbf16, #tpu.memory_space<vmem_shared>>) dst(%dma_wait3A_68 : memref<640x256xbf16, #tpu.memory_space<hbm>>)
        tpu.yield
      }) : () -> ()
    } else {
    }
    return
  }
}

#map = affine_map<(d0, d1) -> (0, 0)>
#map1 = affine_map<(d0, d1) -> (0)>
module attributes {stable_mosaic.version = 14 : i64} {
  func.func @k(%arg0: i32, %arg1: i32, %arg2: memref<8x10000xi32, #tpu.memory_space<hbm>>, %arg3: memref<8x10000xi32, #tpu.memory_space<hbm>>, %arg4: memref<8x10000xi32, #tpu.memory_space<hbm>>, %arg5: memref<8x10000xi32, #tpu.memory_space<hbm>>, %arg6: memref<10240xf32, #tpu.memory_space<hbm>>, %arg7: memref<10240xf32, #tpu.memory_space<hbm>>, %arg8: memref<10240xf32, #tpu.memory_space<hbm>>, %arg9: memref<10240xf32, #tpu.memory_space<hbm>>, %arg10: memref<10240xf32, #tpu.memory_space<vmem>>, %arg11: memref<10000xi32, #tpu.memory_space<vmem>>, %arg12: memref<8x640xf32, #tpu.memory_space<vmem>>, %arg13: memref<640xf32, #tpu.memory_space<vmem>>, %arg14: memref<2x8x10240xf32, #tpu.memory_space<vmem_shared>>) attributes {dimension_semantics = [#tpu.dimension_semantics<core_parallel>, #tpu.dimension_semantics<subcore_parallel>], iteration_bounds = array<i64: 2, 16>, scalar_prefetch = 0 : i64, scratch_operands = 5 : i64, tpu.core_type = #tpu.core_type<sc_vector_subcore>, window_params = [{transform_indices = #map}, {transform_indices = #map}, {transform_indices = #map}, {transform_indices = #map}, {transform_indices = #map1}, {transform_indices = #map1}, {transform_indices = #map1}, {transform_indices = #map1}]} {
    %jit3A = arith.constant 8 : i32
    %div3A = arith.divsi %arg1, %jit3A : i32
    %sign3A = arith.constant 0 : i32
    %sign3A_0 = arith.cmpi sgt, %arg1, %sign3A : i32
    %sign3A_1 = arith.extui %sign3A_0 : i1 to i32
    %sign3A_2 = arith.constant 0 : i32
    %sign3A_3 = arith.cmpi slt, %arg1, %sign3A_2 : i32
    %sign3A_4 = arith.extui %sign3A_3 : i1 to i32
    %sign3A_5 = arith.subi %sign3A_1, %sign3A_4 : i32
    %sign3A_6 = arith.constant 0 : i32
    %sign3A_7 = arith.cmpi sgt, %jit3A, %sign3A_6 : i32
    %sign3A_8 = arith.extui %sign3A_7 : i1 to i32
    %sign3A_9 = arith.constant 0 : i32
    %sign3A_10 = arith.cmpi slt, %jit3A, %sign3A_9 : i32
    %sign3A_11 = arith.extui %sign3A_10 : i1 to i32
    %sign3A_12 = arith.subi %sign3A_8, %sign3A_11 : i32
    %ne3A = arith.cmpi ne, %sign3A_5, %sign3A_12 : i32
    %rem3A = arith.remsi %arg1, %jit3A : i32
    %ne3A_13 = arith.constant 0 : i32
    %ne3A_14 = arith.cmpi ne, %rem3A, %ne3A_13 : i32
    %and3A = arith.andi %ne3A, %ne3A_14 : i1
    %sub3A = arith.constant 1 : i32
    %sub3A_15 = arith.subi %div3A, %sub3A : i32
    %select_n3A = arith.select %and3A, %sub3A_15, %div3A : i32
    %mul3A = arith.constant 8 : i32
    %mul3A_16 = arith.muli %select_n3A, %mul3A : i32
    %sub3A_17 = arith.subi %arg1, %mul3A_16 : i32
    %eq3A = arith.constant 0 : i32
    %eq3A_18 = arith.cmpi eq, %arg0, %eq3A : i32
    %eq3A_19 = arith.constant 0 : i32
    %eq3A_20 = arith.cmpi eq, %select_n3A, %eq3A_19 : i32
    %and3A_21 = arith.andi %eq3A_18, %eq3A_20 : i1
    %convert_element_type3A = arith.extui %and3A_21 : i1 to i32
    %cond3A = arith.constant 0 : i32
    %cond3A_22 = arith.cmpi ne, %convert_element_type3A, %cond3A : i32
    scf.if %cond3A_22 {
      "tpu.region"() ({
        %run_scoped3A_94 = tpu.sem_alloc : memref<!tpu.dma_semaphore, #tpu.memory_space<semaphore_mem>>
        %dma_start3A = arith.constant 0 : i32
        %dma_start3A_95 = tpu.memref_slice %arg2[%sub3A_17, %dma_start3A] : memref<8x10000xi32, #tpu.memory_space<hbm>> -> memref<1x10000xi32, #tpu.memory_space<hbm>>
        %dma_start3A_96 = tpu.memref_squeeze %dma_start3A_95 : memref<1x10000xi32, #tpu.memory_space<hbm>> -> memref<10000xi32, #tpu.memory_space<hbm>>
        %dma_start3A_97 = arith.constant 0 : i32
        %dma_start3A_98 = tpu.memref_slice %arg2[%sub3A_17, %dma_start3A_97] : memref<8x10000xi32, #tpu.memory_space<hbm>> -> memref<1x10000xi32, #tpu.memory_space<hbm>>
        %dma_start3A_99 = tpu.memref_squeeze %dma_start3A_98 : memref<1x10000xi32, #tpu.memory_space<hbm>> -> memref<10000xi32, #tpu.memory_space<hbm>>
        tpu.enqueue_dma source(%dma_start3A_99 : memref<10000xi32, #tpu.memory_space<hbm>>) target(%arg11 : memref<10000xi32, #tpu.memory_space<vmem>>) target_semaphore(%run_scoped3A_94 : memref<!tpu.dma_semaphore, #tpu.memory_space<semaphore_mem>>)
        %dma_wait3A = arith.constant 0 : i32
        %dma_wait3A_100 = tpu.memref_slice %arg2[%sub3A_17, %dma_wait3A] : memref<8x10000xi32, #tpu.memory_space<hbm>> -> memref<1x10000xi32, #tpu.memory_space<hbm>>
        %dma_wait3A_101 = tpu.memref_squeeze %dma_wait3A_100 : memref<1x10000xi32, #tpu.memory_space<hbm>> -> memref<10000xi32, #tpu.memory_space<hbm>>
        %dma_wait3A_102 = arith.constant 0 : i32
        %dma_wait3A_103 = tpu.memref_slice %arg2[%sub3A_17, %dma_wait3A_102] : memref<8x10000xi32, #tpu.memory_space<hbm>> -> memref<1x10000xi32, #tpu.memory_space<hbm>>
        %dma_wait3A_104 = tpu.memref_squeeze %dma_wait3A_103 : memref<1x10000xi32, #tpu.memory_space<hbm>> -> memref<10000xi32, #tpu.memory_space<hbm>>
        tpu.wait_dma2 semaphore(%run_scoped3A_94 : memref<!tpu.dma_semaphore, #tpu.memory_space<semaphore_mem>>) src(%dma_wait3A_104 : memref<10000xi32, #tpu.memory_space<hbm>>) dst(%arg11 : memref<10000xi32, #tpu.memory_space<vmem>>)
        tpu.yield
      }) : () -> ()
    } else {
    }
    %eq3A_23 = arith.constant 0 : i32
    %eq3A_24 = arith.cmpi eq, %arg0, %eq3A_23 : i32
    %eq3A_25 = arith.constant 1 : i32
    %eq3A_26 = arith.cmpi eq, %select_n3A, %eq3A_25 : i32
    %and3A_27 = arith.andi %eq3A_24, %eq3A_26 : i1
    %convert_element_type3A_28 = arith.extui %and3A_27 : i1 to i32
    %cond3A_29 = arith.constant 0 : i32
    %cond3A_30 = arith.cmpi ne, %convert_element_type3A_28, %cond3A_29 : i32
    scf.if %cond3A_30 {
      "tpu.region"() ({
        %run_scoped3A_94 = tpu.sem_alloc : memref<!tpu.dma_semaphore, #tpu.memory_space<semaphore_mem>>
        %dma_start3A = arith.constant 0 : i32
        %dma_start3A_95 = tpu.memref_slice %arg3[%sub3A_17, %dma_start3A] : memref<8x10000xi32, #tpu.memory_space<hbm>> -> memref<1x10000xi32, #tpu.memory_space<hbm>>
        %dma_start3A_96 = tpu.memref_squeeze %dma_start3A_95 : memref<1x10000xi32, #tpu.memory_space<hbm>> -> memref<10000xi32, #tpu.memory_space<hbm>>
        %dma_start3A_97 = arith.constant 0 : i32
        %dma_start3A_98 = tpu.memref_slice %arg3[%sub3A_17, %dma_start3A_97] : memref<8x10000xi32, #tpu.memory_space<hbm>> -> memref<1x10000xi32, #tpu.memory_space<hbm>>
        %dma_start3A_99 = tpu.memref_squeeze %dma_start3A_98 : memref<1x10000xi32, #tpu.memory_space<hbm>> -> memref<10000xi32, #tpu.memory_space<hbm>>
        tpu.enqueue_dma source(%dma_start3A_99 : memref<10000xi32, #tpu.memory_space<hbm>>) target(%arg11 : memref<10000xi32, #tpu.memory_space<vmem>>) target_semaphore(%run_scoped3A_94 : memref<!tpu.dma_semaphore, #tpu.memory_space<semaphore_mem>>)
        %dma_wait3A = arith.constant 0 : i32
        %dma_wait3A_100 = tpu.memref_slice %arg3[%sub3A_17, %dma_wait3A] : memref<8x10000xi32, #tpu.memory_space<hbm>> -> memref<1x10000xi32, #tpu.memory_space<hbm>>
        %dma_wait3A_101 = tpu.memref_squeeze %dma_wait3A_100 : memref<1x10000xi32, #tpu.memory_space<hbm>> -> memref<10000xi32, #tpu.memory_space<hbm>>
        %dma_wait3A_102 = arith.constant 0 : i32
        %dma_wait3A_103 = tpu.memref_slice %arg3[%sub3A_17, %dma_wait3A_102] : memref<8x10000xi32, #tpu.memory_space<hbm>> -> memref<1x10000xi32, #tpu.memory_space<hbm>>
        %dma_wait3A_104 = tpu.memref_squeeze %dma_wait3A_103 : memref<1x10000xi32, #tpu.memory_space<hbm>> -> memref<10000xi32, #tpu.memory_space<hbm>>
        tpu.wait_dma2 semaphore(%run_scoped3A_94 : memref<!tpu.dma_semaphore, #tpu.memory_space<semaphore_mem>>) src(%dma_wait3A_104 : memref<10000xi32, #tpu.memory_space<hbm>>) dst(%arg11 : memref<10000xi32, #tpu.memory_space<vmem>>)
        tpu.yield
      }) : () -> ()
    } else {
    }
    %eq3A_31 = arith.constant 1 : i32
    %eq3A_32 = arith.cmpi eq, %arg0, %eq3A_31 : i32
    %eq3A_33 = arith.constant 0 : i32
    %eq3A_34 = arith.cmpi eq, %select_n3A, %eq3A_33 : i32
    %and3A_35 = arith.andi %eq3A_32, %eq3A_34 : i1
    %convert_element_type3A_36 = arith.extui %and3A_35 : i1 to i32
    %cond3A_37 = arith.constant 0 : i32
    %cond3A_38 = arith.cmpi ne, %convert_element_type3A_36, %cond3A_37 : i32
    scf.if %cond3A_38 {
      "tpu.region"() ({
        %run_scoped3A_94 = tpu.sem_alloc : memref<!tpu.dma_semaphore, #tpu.memory_space<semaphore_mem>>
        %dma_start3A = arith.constant 0 : i32
        %dma_start3A_95 = tpu.memref_slice %arg4[%sub3A_17, %dma_start3A] : memref<8x10000xi32, #tpu.memory_space<hbm>> -> memref<1x10000xi32, #tpu.memory_space<hbm>>
        %dma_start3A_96 = tpu.memref_squeeze %dma_start3A_95 : memref<1x10000xi32, #tpu.memory_space<hbm>> -> memref<10000xi32, #tpu.memory_space<hbm>>
        %dma_start3A_97 = arith.constant 0 : i32
        %dma_start3A_98 = tpu.memref_slice %arg4[%sub3A_17, %dma_start3A_97] : memref<8x10000xi32, #tpu.memory_space<hbm>> -> memref<1x10000xi32, #tpu.memory_space<hbm>>
        %dma_start3A_99 = tpu.memref_squeeze %dma_start3A_98 : memref<1x10000xi32, #tpu.memory_space<hbm>> -> memref<10000xi32, #tpu.memory_space<hbm>>
        tpu.enqueue_dma source(%dma_start3A_99 : memref<10000xi32, #tpu.memory_space<hbm>>) target(%arg11 : memref<10000xi32, #tpu.memory_space<vmem>>) target_semaphore(%run_scoped3A_94 : memref<!tpu.dma_semaphore, #tpu.memory_space<semaphore_mem>>)
        %dma_wait3A = arith.constant 0 : i32
        %dma_wait3A_100 = tpu.memref_slice %arg4[%sub3A_17, %dma_wait3A] : memref<8x10000xi32, #tpu.memory_space<hbm>> -> memref<1x10000xi32, #tpu.memory_space<hbm>>
        %dma_wait3A_101 = tpu.memref_squeeze %dma_wait3A_100 : memref<1x10000xi32, #tpu.memory_space<hbm>> -> memref<10000xi32, #tpu.memory_space<hbm>>
        %dma_wait3A_102 = arith.constant 0 : i32
        %dma_wait3A_103 = tpu.memref_slice %arg4[%sub3A_17, %dma_wait3A_102] : memref<8x10000xi32, #tpu.memory_space<hbm>> -> memref<1x10000xi32, #tpu.memory_space<hbm>>
        %dma_wait3A_104 = tpu.memref_squeeze %dma_wait3A_103 : memref<1x10000xi32, #tpu.memory_space<hbm>> -> memref<10000xi32, #tpu.memory_space<hbm>>
        tpu.wait_dma2 semaphore(%run_scoped3A_94 : memref<!tpu.dma_semaphore, #tpu.memory_space<semaphore_mem>>) src(%dma_wait3A_104 : memref<10000xi32, #tpu.memory_space<hbm>>) dst(%arg11 : memref<10000xi32, #tpu.memory_space<vmem>>)
        tpu.yield
      }) : () -> ()
    } else {
    }
    %eq3A_39 = arith.constant 1 : i32
    %eq3A_40 = arith.cmpi eq, %arg0, %eq3A_39 : i32
    %eq3A_41 = arith.constant 1 : i32
    %eq3A_42 = arith.cmpi eq, %select_n3A, %eq3A_41 : i32
    %and3A_43 = arith.andi %eq3A_40, %eq3A_42 : i1
    %convert_element_type3A_44 = arith.extui %and3A_43 : i1 to i32
    %cond3A_45 = arith.constant 0 : i32
    %cond3A_46 = arith.cmpi ne, %convert_element_type3A_44, %cond3A_45 : i32
    scf.if %cond3A_46 {
      "tpu.region"() ({
        %run_scoped3A_94 = tpu.sem_alloc : memref<!tpu.dma_semaphore, #tpu.memory_space<semaphore_mem>>
        %dma_start3A = arith.constant 0 : i32
        %dma_start3A_95 = tpu.memref_slice %arg5[%sub3A_17, %dma_start3A] : memref<8x10000xi32, #tpu.memory_space<hbm>> -> memref<1x10000xi32, #tpu.memory_space<hbm>>
        %dma_start3A_96 = tpu.memref_squeeze %dma_start3A_95 : memref<1x10000xi32, #tpu.memory_space<hbm>> -> memref<10000xi32, #tpu.memory_space<hbm>>
        %dma_start3A_97 = arith.constant 0 : i32
        %dma_start3A_98 = tpu.memref_slice %arg5[%sub3A_17, %dma_start3A_97] : memref<8x10000xi32, #tpu.memory_space<hbm>> -> memref<1x10000xi32, #tpu.memory_space<hbm>>
        %dma_start3A_99 = tpu.memref_squeeze %dma_start3A_98 : memref<1x10000xi32, #tpu.memory_space<hbm>> -> memref<10000xi32, #tpu.memory_space<hbm>>
        tpu.enqueue_dma source(%dma_start3A_99 : memref<10000xi32, #tpu.memory_space<hbm>>) target(%arg11 : memref<10000xi32, #tpu.memory_space<vmem>>) target_semaphore(%run_scoped3A_94 : memref<!tpu.dma_semaphore, #tpu.memory_space<semaphore_mem>>)
        %dma_wait3A = arith.constant 0 : i32
        %dma_wait3A_100 = tpu.memref_slice %arg5[%sub3A_17, %dma_wait3A] : memref<8x10000xi32, #tpu.memory_space<hbm>> -> memref<1x10000xi32, #tpu.memory_space<hbm>>
        %dma_wait3A_101 = tpu.memref_squeeze %dma_wait3A_100 : memref<1x10000xi32, #tpu.memory_space<hbm>> -> memref<10000xi32, #tpu.memory_space<hbm>>
        %dma_wait3A_102 = arith.constant 0 : i32
        %dma_wait3A_103 = tpu.memref_slice %arg5[%sub3A_17, %dma_wait3A_102] : memref<8x10000xi32, #tpu.memory_space<hbm>> -> memref<1x10000xi32, #tpu.memory_space<hbm>>
        %dma_wait3A_104 = tpu.memref_squeeze %dma_wait3A_103 : memref<1x10000xi32, #tpu.memory_space<hbm>> -> memref<10000xi32, #tpu.memory_space<hbm>>
        tpu.wait_dma2 semaphore(%run_scoped3A_94 : memref<!tpu.dma_semaphore, #tpu.memory_space<semaphore_mem>>) src(%dma_wait3A_104 : memref<10000xi32, #tpu.memory_space<hbm>>) dst(%arg11 : memref<10000xi32, #tpu.memory_space<vmem>>)
        tpu.yield
      }) : () -> ()
    } else {
    }
    %broadcast_in_dim3A = arith.constant 0.000000e+00 : f32
    %broadcast_in_dim3A_47 = vector.broadcast %broadcast_in_dim3A : f32 to vector<16xf32>
    %scan3A = arith.constant 0 : i32
    %scan3A_48 = arith.constant 640 : i32
    %scan3A_49 = arith.addi %scan3A, %scan3A_48 : i32
    %scan3A_50 = arith.constant 1 : i32
    scf.for %scan3A_94 = %scan3A to %scan3A_49 step %scan3A_50  : i32 {
      %mul3A_95 = arith.constant 16 : i32
      %mul3A_96 = arith.muli %scan3A_94, %mul3A_95 : i32
      %add3A = arith.constant 0 : i32
      %add3A_97 = arith.addi %add3A, %mul3A_96 : i32
      %swap3A = arith.index_cast %add3A_97 : i32 to index
      %swap3A_98 = tpu.vector_load %arg10[%swap3A] {strides = array<i32>} : memref<10240xf32, #tpu.memory_space<vmem>>, vector<16xf32>,
      tpu.vector_store %arg10[%swap3A], %broadcast_in_dim3A_47 {strides = array<i32>} : memref<10240xf32, #tpu.memory_space<vmem>>, vector<16xf32>,
    }
    %scan3A_51 = arith.constant 640 : i32
    %broadcast_in_dim3A_52 = arith.constant 1.000000e+00 : f32
    %broadcast_in_dim3A_53 = vector.broadcast %broadcast_in_dim3A_52 : f32 to vector<16xf32>
    %scan3A_54 = arith.constant 0 : i32
    %scan3A_55 = arith.constant 625 : i32
    %scan3A_56 = arith.addi %scan3A_54, %scan3A_55 : i32
    %scan3A_57 = arith.constant 1 : i32
    scf.for %scan3A_94 = %scan3A_54 to %scan3A_56 step %scan3A_57  : i32 {
      %mul3A_95 = arith.constant 16 : i32
      %mul3A_96 = arith.muli %scan3A_94, %mul3A_95 : i32
      %add3A = arith.constant 0 : i32
      %add3A_97 = arith.addi %add3A, %mul3A_96 : i32
      %get3A = arith.index_cast %add3A_97 : i32 to index
      %get3A_98 = tpu.vector_load %arg11[%get3A] {strides = array<i32>} : memref<10000xi32, #tpu.memory_space<vmem>>, vector<16xi32>,
      tpu.vector_store_idx %arg10[%get3A_98], %broadcast_in_dim3A_53 {add = true} : memref<10240xf32, #tpu.memory_space<vmem>>[vector<16xi32>], vector<16xf32>,
    }
    %scan3A_58 = arith.constant 625 : i32
    "tpu.region"() ({
      %run_scoped3A_94 = tpu.sem_alloc : memref<!tpu.dma_semaphore, #tpu.memory_space<semaphore_mem>>
      %dma_start3A = arith.constant 0 : i32
      %dma_start3A_95 = tpu.memref_slice %arg14[%select_n3A, %sub3A_17, %dma_start3A] : memref<2x8x10240xf32, #tpu.memory_space<vmem_shared>> -> memref<1x1x10240xf32, #tpu.memory_space<vmem_shared>>
      %dma_start3A_96 = tpu.memref_squeeze %dma_start3A_95 : memref<1x1x10240xf32, #tpu.memory_space<vmem_shared>> -> memref<10240xf32, #tpu.memory_space<vmem_shared>>
      %dma_start3A_97 = arith.constant 0 : i32
      %dma_start3A_98 = tpu.memref_slice %arg14[%select_n3A, %sub3A_17, %dma_start3A_97] : memref<2x8x10240xf32, #tpu.memory_space<vmem_shared>> -> memref<1x1x10240xf32, #tpu.memory_space<vmem_shared>>
      %dma_start3A_99 = tpu.memref_squeeze %dma_start3A_98 : memref<1x1x10240xf32, #tpu.memory_space<vmem_shared>> -> memref<10240xf32, #tpu.memory_space<vmem_shared>>
      tpu.enqueue_dma source(%arg10 : memref<10240xf32, #tpu.memory_space<vmem>>) target(%dma_start3A_99 : memref<10240xf32, #tpu.memory_space<vmem_shared>>) target_semaphore(%run_scoped3A_94 : memref<!tpu.dma_semaphore, #tpu.memory_space<semaphore_mem>>)
      %dma_wait3A = arith.constant 0 : i32
      %dma_wait3A_100 = tpu.memref_slice %arg14[%select_n3A, %sub3A_17, %dma_wait3A] : memref<2x8x10240xf32, #tpu.memory_space<vmem_shared>> -> memref<1x1x10240xf32, #tpu.memory_space<vmem_shared>>
      %dma_wait3A_101 = tpu.memref_squeeze %dma_wait3A_100 : memref<1x1x10240xf32, #tpu.memory_space<vmem_shared>> -> memref<10240xf32, #tpu.memory_space<vmem_shared>>
      %dma_wait3A_102 = arith.constant 0 : i32
      %dma_wait3A_103 = tpu.memref_slice %arg14[%select_n3A, %sub3A_17, %dma_wait3A_102] : memref<2x8x10240xf32, #tpu.memory_space<vmem_shared>> -> memref<1x1x10240xf32, #tpu.memory_space<vmem_shared>>
      %dma_wait3A_104 = tpu.memref_squeeze %dma_wait3A_103 : memref<1x1x10240xf32, #tpu.memory_space<vmem_shared>> -> memref<10240xf32, #tpu.memory_space<vmem_shared>>
      tpu.wait_dma2 semaphore(%run_scoped3A_94 : memref<!tpu.dma_semaphore, #tpu.memory_space<semaphore_mem>>) src(%arg10 : memref<10240xf32, #tpu.memory_space<vmem>>) dst(%dma_wait3A_104 : memref<10240xf32, #tpu.memory_space<vmem_shared>>)
      tpu.yield
    }) : () -> ()
    %barrier3A = arith.constant 0 : index
    tpu.barrier barrier_id(%barrier3A)
    %mul3A_59 = arith.constant 640 : i32
    %mul3A_60 = arith.muli %arg1, %mul3A_59 : i32
    %run_scoped3A = arith.constant 0 : i32
    "tpu.region"() ({
      %run_scoped3A_94 = tpu.sem_alloc : memref<!tpu.dma_semaphore, #tpu.memory_space<semaphore_mem>>
      %dma_start3A = arith.constant 0 : i32
      %dma_start3A_95 = tpu.memref_slice %arg14[%run_scoped3A, %dma_start3A, %mul3A_60] : memref<2x8x10240xf32, #tpu.memory_space<vmem_shared>> -> memref<1x8x640xf32, #tpu.memory_space<vmem_shared>>
      %dma_start3A_96 = tpu.memref_squeeze %dma_start3A_95 : memref<1x8x640xf32, #tpu.memory_space<vmem_shared>> -> memref<8x640xf32, #tpu.memory_space<vmem_shared>>
      %dma_start3A_97 = arith.constant 0 : i32
      %dma_start3A_98 = tpu.memref_slice %arg14[%run_scoped3A, %dma_start3A_97, %mul3A_60] : memref<2x8x10240xf32, #tpu.memory_space<vmem_shared>> -> memref<1x8x640xf32, #tpu.memory_space<vmem_shared>>
      %dma_start3A_99 = tpu.memref_squeeze %dma_start3A_98 : memref<1x8x640xf32, #tpu.memory_space<vmem_shared>> -> memref<8x640xf32, #tpu.memory_space<vmem_shared>>
      tpu.enqueue_dma source(%dma_start3A_99 : memref<8x640xf32, #tpu.memory_space<vmem_shared>>) target(%arg12 : memref<8x640xf32, #tpu.memory_space<vmem>>) target_semaphore(%run_scoped3A_94 : memref<!tpu.dma_semaphore, #tpu.memory_space<semaphore_mem>>)
      %dma_wait3A = arith.constant 0 : i32
      %dma_wait3A_100 = tpu.memref_slice %arg14[%run_scoped3A, %dma_wait3A, %mul3A_60] : memref<2x8x10240xf32, #tpu.memory_space<vmem_shared>> -> memref<1x8x640xf32, #tpu.memory_space<vmem_shared>>
      %dma_wait3A_101 = tpu.memref_squeeze %dma_wait3A_100 : memref<1x8x640xf32, #tpu.memory_space<vmem_shared>> -> memref<8x640xf32, #tpu.memory_space<vmem_shared>>
      %dma_wait3A_102 = arith.constant 0 : i32
      %dma_wait3A_103 = tpu.memref_slice %arg14[%run_scoped3A, %dma_wait3A_102, %mul3A_60] : memref<2x8x10240xf32, #tpu.memory_space<vmem_shared>> -> memref<1x8x640xf32, #tpu.memory_space<vmem_shared>>
      %dma_wait3A_104 = tpu.memref_squeeze %dma_wait3A_103 : memref<1x8x640xf32, #tpu.memory_space<vmem_shared>> -> memref<8x640xf32, #tpu.memory_space<vmem_shared>>
      tpu.wait_dma2 semaphore(%run_scoped3A_94 : memref<!tpu.dma_semaphore, #tpu.memory_space<semaphore_mem>>) src(%dma_wait3A_104 : memref<8x640xf32, #tpu.memory_space<vmem_shared>>) dst(%arg12 : memref<8x640xf32, #tpu.memory_space<vmem>>)
      tpu.yield
    }) : () -> ()
    %scan3A_61 = arith.constant 0 : i32
    %scan3A_62 = arith.constant 40 : i32
    %scan3A_63 = arith.addi %scan3A_61, %scan3A_62 : i32
    %scan3A_64 = arith.constant 1 : i32
    scf.for %scan3A_94 = %scan3A_61 to %scan3A_63 step %scan3A_64  : i32 {
      %mul3A_95 = arith.constant 16 : i32
      %mul3A_96 = arith.muli %scan3A_94, %mul3A_95 : i32
      %add3A = arith.constant 0 : i32
      %add3A_97 = arith.addi %add3A, %mul3A_96 : i32
      %get3A = arith.constant 0 : i32
      %get3A_98 = arith.index_cast %get3A : i32 to index
      %get3A_99 = arith.index_cast %add3A_97 : i32 to index
      %get3A_100 = tpu.vector_load %arg12[%get3A_98, %get3A_99] {strides = array<i32>} : memref<8x640xf32, #tpu.memory_space<vmem>>, vector<16xf32>,
      %get3A_101 = arith.constant 1 : i32
      %get3A_102 = arith.index_cast %get3A_101 : i32 to index
      %get3A_103 = arith.index_cast %add3A_97 : i32 to index
      %get3A_104 = tpu.vector_load %arg12[%get3A_102, %get3A_103] {strides = array<i32>} : memref<8x640xf32, #tpu.memory_space<vmem>>, vector<16xf32>,
      %add3A_105 = arith.addf %get3A_100, %get3A_104 : vector<16xf32>
      %get3A_106 = arith.constant 2 : i32
      %get3A_107 = arith.index_cast %get3A_106 : i32 to index
      %get3A_108 = arith.index_cast %add3A_97 : i32 to index
      %get3A_109 = tpu.vector_load %arg12[%get3A_107, %get3A_108] {strides = array<i32>} : memref<8x640xf32, #tpu.memory_space<vmem>>, vector<16xf32>,
      %add3A_110 = arith.addf %add3A_105, %get3A_109 : vector<16xf32>
      %get3A_111 = arith.constant 3 : i32
      %get3A_112 = arith.index_cast %get3A_111 : i32 to index
      %get3A_113 = arith.index_cast %add3A_97 : i32 to index
      %get3A_114 = tpu.vector_load %arg12[%get3A_112, %get3A_113] {strides = array<i32>} : memref<8x640xf32, #tpu.memory_space<vmem>>, vector<16xf32>,
      %add3A_115 = arith.addf %add3A_110, %get3A_114 : vector<16xf32>
      %get3A_116 = arith.constant 4 : i32
      %get3A_117 = arith.index_cast %get3A_116 : i32 to index
      %get3A_118 = arith.index_cast %add3A_97 : i32 to index
      %get3A_119 = tpu.vector_load %arg12[%get3A_117, %get3A_118] {strides = array<i32>} : memref<8x640xf32, #tpu.memory_space<vmem>>, vector<16xf32>,
      %add3A_120 = arith.addf %add3A_115, %get3A_119 : vector<16xf32>
      %get3A_121 = arith.constant 5 : i32
      %get3A_122 = arith.index_cast %get3A_121 : i32 to index
      %get3A_123 = arith.index_cast %add3A_97 : i32 to index
      %get3A_124 = tpu.vector_load %arg12[%get3A_122, %get3A_123] {strides = array<i32>} : memref<8x640xf32, #tpu.memory_space<vmem>>, vector<16xf32>,
      %add3A_125 = arith.addf %add3A_120, %get3A_124 : vector<16xf32>
      %get3A_126 = arith.constant 6 : i32
      %get3A_127 = arith.index_cast %get3A_126 : i32 to index
      %get3A_128 = arith.index_cast %add3A_97 : i32 to index
      %get3A_129 = tpu.vector_load %arg12[%get3A_127, %get3A_128] {strides = array<i32>} : memref<8x640xf32, #tpu.memory_space<vmem>>, vector<16xf32>,
      %add3A_130 = arith.addf %add3A_125, %get3A_129 : vector<16xf32>
      %get3A_131 = arith.constant 7 : i32
      %get3A_132 = arith.index_cast %get3A_131 : i32 to index
      %get3A_133 = arith.index_cast %add3A_97 : i32 to index
      %get3A_134 = tpu.vector_load %arg12[%get3A_132, %get3A_133] {strides = array<i32>} : memref<8x640xf32, #tpu.memory_space<vmem>>, vector<16xf32>,
      %add3A_135 = arith.addf %add3A_130, %get3A_134 : vector<16xf32>
      %swap3A = arith.index_cast %add3A_97 : i32 to index
      %swap3A_136 = tpu.vector_load %arg13[%swap3A] {strides = array<i32>} : memref<640xf32, #tpu.memory_space<vmem>>, vector<16xf32>,
      tpu.vector_store %arg13[%swap3A], %add3A_135 {strides = array<i32>} : memref<640xf32, #tpu.memory_space<vmem>>, vector<16xf32>,
    }
    %scan3A_65 = arith.constant 40 : i32
    %eq3A_66 = arith.constant 0 : i32
    %eq3A_67 = arith.cmpi eq, %arg0, %eq3A_66 : i32
    %convert_element_type3A_68 = arith.extui %eq3A_67 : i1 to i32
    %cond3A_69 = arith.constant 0 : i32
    %cond3A_70 = arith.cmpi ne, %convert_element_type3A_68, %cond3A_69 : i32
    scf.if %cond3A_70 {
      %mul3A_94 = arith.constant 640 : i32
      %mul3A_95 = arith.muli %arg1, %mul3A_94 : i32
      "tpu.region"() ({
        %run_scoped3A_96 = tpu.sem_alloc : memref<!tpu.dma_semaphore, #tpu.memory_space<semaphore_mem>>
        %dma_start3A = tpu.memref_slice %arg6[%mul3A_95] : memref<10240xf32, #tpu.memory_space<hbm>> -> memref<640xf32, #tpu.memory_space<hbm>>
        %dma_start3A_97 = tpu.memref_slice %arg6[%mul3A_95] : memref<10240xf32, #tpu.memory_space<hbm>> -> memref<640xf32, #tpu.memory_space<hbm>>
        tpu.enqueue_dma source(%arg13 : memref<640xf32, #tpu.memory_space<vmem>>) target(%dma_start3A_97 : memref<640xf32, #tpu.memory_space<hbm>>) target_semaphore(%run_scoped3A_96 : memref<!tpu.dma_semaphore, #tpu.memory_space<semaphore_mem>>)
        %dma_wait3A = tpu.memref_slice %arg6[%mul3A_95] : memref<10240xf32, #tpu.memory_space<hbm>> -> memref<640xf32, #tpu.memory_space<hbm>>
        %dma_wait3A_98 = tpu.memref_slice %arg6[%mul3A_95] : memref<10240xf32, #tpu.memory_space<hbm>> -> memref<640xf32, #tpu.memory_space<hbm>>
        tpu.wait_dma2 semaphore(%run_scoped3A_96 : memref<!tpu.dma_semaphore, #tpu.memory_space<semaphore_mem>>) src(%arg13 : memref<640xf32, #tpu.memory_space<vmem>>) dst(%dma_wait3A_98 : memref<640xf32, #tpu.memory_space<hbm>>)
        tpu.yield
      }) : () -> ()
    } else {
    }
    %eq3A_71 = arith.constant 1 : i32
    %eq3A_72 = arith.cmpi eq, %arg0, %eq3A_71 : i32
    %convert_element_type3A_73 = arith.extui %eq3A_72 : i1 to i32
    %cond3A_74 = arith.constant 0 : i32
    %cond3A_75 = arith.cmpi ne, %convert_element_type3A_73, %cond3A_74 : i32
    scf.if %cond3A_75 {
      %mul3A_94 = arith.constant 640 : i32
      %mul3A_95 = arith.muli %arg1, %mul3A_94 : i32
      "tpu.region"() ({
        %run_scoped3A_96 = tpu.sem_alloc : memref<!tpu.dma_semaphore, #tpu.memory_space<semaphore_mem>>
        %dma_start3A = tpu.memref_slice %arg8[%mul3A_95] : memref<10240xf32, #tpu.memory_space<hbm>> -> memref<640xf32, #tpu.memory_space<hbm>>
        %dma_start3A_97 = tpu.memref_slice %arg8[%mul3A_95] : memref<10240xf32, #tpu.memory_space<hbm>> -> memref<640xf32, #tpu.memory_space<hbm>>
        tpu.enqueue_dma source(%arg13 : memref<640xf32, #tpu.memory_space<vmem>>) target(%dma_start3A_97 : memref<640xf32, #tpu.memory_space<hbm>>) target_semaphore(%run_scoped3A_96 : memref<!tpu.dma_semaphore, #tpu.memory_space<semaphore_mem>>)
        %dma_wait3A = tpu.memref_slice %arg8[%mul3A_95] : memref<10240xf32, #tpu.memory_space<hbm>> -> memref<640xf32, #tpu.memory_space<hbm>>
        %dma_wait3A_98 = tpu.memref_slice %arg8[%mul3A_95] : memref<10240xf32, #tpu.memory_space<hbm>> -> memref<640xf32, #tpu.memory_space<hbm>>
        tpu.wait_dma2 semaphore(%run_scoped3A_96 : memref<!tpu.dma_semaphore, #tpu.memory_space<semaphore_mem>>) src(%arg13 : memref<640xf32, #tpu.memory_space<vmem>>) dst(%dma_wait3A_98 : memref<640xf32, #tpu.memory_space<hbm>>)
        tpu.yield
      }) : () -> ()
    } else {
    }
    %mul3A_76 = arith.constant 640 : i32
    %mul3A_77 = arith.muli %arg1, %mul3A_76 : i32
    %run_scoped3A_78 = arith.constant 1 : i32
    "tpu.region"() ({
      %run_scoped3A_94 = tpu.sem_alloc : memref<!tpu.dma_semaphore, #tpu.memory_space<semaphore_mem>>
      %dma_start3A = arith.constant 0 : i32
      %dma_start3A_95 = tpu.memref_slice %arg14[%run_scoped3A_78, %dma_start3A, %mul3A_77] : memref<2x8x10240xf32, #tpu.memory_space<vmem_shared>> -> memref<1x8x640xf32, #tpu.memory_space<vmem_shared>>
      %dma_start3A_96 = tpu.memref_squeeze %dma_start3A_95 : memref<1x8x640xf32, #tpu.memory_space<vmem_shared>> -> memref<8x640xf32, #tpu.memory_space<vmem_shared>>
      %dma_start3A_97 = arith.constant 0 : i32
      %dma_start3A_98 = tpu.memref_slice %arg14[%run_scoped3A_78, %dma_start3A_97, %mul3A_77] : memref<2x8x10240xf32, #tpu.memory_space<vmem_shared>> -> memref<1x8x640xf32, #tpu.memory_space<vmem_shared>>
      %dma_start3A_99 = tpu.memref_squeeze %dma_start3A_98 : memref<1x8x640xf32, #tpu.memory_space<vmem_shared>> -> memref<8x640xf32, #tpu.memory_space<vmem_shared>>
      tpu.enqueue_dma source(%dma_start3A_99 : memref<8x640xf32, #tpu.memory_space<vmem_shared>>) target(%arg12 : memref<8x640xf32, #tpu.memory_space<vmem>>) target_semaphore(%run_scoped3A_94 : memref<!tpu.dma_semaphore, #tpu.memory_space<semaphore_mem>>)
      %dma_wait3A = arith.constant 0 : i32
      %dma_wait3A_100 = tpu.memref_slice %arg14[%run_scoped3A_78, %dma_wait3A, %mul3A_77] : memref<2x8x10240xf32, #tpu.memory_space<vmem_shared>> -> memref<1x8x640xf32, #tpu.memory_space<vmem_shared>>
      %dma_wait3A_101 = tpu.memref_squeeze %dma_wait3A_100 : memref<1x8x640xf32, #tpu.memory_space<vmem_shared>> -> memref<8x640xf32, #tpu.memory_space<vmem_shared>>
      %dma_wait3A_102 = arith.constant 0 : i32
      %dma_wait3A_103 = tpu.memref_slice %arg14[%run_scoped3A_78, %dma_wait3A_102, %mul3A_77] : memref<2x8x10240xf32, #tpu.memory_space<vmem_shared>> -> memref<1x8x640xf32, #tpu.memory_space<vmem_shared>>
      %dma_wait3A_104 = tpu.memref_squeeze %dma_wait3A_103 : memref<1x8x640xf32, #tpu.memory_space<vmem_shared>> -> memref<8x640xf32, #tpu.memory_space<vmem_shared>>
      tpu.wait_dma2 semaphore(%run_scoped3A_94 : memref<!tpu.dma_semaphore, #tpu.memory_space<semaphore_mem>>) src(%dma_wait3A_104 : memref<8x640xf32, #tpu.memory_space<vmem_shared>>) dst(%arg12 : memref<8x640xf32, #tpu.memory_space<vmem>>)
      tpu.yield
    }) : () -> ()
    %scan3A_79 = arith.constant 0 : i32
    %scan3A_80 = arith.constant 40 : i32
    %scan3A_81 = arith.addi %scan3A_79, %scan3A_80 : i32
    %scan3A_82 = arith.constant 1 : i32
    scf.for %scan3A_94 = %scan3A_79 to %scan3A_81 step %scan3A_82  : i32 {
      %mul3A_95 = arith.constant 16 : i32
      %mul3A_96 = arith.muli %scan3A_94, %mul3A_95 : i32
      %add3A = arith.constant 0 : i32
      %add3A_97 = arith.addi %add3A, %mul3A_96 : i32
      %get3A = arith.constant 0 : i32
      %get3A_98 = arith.index_cast %get3A : i32 to index
      %get3A_99 = arith.index_cast %add3A_97 : i32 to index
      %get3A_100 = tpu.vector_load %arg12[%get3A_98, %get3A_99] {strides = array<i32>} : memref<8x640xf32, #tpu.memory_space<vmem>>, vector<16xf32>,
      %get3A_101 = arith.constant 1 : i32
      %get3A_102 = arith.index_cast %get3A_101 : i32 to index
      %get3A_103 = arith.index_cast %add3A_97 : i32 to index
      %get3A_104 = tpu.vector_load %arg12[%get3A_102, %get3A_103] {strides = array<i32>} : memref<8x640xf32, #tpu.memory_space<vmem>>, vector<16xf32>,
      %add3A_105 = arith.addf %get3A_100, %get3A_104 : vector<16xf32>
      %get3A_106 = arith.constant 2 : i32
      %get3A_107 = arith.index_cast %get3A_106 : i32 to index
      %get3A_108 = arith.index_cast %add3A_97 : i32 to index
      %get3A_109 = tpu.vector_load %arg12[%get3A_107, %get3A_108] {strides = array<i32>} : memref<8x640xf32, #tpu.memory_space<vmem>>, vector<16xf32>,
      %add3A_110 = arith.addf %add3A_105, %get3A_109 : vector<16xf32>
      %get3A_111 = arith.constant 3 : i32
      %get3A_112 = arith.index_cast %get3A_111 : i32 to index
      %get3A_113 = arith.index_cast %add3A_97 : i32 to index
      %get3A_114 = tpu.vector_load %arg12[%get3A_112, %get3A_113] {strides = array<i32>} : memref<8x640xf32, #tpu.memory_space<vmem>>, vector<16xf32>,
      %add3A_115 = arith.addf %add3A_110, %get3A_114 : vector<16xf32>
      %get3A_116 = arith.constant 4 : i32
      %get3A_117 = arith.index_cast %get3A_116 : i32 to index
      %get3A_118 = arith.index_cast %add3A_97 : i32 to index
      %get3A_119 = tpu.vector_load %arg12[%get3A_117, %get3A_118] {strides = array<i32>} : memref<8x640xf32, #tpu.memory_space<vmem>>, vector<16xf32>,
      %add3A_120 = arith.addf %add3A_115, %get3A_119 : vector<16xf32>
      %get3A_121 = arith.constant 5 : i32
      %get3A_122 = arith.index_cast %get3A_121 : i32 to index
      %get3A_123 = arith.index_cast %add3A_97 : i32 to index
      %get3A_124 = tpu.vector_load %arg12[%get3A_122, %get3A_123] {strides = array<i32>} : memref<8x640xf32, #tpu.memory_space<vmem>>, vector<16xf32>,
      %add3A_125 = arith.addf %add3A_120, %get3A_124 : vector<16xf32>
      %get3A_126 = arith.constant 6 : i32
      %get3A_127 = arith.index_cast %get3A_126 : i32 to index
      %get3A_128 = arith.index_cast %add3A_97 : i32 to index
      %get3A_129 = tpu.vector_load %arg12[%get3A_127, %get3A_128] {strides = array<i32>} : memref<8x640xf32, #tpu.memory_space<vmem>>, vector<16xf32>,
      %add3A_130 = arith.addf %add3A_125, %get3A_129 : vector<16xf32>
      %get3A_131 = arith.constant 7 : i32
      %get3A_132 = arith.index_cast %get3A_131 : i32 to index
      %get3A_133 = arith.index_cast %add3A_97 : i32 to index
      %get3A_134 = tpu.vector_load %arg12[%get3A_132, %get3A_133] {strides = array<i32>} : memref<8x640xf32, #tpu.memory_space<vmem>>, vector<16xf32>,
      %add3A_135 = arith.addf %add3A_130, %get3A_134 : vector<16xf32>
      %swap3A = arith.index_cast %add3A_97 : i32 to index
      %swap3A_136 = tpu.vector_load %arg13[%swap3A] {strides = array<i32>} : memref<640xf32, #tpu.memory_space<vmem>>, vector<16xf32>,
      tpu.vector_store %arg13[%swap3A], %add3A_135 {strides = array<i32>} : memref<640xf32, #tpu.memory_space<vmem>>, vector<16xf32>,
    }
    %scan3A_83 = arith.constant 40 : i32
    %eq3A_84 = arith.constant 0 : i32
    %eq3A_85 = arith.cmpi eq, %arg0, %eq3A_84 : i32
    %convert_element_type3A_86 = arith.extui %eq3A_85 : i1 to i32
    %cond3A_87 = arith.constant 0 : i32
    %cond3A_88 = arith.cmpi ne, %convert_element_type3A_86, %cond3A_87 : i32
    scf.if %cond3A_88 {
      %mul3A_94 = arith.constant 640 : i32
      %mul3A_95 = arith.muli %arg1, %mul3A_94 : i32
      "tpu.region"() ({
        %run_scoped3A_96 = tpu.sem_alloc : memref<!tpu.dma_semaphore, #tpu.memory_space<semaphore_mem>>
        %dma_start3A = tpu.memref_slice %arg7[%mul3A_95] : memref<10240xf32, #tpu.memory_space<hbm>> -> memref<640xf32, #tpu.memory_space<hbm>>
        %dma_start3A_97 = tpu.memref_slice %arg7[%mul3A_95] : memref<10240xf32, #tpu.memory_space<hbm>> -> memref<640xf32, #tpu.memory_space<hbm>>
        tpu.enqueue_dma source(%arg13 : memref<640xf32, #tpu.memory_space<vmem>>) target(%dma_start3A_97 : memref<640xf32, #tpu.memory_space<hbm>>) target_semaphore(%run_scoped3A_96 : memref<!tpu.dma_semaphore, #tpu.memory_space<semaphore_mem>>)
        %dma_wait3A = tpu.memref_slice %arg7[%mul3A_95] : memref<10240xf32, #tpu.memory_space<hbm>> -> memref<640xf32, #tpu.memory_space<hbm>>
        %dma_wait3A_98 = tpu.memref_slice %arg7[%mul3A_95] : memref<10240xf32, #tpu.memory_space<hbm>> -> memref<640xf32, #tpu.memory_space<hbm>>
        tpu.wait_dma2 semaphore(%run_scoped3A_96 : memref<!tpu.dma_semaphore, #tpu.memory_space<semaphore_mem>>) src(%arg13 : memref<640xf32, #tpu.memory_space<vmem>>) dst(%dma_wait3A_98 : memref<640xf32, #tpu.memory_space<hbm>>)
        tpu.yield
      }) : () -> ()
    } else {
    }
    %eq3A_89 = arith.constant 1 : i32
    %eq3A_90 = arith.cmpi eq, %arg0, %eq3A_89 : i32
    %convert_element_type3A_91 = arith.extui %eq3A_90 : i1 to i32
    %cond3A_92 = arith.constant 0 : i32
    %cond3A_93 = arith.cmpi ne, %convert_element_type3A_91, %cond3A_92 : i32
    scf.if %cond3A_93 {
      %mul3A_94 = arith.constant 640 : i32
      %mul3A_95 = arith.muli %arg1, %mul3A_94 : i32
      "tpu.region"() ({
        %run_scoped3A_96 = tpu.sem_alloc : memref<!tpu.dma_semaphore, #tpu.memory_space<semaphore_mem>>
        %dma_start3A = tpu.memref_slice %arg9[%mul3A_95] : memref<10240xf32, #tpu.memory_space<hbm>> -> memref<640xf32, #tpu.memory_space<hbm>>
        %dma_start3A_97 = tpu.memref_slice %arg9[%mul3A_95] : memref<10240xf32, #tpu.memory_space<hbm>> -> memref<640xf32, #tpu.memory_space<hbm>>
        tpu.enqueue_dma source(%arg13 : memref<640xf32, #tpu.memory_space<vmem>>) target(%dma_start3A_97 : memref<640xf32, #tpu.memory_space<hbm>>) target_semaphore(%run_scoped3A_96 : memref<!tpu.dma_semaphore, #tpu.memory_space<semaphore_mem>>)
        %dma_wait3A = tpu.memref_slice %arg9[%mul3A_95] : memref<10240xf32, #tpu.memory_space<hbm>> -> memref<640xf32, #tpu.memory_space<hbm>>
        %dma_wait3A_98 = tpu.memref_slice %arg9[%mul3A_95] : memref<10240xf32, #tpu.memory_space<hbm>> -> memref<640xf32, #tpu.memory_space<hbm>>
        tpu.wait_dma2 semaphore(%run_scoped3A_96 : memref<!tpu.dma_semaphore, #tpu.memory_space<semaphore_mem>>) src(%arg13 : memref<640xf32, #tpu.memory_space<vmem>>) dst(%dma_wait3A_98 : memref<640xf32, #tpu.memory_space<hbm>>)
        tpu.yield
      }) : () -> ()
    } else {
    }
    return
  }
}

#map = affine_map<(d0, d1) -> (0, 0)>
#map1 = affine_map<(d0, d1) -> (0, 0, 0)>
module attributes {stable_mosaic.version = 14 : i64} {
  func.func @k(%arg0: i32, %arg1: i32, %arg2: memref<10240x256xbf16, #tpu.memory_space<hbm>>, %arg3: memref<10240x256xbf16, #tpu.memory_space<hbm>>, %arg4: memref<16x40x125xi32, #tpu.memory_space<hbm>>, %arg5: memref<16x40x125xi32, #tpu.memory_space<hbm>>, %arg6: memref<10240x256xbf16, #tpu.memory_space<hbm>>, %arg7: memref<10240x256xbf16, #tpu.memory_space<hbm>>, %arg8: memref<10240x256xbf16, #tpu.memory_space<vmem_shared>>, %arg9: memref<40x125xi32, #tpu.memory_space<vmem>>, %arg10: memref<125x256xbf16, #tpu.memory_space<vmem>>, %arg11: memref<125x256xbf16, #tpu.memory_space<vmem>>, %arg12: memref<!tpu.dma_semaphore, #tpu.memory_space<semaphore_mem>>, %arg13: memref<!tpu.dma_semaphore, #tpu.memory_space<semaphore_mem>>, %arg14: memref<40x125xi32, #tpu.memory_space<vmem>>) attributes {dimension_semantics = [#tpu.dimension_semantics<core_parallel>, #tpu.dimension_semantics<subcore_parallel>], iteration_bounds = array<i64: 2, 16>, scalar_prefetch = 0 : i64, scratch_operands = 7 : i64, tpu.core_type = #tpu.core_type<sc_vector_subcore>, window_params = [{transform_indices = #map}, {transform_indices = #map}, {transform_indices = #map1}, {transform_indices = #map1}, {transform_indices = #map}, {transform_indices = #map}]} {
    "tpu.region"() ({
      %run_scoped3A = tpu.sem_alloc : memref<!tpu.dma_semaphore, #tpu.memory_space<semaphore_mem>>
      %dma_start3A = arith.constant 0 : i32
      %dma_start3A_61 = arith.constant 0 : i32
      %dma_start3A_62 = tpu.memref_slice %arg4[%arg1, %dma_start3A, %dma_start3A_61] : memref<16x40x125xi32, #tpu.memory_space<hbm>> -> memref<1x40x125xi32, #tpu.memory_space<hbm>>
      %dma_start3A_63 = tpu.memref_squeeze %dma_start3A_62 : memref<1x40x125xi32, #tpu.memory_space<hbm>> -> memref<40x125xi32, #tpu.memory_space<hbm>>
      %dma_start3A_64 = arith.constant 0 : i32
      %dma_start3A_65 = arith.constant 0 : i32
      %dma_start3A_66 = tpu.memref_slice %arg4[%arg1, %dma_start3A_64, %dma_start3A_65] : memref<16x40x125xi32, #tpu.memory_space<hbm>> -> memref<1x40x125xi32, #tpu.memory_space<hbm>>
      %dma_start3A_67 = tpu.memref_squeeze %dma_start3A_66 : memref<1x40x125xi32, #tpu.memory_space<hbm>> -> memref<40x125xi32, #tpu.memory_space<hbm>>
      tpu.enqueue_dma source(%dma_start3A_67 : memref<40x125xi32, #tpu.memory_space<hbm>>) target(%arg14 : memref<40x125xi32, #tpu.memory_space<vmem>>) target_semaphore(%run_scoped3A : memref<!tpu.dma_semaphore, #tpu.memory_space<semaphore_mem>>)
      %dma_wait3A = arith.constant 0 : i32
      %dma_wait3A_68 = arith.constant 0 : i32
      %dma_wait3A_69 = tpu.memref_slice %arg4[%arg1, %dma_wait3A, %dma_wait3A_68] : memref<16x40x125xi32, #tpu.memory_space<hbm>> -> memref<1x40x125xi32, #tpu.memory_space<hbm>>
      %dma_wait3A_70 = tpu.memref_squeeze %dma_wait3A_69 : memref<1x40x125xi32, #tpu.memory_space<hbm>> -> memref<40x125xi32, #tpu.memory_space<hbm>>
      %dma_wait3A_71 = arith.constant 0 : i32
      %dma_wait3A_72 = arith.constant 0 : i32
      %dma_wait3A_73 = tpu.memref_slice %arg4[%arg1, %dma_wait3A_71, %dma_wait3A_72] : memref<16x40x125xi32, #tpu.memory_space<hbm>> -> memref<1x40x125xi32, #tpu.memory_space<hbm>>
      %dma_wait3A_74 = tpu.memref_squeeze %dma_wait3A_73 : memref<1x40x125xi32, #tpu.memory_space<hbm>> -> memref<40x125xi32, #tpu.memory_space<hbm>>
      tpu.wait_dma2 semaphore(%run_scoped3A : memref<!tpu.dma_semaphore, #tpu.memory_space<semaphore_mem>>) src(%dma_wait3A_74 : memref<40x125xi32, #tpu.memory_space<hbm>>) dst(%arg14 : memref<40x125xi32, #tpu.memory_space<vmem>>)
      tpu.yield
    }) : () -> ()
    "tpu.region"() ({
      %run_scoped3A = tpu.sem_alloc : memref<!tpu.dma_semaphore, #tpu.memory_space<semaphore_mem>>
      %dma_start3A = arith.constant 0 : i32
      %dma_start3A_61 = arith.constant 0 : i32
      %dma_start3A_62 = tpu.memref_slice %arg5[%arg1, %dma_start3A, %dma_start3A_61] : memref<16x40x125xi32, #tpu.memory_space<hbm>> -> memref<1x40x125xi32, #tpu.memory_space<hbm>>
      %dma_start3A_63 = tpu.memref_squeeze %dma_start3A_62 : memref<1x40x125xi32, #tpu.memory_space<hbm>> -> memref<40x125xi32, #tpu.memory_space<hbm>>
      %dma_start3A_64 = arith.constant 0 : i32
      %dma_start3A_65 = arith.constant 0 : i32
      %dma_start3A_66 = tpu.memref_slice %arg5[%arg1, %dma_start3A_64, %dma_start3A_65] : memref<16x40x125xi32, #tpu.memory_space<hbm>> -> memref<1x40x125xi32, #tpu.memory_space<hbm>>
      %dma_start3A_67 = tpu.memref_squeeze %dma_start3A_66 : memref<1x40x125xi32, #tpu.memory_space<hbm>> -> memref<40x125xi32, #tpu.memory_space<hbm>>
      tpu.enqueue_dma source(%dma_start3A_67 : memref<40x125xi32, #tpu.memory_space<hbm>>) target(%arg9 : memref<40x125xi32, #tpu.memory_space<vmem>>) target_semaphore(%run_scoped3A : memref<!tpu.dma_semaphore, #tpu.memory_space<semaphore_mem>>)
      %dma_wait3A = arith.constant 0 : i32
      %dma_wait3A_68 = arith.constant 0 : i32
      %dma_wait3A_69 = tpu.memref_slice %arg5[%arg1, %dma_wait3A, %dma_wait3A_68] : memref<16x40x125xi32, #tpu.memory_space<hbm>> -> memref<1x40x125xi32, #tpu.memory_space<hbm>>
      %dma_wait3A_70 = tpu.memref_squeeze %dma_wait3A_69 : memref<1x40x125xi32, #tpu.memory_space<hbm>> -> memref<40x125xi32, #tpu.memory_space<hbm>>
      %dma_wait3A_71 = arith.constant 0 : i32
      %dma_wait3A_72 = arith.constant 0 : i32
      %dma_wait3A_73 = tpu.memref_slice %arg5[%arg1, %dma_wait3A_71, %dma_wait3A_72] : memref<16x40x125xi32, #tpu.memory_space<hbm>> -> memref<1x40x125xi32, #tpu.memory_space<hbm>>
      %dma_wait3A_74 = tpu.memref_squeeze %dma_wait3A_73 : memref<1x40x125xi32, #tpu.memory_space<hbm>> -> memref<40x125xi32, #tpu.memory_space<hbm>>
      tpu.wait_dma2 semaphore(%run_scoped3A : memref<!tpu.dma_semaphore, #tpu.memory_space<semaphore_mem>>) src(%dma_wait3A_74 : memref<40x125xi32, #tpu.memory_space<hbm>>) dst(%arg9 : memref<40x125xi32, #tpu.memory_space<vmem>>)
      tpu.yield
    }) : () -> ()
    %broadcast_in_dim3A = arith.constant 0.000000e+00 : bf16
    %broadcast_in_dim3A_0 = vector.broadcast %broadcast_in_dim3A : bf16 to vector<32xbf16>
    %scan3A = arith.constant 0 : i32
    %scan3A_1 = arith.constant 64 : i32
    %scan3A_2 = arith.addi %scan3A, %scan3A_1 : i32
    %scan3A_3 = arith.constant 1 : i32
    scf.for %scan3A_61 = %scan3A to %scan3A_2 step %scan3A_3  : i32 {
      %mul3A_62 = arith.constant 1 : i32
      %mul3A_63 = arith.muli %scan3A_61, %mul3A_62 : i32
      %add3A_64 = arith.constant 0 : i32
      %add3A_65 = arith.addi %add3A_64, %mul3A_63 : i32
      %swap3A = arith.index_cast %add3A_65 : i32 to index
      %swap3A_66 = arith.constant 0 : index
      %swap3A_67 = tpu.vector_load %arg10[%swap3A, %swap3A_66] {strides = array<i32>} : memref<125x256xbf16, #tpu.memory_space<vmem>>, vector<32xbf16>,
      tpu.vector_store %arg10[%swap3A, %swap3A_66], %broadcast_in_dim3A_0 {strides = array<i32>} : memref<125x256xbf16, #tpu.memory_space<vmem>>, vector<32xbf16>,
      %swap3A_68 = arith.index_cast %add3A_65 : i32 to index
      %swap3A_69 = arith.constant 32 : index
      %swap3A_70 = tpu.vector_load %arg10[%swap3A_68, %swap3A_69] {strides = array<i32>} : memref<125x256xbf16, #tpu.memory_space<vmem>>, vector<32xbf16>,
      tpu.vector_store %arg10[%swap3A_68, %swap3A_69], %broadcast_in_dim3A_0 {strides = array<i32>} : memref<125x256xbf16, #tpu.memory_space<vmem>>, vector<32xbf16>,
      %swap3A_71 = arith.index_cast %add3A_65 : i32 to index
      %swap3A_72 = arith.constant 64 : index
      %swap3A_73 = tpu.vector_load %arg10[%swap3A_71, %swap3A_72] {strides = array<i32>} : memref<125x256xbf16, #tpu.memory_space<vmem>>, vector<32xbf16>,
      tpu.vector_store %arg10[%swap3A_71, %swap3A_72], %broadcast_in_dim3A_0 {strides = array<i32>} : memref<125x256xbf16, #tpu.memory_space<vmem>>, vector<32xbf16>,
      %swap3A_74 = arith.index_cast %add3A_65 : i32 to index
      %swap3A_75 = arith.constant 96 : index
      %swap3A_76 = tpu.vector_load %arg10[%swap3A_74, %swap3A_75] {strides = array<i32>} : memref<125x256xbf16, #tpu.memory_space<vmem>>, vector<32xbf16>,
      tpu.vector_store %arg10[%swap3A_74, %swap3A_75], %broadcast_in_dim3A_0 {strides = array<i32>} : memref<125x256xbf16, #tpu.memory_space<vmem>>, vector<32xbf16>,
      %swap3A_77 = arith.index_cast %add3A_65 : i32 to index
      %swap3A_78 = arith.constant 128 : index
      %swap3A_79 = tpu.vector_load %arg10[%swap3A_77, %swap3A_78] {strides = array<i32>} : memref<125x256xbf16, #tpu.memory_space<vmem>>, vector<32xbf16>,
      tpu.vector_store %arg10[%swap3A_77, %swap3A_78], %broadcast_in_dim3A_0 {strides = array<i32>} : memref<125x256xbf16, #tpu.memory_space<vmem>>, vector<32xbf16>,
      %swap3A_80 = arith.index_cast %add3A_65 : i32 to index
      %swap3A_81 = arith.constant 160 : index
      %swap3A_82 = tpu.vector_load %arg10[%swap3A_80, %swap3A_81] {strides = array<i32>} : memref<125x256xbf16, #tpu.memory_space<vmem>>, vector<32xbf16>,
      tpu.vector_store %arg10[%swap3A_80, %swap3A_81], %broadcast_in_dim3A_0 {strides = array<i32>} : memref<125x256xbf16, #tpu.memory_space<vmem>>, vector<32xbf16>,
      %swap3A_83 = arith.index_cast %add3A_65 : i32 to index
      %swap3A_84 = arith.constant 192 : index
      %swap3A_85 = tpu.vector_load %arg10[%swap3A_83, %swap3A_84] {strides = array<i32>} : memref<125x256xbf16, #tpu.memory_space<vmem>>, vector<32xbf16>,
      tpu.vector_store %arg10[%swap3A_83, %swap3A_84], %broadcast_in_dim3A_0 {strides = array<i32>} : memref<125x256xbf16, #tpu.memory_space<vmem>>, vector<32xbf16>,
      %swap3A_86 = arith.index_cast %add3A_65 : i32 to index
      %swap3A_87 = arith.constant 224 : index
      %swap3A_88 = tpu.vector_load %arg10[%swap3A_86, %swap3A_87] {strides = array<i32>} : memref<125x256xbf16, #tpu.memory_space<vmem>>, vector<32xbf16>,
      tpu.vector_store %arg10[%swap3A_86, %swap3A_87], %broadcast_in_dim3A_0 {strides = array<i32>} : memref<125x256xbf16, #tpu.memory_space<vmem>>, vector<32xbf16>,
    }
    %scan3A_4 = arith.constant 64 : i32
    %mul3A = arith.constant 640 : i32
    %mul3A_5 = arith.muli %arg1, %mul3A : i32
    %add3A = arith.constant 0 : i32
    %add3A_6 = arith.addi %mul3A_5, %add3A : i32
    "tpu.region"() ({
      %run_scoped3A = tpu.sem_alloc : memref<!tpu.dma_semaphore, #tpu.memory_space<semaphore_mem>>
      %dma_start3A = arith.constant 0 : i32
      %dma_start3A_61 = arith.constant 0 : i32
      %dma_start3A_62 = tpu.memref_slice %arg10[%dma_start3A, %dma_start3A_61] : memref<125x256xbf16, #tpu.memory_space<vmem>> -> memref<64x256xbf16, #tpu.memory_space<vmem>>
      %dma_start3A_63 = arith.constant 0 : i32
      %dma_start3A_64 = tpu.memref_slice %arg8[%add3A_6, %dma_start3A_63] : memref<10240x256xbf16, #tpu.memory_space<vmem_shared>> -> memref<64x256xbf16, #tpu.memory_space<vmem_shared>>
      %dma_start3A_65 = arith.constant 0 : i32
      %dma_start3A_66 = tpu.memref_slice %arg8[%add3A_6, %dma_start3A_65] : memref<10240x256xbf16, #tpu.memory_space<vmem_shared>> -> memref<64x256xbf16, #tpu.memory_space<vmem_shared>>
      %dma_start3A_67 = arith.constant 0 : i32
      %dma_start3A_68 = arith.constant 0 : i32
      %dma_start3A_69 = tpu.memref_slice %arg10[%dma_start3A_67, %dma_start3A_68] : memref<125x256xbf16, #tpu.memory_space<vmem>> -> memref<64x256xbf16, #tpu.memory_space<vmem>>
      tpu.enqueue_dma source(%dma_start3A_69 : memref<64x256xbf16, #tpu.memory_space<vmem>>) target(%dma_start3A_66 : memref<64x256xbf16, #tpu.memory_space<vmem_shared>>) target_semaphore(%run_scoped3A : memref<!tpu.dma_semaphore, #tpu.memory_space<semaphore_mem>>)
      %dma_wait3A = arith.constant 0 : i32
      %dma_wait3A_70 = arith.constant 0 : i32
      %dma_wait3A_71 = tpu.memref_slice %arg10[%dma_wait3A, %dma_wait3A_70] : memref<125x256xbf16, #tpu.memory_space<vmem>> -> memref<64x256xbf16, #tpu.memory_space<vmem>>
      %dma_wait3A_72 = arith.constant 0 : i32
      %dma_wait3A_73 = tpu.memref_slice %arg8[%add3A_6, %dma_wait3A_72] : memref<10240x256xbf16, #tpu.memory_space<vmem_shared>> -> memref<64x256xbf16, #tpu.memory_space<vmem_shared>>
      %dma_wait3A_74 = arith.constant 0 : i32
      %dma_wait3A_75 = tpu.memref_slice %arg8[%add3A_6, %dma_wait3A_74] : memref<10240x256xbf16, #tpu.memory_space<vmem_shared>> -> memref<64x256xbf16, #tpu.memory_space<vmem_shared>>
      %dma_wait3A_76 = arith.constant 0 : i32
      %dma_wait3A_77 = arith.constant 0 : i32
      %dma_wait3A_78 = tpu.memref_slice %arg10[%dma_wait3A_76, %dma_wait3A_77] : memref<125x256xbf16, #tpu.memory_space<vmem>> -> memref<64x256xbf16, #tpu.memory_space<vmem>>
      tpu.wait_dma2 semaphore(%run_scoped3A : memref<!tpu.dma_semaphore, #tpu.memory_space<semaphore_mem>>) src(%dma_wait3A_78 : memref<64x256xbf16, #tpu.memory_space<vmem>>) dst(%dma_wait3A_75 : memref<64x256xbf16, #tpu.memory_space<vmem_shared>>)
      tpu.yield
    }) : () -> ()
    %mul3A_7 = arith.constant 640 : i32
    %mul3A_8 = arith.muli %arg1, %mul3A_7 : i32
    %add3A_9 = arith.constant 64 : i32
    %add3A_10 = arith.addi %mul3A_8, %add3A_9 : i32
    "tpu.region"() ({
      %run_scoped3A = tpu.sem_alloc : memref<!tpu.dma_semaphore, #tpu.memory_space<semaphore_mem>>
      %dma_start3A = arith.constant 0 : i32
      %dma_start3A_61 = arith.constant 0 : i32
      %dma_start3A_62 = tpu.memref_slice %arg10[%dma_start3A, %dma_start3A_61] : memref<125x256xbf16, #tpu.memory_space<vmem>> -> memref<64x256xbf16, #tpu.memory_space<vmem>>
      %dma_start3A_63 = arith.constant 0 : i32
      %dma_start3A_64 = tpu.memref_slice %arg8[%add3A_10, %dma_start3A_63] : memref<10240x256xbf16, #tpu.memory_space<vmem_shared>> -> memref<64x256xbf16, #tpu.memory_space<vmem_shared>>
      %dma_start3A_65 = arith.constant 0 : i32
      %dma_start3A_66 = tpu.memref_slice %arg8[%add3A_10, %dma_start3A_65] : memref<10240x256xbf16, #tpu.memory_space<vmem_shared>> -> memref<64x256xbf16, #tpu.memory_space<vmem_shared>>
      %dma_start3A_67 = arith.constant 0 : i32
      %dma_start3A_68 = arith.constant 0 : i32
      %dma_start3A_69 = tpu.memref_slice %arg10[%dma_start3A_67, %dma_start3A_68] : memref<125x256xbf16, #tpu.memory_space<vmem>> -> memref<64x256xbf16, #tpu.memory_space<vmem>>
      tpu.enqueue_dma source(%dma_start3A_69 : memref<64x256xbf16, #tpu.memory_space<vmem>>) target(%dma_start3A_66 : memref<64x256xbf16, #tpu.memory_space<vmem_shared>>) target_semaphore(%run_scoped3A : memref<!tpu.dma_semaphore, #tpu.memory_space<semaphore_mem>>)
      %dma_wait3A = arith.constant 0 : i32
      %dma_wait3A_70 = arith.constant 0 : i32
      %dma_wait3A_71 = tpu.memref_slice %arg10[%dma_wait3A, %dma_wait3A_70] : memref<125x256xbf16, #tpu.memory_space<vmem>> -> memref<64x256xbf16, #tpu.memory_space<vmem>>
      %dma_wait3A_72 = arith.constant 0 : i32
      %dma_wait3A_73 = tpu.memref_slice %arg8[%add3A_10, %dma_wait3A_72] : memref<10240x256xbf16, #tpu.memory_space<vmem_shared>> -> memref<64x256xbf16, #tpu.memory_space<vmem_shared>>
      %dma_wait3A_74 = arith.constant 0 : i32
      %dma_wait3A_75 = tpu.memref_slice %arg8[%add3A_10, %dma_wait3A_74] : memref<10240x256xbf16, #tpu.memory_space<vmem_shared>> -> memref<64x256xbf16, #tpu.memory_space<vmem_shared>>
      %dma_wait3A_76 = arith.constant 0 : i32
      %dma_wait3A_77 = arith.constant 0 : i32
      %dma_wait3A_78 = tpu.memref_slice %arg10[%dma_wait3A_76, %dma_wait3A_77] : memref<125x256xbf16, #tpu.memory_space<vmem>> -> memref<64x256xbf16, #tpu.memory_space<vmem>>
      tpu.wait_dma2 semaphore(%run_scoped3A : memref<!tpu.dma_semaphore, #tpu.memory_space<semaphore_mem>>) src(%dma_wait3A_78 : memref<64x256xbf16, #tpu.memory_space<vmem>>) dst(%dma_wait3A_75 : memref<64x256xbf16, #tpu.memory_space<vmem_shared>>)
      tpu.yield
    }) : () -> ()
    %mul3A_11 = arith.constant 640 : i32
    %mul3A_12 = arith.muli %arg1, %mul3A_11 : i32
    %add3A_13 = arith.constant 128 : i32
    %add3A_14 = arith.addi %mul3A_12, %add3A_13 : i32
    "tpu.region"() ({
      %run_scoped3A = tpu.sem_alloc : memref<!tpu.dma_semaphore, #tpu.memory_space<semaphore_mem>>
      %dma_start3A = arith.constant 0 : i32
      %dma_start3A_61 = arith.constant 0 : i32
      %dma_start3A_62 = tpu.memref_slice %arg10[%dma_start3A, %dma_start3A_61] : memref<125x256xbf16, #tpu.memory_space<vmem>> -> memref<64x256xbf16, #tpu.memory_space<vmem>>
      %dma_start3A_63 = arith.constant 0 : i32
      %dma_start3A_64 = tpu.memref_slice %arg8[%add3A_14, %dma_start3A_63] : memref<10240x256xbf16, #tpu.memory_space<vmem_shared>> -> memref<64x256xbf16, #tpu.memory_space<vmem_shared>>
      %dma_start3A_65 = arith.constant 0 : i32
      %dma_start3A_66 = tpu.memref_slice %arg8[%add3A_14, %dma_start3A_65] : memref<10240x256xbf16, #tpu.memory_space<vmem_shared>> -> memref<64x256xbf16, #tpu.memory_space<vmem_shared>>
      %dma_start3A_67 = arith.constant 0 : i32
      %dma_start3A_68 = arith.constant 0 : i32
      %dma_start3A_69 = tpu.memref_slice %arg10[%dma_start3A_67, %dma_start3A_68] : memref<125x256xbf16, #tpu.memory_space<vmem>> -> memref<64x256xbf16, #tpu.memory_space<vmem>>
      tpu.enqueue_dma source(%dma_start3A_69 : memref<64x256xbf16, #tpu.memory_space<vmem>>) target(%dma_start3A_66 : memref<64x256xbf16, #tpu.memory_space<vmem_shared>>) target_semaphore(%run_scoped3A : memref<!tpu.dma_semaphore, #tpu.memory_space<semaphore_mem>>)
      %dma_wait3A = arith.constant 0 : i32
      %dma_wait3A_70 = arith.constant 0 : i32
      %dma_wait3A_71 = tpu.memref_slice %arg10[%dma_wait3A, %dma_wait3A_70] : memref<125x256xbf16, #tpu.memory_space<vmem>> -> memref<64x256xbf16, #tpu.memory_space<vmem>>
      %dma_wait3A_72 = arith.constant 0 : i32
      %dma_wait3A_73 = tpu.memref_slice %arg8[%add3A_14, %dma_wait3A_72] : memref<10240x256xbf16, #tpu.memory_space<vmem_shared>> -> memref<64x256xbf16, #tpu.memory_space<vmem_shared>>
      %dma_wait3A_74 = arith.constant 0 : i32
      %dma_wait3A_75 = tpu.memref_slice %arg8[%add3A_14, %dma_wait3A_74] : memref<10240x256xbf16, #tpu.memory_space<vmem_shared>> -> memref<64x256xbf16, #tpu.memory_space<vmem_shared>>
      %dma_wait3A_76 = arith.constant 0 : i32
      %dma_wait3A_77 = arith.constant 0 : i32
      %dma_wait3A_78 = tpu.memref_slice %arg10[%dma_wait3A_76, %dma_wait3A_77] : memref<125x256xbf16, #tpu.memory_space<vmem>> -> memref<64x256xbf16, #tpu.memory_space<vmem>>
      tpu.wait_dma2 semaphore(%run_scoped3A : memref<!tpu.dma_semaphore, #tpu.memory_space<semaphore_mem>>) src(%dma_wait3A_78 : memref<64x256xbf16, #tpu.memory_space<vmem>>) dst(%dma_wait3A_75 : memref<64x256xbf16, #tpu.memory_space<vmem_shared>>)
      tpu.yield
    }) : () -> ()
    %mul3A_15 = arith.constant 640 : i32
    %mul3A_16 = arith.muli %arg1, %mul3A_15 : i32
    %add3A_17 = arith.constant 192 : i32
    %add3A_18 = arith.addi %mul3A_16, %add3A_17 : i32
    "tpu.region"() ({
      %run_scoped3A = tpu.sem_alloc : memref<!tpu.dma_semaphore, #tpu.memory_space<semaphore_mem>>
      %dma_start3A = arith.constant 0 : i32
      %dma_start3A_61 = arith.constant 0 : i32
      %dma_start3A_62 = tpu.memref_slice %arg10[%dma_start3A, %dma_start3A_61] : memref<125x256xbf16, #tpu.memory_space<vmem>> -> memref<64x256xbf16, #tpu.memory_space<vmem>>
      %dma_start3A_63 = arith.constant 0 : i32
      %dma_start3A_64 = tpu.memref_slice %arg8[%add3A_18, %dma_start3A_63] : memref<10240x256xbf16, #tpu.memory_space<vmem_shared>> -> memref<64x256xbf16, #tpu.memory_space<vmem_shared>>
      %dma_start3A_65 = arith.constant 0 : i32
      %dma_start3A_66 = tpu.memref_slice %arg8[%add3A_18, %dma_start3A_65] : memref<10240x256xbf16, #tpu.memory_space<vmem_shared>> -> memref<64x256xbf16, #tpu.memory_space<vmem_shared>>
      %dma_start3A_67 = arith.constant 0 : i32
      %dma_start3A_68 = arith.constant 0 : i32
      %dma_start3A_69 = tpu.memref_slice %arg10[%dma_start3A_67, %dma_start3A_68] : memref<125x256xbf16, #tpu.memory_space<vmem>> -> memref<64x256xbf16, #tpu.memory_space<vmem>>
      tpu.enqueue_dma source(%dma_start3A_69 : memref<64x256xbf16, #tpu.memory_space<vmem>>) target(%dma_start3A_66 : memref<64x256xbf16, #tpu.memory_space<vmem_shared>>) target_semaphore(%run_scoped3A : memref<!tpu.dma_semaphore, #tpu.memory_space<semaphore_mem>>)
      %dma_wait3A = arith.constant 0 : i32
      %dma_wait3A_70 = arith.constant 0 : i32
      %dma_wait3A_71 = tpu.memref_slice %arg10[%dma_wait3A, %dma_wait3A_70] : memref<125x256xbf16, #tpu.memory_space<vmem>> -> memref<64x256xbf16, #tpu.memory_space<vmem>>
      %dma_wait3A_72 = arith.constant 0 : i32
      %dma_wait3A_73 = tpu.memref_slice %arg8[%add3A_18, %dma_wait3A_72] : memref<10240x256xbf16, #tpu.memory_space<vmem_shared>> -> memref<64x256xbf16, #tpu.memory_space<vmem_shared>>
      %dma_wait3A_74 = arith.constant 0 : i32
      %dma_wait3A_75 = tpu.memref_slice %arg8[%add3A_18, %dma_wait3A_74] : memref<10240x256xbf16, #tpu.memory_space<vmem_shared>> -> memref<64x256xbf16, #tpu.memory_space<vmem_shared>>
      %dma_wait3A_76 = arith.constant 0 : i32
      %dma_wait3A_77 = arith.constant 0 : i32
      %dma_wait3A_78 = tpu.memref_slice %arg10[%dma_wait3A_76, %dma_wait3A_77] : memref<125x256xbf16, #tpu.memory_space<vmem>> -> memref<64x256xbf16, #tpu.memory_space<vmem>>
      tpu.wait_dma2 semaphore(%run_scoped3A : memref<!tpu.dma_semaphore, #tpu.memory_space<semaphore_mem>>) src(%dma_wait3A_78 : memref<64x256xbf16, #tpu.memory_space<vmem>>) dst(%dma_wait3A_75 : memref<64x256xbf16, #tpu.memory_space<vmem_shared>>)
      tpu.yield
    }) : () -> ()
    %mul3A_19 = arith.constant 640 : i32
    %mul3A_20 = arith.muli %arg1, %mul3A_19 : i32
    %add3A_21 = arith.constant 256 : i32
    %add3A_22 = arith.addi %mul3A_20, %add3A_21 : i32
    "tpu.region"() ({
      %run_scoped3A = tpu.sem_alloc : memref<!tpu.dma_semaphore, #tpu.memory_space<semaphore_mem>>
      %dma_start3A = arith.constant 0 : i32
      %dma_start3A_61 = arith.constant 0 : i32
      %dma_start3A_62 = tpu.memref_slice %arg10[%dma_start3A, %dma_start3A_61] : memref<125x256xbf16, #tpu.memory_space<vmem>> -> memref<64x256xbf16, #tpu.memory_space<vmem>>
      %dma_start3A_63 = arith.constant 0 : i32
      %dma_start3A_64 = tpu.memref_slice %arg8[%add3A_22, %dma_start3A_63] : memref<10240x256xbf16, #tpu.memory_space<vmem_shared>> -> memref<64x256xbf16, #tpu.memory_space<vmem_shared>>
      %dma_start3A_65 = arith.constant 0 : i32
      %dma_start3A_66 = tpu.memref_slice %arg8[%add3A_22, %dma_start3A_65] : memref<10240x256xbf16, #tpu.memory_space<vmem_shared>> -> memref<64x256xbf16, #tpu.memory_space<vmem_shared>>
      %dma_start3A_67 = arith.constant 0 : i32
      %dma_start3A_68 = arith.constant 0 : i32
      %dma_start3A_69 = tpu.memref_slice %arg10[%dma_start3A_67, %dma_start3A_68] : memref<125x256xbf16, #tpu.memory_space<vmem>> -> memref<64x256xbf16, #tpu.memory_space<vmem>>
      tpu.enqueue_dma source(%dma_start3A_69 : memref<64x256xbf16, #tpu.memory_space<vmem>>) target(%dma_start3A_66 : memref<64x256xbf16, #tpu.memory_space<vmem_shared>>) target_semaphore(%run_scoped3A : memref<!tpu.dma_semaphore, #tpu.memory_space<semaphore_mem>>)
      %dma_wait3A = arith.constant 0 : i32
      %dma_wait3A_70 = arith.constant 0 : i32
      %dma_wait3A_71 = tpu.memref_slice %arg10[%dma_wait3A, %dma_wait3A_70] : memref<125x256xbf16, #tpu.memory_space<vmem>> -> memref<64x256xbf16, #tpu.memory_space<vmem>>
      %dma_wait3A_72 = arith.constant 0 : i32
      %dma_wait3A_73 = tpu.memref_slice %arg8[%add3A_22, %dma_wait3A_72] : memref<10240x256xbf16, #tpu.memory_space<vmem_shared>> -> memref<64x256xbf16, #tpu.memory_space<vmem_shared>>
      %dma_wait3A_74 = arith.constant 0 : i32
      %dma_wait3A_75 = tpu.memref_slice %arg8[%add3A_22, %dma_wait3A_74] : memref<10240x256xbf16, #tpu.memory_space<vmem_shared>> -> memref<64x256xbf16, #tpu.memory_space<vmem_shared>>
      %dma_wait3A_76 = arith.constant 0 : i32
      %dma_wait3A_77 = arith.constant 0 : i32
      %dma_wait3A_78 = tpu.memref_slice %arg10[%dma_wait3A_76, %dma_wait3A_77] : memref<125x256xbf16, #tpu.memory_space<vmem>> -> memref<64x256xbf16, #tpu.memory_space<vmem>>
      tpu.wait_dma2 semaphore(%run_scoped3A : memref<!tpu.dma_semaphore, #tpu.memory_space<semaphore_mem>>) src(%dma_wait3A_78 : memref<64x256xbf16, #tpu.memory_space<vmem>>) dst(%dma_wait3A_75 : memref<64x256xbf16, #tpu.memory_space<vmem_shared>>)
      tpu.yield
    }) : () -> ()
    %mul3A_23 = arith.constant 640 : i32
    %mul3A_24 = arith.muli %arg1, %mul3A_23 : i32
    %add3A_25 = arith.constant 320 : i32
    %add3A_26 = arith.addi %mul3A_24, %add3A_25 : i32
    "tpu.region"() ({
      %run_scoped3A = tpu.sem_alloc : memref<!tpu.dma_semaphore, #tpu.memory_space<semaphore_mem>>
      %dma_start3A = arith.constant 0 : i32
      %dma_start3A_61 = arith.constant 0 : i32
      %dma_start3A_62 = tpu.memref_slice %arg10[%dma_start3A, %dma_start3A_61] : memref<125x256xbf16, #tpu.memory_space<vmem>> -> memref<64x256xbf16, #tpu.memory_space<vmem>>
      %dma_start3A_63 = arith.constant 0 : i32
      %dma_start3A_64 = tpu.memref_slice %arg8[%add3A_26, %dma_start3A_63] : memref<10240x256xbf16, #tpu.memory_space<vmem_shared>> -> memref<64x256xbf16, #tpu.memory_space<vmem_shared>>
      %dma_start3A_65 = arith.constant 0 : i32
      %dma_start3A_66 = tpu.memref_slice %arg8[%add3A_26, %dma_start3A_65] : memref<10240x256xbf16, #tpu.memory_space<vmem_shared>> -> memref<64x256xbf16, #tpu.memory_space<vmem_shared>>
      %dma_start3A_67 = arith.constant 0 : i32
      %dma_start3A_68 = arith.constant 0 : i32
      %dma_start3A_69 = tpu.memref_slice %arg10[%dma_start3A_67, %dma_start3A_68] : memref<125x256xbf16, #tpu.memory_space<vmem>> -> memref<64x256xbf16, #tpu.memory_space<vmem>>
      tpu.enqueue_dma source(%dma_start3A_69 : memref<64x256xbf16, #tpu.memory_space<vmem>>) target(%dma_start3A_66 : memref<64x256xbf16, #tpu.memory_space<vmem_shared>>) target_semaphore(%run_scoped3A : memref<!tpu.dma_semaphore, #tpu.memory_space<semaphore_mem>>)
      %dma_wait3A = arith.constant 0 : i32
      %dma_wait3A_70 = arith.constant 0 : i32
      %dma_wait3A_71 = tpu.memref_slice %arg10[%dma_wait3A, %dma_wait3A_70] : memref<125x256xbf16, #tpu.memory_space<vmem>> -> memref<64x256xbf16, #tpu.memory_space<vmem>>
      %dma_wait3A_72 = arith.constant 0 : i32
      %dma_wait3A_73 = tpu.memref_slice %arg8[%add3A_26, %dma_wait3A_72] : memref<10240x256xbf16, #tpu.memory_space<vmem_shared>> -> memref<64x256xbf16, #tpu.memory_space<vmem_shared>>
      %dma_wait3A_74 = arith.constant 0 : i32
      %dma_wait3A_75 = tpu.memref_slice %arg8[%add3A_26, %dma_wait3A_74] : memref<10240x256xbf16, #tpu.memory_space<vmem_shared>> -> memref<64x256xbf16, #tpu.memory_space<vmem_shared>>
      %dma_wait3A_76 = arith.constant 0 : i32
      %dma_wait3A_77 = arith.constant 0 : i32
      %dma_wait3A_78 = tpu.memref_slice %arg10[%dma_wait3A_76, %dma_wait3A_77] : memref<125x256xbf16, #tpu.memory_space<vmem>> -> memref<64x256xbf16, #tpu.memory_space<vmem>>
      tpu.wait_dma2 semaphore(%run_scoped3A : memref<!tpu.dma_semaphore, #tpu.memory_space<semaphore_mem>>) src(%dma_wait3A_78 : memref<64x256xbf16, #tpu.memory_space<vmem>>) dst(%dma_wait3A_75 : memref<64x256xbf16, #tpu.memory_space<vmem_shared>>)
      tpu.yield
    }) : () -> ()
    %mul3A_27 = arith.constant 640 : i32
    %mul3A_28 = arith.muli %arg1, %mul3A_27 : i32
    %add3A_29 = arith.constant 384 : i32
    %add3A_30 = arith.addi %mul3A_28, %add3A_29 : i32
    "tpu.region"() ({
      %run_scoped3A = tpu.sem_alloc : memref<!tpu.dma_semaphore, #tpu.memory_space<semaphore_mem>>
      %dma_start3A = arith.constant 0 : i32
      %dma_start3A_61 = arith.constant 0 : i32
      %dma_start3A_62 = tpu.memref_slice %arg10[%dma_start3A, %dma_start3A_61] : memref<125x256xbf16, #tpu.memory_space<vmem>> -> memref<64x256xbf16, #tpu.memory_space<vmem>>
      %dma_start3A_63 = arith.constant 0 : i32
      %dma_start3A_64 = tpu.memref_slice %arg8[%add3A_30, %dma_start3A_63] : memref<10240x256xbf16, #tpu.memory_space<vmem_shared>> -> memref<64x256xbf16, #tpu.memory_space<vmem_shared>>
      %dma_start3A_65 = arith.constant 0 : i32
      %dma_start3A_66 = tpu.memref_slice %arg8[%add3A_30, %dma_start3A_65] : memref<10240x256xbf16, #tpu.memory_space<vmem_shared>> -> memref<64x256xbf16, #tpu.memory_space<vmem_shared>>
      %dma_start3A_67 = arith.constant 0 : i32
      %dma_start3A_68 = arith.constant 0 : i32
      %dma_start3A_69 = tpu.memref_slice %arg10[%dma_start3A_67, %dma_start3A_68] : memref<125x256xbf16, #tpu.memory_space<vmem>> -> memref<64x256xbf16, #tpu.memory_space<vmem>>
      tpu.enqueue_dma source(%dma_start3A_69 : memref<64x256xbf16, #tpu.memory_space<vmem>>) target(%dma_start3A_66 : memref<64x256xbf16, #tpu.memory_space<vmem_shared>>) target_semaphore(%run_scoped3A : memref<!tpu.dma_semaphore, #tpu.memory_space<semaphore_mem>>)
      %dma_wait3A = arith.constant 0 : i32
      %dma_wait3A_70 = arith.constant 0 : i32
      %dma_wait3A_71 = tpu.memref_slice %arg10[%dma_wait3A, %dma_wait3A_70] : memref<125x256xbf16, #tpu.memory_space<vmem>> -> memref<64x256xbf16, #tpu.memory_space<vmem>>
      %dma_wait3A_72 = arith.constant 0 : i32
      %dma_wait3A_73 = tpu.memref_slice %arg8[%add3A_30, %dma_wait3A_72] : memref<10240x256xbf16, #tpu.memory_space<vmem_shared>> -> memref<64x256xbf16, #tpu.memory_space<vmem_shared>>
      %dma_wait3A_74 = arith.constant 0 : i32
      %dma_wait3A_75 = tpu.memref_slice %arg8[%add3A_30, %dma_wait3A_74] : memref<10240x256xbf16, #tpu.memory_space<vmem_shared>> -> memref<64x256xbf16, #tpu.memory_space<vmem_shared>>
      %dma_wait3A_76 = arith.constant 0 : i32
      %dma_wait3A_77 = arith.constant 0 : i32
      %dma_wait3A_78 = tpu.memref_slice %arg10[%dma_wait3A_76, %dma_wait3A_77] : memref<125x256xbf16, #tpu.memory_space<vmem>> -> memref<64x256xbf16, #tpu.memory_space<vmem>>
      tpu.wait_dma2 semaphore(%run_scoped3A : memref<!tpu.dma_semaphore, #tpu.memory_space<semaphore_mem>>) src(%dma_wait3A_78 : memref<64x256xbf16, #tpu.memory_space<vmem>>) dst(%dma_wait3A_75 : memref<64x256xbf16, #tpu.memory_space<vmem_shared>>)
      tpu.yield
    }) : () -> ()
    %mul3A_31 = arith.constant 640 : i32
    %mul3A_32 = arith.muli %arg1, %mul3A_31 : i32
    %add3A_33 = arith.constant 448 : i32
    %add3A_34 = arith.addi %mul3A_32, %add3A_33 : i32
    "tpu.region"() ({
      %run_scoped3A = tpu.sem_alloc : memref<!tpu.dma_semaphore, #tpu.memory_space<semaphore_mem>>
      %dma_start3A = arith.constant 0 : i32
      %dma_start3A_61 = arith.constant 0 : i32
      %dma_start3A_62 = tpu.memref_slice %arg10[%dma_start3A, %dma_start3A_61] : memref<125x256xbf16, #tpu.memory_space<vmem>> -> memref<64x256xbf16, #tpu.memory_space<vmem>>
      %dma_start3A_63 = arith.constant 0 : i32
      %dma_start3A_64 = tpu.memref_slice %arg8[%add3A_34, %dma_start3A_63] : memref<10240x256xbf16, #tpu.memory_space<vmem_shared>> -> memref<64x256xbf16, #tpu.memory_space<vmem_shared>>
      %dma_start3A_65 = arith.constant 0 : i32
      %dma_start3A_66 = tpu.memref_slice %arg8[%add3A_34, %dma_start3A_65] : memref<10240x256xbf16, #tpu.memory_space<vmem_shared>> -> memref<64x256xbf16, #tpu.memory_space<vmem_shared>>
      %dma_start3A_67 = arith.constant 0 : i32
      %dma_start3A_68 = arith.constant 0 : i32
      %dma_start3A_69 = tpu.memref_slice %arg10[%dma_start3A_67, %dma_start3A_68] : memref<125x256xbf16, #tpu.memory_space<vmem>> -> memref<64x256xbf16, #tpu.memory_space<vmem>>
      tpu.enqueue_dma source(%dma_start3A_69 : memref<64x256xbf16, #tpu.memory_space<vmem>>) target(%dma_start3A_66 : memref<64x256xbf16, #tpu.memory_space<vmem_shared>>) target_semaphore(%run_scoped3A : memref<!tpu.dma_semaphore, #tpu.memory_space<semaphore_mem>>)
      %dma_wait3A = arith.constant 0 : i32
      %dma_wait3A_70 = arith.constant 0 : i32
      %dma_wait3A_71 = tpu.memref_slice %arg10[%dma_wait3A, %dma_wait3A_70] : memref<125x256xbf16, #tpu.memory_space<vmem>> -> memref<64x256xbf16, #tpu.memory_space<vmem>>
      %dma_wait3A_72 = arith.constant 0 : i32
      %dma_wait3A_73 = tpu.memref_slice %arg8[%add3A_34, %dma_wait3A_72] : memref<10240x256xbf16, #tpu.memory_space<vmem_shared>> -> memref<64x256xbf16, #tpu.memory_space<vmem_shared>>
      %dma_wait3A_74 = arith.constant 0 : i32
      %dma_wait3A_75 = tpu.memref_slice %arg8[%add3A_34, %dma_wait3A_74] : memref<10240x256xbf16, #tpu.memory_space<vmem_shared>> -> memref<64x256xbf16, #tpu.memory_space<vmem_shared>>
      %dma_wait3A_76 = arith.constant 0 : i32
      %dma_wait3A_77 = arith.constant 0 : i32
      %dma_wait3A_78 = tpu.memref_slice %arg10[%dma_wait3A_76, %dma_wait3A_77] : memref<125x256xbf16, #tpu.memory_space<vmem>> -> memref<64x256xbf16, #tpu.memory_space<vmem>>
      tpu.wait_dma2 semaphore(%run_scoped3A : memref<!tpu.dma_semaphore, #tpu.memory_space<semaphore_mem>>) src(%dma_wait3A_78 : memref<64x256xbf16, #tpu.memory_space<vmem>>) dst(%dma_wait3A_75 : memref<64x256xbf16, #tpu.memory_space<vmem_shared>>)
      tpu.yield
    }) : () -> ()
    %mul3A_35 = arith.constant 640 : i32
    %mul3A_36 = arith.muli %arg1, %mul3A_35 : i32
    %add3A_37 = arith.constant 512 : i32
    %add3A_38 = arith.addi %mul3A_36, %add3A_37 : i32
    "tpu.region"() ({
      %run_scoped3A = tpu.sem_alloc : memref<!tpu.dma_semaphore, #tpu.memory_space<semaphore_mem>>
      %dma_start3A = arith.constant 0 : i32
      %dma_start3A_61 = arith.constant 0 : i32
      %dma_start3A_62 = tpu.memref_slice %arg10[%dma_start3A, %dma_start3A_61] : memref<125x256xbf16, #tpu.memory_space<vmem>> -> memref<64x256xbf16, #tpu.memory_space<vmem>>
      %dma_start3A_63 = arith.constant 0 : i32
      %dma_start3A_64 = tpu.memref_slice %arg8[%add3A_38, %dma_start3A_63] : memref<10240x256xbf16, #tpu.memory_space<vmem_shared>> -> memref<64x256xbf16, #tpu.memory_space<vmem_shared>>
      %dma_start3A_65 = arith.constant 0 : i32
      %dma_start3A_66 = tpu.memref_slice %arg8[%add3A_38, %dma_start3A_65] : memref<10240x256xbf16, #tpu.memory_space<vmem_shared>> -> memref<64x256xbf16, #tpu.memory_space<vmem_shared>>
      %dma_start3A_67 = arith.constant 0 : i32
      %dma_start3A_68 = arith.constant 0 : i32
      %dma_start3A_69 = tpu.memref_slice %arg10[%dma_start3A_67, %dma_start3A_68] : memref<125x256xbf16, #tpu.memory_space<vmem>> -> memref<64x256xbf16, #tpu.memory_space<vmem>>
      tpu.enqueue_dma source(%dma_start3A_69 : memref<64x256xbf16, #tpu.memory_space<vmem>>) target(%dma_start3A_66 : memref<64x256xbf16, #tpu.memory_space<vmem_shared>>) target_semaphore(%run_scoped3A : memref<!tpu.dma_semaphore, #tpu.memory_space<semaphore_mem>>)
      %dma_wait3A = arith.constant 0 : i32
      %dma_wait3A_70 = arith.constant 0 : i32
      %dma_wait3A_71 = tpu.memref_slice %arg10[%dma_wait3A, %dma_wait3A_70] : memref<125x256xbf16, #tpu.memory_space<vmem>> -> memref<64x256xbf16, #tpu.memory_space<vmem>>
      %dma_wait3A_72 = arith.constant 0 : i32
      %dma_wait3A_73 = tpu.memref_slice %arg8[%add3A_38, %dma_wait3A_72] : memref<10240x256xbf16, #tpu.memory_space<vmem_shared>> -> memref<64x256xbf16, #tpu.memory_space<vmem_shared>>
      %dma_wait3A_74 = arith.constant 0 : i32
      %dma_wait3A_75 = tpu.memref_slice %arg8[%add3A_38, %dma_wait3A_74] : memref<10240x256xbf16, #tpu.memory_space<vmem_shared>> -> memref<64x256xbf16, #tpu.memory_space<vmem_shared>>
      %dma_wait3A_76 = arith.constant 0 : i32
      %dma_wait3A_77 = arith.constant 0 : i32
      %dma_wait3A_78 = tpu.memref_slice %arg10[%dma_wait3A_76, %dma_wait3A_77] : memref<125x256xbf16, #tpu.memory_space<vmem>> -> memref<64x256xbf16, #tpu.memory_space<vmem>>
      tpu.wait_dma2 semaphore(%run_scoped3A : memref<!tpu.dma_semaphore, #tpu.memory_space<semaphore_mem>>) src(%dma_wait3A_78 : memref<64x256xbf16, #tpu.memory_space<vmem>>) dst(%dma_wait3A_75 : memref<64x256xbf16, #tpu.memory_space<vmem_shared>>)
      tpu.yield
    }) : () -> ()
    %mul3A_39 = arith.constant 640 : i32
    %mul3A_40 = arith.muli %arg1, %mul3A_39 : i32
    %add3A_41 = arith.constant 576 : i32
    %add3A_42 = arith.addi %mul3A_40, %add3A_41 : i32
    "tpu.region"() ({
      %run_scoped3A = tpu.sem_alloc : memref<!tpu.dma_semaphore, #tpu.memory_space<semaphore_mem>>
      %dma_start3A = arith.constant 0 : i32
      %dma_start3A_61 = arith.constant 0 : i32
      %dma_start3A_62 = tpu.memref_slice %arg10[%dma_start3A, %dma_start3A_61] : memref<125x256xbf16, #tpu.memory_space<vmem>> -> memref<64x256xbf16, #tpu.memory_space<vmem>>
      %dma_start3A_63 = arith.constant 0 : i32
      %dma_start3A_64 = tpu.memref_slice %arg8[%add3A_42, %dma_start3A_63] : memref<10240x256xbf16, #tpu.memory_space<vmem_shared>> -> memref<64x256xbf16, #tpu.memory_space<vmem_shared>>
      %dma_start3A_65 = arith.constant 0 : i32
      %dma_start3A_66 = tpu.memref_slice %arg8[%add3A_42, %dma_start3A_65] : memref<10240x256xbf16, #tpu.memory_space<vmem_shared>> -> memref<64x256xbf16, #tpu.memory_space<vmem_shared>>
      %dma_start3A_67 = arith.constant 0 : i32
      %dma_start3A_68 = arith.constant 0 : i32
      %dma_start3A_69 = tpu.memref_slice %arg10[%dma_start3A_67, %dma_start3A_68] : memref<125x256xbf16, #tpu.memory_space<vmem>> -> memref<64x256xbf16, #tpu.memory_space<vmem>>
      tpu.enqueue_dma source(%dma_start3A_69 : memref<64x256xbf16, #tpu.memory_space<vmem>>) target(%dma_start3A_66 : memref<64x256xbf16, #tpu.memory_space<vmem_shared>>) target_semaphore(%run_scoped3A : memref<!tpu.dma_semaphore, #tpu.memory_space<semaphore_mem>>)
      %dma_wait3A = arith.constant 0 : i32
      %dma_wait3A_70 = arith.constant 0 : i32
      %dma_wait3A_71 = tpu.memref_slice %arg10[%dma_wait3A, %dma_wait3A_70] : memref<125x256xbf16, #tpu.memory_space<vmem>> -> memref<64x256xbf16, #tpu.memory_space<vmem>>
      %dma_wait3A_72 = arith.constant 0 : i32
      %dma_wait3A_73 = tpu.memref_slice %arg8[%add3A_42, %dma_wait3A_72] : memref<10240x256xbf16, #tpu.memory_space<vmem_shared>> -> memref<64x256xbf16, #tpu.memory_space<vmem_shared>>
      %dma_wait3A_74 = arith.constant 0 : i32
      %dma_wait3A_75 = tpu.memref_slice %arg8[%add3A_42, %dma_wait3A_74] : memref<10240x256xbf16, #tpu.memory_space<vmem_shared>> -> memref<64x256xbf16, #tpu.memory_space<vmem_shared>>
      %dma_wait3A_76 = arith.constant 0 : i32
      %dma_wait3A_77 = arith.constant 0 : i32
      %dma_wait3A_78 = tpu.memref_slice %arg10[%dma_wait3A_76, %dma_wait3A_77] : memref<125x256xbf16, #tpu.memory_space<vmem>> -> memref<64x256xbf16, #tpu.memory_space<vmem>>
      tpu.wait_dma2 semaphore(%run_scoped3A : memref<!tpu.dma_semaphore, #tpu.memory_space<semaphore_mem>>) src(%dma_wait3A_78 : memref<64x256xbf16, #tpu.memory_space<vmem>>) dst(%dma_wait3A_75 : memref<64x256xbf16, #tpu.memory_space<vmem_shared>>)
      tpu.yield
    }) : () -> ()
    %barrier3A = arith.constant 0 : index
    tpu.barrier barrier_id(%barrier3A)
    %eq3A = arith.constant 0 : i32
    %eq3A_43 = arith.cmpi eq, %arg0, %eq3A : i32
    %convert_element_type3A = arith.extui %eq3A_43 : i1 to i32
    %cond3A = arith.constant 0 : i32
    %cond3A_44 = arith.cmpi ne, %convert_element_type3A, %cond3A : i32
    scf.if %cond3A_44 {
      %dma_start3A = arith.constant 0 : i32
      %dma_start3A_61 = arith.constant 0 : i32
      %dma_start3A_62 = tpu.memref_slice %arg14[%dma_start3A, %dma_start3A_61] : memref<40x125xi32, #tpu.memory_space<vmem>> -> memref<1x125xi32, #tpu.memory_space<vmem>>
      %dma_start3A_63 = tpu.memref_squeeze %dma_start3A_62 : memref<1x125xi32, #tpu.memory_space<vmem>> -> memref<125xi32, #tpu.memory_space<vmem>>
      %dma_start3A_64 = arith.constant 0 : i32
      %dma_start3A_65 = arith.constant 0 : i32
      %dma_start3A_66 = tpu.memref_slice %arg2[%dma_start3A_64, %dma_start3A_65] : memref<10240x256xbf16, #tpu.memory_space<hbm>> -> memref<10240x256xbf16, #tpu.memory_space<hbm>>
      tpu.enqueue_indirect_dma source(%dma_start3A_66 : memref<10240x256xbf16, #tpu.memory_space<hbm>>) target(%arg10 : memref<125x256xbf16, #tpu.memory_space<vmem>>) offsets(%dma_start3A_63 : memref<125xi32, #tpu.memory_space<vmem>>) semaphore(%arg12 : memref<!tpu.dma_semaphore, #tpu.memory_space<semaphore_mem>>)
      %scan3A_67 = arith.constant 0 : i32
      %scan3A_68 = arith.constant 20 : i32
      %scan3A_69 = arith.addi %scan3A_67, %scan3A_68 : i32
      %scan3A_70 = arith.constant 1 : i32
      scf.for %scan3A_72 = %scan3A_67 to %scan3A_69 step %scan3A_70  : i32 {
        %mul3A_73 = arith.constant 2 : i32
        %mul3A_74 = arith.muli %scan3A_72, %mul3A_73 : i32
        %add3A_75 = arith.constant 0 : i32
        %add3A_76 = arith.addi %add3A_75, %mul3A_74 : i32
        %add3A_77 = arith.constant 1 : i32
        %add3A_78 = arith.addi %add3A_76, %add3A_77 : i32
        %dma_start3A_79 = arith.constant 0 : i32
        %dma_start3A_80 = tpu.memref_slice %arg14[%add3A_78, %dma_start3A_79] : memref<40x125xi32, #tpu.memory_space<vmem>> -> memref<1x125xi32, #tpu.memory_space<vmem>>
        %dma_start3A_81 = tpu.memref_squeeze %dma_start3A_80 : memref<1x125xi32, #tpu.memory_space<vmem>> -> memref<125xi32, #tpu.memory_space<vmem>>
        %dma_start3A_82 = arith.constant 0 : i32
        %dma_start3A_83 = arith.constant 0 : i32
        %dma_start3A_84 = tpu.memref_slice %arg2[%dma_start3A_82, %dma_start3A_83] : memref<10240x256xbf16, #tpu.memory_space<hbm>> -> memref<10240x256xbf16, #tpu.memory_space<hbm>>
        tpu.enqueue_indirect_dma source(%dma_start3A_84 : memref<10240x256xbf16, #tpu.memory_space<hbm>>) target(%arg11 : memref<125x256xbf16, #tpu.memory_space<vmem>>) offsets(%dma_start3A_81 : memref<125xi32, #tpu.memory_space<vmem>>) semaphore(%arg13 : memref<!tpu.dma_semaphore, #tpu.memory_space<semaphore_mem>>)
        %dma_wait3A = arith.constant 0 : i32
        %dma_wait3A_85 = tpu.memref_slice %arg14[%add3A_76, %dma_wait3A] : memref<40x125xi32, #tpu.memory_space<vmem>> -> memref<1x125xi32, #tpu.memory_space<vmem>>
        %dma_wait3A_86 = tpu.memref_squeeze %dma_wait3A_85 : memref<1x125xi32, #tpu.memory_space<vmem>> -> memref<125xi32, #tpu.memory_space<vmem>>
        %dma_wait3A_87 = arith.constant 0 : i32
        %dma_wait3A_88 = arith.constant 0 : i32
        %dma_wait3A_89 = tpu.memref_slice %arg2[%dma_wait3A_87, %dma_wait3A_88] : memref<10240x256xbf16, #tpu.memory_space<hbm>> -> memref<10240x256xbf16, #tpu.memory_space<hbm>>
        tpu.wait_indirect_dma semaphore(%arg12 : memref<!tpu.dma_semaphore, #tpu.memory_space<semaphore_mem>>) src(%dma_wait3A_89 : memref<10240x256xbf16, #tpu.memory_space<hbm>>) dst(%arg10 : memref<125x256xbf16, #tpu.memory_space<vmem>>)
        "tpu.region"() ({
          %run_scoped3A = tpu.sem_alloc : memref<!tpu.dma_semaphore, #tpu.memory_space<semaphore_mem>>
          %dma_start3A_106 = arith.constant 0 : i32
          %dma_start3A_107 = tpu.memref_slice %arg9[%add3A_76, %dma_start3A_106] : memref<40x125xi32, #tpu.memory_space<vmem>> -> memref<1x125xi32, #tpu.memory_space<vmem>>
          %dma_start3A_108 = tpu.memref_squeeze %dma_start3A_107 : memref<1x125xi32, #tpu.memory_space<vmem>> -> memref<125xi32, #tpu.memory_space<vmem>>
          %dma_start3A_109 = arith.constant 0 : i32
          %dma_start3A_110 = arith.constant 0 : i32
          %dma_start3A_111 = tpu.memref_slice %arg8[%dma_start3A_109, %dma_start3A_110] : memref<10240x256xbf16, #tpu.memory_space<vmem_shared>> -> memref<10240x256xbf16, #tpu.memory_space<vmem_shared>>
          tpu.enqueue_indirect_dma source(%arg10 : memref<125x256xbf16, #tpu.memory_space<vmem>>) target(%dma_start3A_111 : memref<10240x256xbf16, #tpu.memory_space<vmem_shared>>) offsets(%dma_start3A_108 : memref<125xi32, #tpu.memory_space<vmem>>) semaphore(%run_scoped3A : memref<!tpu.dma_semaphore, #tpu.memory_space<semaphore_mem>>) {add = true}
          %dma_wait3A_112 = arith.constant 0 : i32
          %dma_wait3A_113 = tpu.memref_slice %arg9[%add3A_76, %dma_wait3A_112] : memref<40x125xi32, #tpu.memory_space<vmem>> -> memref<1x125xi32, #tpu.memory_space<vmem>>
          %dma_wait3A_114 = tpu.memref_squeeze %dma_wait3A_113 : memref<1x125xi32, #tpu.memory_space<vmem>> -> memref<125xi32, #tpu.memory_space<vmem>>
          %dma_wait3A_115 = arith.constant 0 : i32
          %dma_wait3A_116 = arith.constant 0 : i32
          %dma_wait3A_117 = tpu.memref_slice %arg8[%dma_wait3A_115, %dma_wait3A_116] : memref<10240x256xbf16, #tpu.memory_space<vmem_shared>> -> memref<10240x256xbf16, #tpu.memory_space<vmem_shared>>
          tpu.wait_indirect_dma semaphore(%run_scoped3A : memref<!tpu.dma_semaphore, #tpu.memory_space<semaphore_mem>>) src(%arg10 : memref<125x256xbf16, #tpu.memory_space<vmem>>) dst(%dma_wait3A_117 : memref<10240x256xbf16, #tpu.memory_space<vmem_shared>>)
          tpu.yield
        }) : () -> ()
        %add3A_90 = arith.constant 2 : i32
        %add3A_91 = arith.addi %add3A_76, %add3A_90 : i32
        %lt3A = arith.constant 40 : i32
        %lt3A_92 = arith.cmpi slt, %add3A_91, %lt3A : i32
        %convert_element_type3A_93 = arith.extui %lt3A_92 : i1 to i32
        %cond3A_94 = arith.constant 0 : i32
        %cond3A_95 = arith.cmpi ne, %convert_element_type3A_93, %cond3A_94 : i32
        scf.if %cond3A_95 {
          %add3A_106 = arith.constant 2 : i32
          %add3A_107 = arith.addi %add3A_76, %add3A_106 : i32
          %dma_start3A_108 = arith.constant 0 : i32
          %dma_start3A_109 = tpu.memref_slice %arg14[%add3A_107, %dma_start3A_108] : memref<40x125xi32, #tpu.memory_space<vmem>> -> memref<1x125xi32, #tpu.memory_space<vmem>>
          %dma_start3A_110 = tpu.memref_squeeze %dma_start3A_109 : memref<1x125xi32, #tpu.memory_space<vmem>> -> memref<125xi32, #tpu.memory_space<vmem>>
          %dma_start3A_111 = arith.constant 0 : i32
          %dma_start3A_112 = arith.constant 0 : i32
          %dma_start3A_113 = tpu.memref_slice %arg2[%dma_start3A_111, %dma_start3A_112] : memref<10240x256xbf16, #tpu.memory_space<hbm>> -> memref<10240x256xbf16, #tpu.memory_space<hbm>>
          tpu.enqueue_indirect_dma source(%dma_start3A_113 : memref<10240x256xbf16, #tpu.memory_space<hbm>>) target(%arg10 : memref<125x256xbf16, #tpu.memory_space<vmem>>) offsets(%dma_start3A_110 : memref<125xi32, #tpu.memory_space<vmem>>) semaphore(%arg12 : memref<!tpu.dma_semaphore, #tpu.memory_space<semaphore_mem>>)
        } else {
        }
        %add3A_96 = arith.constant 1 : i32
        %add3A_97 = arith.addi %add3A_76, %add3A_96 : i32
        %dma_wait3A_98 = arith.constant 0 : i32
        %dma_wait3A_99 = tpu.memref_slice %arg14[%add3A_97, %dma_wait3A_98] : memref<40x125xi32, #tpu.memory_space<vmem>> -> memref<1x125xi32, #tpu.memory_space<vmem>>
        %dma_wait3A_100 = tpu.memref_squeeze %dma_wait3A_99 : memref<1x125xi32, #tpu.memory_space<vmem>> -> memref<125xi32, #tpu.memory_space<vmem>>
        %dma_wait3A_101 = arith.constant 0 : i32
        %dma_wait3A_102 = arith.constant 0 : i32
        %dma_wait3A_103 = tpu.memref_slice %arg2[%dma_wait3A_101, %dma_wait3A_102] : memref<10240x256xbf16, #tpu.memory_space<hbm>> -> memref<10240x256xbf16, #tpu.memory_space<hbm>>
        tpu.wait_indirect_dma semaphore(%arg13 : memref<!tpu.dma_semaphore, #tpu.memory_space<semaphore_mem>>) src(%dma_wait3A_103 : memref<10240x256xbf16, #tpu.memory_space<hbm>>) dst(%arg11 : memref<125x256xbf16, #tpu.memory_space<vmem>>)
        %add3A_104 = arith.constant 1 : i32
        %add3A_105 = arith.addi %add3A_76, %add3A_104 : i32
        "tpu.region"() ({
          %run_scoped3A = tpu.sem_alloc : memref<!tpu.dma_semaphore, #tpu.memory_space<semaphore_mem>>
          %dma_start3A_106 = arith.constant 0 : i32
          %dma_start3A_107 = tpu.memref_slice %arg9[%add3A_105, %dma_start3A_106] : memref<40x125xi32, #tpu.memory_space<vmem>> -> memref<1x125xi32, #tpu.memory_space<vmem>>
          %dma_start3A_108 = tpu.memref_squeeze %dma_start3A_107 : memref<1x125xi32, #tpu.memory_space<vmem>> -> memref<125xi32, #tpu.memory_space<vmem>>
          %dma_start3A_109 = arith.constant 0 : i32
          %dma_start3A_110 = arith.constant 0 : i32
          %dma_start3A_111 = tpu.memref_slice %arg8[%dma_start3A_109, %dma_start3A_110] : memref<10240x256xbf16, #tpu.memory_space<vmem_shared>> -> memref<10240x256xbf16, #tpu.memory_space<vmem_shared>>
          tpu.enqueue_indirect_dma source(%arg11 : memref<125x256xbf16, #tpu.memory_space<vmem>>) target(%dma_start3A_111 : memref<10240x256xbf16, #tpu.memory_space<vmem_shared>>) offsets(%dma_start3A_108 : memref<125xi32, #tpu.memory_space<vmem>>) semaphore(%run_scoped3A : memref<!tpu.dma_semaphore, #tpu.memory_space<semaphore_mem>>) {add = true}
          %dma_wait3A_112 = arith.constant 0 : i32
          %dma_wait3A_113 = tpu.memref_slice %arg9[%add3A_105, %dma_wait3A_112] : memref<40x125xi32, #tpu.memory_space<vmem>> -> memref<1x125xi32, #tpu.memory_space<vmem>>
          %dma_wait3A_114 = tpu.memref_squeeze %dma_wait3A_113 : memref<1x125xi32, #tpu.memory_space<vmem>> -> memref<125xi32, #tpu.memory_space<vmem>>
          %dma_wait3A_115 = arith.constant 0 : i32
          %dma_wait3A_116 = arith.constant 0 : i32
          %dma_wait3A_117 = tpu.memref_slice %arg8[%dma_wait3A_115, %dma_wait3A_116] : memref<10240x256xbf16, #tpu.memory_space<vmem_shared>> -> memref<10240x256xbf16, #tpu.memory_space<vmem_shared>>
          tpu.wait_indirect_dma semaphore(%run_scoped3A : memref<!tpu.dma_semaphore, #tpu.memory_space<semaphore_mem>>) src(%arg11 : memref<125x256xbf16, #tpu.memory_space<vmem>>) dst(%dma_wait3A_117 : memref<10240x256xbf16, #tpu.memory_space<vmem_shared>>)
          tpu.yield
        }) : () -> ()
      }
      %scan3A_71 = arith.constant 20 : i32
    } else {
    }
    %eq3A_45 = arith.constant 1 : i32
    %eq3A_46 = arith.cmpi eq, %arg0, %eq3A_45 : i32
    %convert_element_type3A_47 = arith.extui %eq3A_46 : i1 to i32
    %cond3A_48 = arith.constant 0 : i32
    %cond3A_49 = arith.cmpi ne, %convert_element_type3A_47, %cond3A_48 : i32
    scf.if %cond3A_49 {
      %dma_start3A = arith.constant 0 : i32
      %dma_start3A_61 = arith.constant 0 : i32
      %dma_start3A_62 = tpu.memref_slice %arg14[%dma_start3A, %dma_start3A_61] : memref<40x125xi32, #tpu.memory_space<vmem>> -> memref<1x125xi32, #tpu.memory_space<vmem>>
      %dma_start3A_63 = tpu.memref_squeeze %dma_start3A_62 : memref<1x125xi32, #tpu.memory_space<vmem>> -> memref<125xi32, #tpu.memory_space<vmem>>
      %dma_start3A_64 = arith.constant 0 : i32
      %dma_start3A_65 = arith.constant 0 : i32
      %dma_start3A_66 = tpu.memref_slice %arg3[%dma_start3A_64, %dma_start3A_65] : memref<10240x256xbf16, #tpu.memory_space<hbm>> -> memref<10240x256xbf16, #tpu.memory_space<hbm>>
      tpu.enqueue_indirect_dma source(%dma_start3A_66 : memref<10240x256xbf16, #tpu.memory_space<hbm>>) target(%arg10 : memref<125x256xbf16, #tpu.memory_space<vmem>>) offsets(%dma_start3A_63 : memref<125xi32, #tpu.memory_space<vmem>>) semaphore(%arg12 : memref<!tpu.dma_semaphore, #tpu.memory_space<semaphore_mem>>)
      %scan3A_67 = arith.constant 0 : i32
      %scan3A_68 = arith.constant 20 : i32
      %scan3A_69 = arith.addi %scan3A_67, %scan3A_68 : i32
      %scan3A_70 = arith.constant 1 : i32
      scf.for %scan3A_72 = %scan3A_67 to %scan3A_69 step %scan3A_70  : i32 {
        %mul3A_73 = arith.constant 2 : i32
        %mul3A_74 = arith.muli %scan3A_72, %mul3A_73 : i32
        %add3A_75 = arith.constant 0 : i32
        %add3A_76 = arith.addi %add3A_75, %mul3A_74 : i32
        %add3A_77 = arith.constant 1 : i32
        %add3A_78 = arith.addi %add3A_76, %add3A_77 : i32
        %dma_start3A_79 = arith.constant 0 : i32
        %dma_start3A_80 = tpu.memref_slice %arg14[%add3A_78, %dma_start3A_79] : memref<40x125xi32, #tpu.memory_space<vmem>> -> memref<1x125xi32, #tpu.memory_space<vmem>>
        %dma_start3A_81 = tpu.memref_squeeze %dma_start3A_80 : memref<1x125xi32, #tpu.memory_space<vmem>> -> memref<125xi32, #tpu.memory_space<vmem>>
        %dma_start3A_82 = arith.constant 0 : i32
        %dma_start3A_83 = arith.constant 0 : i32
        %dma_start3A_84 = tpu.memref_slice %arg3[%dma_start3A_82, %dma_start3A_83] : memref<10240x256xbf16, #tpu.memory_space<hbm>> -> memref<10240x256xbf16, #tpu.memory_space<hbm>>
        tpu.enqueue_indirect_dma source(%dma_start3A_84 : memref<10240x256xbf16, #tpu.memory_space<hbm>>) target(%arg11 : memref<125x256xbf16, #tpu.memory_space<vmem>>) offsets(%dma_start3A_81 : memref<125xi32, #tpu.memory_space<vmem>>) semaphore(%arg13 : memref<!tpu.dma_semaphore, #tpu.memory_space<semaphore_mem>>)
        %dma_wait3A = arith.constant 0 : i32
        %dma_wait3A_85 = tpu.memref_slice %arg14[%add3A_76, %dma_wait3A] : memref<40x125xi32, #tpu.memory_space<vmem>> -> memref<1x125xi32, #tpu.memory_space<vmem>>
        %dma_wait3A_86 = tpu.memref_squeeze %dma_wait3A_85 : memref<1x125xi32, #tpu.memory_space<vmem>> -> memref<125xi32, #tpu.memory_space<vmem>>
        %dma_wait3A_87 = arith.constant 0 : i32
        %dma_wait3A_88 = arith.constant 0 : i32
        %dma_wait3A_89 = tpu.memref_slice %arg3[%dma_wait3A_87, %dma_wait3A_88] : memref<10240x256xbf16, #tpu.memory_space<hbm>> -> memref<10240x256xbf16, #tpu.memory_space<hbm>>
        tpu.wait_indirect_dma semaphore(%arg12 : memref<!tpu.dma_semaphore, #tpu.memory_space<semaphore_mem>>) src(%dma_wait3A_89 : memref<10240x256xbf16, #tpu.memory_space<hbm>>) dst(%arg10 : memref<125x256xbf16, #tpu.memory_space<vmem>>)
        "tpu.region"() ({
          %run_scoped3A = tpu.sem_alloc : memref<!tpu.dma_semaphore, #tpu.memory_space<semaphore_mem>>
          %dma_start3A_106 = arith.constant 0 : i32
          %dma_start3A_107 = tpu.memref_slice %arg9[%add3A_76, %dma_start3A_106] : memref<40x125xi32, #tpu.memory_space<vmem>> -> memref<1x125xi32, #tpu.memory_space<vmem>>
          %dma_start3A_108 = tpu.memref_squeeze %dma_start3A_107 : memref<1x125xi32, #tpu.memory_space<vmem>> -> memref<125xi32, #tpu.memory_space<vmem>>
          %dma_start3A_109 = arith.constant 0 : i32
          %dma_start3A_110 = arith.constant 0 : i32
          %dma_start3A_111 = tpu.memref_slice %arg8[%dma_start3A_109, %dma_start3A_110] : memref<10240x256xbf16, #tpu.memory_space<vmem_shared>> -> memref<10240x256xbf16, #tpu.memory_space<vmem_shared>>
          tpu.enqueue_indirect_dma source(%arg10 : memref<125x256xbf16, #tpu.memory_space<vmem>>) target(%dma_start3A_111 : memref<10240x256xbf16, #tpu.memory_space<vmem_shared>>) offsets(%dma_start3A_108 : memref<125xi32, #tpu.memory_space<vmem>>) semaphore(%run_scoped3A : memref<!tpu.dma_semaphore, #tpu.memory_space<semaphore_mem>>) {add = true}
          %dma_wait3A_112 = arith.constant 0 : i32
          %dma_wait3A_113 = tpu.memref_slice %arg9[%add3A_76, %dma_wait3A_112] : memref<40x125xi32, #tpu.memory_space<vmem>> -> memref<1x125xi32, #tpu.memory_space<vmem>>
          %dma_wait3A_114 = tpu.memref_squeeze %dma_wait3A_113 : memref<1x125xi32, #tpu.memory_space<vmem>> -> memref<125xi32, #tpu.memory_space<vmem>>
          %dma_wait3A_115 = arith.constant 0 : i32
          %dma_wait3A_116 = arith.constant 0 : i32
          %dma_wait3A_117 = tpu.memref_slice %arg8[%dma_wait3A_115, %dma_wait3A_116] : memref<10240x256xbf16, #tpu.memory_space<vmem_shared>> -> memref<10240x256xbf16, #tpu.memory_space<vmem_shared>>
          tpu.wait_indirect_dma semaphore(%run_scoped3A : memref<!tpu.dma_semaphore, #tpu.memory_space<semaphore_mem>>) src(%arg10 : memref<125x256xbf16, #tpu.memory_space<vmem>>) dst(%dma_wait3A_117 : memref<10240x256xbf16, #tpu.memory_space<vmem_shared>>)
          tpu.yield
        }) : () -> ()
        %add3A_90 = arith.constant 2 : i32
        %add3A_91 = arith.addi %add3A_76, %add3A_90 : i32
        %lt3A = arith.constant 40 : i32
        %lt3A_92 = arith.cmpi slt, %add3A_91, %lt3A : i32
        %convert_element_type3A_93 = arith.extui %lt3A_92 : i1 to i32
        %cond3A_94 = arith.constant 0 : i32
        %cond3A_95 = arith.cmpi ne, %convert_element_type3A_93, %cond3A_94 : i32
        scf.if %cond3A_95 {
          %add3A_106 = arith.constant 2 : i32
          %add3A_107 = arith.addi %add3A_76, %add3A_106 : i32
          %dma_start3A_108 = arith.constant 0 : i32
          %dma_start3A_109 = tpu.memref_slice %arg14[%add3A_107, %dma_start3A_108] : memref<40x125xi32, #tpu.memory_space<vmem>> -> memref<1x125xi32, #tpu.memory_space<vmem>>
          %dma_start3A_110 = tpu.memref_squeeze %dma_start3A_109 : memref<1x125xi32, #tpu.memory_space<vmem>> -> memref<125xi32, #tpu.memory_space<vmem>>
          %dma_start3A_111 = arith.constant 0 : i32
          %dma_start3A_112 = arith.constant 0 : i32
          %dma_start3A_113 = tpu.memref_slice %arg3[%dma_start3A_111, %dma_start3A_112] : memref<10240x256xbf16, #tpu.memory_space<hbm>> -> memref<10240x256xbf16, #tpu.memory_space<hbm>>
          tpu.enqueue_indirect_dma source(%dma_start3A_113 : memref<10240x256xbf16, #tpu.memory_space<hbm>>) target(%arg10 : memref<125x256xbf16, #tpu.memory_space<vmem>>) offsets(%dma_start3A_110 : memref<125xi32, #tpu.memory_space<vmem>>) semaphore(%arg12 : memref<!tpu.dma_semaphore, #tpu.memory_space<semaphore_mem>>)
        } else {
        }
        %add3A_96 = arith.constant 1 : i32
        %add3A_97 = arith.addi %add3A_76, %add3A_96 : i32
        %dma_wait3A_98 = arith.constant 0 : i32
        %dma_wait3A_99 = tpu.memref_slice %arg14[%add3A_97, %dma_wait3A_98] : memref<40x125xi32, #tpu.memory_space<vmem>> -> memref<1x125xi32, #tpu.memory_space<vmem>>
        %dma_wait3A_100 = tpu.memref_squeeze %dma_wait3A_99 : memref<1x125xi32, #tpu.memory_space<vmem>> -> memref<125xi32, #tpu.memory_space<vmem>>
        %dma_wait3A_101 = arith.constant 0 : i32
        %dma_wait3A_102 = arith.constant 0 : i32
        %dma_wait3A_103 = tpu.memref_slice %arg3[%dma_wait3A_101, %dma_wait3A_102] : memref<10240x256xbf16, #tpu.memory_space<hbm>> -> memref<10240x256xbf16, #tpu.memory_space<hbm>>
        tpu.wait_indirect_dma semaphore(%arg13 : memref<!tpu.dma_semaphore, #tpu.memory_space<semaphore_mem>>) src(%dma_wait3A_103 : memref<10240x256xbf16, #tpu.memory_space<hbm>>) dst(%arg11 : memref<125x256xbf16, #tpu.memory_space<vmem>>)
        %add3A_104 = arith.constant 1 : i32
        %add3A_105 = arith.addi %add3A_76, %add3A_104 : i32
        "tpu.region"() ({
          %run_scoped3A = tpu.sem_alloc : memref<!tpu.dma_semaphore, #tpu.memory_space<semaphore_mem>>
          %dma_start3A_106 = arith.constant 0 : i32
          %dma_start3A_107 = tpu.memref_slice %arg9[%add3A_105, %dma_start3A_106] : memref<40x125xi32, #tpu.memory_space<vmem>> -> memref<1x125xi32, #tpu.memory_space<vmem>>
          %dma_start3A_108 = tpu.memref_squeeze %dma_start3A_107 : memref<1x125xi32, #tpu.memory_space<vmem>> -> memref<125xi32, #tpu.memory_space<vmem>>
          %dma_start3A_109 = arith.constant 0 : i32
          %dma_start3A_110 = arith.constant 0 : i32
          %dma_start3A_111 = tpu.memref_slice %arg8[%dma_start3A_109, %dma_start3A_110] : memref<10240x256xbf16, #tpu.memory_space<vmem_shared>> -> memref<10240x256xbf16, #tpu.memory_space<vmem_shared>>
          tpu.enqueue_indirect_dma source(%arg11 : memref<125x256xbf16, #tpu.memory_space<vmem>>) target(%dma_start3A_111 : memref<10240x256xbf16, #tpu.memory_space<vmem_shared>>) offsets(%dma_start3A_108 : memref<125xi32, #tpu.memory_space<vmem>>) semaphore(%run_scoped3A : memref<!tpu.dma_semaphore, #tpu.memory_space<semaphore_mem>>) {add = true}
          %dma_wait3A_112 = arith.constant 0 : i32
          %dma_wait3A_113 = tpu.memref_slice %arg9[%add3A_105, %dma_wait3A_112] : memref<40x125xi32, #tpu.memory_space<vmem>> -> memref<1x125xi32, #tpu.memory_space<vmem>>
          %dma_wait3A_114 = tpu.memref_squeeze %dma_wait3A_113 : memref<1x125xi32, #tpu.memory_space<vmem>> -> memref<125xi32, #tpu.memory_space<vmem>>
          %dma_wait3A_115 = arith.constant 0 : i32
          %dma_wait3A_116 = arith.constant 0 : i32
          %dma_wait3A_117 = tpu.memref_slice %arg8[%dma_wait3A_115, %dma_wait3A_116] : memref<10240x256xbf16, #tpu.memory_space<vmem_shared>> -> memref<10240x256xbf16, #tpu.memory_space<vmem_shared>>
          tpu.wait_indirect_dma semaphore(%run_scoped3A : memref<!tpu.dma_semaphore, #tpu.memory_space<semaphore_mem>>) src(%arg11 : memref<125x256xbf16, #tpu.memory_space<vmem>>) dst(%dma_wait3A_117 : memref<10240x256xbf16, #tpu.memory_space<vmem_shared>>)
          tpu.yield
        }) : () -> ()
      }
      %scan3A_71 = arith.constant 20 : i32
    } else {
    }
    %barrier3A_50 = arith.constant 0 : index
    tpu.barrier barrier_id(%barrier3A_50)
    %eq3A_51 = arith.constant 0 : i32
    %eq3A_52 = arith.cmpi eq, %arg0, %eq3A_51 : i32
    %convert_element_type3A_53 = arith.extui %eq3A_52 : i1 to i32
    %cond3A_54 = arith.constant 0 : i32
    %cond3A_55 = arith.cmpi ne, %convert_element_type3A_53, %cond3A_54 : i32
    scf.if %cond3A_55 {
      %mul3A_61 = arith.constant 640 : i32
      %mul3A_62 = arith.muli %arg1, %mul3A_61 : i32
      %mul3A_63 = arith.constant 640 : i32
      %mul3A_64 = arith.muli %arg1, %mul3A_63 : i32
      "tpu.region"() ({
        %run_scoped3A = tpu.sem_alloc : memref<!tpu.dma_semaphore, #tpu.memory_space<semaphore_mem>>
        %dma_start3A = arith.constant 0 : i32
        %dma_start3A_65 = tpu.memref_slice %arg6[%mul3A_64, %dma_start3A] : memref<10240x256xbf16, #tpu.memory_space<hbm>> -> memref<640x256xbf16, #tpu.memory_space<hbm>>
        %dma_start3A_66 = arith.constant 0 : i32
        %dma_start3A_67 = tpu.memref_slice %arg8[%mul3A_62, %dma_start3A_66] : memref<10240x256xbf16, #tpu.memory_space<vmem_shared>> -> memref<640x256xbf16, #tpu.memory_space<vmem_shared>>
        tpu.enqueue_dma source(%dma_start3A_67 : memref<640x256xbf16, #tpu.memory_space<vmem_shared>>) target(%dma_start3A_65 : memref<640x256xbf16, #tpu.memory_space<hbm>>) target_semaphore(%run_scoped3A : memref<!tpu.dma_semaphore, #tpu.memory_space<semaphore_mem>>)
        %dma_wait3A = arith.constant 0 : i32
        %dma_wait3A_68 = tpu.memref_slice %arg6[%mul3A_64, %dma_wait3A] : memref<10240x256xbf16, #tpu.memory_space<hbm>> -> memref<640x256xbf16, #tpu.memory_space<hbm>>
        %dma_wait3A_69 = arith.constant 0 : i32
        %dma_wait3A_70 = tpu.memref_slice %arg8[%mul3A_62, %dma_wait3A_69] : memref<10240x256xbf16, #tpu.memory_space<vmem_shared>> -> memref<640x256xbf16, #tpu.memory_space<vmem_shared>>
        tpu.wait_dma2 semaphore(%run_scoped3A : memref<!tpu.dma_semaphore, #tpu.memory_space<semaphore_mem>>) src(%dma_wait3A_70 : memref<640x256xbf16, #tpu.memory_space<vmem_shared>>) dst(%dma_wait3A_68 : memref<640x256xbf16, #tpu.memory_space<hbm>>)
        tpu.yield
      }) : () -> ()
    } else {
    }
    %eq3A_56 = arith.constant 1 : i32
    %eq3A_57 = arith.cmpi eq, %arg0, %eq3A_56 : i32
    %convert_element_type3A_58 = arith.extui %eq3A_57 : i1 to i32
    %cond3A_59 = arith.constant 0 : i32
    %cond3A_60 = arith.cmpi ne, %convert_element_type3A_58, %cond3A_59 : i32
    scf.if %cond3A_60 {
      %mul3A_61 = arith.constant 640 : i32
      %mul3A_62 = arith.muli %arg1, %mul3A_61 : i32
      %mul3A_63 = arith.constant 640 : i32
      %mul3A_64 = arith.muli %arg1, %mul3A_63 : i32
      "tpu.region"() ({
        %run_scoped3A = tpu.sem_alloc : memref<!tpu.dma_semaphore, #tpu.memory_space<semaphore_mem>>
        %dma_start3A = arith.constant 0 : i32
        %dma_start3A_65 = tpu.memref_slice %arg7[%mul3A_64, %dma_start3A] : memref<10240x256xbf16, #tpu.memory_space<hbm>> -> memref<640x256xbf16, #tpu.memory_space<hbm>>
        %dma_start3A_66 = arith.constant 0 : i32
        %dma_start3A_67 = tpu.memref_slice %arg8[%mul3A_62, %dma_start3A_66] : memref<10240x256xbf16, #tpu.memory_space<vmem_shared>> -> memref<640x256xbf16, #tpu.memory_space<vmem_shared>>
        tpu.enqueue_dma source(%dma_start3A_67 : memref<640x256xbf16, #tpu.memory_space<vmem_shared>>) target(%dma_start3A_65 : memref<640x256xbf16, #tpu.memory_space<hbm>>) target_semaphore(%run_scoped3A : memref<!tpu.dma_semaphore, #tpu.memory_space<semaphore_mem>>)
        %dma_wait3A = arith.constant 0 : i32
        %dma_wait3A_68 = tpu.memref_slice %arg7[%mul3A_64, %dma_wait3A] : memref<10240x256xbf16, #tpu.memory_space<hbm>> -> memref<640x256xbf16, #tpu.memory_space<hbm>>
        %dma_wait3A_69 = arith.constant 0 : i32
        %dma_wait3A_70 = tpu.memref_slice %arg8[%mul3A_62, %dma_wait3A_69] : memref<10240x256xbf16, #tpu.memory_space<vmem_shared>> -> memref<640x256xbf16, #tpu.memory_space<vmem_shared>>
        tpu.wait_dma2 semaphore(%run_scoped3A : memref<!tpu.dma_semaphore, #tpu.memory_space<semaphore_mem>>) src(%dma_wait3A_70 : memref<640x256xbf16, #tpu.memory_space<vmem_shared>>) dst(%dma_wait3A_68 : memref<640x256xbf16, #tpu.memory_space<hbm>>)
        tpu.yield
      }) : () -> ()
    } else {
    }
    return
  }
}

module attributes {stable_mosaic.version = 14 : i64} {
  func.func @body(%arg0: i32, %arg1: memref<2000x512xf32, #tpu.memory_space<vmem>>, %arg2: memref<512x512xf32, #tpu.memory_space<vmem>>, %arg3: memref<1x512xf32, #tpu.memory_space<vmem>>, %arg4: memref<2000x1xf32, #tpu.memory_space<vmem>>, %arg5: memref<2000x256xbf16, #tpu.memory_space<vmem>>, %arg6: memref<2000x256xbf16, #tpu.memory_space<vmem>>) attributes {dimension_semantics = [#tpu.dimension_semantics<arbitrary>], iteration_bounds = array<i64: 5>, scalar_prefetch = 0 : i64, scratch_operands = 0 : i64, tpu.core_type = #tpu.core_type<tc>, window_params = [{transform_indices = @transform_0, window_bounds = array<i64: 2000, 512>}, {pipeline_mode = #tpu.pipeline_mode<synchronous>, transform_indices = @transform_1, window_bounds = array<i64: 512, 512>}, {pipeline_mode = #tpu.pipeline_mode<synchronous>, transform_indices = @transform_2, window_bounds = array<i64: 1, 512>}, {transform_indices = @transform_3, window_bounds = array<i64: 2000, 1>}, {transform_indices = @transform_4, window_bounds = array<i64: 2000, 256>}, {transform_indices = @transform_5, window_bounds = array<i64: 2000, 256>}]} {
    %get3A = arith.constant 0 : index
    %get3A_0 = arith.constant 0 : index
    %get3A_1 = vector.load %arg1[%get3A, %get3A_0] : memref<2000x512xf32, #tpu.memory_space<vmem>>, vector<2000x512xf32>
    %convert_element_type3A = arith.truncf %get3A_1 : vector<2000x512xf32> to vector<2000x512xbf16>
    %get3A_2 = arith.constant 0 : index
    %get3A_3 = arith.constant 0 : index
    %get3A_4 = vector.load %arg2[%get3A_2, %get3A_3] : memref<512x512xf32, #tpu.memory_space<vmem>>, vector<512x512xf32>
    %convert_element_type3A_5 = arith.truncf %get3A_4 : vector<512x512xf32> to vector<512x512xbf16>
    %dot_general3A = arith.constant dense<0.000000e+00> : vector<2000x512xf32>
    %dot_general3A_6 = tpu.matmul %convert_element_type3A, %convert_element_type3A_5, %dot_general3A {dimension_numbers = #tpu.dot_dimension_numbers<[1], [0], [0], [1], [0, 0, 1, 1], [], []>, transpose_lhs_hint = false} : vector<2000x512xbf16>, vector<512x512xbf16>, vector<2000x512xf32> -> vector<2000x512xf32>
    %get3A_7 = arith.constant 0 : index
    %get3A_8 = arith.constant 0 : index
    %get3A_9 = vector.load %arg3[%get3A_7, %get3A_8] : memref<1x512xf32, #tpu.memory_space<vmem>>, vector<1x512xf32>
    %add3A = vector.broadcast %get3A_9 : vector<1x512xf32> to vector<2000x512xf32>
    %add3A_10 = arith.addf %dot_general3A_6, %add3A : vector<2000x512xf32>
    %get3A_11 = arith.constant 0 : index
    %get3A_12 = arith.constant 0 : index
    %get3A_13 = vector.load %arg4[%get3A_11, %get3A_12] : memref<2000x1xf32, #tpu.memory_space<vmem>>, vector<2000x1xf32>
    %max3A = arith.constant 1.000000e+00 : f32
    %max3A_14 = vector.broadcast %max3A : f32 to vector<2000x1xf32>
    %max3A_15 = arith.maximumf %get3A_13, %max3A_14 : vector<2000x1xf32>
    %rsqrt3A = math.rsqrt %max3A_15 : vector<2000x1xf32>
    %mul3A = vector.broadcast %rsqrt3A : vector<2000x1xf32> to vector<2000x512xf32>
    %mul3A_16 = arith.mulf %add3A_10, %mul3A : vector<2000x512xf32>
    %slice3A = vector.extract_strided_slice %mul3A_16 {offsets = [0, 0], sizes = [2000, 256], strides = [1, 1]} : vector<2000x512xf32> to vector<2000x256xf32>
    %convert_element_type3A_17 = arith.truncf %slice3A : vector<2000x256xf32> to vector<2000x256xbf16>
    %swap3A = arith.constant 0 : index
    %swap3A_18 = arith.constant 0 : index
    %swap3A_19 = vector.load %arg5[%swap3A, %swap3A_18] : memref<2000x256xbf16, #tpu.memory_space<vmem>>, vector<2000x256xbf16>
    tpu.vector_store %arg5[%swap3A, %swap3A_18], %convert_element_type3A_17 {strides = array<i32>} : memref<2000x256xbf16, #tpu.memory_space<vmem>>, vector<2000x256xbf16>,
    %slice3A_20 = vector.extract_strided_slice %mul3A_16 {offsets = [0, 256], sizes = [2000, 256], strides = [1, 1]} : vector<2000x512xf32> to vector<2000x256xf32>
    %convert_element_type3A_21 = arith.truncf %slice3A_20 : vector<2000x256xf32> to vector<2000x256xbf16>
    %swap3A_22 = arith.constant 0 : index
    %swap3A_23 = arith.constant 0 : index
    %swap3A_24 = vector.load %arg6[%swap3A_22, %swap3A_23] : memref<2000x256xbf16, #tpu.memory_space<vmem>>, vector<2000x256xbf16>
    tpu.vector_store %arg6[%swap3A_22, %swap3A_23], %convert_element_type3A_21 {strides = array<i32>} : memref<2000x256xbf16, #tpu.memory_space<vmem>>, vector<2000x256xbf16>,
    return
  }
  func.func @transform_0(%arg0: i32) -> (i32, i32) {
    %c0_i32 = arith.constant 0 : i32
    %c0_i32_0 = arith.constant 0 : i32
    return %arg0, %c0_i32 : i32, i32
  }
  func.func @transform_1(%arg0: i32) -> (i32, i32) {
    %c0_i32 = arith.constant 0 : i32
    %c0_i32_0 = arith.constant 0 : i32
    %c0_i32_1 = arith.constant 0 : i32
    return %c0_i32, %c0_i32_0 : i32, i32
  }
  func.func @transform_2(%arg0: i32) -> (i32, i32) {
    %c0_i32 = arith.constant 0 : i32
    %c0_i32_0 = arith.constant 0 : i32
    %c0_i32_1 = arith.constant 0 : i32
    return %c0_i32, %c0_i32_0 : i32, i32
  }
  func.func @transform_3(%arg0: i32) -> (i32, i32) {
    %c0_i32 = arith.constant 0 : i32
    %c0_i32_0 = arith.constant 0 : i32
    return %arg0, %c0_i32 : i32, i32
  }
  func.func @transform_4(%arg0: i32) -> (i32, i32) {
    %c0_i32 = arith.constant 0 : i32
    %c0_i32_0 = arith.constant 0 : i32
    return %arg0, %c0_i32 : i32, i32
  }
  func.func @transform_5(%arg0: i32) -> (i32, i32) {
    %c0_i32 = arith.constant 0 : i32
    %c0_i32_0 = arith.constant 0 : i32
    return %arg0, %c0_i32 : i32, i32
  }
}

module attributes {stable_mosaic.version = 14 : i64} {
  func.func @body(%arg0: i32, %arg1: memref<2000x256xbf16, #tpu.memory_space<vmem>>, %arg2: memref<2000x256xbf16, #tpu.memory_space<vmem>>, %arg3: memref<2000x1xf32, #tpu.memory_space<vmem>>, %arg4: memref<512x512xf32, #tpu.memory_space<vmem>>, %arg5: memref<1x512xf32, #tpu.memory_space<vmem>>, %arg6: memref<2000x1xf32, #tpu.memory_space<vmem>>, %arg7: memref<2000x256xbf16, #tpu.memory_space<vmem>>, %arg8: memref<2000x256xbf16, #tpu.memory_space<vmem>>) attributes {dimension_semantics = [#tpu.dimension_semantics<arbitrary>], iteration_bounds = array<i64: 5>, scalar_prefetch = 0 : i64, scratch_operands = 0 : i64, tpu.core_type = #tpu.core_type<tc>, window_params = [{transform_indices = @transform_0, window_bounds = array<i64: 2000, 256>}, {transform_indices = @transform_1, window_bounds = array<i64: 2000, 256>}, {transform_indices = @transform_2, window_bounds = array<i64: 2000, 1>}, {pipeline_mode = #tpu.pipeline_mode<synchronous>, transform_indices = @transform_3, window_bounds = array<i64: 512, 512>}, {pipeline_mode = #tpu.pipeline_mode<synchronous>, transform_indices = @transform_4, window_bounds = array<i64: 1, 512>}, {transform_indices = @transform_5, window_bounds = array<i64: 2000, 1>}, {transform_indices = @transform_6, window_bounds = array<i64: 2000, 256>}, {transform_indices = @transform_7, window_bounds = array<i64: 2000, 256>}]} {
    %get3A = arith.constant 0 : index
    %get3A_0 = arith.constant 0 : index
    %get3A_1 = vector.load %arg1[%get3A, %get3A_0] : memref<2000x256xbf16, #tpu.memory_space<vmem>>, vector<2000x256xbf16>
    %get3A_2 = arith.constant 0 : index
    %get3A_3 = arith.constant 0 : index
    %get3A_4 = vector.load %arg2[%get3A_2, %get3A_3] : memref<2000x256xbf16, #tpu.memory_space<vmem>>, vector<2000x256xbf16>
    %concatenate3A = tpu.concatenate %get3A_1, %get3A_4 in 1 : vector<2000x256xbf16>, vector<2000x256xbf16> -> vector<2000x512xbf16>
    %convert_element_type3A = arith.extf %concatenate3A : vector<2000x512xbf16> to vector<2000x512xf32>
    %get3A_5 = arith.constant 0 : index
    %get3A_6 = arith.constant 0 : index
    %get3A_7 = vector.load %arg3[%get3A_5, %get3A_6] : memref<2000x1xf32, #tpu.memory_space<vmem>>, vector<2000x1xf32>
    %max3A = arith.constant 1.000000e+00 : f32
    %max3A_8 = vector.broadcast %max3A : f32 to vector<2000x1xf32>
    %max3A_9 = arith.maximumf %get3A_7, %max3A_8 : vector<2000x1xf32>
    %rsqrt3A = math.rsqrt %max3A_9 : vector<2000x1xf32>
    %mul3A = vector.broadcast %rsqrt3A : vector<2000x1xf32> to vector<2000x512xf32>
    %mul3A_10 = arith.mulf %convert_element_type3A, %mul3A : vector<2000x512xf32>
    %convert_element_type3A_11 = arith.truncf %mul3A_10 : vector<2000x512xf32> to vector<2000x512xbf16>
    %get3A_12 = arith.constant 0 : index
    %get3A_13 = arith.constant 0 : index
    %get3A_14 = vector.load %arg4[%get3A_12, %get3A_13] : memref<512x512xf32, #tpu.memory_space<vmem>>, vector<512x512xf32>
    %convert_element_type3A_15 = arith.truncf %get3A_14 : vector<512x512xf32> to vector<512x512xbf16>
    %dot_general3A = arith.constant dense<0.000000e+00> : vector<2000x512xf32>
    %dot_general3A_16 = tpu.matmul %convert_element_type3A_11, %convert_element_type3A_15, %dot_general3A {dimension_numbers = #tpu.dot_dimension_numbers<[1], [0], [0], [1], [0, 0, 1, 1], [], []>, transpose_lhs_hint = false} : vector<2000x512xbf16>, vector<512x512xbf16>, vector<2000x512xf32> -> vector<2000x512xf32>
    %get3A_17 = arith.constant 0 : index
    %get3A_18 = arith.constant 0 : index
    %get3A_19 = vector.load %arg5[%get3A_17, %get3A_18] : memref<1x512xf32, #tpu.memory_space<vmem>>, vector<1x512xf32>
    %add3A = vector.broadcast %get3A_19 : vector<1x512xf32> to vector<2000x512xf32>
    %add3A_20 = arith.addf %dot_general3A_16, %add3A : vector<2000x512xf32>
    %max3A_21 = arith.constant 0.000000e+00 : f32
    %max3A_22 = vector.broadcast %max3A_21 : f32 to vector<2000x512xf32>
    %max3A_23 = arith.maximumf %add3A_20, %max3A_22 : vector<2000x512xf32>
    %get3A_24 = arith.constant 0 : index
    %get3A_25 = arith.constant 0 : index
    %get3A_26 = vector.load %arg6[%get3A_24, %get3A_25] : memref<2000x1xf32, #tpu.memory_space<vmem>>, vector<2000x1xf32>
    %max3A_27 = arith.constant 1.000000e+00 : f32
    %max3A_28 = vector.broadcast %max3A_27 : f32 to vector<2000x1xf32>
    %max3A_29 = arith.maximumf %get3A_26, %max3A_28 : vector<2000x1xf32>
    %rsqrt3A_30 = math.rsqrt %max3A_29 : vector<2000x1xf32>
    %mul3A_31 = vector.broadcast %rsqrt3A_30 : vector<2000x1xf32> to vector<2000x512xf32>
    %mul3A_32 = arith.mulf %max3A_23, %mul3A_31 : vector<2000x512xf32>
    %slice3A = vector.extract_strided_slice %mul3A_32 {offsets = [0, 0], sizes = [2000, 256], strides = [1, 1]} : vector<2000x512xf32> to vector<2000x256xf32>
    %convert_element_type3A_33 = arith.truncf %slice3A : vector<2000x256xf32> to vector<2000x256xbf16>
    %swap3A = arith.constant 0 : index
    %swap3A_34 = arith.constant 0 : index
    %swap3A_35 = vector.load %arg7[%swap3A, %swap3A_34] : memref<2000x256xbf16, #tpu.memory_space<vmem>>, vector<2000x256xbf16>
    tpu.vector_store %arg7[%swap3A, %swap3A_34], %convert_element_type3A_33 {strides = array<i32>} : memref<2000x256xbf16, #tpu.memory_space<vmem>>, vector<2000x256xbf16>,
    %slice3A_36 = vector.extract_strided_slice %mul3A_32 {offsets = [0, 256], sizes = [2000, 256], strides = [1, 1]} : vector<2000x512xf32> to vector<2000x256xf32>
    %convert_element_type3A_37 = arith.truncf %slice3A_36 : vector<2000x256xf32> to vector<2000x256xbf16>
    %swap3A_38 = arith.constant 0 : index
    %swap3A_39 = arith.constant 0 : index
    %swap3A_40 = vector.load %arg8[%swap3A_38, %swap3A_39] : memref<2000x256xbf16, #tpu.memory_space<vmem>>, vector<2000x256xbf16>
    tpu.vector_store %arg8[%swap3A_38, %swap3A_39], %convert_element_type3A_37 {strides = array<i32>} : memref<2000x256xbf16, #tpu.memory_space<vmem>>, vector<2000x256xbf16>,
    return
  }
  func.func @transform_0(%arg0: i32) -> (i32, i32) {
    %c0_i32 = arith.constant 0 : i32
    %c0_i32_0 = arith.constant 0 : i32
    return %arg0, %c0_i32 : i32, i32
  }
  func.func @transform_1(%arg0: i32) -> (i32, i32) {
    %c0_i32 = arith.constant 0 : i32
    %c0_i32_0 = arith.constant 0 : i32
    return %arg0, %c0_i32 : i32, i32
  }
  func.func @transform_2(%arg0: i32) -> (i32, i32) {
    %c0_i32 = arith.constant 0 : i32
    %c0_i32_0 = arith.constant 0 : i32
    return %arg0, %c0_i32 : i32, i32
  }
  func.func @transform_3(%arg0: i32) -> (i32, i32) {
    %c0_i32 = arith.constant 0 : i32
    %c0_i32_0 = arith.constant 0 : i32
    %c0_i32_1 = arith.constant 0 : i32
    return %c0_i32, %c0_i32_0 : i32, i32
  }
  func.func @transform_4(%arg0: i32) -> (i32, i32) {
    %c0_i32 = arith.constant 0 : i32
    %c0_i32_0 = arith.constant 0 : i32
    %c0_i32_1 = arith.constant 0 : i32
    return %c0_i32, %c0_i32_0 : i32, i32
  }
  func.func @transform_5(%arg0: i32) -> (i32, i32) {
    %c0_i32 = arith.constant 0 : i32
    %c0_i32_0 = arith.constant 0 : i32
    return %arg0, %c0_i32 : i32, i32
  }
  func.func @transform_6(%arg0: i32) -> (i32, i32) {
    %c0_i32 = arith.constant 0 : i32
    %c0_i32_0 = arith.constant 0 : i32
    return %arg0, %c0_i32 : i32, i32
  }
  func.func @transform_7(%arg0: i32) -> (i32, i32) {
    %c0_i32 = arith.constant 0 : i32
    %c0_i32_0 = arith.constant 0 : i32
    return %arg0, %c0_i32 : i32, i32
  }
}

module attributes {stable_mosaic.version = 14 : i64} {
  func.func @body(%arg0: i32, %arg1: memref<2000x256xbf16, #tpu.memory_space<vmem>>, %arg2: memref<2000x256xbf16, #tpu.memory_space<vmem>>, %arg3: memref<2000x1xf32, #tpu.memory_space<vmem>>, %arg4: memref<512x512xf32, #tpu.memory_space<vmem>>, %arg5: memref<1x512xf32, #tpu.memory_space<vmem>>, %arg6: memref<2000x512xf32, #tpu.memory_space<vmem>>) attributes {dimension_semantics = [#tpu.dimension_semantics<arbitrary>], iteration_bounds = array<i64: 5>, scalar_prefetch = 0 : i64, scratch_operands = 0 : i64, tpu.core_type = #tpu.core_type<tc>, window_params = [{transform_indices = @transform_0, window_bounds = array<i64: 2000, 256>}, {transform_indices = @transform_1, window_bounds = array<i64: 2000, 256>}, {transform_indices = @transform_2, window_bounds = array<i64: 2000, 1>}, {pipeline_mode = #tpu.pipeline_mode<synchronous>, transform_indices = @transform_3, window_bounds = array<i64: 512, 512>}, {pipeline_mode = #tpu.pipeline_mode<synchronous>, transform_indices = @transform_4, window_bounds = array<i64: 1, 512>}, {transform_indices = @transform_5, window_bounds = array<i64: 2000, 512>}]} {
    %get3A = arith.constant 0 : index
    %get3A_0 = arith.constant 0 : index
    %get3A_1 = vector.load %arg1[%get3A, %get3A_0] : memref<2000x256xbf16, #tpu.memory_space<vmem>>, vector<2000x256xbf16>
    %get3A_2 = arith.constant 0 : index
    %get3A_3 = arith.constant 0 : index
    %get3A_4 = vector.load %arg2[%get3A_2, %get3A_3] : memref<2000x256xbf16, #tpu.memory_space<vmem>>, vector<2000x256xbf16>
    %concatenate3A = tpu.concatenate %get3A_1, %get3A_4 in 1 : vector<2000x256xbf16>, vector<2000x256xbf16> -> vector<2000x512xbf16>
    %convert_element_type3A = arith.extf %concatenate3A : vector<2000x512xbf16> to vector<2000x512xf32>
    %get3A_5 = arith.constant 0 : index
    %get3A_6 = arith.constant 0 : index
    %get3A_7 = vector.load %arg3[%get3A_5, %get3A_6] : memref<2000x1xf32, #tpu.memory_space<vmem>>, vector<2000x1xf32>
    %max3A = arith.constant 1.000000e+00 : f32
    %max3A_8 = vector.broadcast %max3A : f32 to vector<2000x1xf32>
    %max3A_9 = arith.maximumf %get3A_7, %max3A_8 : vector<2000x1xf32>
    %rsqrt3A = math.rsqrt %max3A_9 : vector<2000x1xf32>
    %mul3A = vector.broadcast %rsqrt3A : vector<2000x1xf32> to vector<2000x512xf32>
    %mul3A_10 = arith.mulf %convert_element_type3A, %mul3A : vector<2000x512xf32>
    %convert_element_type3A_11 = arith.truncf %mul3A_10 : vector<2000x512xf32> to vector<2000x512xbf16>
    %get3A_12 = arith.constant 0 : index
    %get3A_13 = arith.constant 0 : index
    %get3A_14 = vector.load %arg4[%get3A_12, %get3A_13] : memref<512x512xf32, #tpu.memory_space<vmem>>, vector<512x512xf32>
    %convert_element_type3A_15 = arith.truncf %get3A_14 : vector<512x512xf32> to vector<512x512xbf16>
    %dot_general3A = arith.constant dense<0.000000e+00> : vector<2000x512xf32>
    %dot_general3A_16 = tpu.matmul %convert_element_type3A_11, %convert_element_type3A_15, %dot_general3A {dimension_numbers = #tpu.dot_dimension_numbers<[1], [0], [0], [1], [0, 0, 1, 1], [], []>, transpose_lhs_hint = false} : vector<2000x512xbf16>, vector<512x512xbf16>, vector<2000x512xf32> -> vector<2000x512xf32>
    %get3A_17 = arith.constant 0 : index
    %get3A_18 = arith.constant 0 : index
    %get3A_19 = vector.load %arg5[%get3A_17, %get3A_18] : memref<1x512xf32, #tpu.memory_space<vmem>>, vector<1x512xf32>
    %add3A = vector.broadcast %get3A_19 : vector<1x512xf32> to vector<2000x512xf32>
    %add3A_20 = arith.addf %dot_general3A_16, %add3A : vector<2000x512xf32>
    %swap3A = arith.constant 0 : index
    %swap3A_21 = arith.constant 0 : index
    %swap3A_22 = vector.load %arg6[%swap3A, %swap3A_21] : memref<2000x512xf32, #tpu.memory_space<vmem>>, vector<2000x512xf32>
    tpu.vector_store %arg6[%swap3A, %swap3A_21], %add3A_20 {strides = array<i32>} : memref<2000x512xf32, #tpu.memory_space<vmem>>, vector<2000x512xf32>,
    return
  }
  func.func @transform_0(%arg0: i32) -> (i32, i32) {
    %c0_i32 = arith.constant 0 : i32
    %c0_i32_0 = arith.constant 0 : i32
    return %arg0, %c0_i32 : i32, i32
  }
  func.func @transform_1(%arg0: i32) -> (i32, i32) {
    %c0_i32 = arith.constant 0 : i32
    %c0_i32_0 = arith.constant 0 : i32
    return %arg0, %c0_i32 : i32, i32
  }
  func.func @transform_2(%arg0: i32) -> (i32, i32) {
    %c0_i32 = arith.constant 0 : i32
    %c0_i32_0 = arith.constant 0 : i32
    return %arg0, %c0_i32 : i32, i32
  }
  func.func @transform_3(%arg0: i32) -> (i32, i32) {
    %c0_i32 = arith.constant 0 : i32
    %c0_i32_0 = arith.constant 0 : i32
    %c0_i32_1 = arith.constant 0 : i32
    return %c0_i32, %c0_i32_0 : i32, i32
  }
  func.func @transform_4(%arg0: i32) -> (i32, i32) {
    %c0_i32 = arith.constant 0 : i32
    %c0_i32_0 = arith.constant 0 : i32
    %c0_i32_1 = arith.constant 0 : i32
    return %c0_i32, %c0_i32_0 : i32, i32
  }
  func.func @transform_5(%arg0: i32) -> (i32, i32) {
    %add3A = arith.constant 0 : i32
    %add3A_0 = arith.addi %arg0, %add3A : i32
    %c0_i32 = arith.constant 0 : i32
    %c0_i32_1 = arith.constant 0 : i32
    return %add3A_0, %c0_i32 : i32, i32
  }
}

module attributes {stable_mosaic.version = 14 : i64} {
  func.func @body(%arg0: i32, %arg1: memref<2000x256xbf16, #tpu.memory_space<vmem>>, %arg2: memref<2000x256xbf16, #tpu.memory_space<vmem>>, %arg3: memref<2000x1xf32, #tpu.memory_space<vmem>>, %arg4: memref<512x512xf32, #tpu.memory_space<vmem>>, %arg5: memref<1x512xf32, #tpu.memory_space<vmem>>, %arg6: memref<20000x512xf32, #tpu.memory_space<any>>, %arg7: memref<2000x512xf32, #tpu.memory_space<vmem>>) attributes {dimension_semantics = [#tpu.dimension_semantics<arbitrary>], iteration_bounds = array<i64: 5>, scalar_prefetch = 0 : i64, scratch_operands = 0 : i64, tpu.core_type = #tpu.core_type<tc>, window_params = [{transform_indices = @transform_0, window_bounds = array<i64: 2000, 256>}, {transform_indices = @transform_1, window_bounds = array<i64: 2000, 256>}, {transform_indices = @transform_2, window_bounds = array<i64: 2000, 1>}, {pipeline_mode = #tpu.pipeline_mode<synchronous>, transform_indices = @transform_3, window_bounds = array<i64: 512, 512>}, {pipeline_mode = #tpu.pipeline_mode<synchronous>, transform_indices = @transform_4, window_bounds = array<i64: 1, 512>}, {}, {transform_indices = @transform_6, window_bounds = array<i64: 2000, 512>}]} {
    %get3A = arith.constant 0 : index
    %get3A_0 = arith.constant 0 : index
    %get3A_1 = vector.load %arg1[%get3A, %get3A_0] : memref<2000x256xbf16, #tpu.memory_space<vmem>>, vector<2000x256xbf16>
    %get3A_2 = arith.constant 0 : index
    %get3A_3 = arith.constant 0 : index
    %get3A_4 = vector.load %arg2[%get3A_2, %get3A_3] : memref<2000x256xbf16, #tpu.memory_space<vmem>>, vector<2000x256xbf16>
    %concatenate3A = tpu.concatenate %get3A_1, %get3A_4 in 1 : vector<2000x256xbf16>, vector<2000x256xbf16> -> vector<2000x512xbf16>
    %convert_element_type3A = arith.extf %concatenate3A : vector<2000x512xbf16> to vector<2000x512xf32>
    %get3A_5 = arith.constant 0 : index
    %get3A_6 = arith.constant 0 : index
    %get3A_7 = vector.load %arg3[%get3A_5, %get3A_6] : memref<2000x1xf32, #tpu.memory_space<vmem>>, vector<2000x1xf32>
    %max3A = arith.constant 1.000000e+00 : f32
    %max3A_8 = vector.broadcast %max3A : f32 to vector<2000x1xf32>
    %max3A_9 = arith.maximumf %get3A_7, %max3A_8 : vector<2000x1xf32>
    %rsqrt3A = math.rsqrt %max3A_9 : vector<2000x1xf32>
    %mul3A = vector.broadcast %rsqrt3A : vector<2000x1xf32> to vector<2000x512xf32>
    %mul3A_10 = arith.mulf %convert_element_type3A, %mul3A : vector<2000x512xf32>
    %convert_element_type3A_11 = arith.truncf %mul3A_10 : vector<2000x512xf32> to vector<2000x512xbf16>
    %get3A_12 = arith.constant 0 : index
    %get3A_13 = arith.constant 0 : index
    %get3A_14 = vector.load %arg4[%get3A_12, %get3A_13] : memref<512x512xf32, #tpu.memory_space<vmem>>, vector<512x512xf32>
    %convert_element_type3A_15 = arith.truncf %get3A_14 : vector<512x512xf32> to vector<512x512xbf16>
    %dot_general3A = arith.constant dense<0.000000e+00> : vector<2000x512xf32>
    %dot_general3A_16 = tpu.matmul %convert_element_type3A_11, %convert_element_type3A_15, %dot_general3A {dimension_numbers = #tpu.dot_dimension_numbers<[1], [0], [0], [1], [0, 0, 1, 1], [], []>, transpose_lhs_hint = false} : vector<2000x512xbf16>, vector<512x512xbf16>, vector<2000x512xf32> -> vector<2000x512xf32>
    %get3A_17 = arith.constant 0 : index
    %get3A_18 = arith.constant 0 : index
    %get3A_19 = vector.load %arg5[%get3A_17, %get3A_18] : memref<1x512xf32, #tpu.memory_space<vmem>>, vector<1x512xf32>
    %add3A = vector.broadcast %get3A_19 : vector<1x512xf32> to vector<2000x512xf32>
    %add3A_20 = arith.addf %dot_general3A_16, %add3A : vector<2000x512xf32>
    %swap3A = arith.constant 0 : index
    %swap3A_21 = arith.constant 0 : index
    %swap3A_22 = vector.load %arg7[%swap3A, %swap3A_21] : memref<2000x512xf32, #tpu.memory_space<vmem>>, vector<2000x512xf32>
    tpu.vector_store %arg7[%swap3A, %swap3A_21], %add3A_20 {strides = array<i32>} : memref<2000x512xf32, #tpu.memory_space<vmem>>, vector<2000x512xf32>,
    return
  }
  func.func @transform_0(%arg0: i32) -> (i32, i32) {
    %c0_i32 = arith.constant 0 : i32
    %c0_i32_0 = arith.constant 0 : i32
    return %arg0, %c0_i32 : i32, i32
  }
  func.func @transform_1(%arg0: i32) -> (i32, i32) {
    %c0_i32 = arith.constant 0 : i32
    %c0_i32_0 = arith.constant 0 : i32
    return %arg0, %c0_i32 : i32, i32
  }
  func.func @transform_2(%arg0: i32) -> (i32, i32) {
    %c0_i32 = arith.constant 0 : i32
    %c0_i32_0 = arith.constant 0 : i32
    return %arg0, %c0_i32 : i32, i32
  }
  func.func @transform_3(%arg0: i32) -> (i32, i32) {
    %c0_i32 = arith.constant 0 : i32
    %c0_i32_0 = arith.constant 0 : i32
    %c0_i32_1 = arith.constant 0 : i32
    return %c0_i32, %c0_i32_0 : i32, i32
  }
  func.func @transform_4(%arg0: i32) -> (i32, i32) {
    %c0_i32 = arith.constant 0 : i32
    %c0_i32_0 = arith.constant 0 : i32
    %c0_i32_1 = arith.constant 0 : i32
    return %c0_i32, %c0_i32_0 : i32, i32
  }
  func.func @transform_6(%arg0: i32) -> (i32, i32) {
    %add3A = arith.constant 5 : i32
    %add3A_0 = arith.addi %arg0, %add3A : i32
    %c0_i32 = arith.constant 0 : i32
    %c0_i32_1 = arith.constant 0 : i32
    return %add3A_0, %c0_i32 : i32, i32
  }
}

</mosaic_0001>

<sc_bundles>
// kernel: kernel.13.cloned.1.call-start
scs
__scs_entry_jumppad:
0x0: {  	(pc) =	sbr.rel $0x88, $3  }
0x1: {  	(tag) =	ssettag $0x0;
	lr =	simm.s32 $0x1  }
0x2: {  	[smem:$0x3F91] =	sst lr;
	_ =	strace $0xD0000000  }
0x3: {  	_ = 	snop  }
0x4: {  	_ = 	snop  }
0x5: {  	_ = 	snop  }
0x6: {  	_ = 	snop  }
0x7: {  	_ = 	snop  }
__scs_overlays_trampoline_lowered:
0x8: {  	[smem:$0x3FA0] =	sst s0  }
0x9: {  	[smem:$0x3FA1] =	sst s1  }
0xa: {  	[smem:$0x3FA2] =	sst s2  }
0xb: {  	[smem:$0x3FA3] =	sst s3  }
0xc: {  	[smem:$0x3FA4] =	sst s4  }
0xd: {  	[smem:$0x3FA5] =	sst s5  }
0xe: {  	[smem:$0x3FA6] =	sst s6  }
0xf: {  	[smem:$0x3FA7] =	sst s7  }
0x10: {  	[smem:$0x3FA8] =	sst s8  }
0x11: {  	[smem:$0x3FA9] =	sst s9;
	s0 =	simm.s32 @!p0 $0x0  }
0x12: {  	s1 =	sld [smem:$0x3F8F];
	s0 =	simm.s32 @p0 $0x1  }
0x13: {  	[smem:$0x3FAA] =	sst s0;
	s0 =	simm.s32 @!p1 $0x0  }
0x14: {  	s2 =	sld [smem:$0x3F8E];
	s0 =	simm.s32 @p1 $0x1  }
0x15: {  	[smem:$0x3FAB] =	sst s0;
	s0 =	simm.s32 @!p2 $0x0  }
0x16: {  	s3 =	sld [smem:$0x3FDB];
	s0 =	simm.s32 @p2 $0x1  }
0x17: {  	s4 =	simm.s32 $0x1BF5;
	[smem:$0x3FAD] =	sst s0  }
0x18: {  	s0 =	sld [smem:$0x3F90];
	_ =	swait.ge [sflag:s4], $0x0  }
0x19: {  	s7 =	sld [smem:$0x3F91]  }
0x1a: {  	s8 =	sadd.s32 $0xFFFFE003, lr  }
0x1b: {  	s9 =	sadd.s32 $0xFFFFFEF7, lr;
	s5 =	simm.s32 $0xFFFFFFFF;
	p2 =	slt.u32 s8, $0xFFFFF086  }
0x1c: {  	p1 =	slt.u32 s9, $0xF7A;
	s5 =	simm.s32 @!p2 $0x0  }
0x1d: {  	s5 =	simm.s32 @p1 $0x1;
	p0 =	seq.s32 s7, s2  }
0x1e: {  	s7 =	smul.u32 @!p0 $0xF7A, s2;
	p2 =	seq.s32 @!p0 s5, $0x0  }
0x1f: {  	s9 =	smul.u32 $0xF7A, s1;
	s8 =	simm.s32 @!p0 $0x1BF5;
	p2 =	por !p2, p0  }
0x20: {  	[sflag:s8] =	ssyncset.s32 @!p0 $0xFFFFF086;
	s6 =	sadd.s32 @!p0 s3, s7;
	s7 =	simm.s32 @!p0 $0x108  }
0x21: {  	s3 =	sadd.s32 s3, s9;
	s6 =	sadd.s32 @!p0 $0x88, s6;
	s7 =	simm.s32 @p2 $0x1082  }
0x22: {  	[simem:s7], [sflag:s8] =	dma.local @!p0 [hbm:s6], $0xF7A  }
0x23: {  	s9 =	sor.u32 $0xD0000000, s2;
	s6 =	simm.s32 $0x108;
	_ =	swait.ge @!p0 [sflag:s8], $0x0  }
0x24: {  	s3 =	sadd.s32 $0x88, s3;
	s6 =	simm.s32 @!p1 $0x1082;
	[sflag:s4] =	ssyncset.s32 $0xFFFFF086  }
0x25: {  	[simem:s6], [sflag:s4] =	dma.local [hbm:s3], $0xF7A  }
0x26: {  	[smem:$0x3F91] =	sst s1;
	(tag) =	ssettag s2;
	_ =	strace s9  }
0x27: {  	s1 =	sld [smem:$0x3FA1]  }
0x28: {  	s2 =	sld [smem:$0x3FA2]  }
0x29: {  	s4 =	sld [smem:$0x3FA4]  }
0x2a: {  	p0 =	seq.s32 s5, $0x0;
	s5 =	sld [smem:$0x3FA5]  }
0x2b: {  	s6 =	sld [smem:$0x3FA6]  }
0x2c: {  	s7 =	sld [smem:$0x3FA7]  }
0x2d: {  	s3 =	simm.s32 $0x108;
	s8 =	sld [smem:$0x3FA8]  }
0x2e: {  	s3 =	simm.s32 @!p0 $0x1082;
	s9 =	sld [smem:$0x3FA9]  }
0x2f: {  	lr =	sadd.s32 s0, s3;
	s0 =	sld [smem:$0x3FA0]  }
0x30: {  	s3 =	sld [smem:$0x3FA3]  }
0x31: {  	[smem:$0x3FAC] =	sst s10  }
0x32: {  	s10 =	sld [smem:$0x3FAA];
	_ =	sdelay $0x3  }
0x33: {  	p0 =	seq.s32 s10, $0x1;
	s10 =	sld [smem:$0x3FAC];
	_ =	sdelay $0x3  }
0x34: {  	[smem:$0x3FAC] =	sst s10  }
0x35: {  	s10 =	sld [smem:$0x3FAB];
	_ =	sdelay $0x3  }
0x36: {  	p1 =	seq.s32 s10, $0x1;
	s10 =	sld [smem:$0x3FAC];
	_ =	sdelay $0x3  }
0x37: {  	[smem:$0x3FAC] =	sst s10  }
0x38: {  	s10 =	sld [smem:$0x3FAD]  }
0x39: {  	_ = 	snop;
	(pc) =	sbr.ind lr, $3  }
0x3a: {  	_ = 	snop  }
0x3b: {  	_ = 	snop  }
0x3c: {  	p2 =	seq.s32 s10, $0x1;
	s10 =	sld [smem:$0x3FAC]  }
0x3d: {  	_ =	shalt  }
0x3e: {  	_ =	shalt  }
0x3f: {  	_ =	shalt  }
0x40: {  	_ =	shalt  }
0x41: {  	_ =	shalt  }
0x42: {  	_ =	shalt  }
0x43: {  	_ =	shalt  }
0x44: {  	_ =	shalt  }
0x45: {  	_ =	shalt  }
0x46: {  	_ =	shalt  }
0x47: {  	_ =	shalt  }
0x48: {  	_ =	shalt  }
0x49: {  	_ =	shalt  }
0x4a: {  	_ =	shalt  }
0x4b: {  	_ =	shalt  }
0x4c: {  	_ =	shalt  }
0x4d: {  	_ =	shalt  }
0x4e: {  	_ =	shalt  }
0x4f: {  	_ =	shalt  }
0x50: {  	_ =	shalt  }
0x51: {  	_ =	shalt  }
0x52: {  	_ =	shalt  }
0x53: {  	_ =	shalt  }
0x54: {  	_ =	shalt  }
0x55: {  	_ =	shalt  }
0x56: {  	_ =	shalt  }
0x57: {  	_ =	shalt  }
0x58: {  	_ =	shalt  }
0x59: {  	_ =	shalt  }
0x5a: {  	_ =	shalt  }
0x5b: {  	_ =	shalt  }
0x5c: {  	_ =	shalt  }
0x5d: {  	_ =	shalt  }
0x5e: {  	_ =	shalt  }
0x5f: {  	_ =	shalt  }
0x60: {  	_ =	shalt  }
0x61: {  	_ =	shalt  }
0x62: {  	_ =	shalt  }
0x63: {  	_ =	shalt  }
0x64: {  	_ =	shalt  }
0x65: {  	_ =	shalt  }
0x66: {  	_ =	shalt  }
0x67: {  	_ =	shalt  }
0x68: {  	_ =	shalt  }
0x69: {  	_ =	shalt  }
0x6a: {  	_ =	shalt  }
0x6b: {  	_ =	shalt  }
0x6c: {  	_ =	shalt  }
0x6d: {  	_ =	shalt  }
0x6e: {  	_ =	shalt  }
0x6f: {  	_ =	shalt  }
0x70: {  	_ =	shalt  }
0x71: {  	_ =	shalt  }
0x72: {  	_ =	shalt  }
0x73: {  	_ =	shalt  }
0x74: {  	_ =	shalt  }
0x75: {  	_ =	shalt  }
0x76: {  	_ =	shalt  }
0x77: {  	_ =	shalt  }
0x78: {  	_ =	shalt  }
0x79: {  	_ =	shalt  }
0x7a: {  	_ =	shalt  }
0x7b: {  	_ =	shalt  }
0x7c: {  	_ =	shalt  }
0x7d: {  	_ =	shalt  }
0x7e: {  	_ =	shalt  }
0x7f: {  	_ =	shalt  }
0x80: {  	_ =	shalt  }
0x81: {  	_ =	shalt  }
0x82: {  	_ =	shalt  }
0x83: {  	_ =	shalt  }
0x84: {  	_ =	shalt  }
0x85: {  	_ =	shalt  }
0x86: {  	_ =	shalt  }
0x87: {  	_ =	shalt  }
.Lfunc_end0:
.L_simem_size_0:
called_computation_lowered:
.L_overlay_start_0:
0x88: {  	s2 =	sld [smem:$0x3FD9]  }
0x89: {  	s3 =	sld [smem:$0x3FFE];
	_ =	sdelay $0x1  }
0x8a: {  	s1 =	srdreg.scid  }
0x8b: {  	s0 =	sand.u32 $0x1, s1  }
0x8c: {  	s17 =	sshll.u32 s0, $0xA;
	s2 =	sadd.s32 s3, s2  }
0x8d: {  	s2 =	sadd.s32 s2, s17  }
0x8e: {  	[smem:$0x3FB8] =	sst s2  }
0x8f: {  	_ = 	snop  }
0x90: {  	s2 =	sld [smem:$0x3FD0];
	(tm) =	ssettm $0x1  }
0x91: {  	s18 =	sld [smem:$0x3FFB];
	_ =	sdelay $0x3  }
0x92: {  	_ =	strace s18  }
0x93: {  	s3 =	sld [smem:$0x3FFC];
	_ =	sdelay $0x3  }
0x94: {  	_ =	strace s3  }
0x95: {  	s3 =	sld [smem:$0x3FFD];
	_ =	sdelay $0x3  }
0x96: {  	_ =	strace s3  }
0x97: {  	_ =	strace $0x8FFFFFFF  }
0x98: {  	s19 =	sld [smem:$0x3FDB];
	_ =	sdelay $0x1  }
0x99: {  	s4 =	simm.s32 $_scs_section_size  }
0x9a: {  	s5 =	simm.s32 $_size__tile_overlayer_lowered;
	s6 =	simm.s32 $_tile_overlayer_lowered  }
0x9b: {  	s22 =	simm.s32 $0x1BFF;
	s21 =	sshll.u32 s6, $0x1;
	s3 =	sadd.s32 s4, s19  }
0x9c: {  	s7 =	simm.s32 $0x0;
	s20 =	sshll.u32 s5, $0x1;
	s5 =	sadd.s32 s21, s3  }
0x9d: {  	[timem:s7], [sflag:s22] =	dma.local [hbm:s5], s20  }
0x9e: {  	_ =	swait.ge [sflag:s22], s20  }
0x9f: {  	s4 =	ssub.s32 $0x0, s20;
	[sflag:s22] =	ssyncset.done $0x0  }
0xa0: {  	[sflag:s22] =	ssyncadd.s32 s4;
	_ =	sdelay $0x1  }
0xa1: {  	s23 =	simm.s32 $0x1B8B  }
0xa2: {  	_ =	swait.ge [sflag:s23], $0x1  }
0xa3: {  	[sflag:s23] =	ssyncset.done $0x0  }
0xa4: {  	s25 =	simm.s32 $0x1B8E;
	s24 =	sld [smem:$0x3FFE];
	[sflag:s23] =	ssyncadd.s32 $0xFFFFFFFF  }
0xa5: {  	s26 =	simm.s32 $execute0_lowered;
	[smem:$0x3FD2] =	sst s25  }
0xa6: {  	s5 =	sshll.u32 s26, $0x1;
	_ =	strace $0x80000046;
	[dreg:$0x1] =	wrdreg $0xFFFFFFFF  }
0xa7: {  	s28 =	simm.s32 $_size_execute0_lowered;
	s3 =	sadd.s32 s3, s5;
	[dreg:$0x0] =	wrdreg $0x0  }
0xa8: {  	s5 =	sshll.u32 s28, $0x1;
	[dreg:$0x2] =	wrdreg s3  }
0xa9: {  	[dreg:$0x3] =	wrdreg s5  }
0xaa: {  	[dreg:$0x4] =	wrdreg $0xC0  }
0xab: {  	_ =	task [dreg:s7], $0x5FFFF  }
0xac: {  	[dreg:$0x1] =	wrdreg $0xFFFFFFFF  }
0xad: {  	[dreg:$0x0] =	wrdreg $0x60  }
0xae: {  	[dreg:$0x2] =	wrdreg s24  }
0xaf: {  	[dreg:$0x3] =	wrdreg s2  }
0xb0: {  	[dreg:$0x4] =	wrdreg $0x65900  }
0xb1: {  	[dreg:$0x5] =	wrdreg $0x9  }
0xb2: {  	_ =	task.clear_ibuf [dreg:s7], $0x6FFFF;
	_ =	strace $0x90000046  }
0xb3: {  	s29 =	simm.s32 $0x9;
	_ =	strace $0x80000048  }
0xb4: {  	_ =	swait.ge [sflag:s29], $0x1  }
0xb5: {  	[sflag:s29] =	ssyncadd.s32 $0xFFFFFFFF  }
0xb6: {  	_ =	strace $0x90000048  }
0xb7: {  	_ =	sfence  }
0xb8: {  	s30 =	sld [smem:$0x0];
	_ =	sdelay $0x2  }
0xb9: {  	s31 =	sshll.u32 s1, $0xD;
	s1 =	sshrl.u32 s1, $0x2  }
0xba: {  	s3 =	sand.u32 $0x4000, s31;
	s1 =	sadd.s32 s1, s30  }
0xbb: {  	s0 =	sor.u32 s3, s0;
	s1 =	sshll.u32 s1, $0x11  }
0xbc: {  	s0 =	sor.u32 s1, s0  }
0xbd: {  	s0 =	sadd.s32 $0x8F2B, s0  }
0xbe: {  	[sflag:s0] =	ssyncadd.remote.s32 $0x1  }
0xbf: {  	_ =	sfence.sel $0xFFFF  }
0xc0: {  	[dreg:$0x0] =	wrdreg $0xFFFFFFFF;
	(pc) =	sbr.abs _section_cstart, $3  }
0xc1: {  	[dreg:$0x1] =	wrdreg $0xFFFFFFFF  }
0xc2: {  	_ =	task.clear_ibuf [dreg:s7], $0x2FFFF;
	_ =	strace $0x9FFFFFFF  }
0xc3: {  	(tm) =	ssettm $0x7FFFFFFF  }
tec
execute0_lowered:
.L_overlay_start_1:
0x0: {  	(tag) =	ssettag $0x1  }
0x1: {  	s3 =	rddreg [dreg:$0x0]  }
0x2: {  	s4 =	rddreg [dreg:$0x1]  }
0x3: {  	s6 =	rddreg [dreg:$0x2]  }
0x4: {  	s1 =	stileid.u32;
	s0 =	rddreg [dreg:$0x3]  }
0x5: {  	s2 =	simm.s32 $0x0;
	s9 =	srdreg.scid;
	s5 =	smul.u32 $0x4E2, s1  }
0x6: {  	s7 =	sand.u32 $0x7, s1;
	[smem:$0x7FF] =	sst s2;
	s10 =	smul.u32 $0x280, s1  }
0x7: {  	s17 =	sand.u32 $0x1, s9;
	s29 =	sshrl.u32 s1, $0x3;
	s8 =	smul.u32 $0x4E2, s7  }
0x8: {  	_ =	strace $0x80000047;
	s9 =	ssub.s32 $0x2, s17;
	p0 =	seq.s32 s17, $0x0  }
0x9: {  	p2 =	seq.s32 s29, $0x0;
	p1 =	sne.s32 s29, $0x0;
	s30 =	smul.u32 $0x50000, s29  }
0xa: {  	s14 =	sor.u32 s17, s29;
	s7 =	smul.u32 $0xA000, s7;
	p3 =	seq.s32 s17, $0x1  }
0xb: {  	s5 =	sadd.s32 s5, s3;
	s12 =	sshrl.u32 s10, $0x3;
	s13 =	sshrl.u32 s9, $0x1  }
0xc: {  	p0 =	por !p0, !p1;
	s11 =	sadd.s32 s8, s3;
	s12 =	sadd.s32 s12, s3  }
0xd: {  	s13 =	ssub.s32 s9, s13;
	s3 =	sadd.s32 $0x5C00, s5;
	p4 =	por !p0, !p0  }
0xe: {  	s15 =	sadd.s32 $0xAC00, s5;
	s31 =	sshrl.u32 s30, $0x2;
	s16 =	sadd.s32 s4, s8  }
0xf: {  	s7 =	sshrl.u32 s7, $0x2;
	s5 =	sadd.s32 s31, s6;
	s4 =	sadd.s32 $0x8400, s11  }
0x10: {  	s6 =	sadd.s32 s10, s6;
	s8 =	sadd.s32 $0xD400, s12;
	s10 =	sadd.s32 $0xE600, s12  }
0x11: {  	s11 =	sadd.s32 $0xE000, s12;
	p1 =	por p4, p3;
	s5 =	sadd.s32 s7, s5  }
0x12: {  	s7 =	sadd.s32 $0xDA00, s12;
	s9 =	sadd.s32 $0x14000, s6;
	s18 =	smov.u32 s4  }
0x13: {  	s12 =	smax.u32 s13, $0x1;
	p0 =	por @!p1 p3, p3;
	s13 =	simm.s32 $0x1  }
0x14: {  	s18 =	smov.u32 @p3 s15;
	s15 =	simm.s32 $0x2800;
	p3 =	sne.s32 s17, $0x0  }
0x15: {  	s17 =	simm.s32 $0x0;
	s4 =	smov.u32 @p2 s18;
	p2 =	sne.s32 s14, $0x0  }
0x16: {  	v0 =	vimm.f32 $0.0e+00;
	v1 =	vimm.f32 $1.000000000e+00;
	s14 =	simm.s32 $0x280;
	s4 =	smov.u32 @p4 s16;
	s16 =	simm.s32 $0x4F10  }
.LBB2_1:
0x17: {  	s18 =	simm.s32 @!p2 $0x0;
	s19 =	simm.s32 @!p2 $0x2800  }
0x18: {  	[tilespmem:s19], [sflag:$0x1] =	stream.linear.gather @!p2 [hbm4b:s3+s18], $0x2710, $0x38;
	[tilespmem:$0x8D90] =	vst v63  }
0x19: {  	s18 =	simm.s32 @!p2 $0x1  }
0x1a: {  	_ =	swait.ge @!p2 [sflag:s18], $0x2710  }
0x1b: {  	[sflag:s18] =	ssyncset.done @!p2 $0x0  }
0x1c: {  	s19 =	simm.s32 @p1 $0x2800;
	[sflag:s18] =	ssyncadd.s32 @!p2 $0xFFFFD8F0;
	s18 =	simm.s32 @p1 $0x0  }
0x1d: {  	[tilespmem:s19], [sflag:$0x1] =	stream.linear.gather @p1 [hbm4b:s4+s18], $0x2710, $0x38;
	[tilespmem:$0x8D90] =	vst v63  }
0x1e: {  	s18 =	simm.s32 @p1 $0x1  }
0x1f: {  	_ =	swait.ge @p1 [sflag:s18], $0x2710  }
0x20: {  	[sflag:s18] =	ssyncset.done @p1 $0x0  }
0x21: {  	[sflag:s18] =	ssyncadd.s32 @p1 $0xFFFFD8F0;
	s18 =	simm.s32 $0x0  }
.LBB2_2:
0x22: {  	p4 =	sne.s32 s18, $0x9FC0  }
.Ltmp0:
0x23: {  	_ = 	snop;
	(pc) =	sbr.rel @p4 .LBB2_2-.Ltmp0, $3  }
0x24: {  	_ =	sdelay $0x1  }
0x25: {  	s19 =	sshra.s32 s18, $0x2  }
0x26: {  	s18 =	sadd.s32 $0x40, s18;
	[tilespmem:s19+$0x0] =	vst v0  }
0x27: {  	s19 =	simm.s32 $0x0;
	s18 =	simm.s32 $0x40  }
.LBB2_4:
0x28: {  	p4 =	sne.s32 s18, $0x9C00;
	v2 =	vld [tilespmem:s19+$0x2800];
	_ =	sdelay $0x3  }
.Ltmp1:
0x29: {  	(pc) =	sbr.rel @p4 .LBB2_4-.Ltmp1, $2  }
0x2a: {  	_ =	sdelay $0x2  }
0x2b: {  	s19 =	sshra.s32 s18, $0x2;
	s18 =	sadd.s32 $0x40, s18;
	[tilespmem:v2+s2+$0x0] =	vst.idx.add.f32.msk $0xffff, v1  }
0x2c: {  	v2 =	vld [tilespmem:s19+$0x2800];
	_ =	sdelay $0x7  }
0x2d: {  	s18 =	simm.s32 $0x0;
	[tilespmem:v2+s2+$0x0] =	vst.idx.add.f32.msk $0xffff, v1  }
0x2e: {  	[spmem:s5] =	stream.linear.scatter [tilespmem:s18], [sflag:$0x1], $0x2800, $0x38;
	[tilespmem:$0x8D90] =	vst v63  }
0x2f: {  	_ =	swait.ge [sflag:s13], $0x2800  }
0x30: {  	[sflag:s13] =	ssyncset.done $0x0  }
0x31: {  	[sflag:s13] =	ssyncadd.s32 $0xFFFFD800  }
0x32: {  	[bflag:$0x0] =	sbarrier.arrive $0xFFFF  }
0x33: {  	[tilespmem:s16], [sflag:$0x1] =	stream.strided.gather [spmem:s6], $0x1400, s15, s14, $0x38;
	[tilespmem:$0x8D90] =	vst v63  }
0x34: {  	_ =	swait.ge [sflag:s13], $0x1400  }
0x35: {  	[sflag:s13] =	ssyncset.done $0x0  }
0x36: {  	s19 =	simm.s32 $0x0;
	[sflag:s13] =	ssyncadd.s32 $0xFFFFEC00  }
0x37: {  	v2 =	vld [tilespmem:s19+$0x4F10]  }
0x38: {  	v3 =	vld [tilespmem:s19+$0x5190];
	_ =	sdelay $0x1  }
0x39: {  	v4 =	vld [tilespmem:s19+$0x5410];
	_ =	sdelay $0x1  }
0x3a: {  	v5 =	vld [tilespmem:s19+$0x5690]  }
0x3b: {  	v6 =	vld [tilespmem:s19+$0x5B90];
	v2 =	vadd.f32 v3, v2  }
0x3c: {  	s18 =	simm.s32 $0x10;
	v3 =	vld [tilespmem:s19+$0x5910]  }
0x3d: {  	v7 =	vld [tilespmem:s18+$0x4F10];
	v2 =	vadd.f32 v4, v2  }
0x3e: {  	v8 =	vld [tilespmem:s18+$0x5190]  }
0x3f: {  	v9 =	vld [tilespmem:s19+$0x5E10];
	v2 =	vadd.f32 v5, v2  }
0x40: {  	v10 =	vld [tilespmem:s18+$0x5410]  }
0x41: {  	v4 =	vld [tilespmem:s19+$0x6090];
	v5 =	vadd.f32 v3, v2  }
0x42: {  	v3 =	vld [tilespmem:s18+$0x5690]  }
0x43: {  	v7 =	vadd.f32 v8, v7;
	v2 =	vld [tilespmem:s18+$0x5B90];
	v8 =	vadd.f32 v6, v5  }
0x44: {  	s20 =	simm.s32 $0x20;
	v5 =	vld [tilespmem:s18+$0x5910]  }
0x45: {  	s21 =	simm.s32 $0xC0;
	v7 =	vadd.f32 v10, v7;
	v6 =	vld [tilespmem:s20+$0x4F10];
	v8 =	vadd.f32 v9, v8  }
.LBB2_6:
0x46: {  	p4 =	sne.s32 s21, $0x9C0;
	v9 =	vld [tilespmem:s20+$0x5190]  }
0x47: {  	v3 =	vadd.f32 v3, v7;
	v10 =	vld [tilespmem:s18+$0x5E10];
	v7 =	vadd.f32 v4, v8  }
0x48: {  	v8 =	vld [tilespmem:s20+$0x5410]  }
.Ltmp2:
0x49: {  	v5 =	vadd.f32 v5, v3;
	v4 =	vld [tilespmem:s18+$0x6090];
	[tilespmem:s19+$0x6310] =	vst v7;
	s19 =	smov.u32 s18;
	s18 =	smov.u32 s20;
	(pc) =	sbr.rel @p4 .LBB2_6-.Ltmp2, $4  }
0x4a: {  	v3 =	vld [tilespmem:s18+$0x5690]  }
0x4b: {  	v7 =	vadd.f32 v9, v6;
	v9 =	vadd.f32 v2, v5;
	v2 =	vld [tilespmem:s18+$0x5B90]  }
0x4c: {  	s20 =	sshra.s32 s21, $0x2;
	v5 =	vld [tilespmem:s18+$0x5910]  }
0x4d: {  	s21 =	sadd.s32 $0x40, s21;
	v6 =	vld [tilespmem:s20+$0x4F10];
	v7 =	vadd.f32 v8, v7;
	v8 =	vadd.f32 v10, v9  }
0x4e: {  	v9 =	vld [tilespmem:s20+$0x5190]  }
0x4f: {  	v10 =	vld [tilespmem:s18+$0x5E10];
	v4 =	vadd.f32 v4, v8  }
0x50: {  	v8 =	vld [tilespmem:s20+$0x5410]  }
0x51: {  	v11 =	vld [tilespmem:s18+$0x6090];
	[tilespmem:s19+$0x6310] =	vst v4  }
0x52: {  	v4 =	vld [tilespmem:s20+$0x5690]  }
0x53: {  	v6 =	vadd.f32 v9, v6  }
0x54: {  	v9 =	vld [tilespmem:s20+$0x5910]  }
0x55: {  	v6 =	vadd.f32 v8, v6  }
0x56: {  	v3 =	vadd.f32 v3, v7;
	v7 =	vld [tilespmem:s20+$0x5B90]  }
0x57: {  	v4 =	vadd.f32 v4, v6  }
0x58: {  	v3 =	vadd.f32 v5, v3;
	v5 =	vld [tilespmem:s20+$0x5E10]  }
0x59: {  	v4 =	vadd.f32 v9, v4  }
0x5a: {  	v2 =	vadd.f32 v2, v3;
	v3 =	vld [tilespmem:s20+$0x6090]  }
0x5b: {  	v4 =	vadd.f32 v7, v4  }
0x5c: {  	v2 =	vadd.f32 v10, v2  }
0x5d: {  	v4 =	vadd.f32 v5, v4  }
0x5e: {  	v2 =	vadd.f32 v11, v2  }
0x5f: {  	v3 =	vadd.f32 v3, v4  }
0x60: {  	[tilespmem:s18+$0x6310] =	vst v2  }
0x61: {  	s19 =	simm.s32 @!p3 $0x6310;
	s18 =	simm.s32 @!p3 $0x0;
	[tilespmem:s20+$0x6310] =	vst v3  }
0x62: {  	[hbm4b:s7+s18] =	stream.linear.scatter @!p3 [tilespmem:s19], [sflag:$0x1], $0x280, $0x38;
	[tilespmem:$0x8D90] =	vst v63  }
0x63: {  	s18 =	simm.s32 @!p3 $0x1  }
0x64: {  	_ =	swait.ge @!p3 [sflag:s18], $0x280  }
0x65: {  	[sflag:s18] =	ssyncset.done @!p3 $0x0  }
0x66: {  	s19 =	simm.s32 @p0 $0x6310;
	[sflag:s18] =	ssyncadd.s32 @!p3 $0xFFFFFD80;
	s18 =	simm.s32 @p0 $0x0  }
0x67: {  	[hbm4b:s8+s18] =	stream.linear.scatter @p0 [tilespmem:s19], [sflag:$0x1], $0x280, $0x38;
	[tilespmem:$0x8D90] =	vst v63  }
0x68: {  	s18 =	simm.s32 @p0 $0x1  }
0x69: {  	_ =	swait.ge @p0 [sflag:s18], $0x280  }
0x6a: {  	[sflag:s18] =	ssyncset.done @p0 $0x0  }
0x6b: {  	[sflag:s18] =	ssyncadd.s32 @p0 $0xFFFFFD80  }
0x6c: {  	[tilespmem:s16], [sflag:$0x1] =	stream.strided.gather [spmem:s9], $0x1400, s15, s14, $0x38;
	[tilespmem:$0x8D90] =	vst v63  }
0x6d: {  	_ =	swait.ge [sflag:s13], $0x1400  }
0x6e: {  	[sflag:s13] =	ssyncset.done $0x0  }
0x6f: {  	s19 =	simm.s32 $0x0;
	[sflag:s13] =	ssyncadd.s32 $0xFFFFEC00  }
0x70: {  	v2 =	vld [tilespmem:s19+$0x4F10]  }
0x71: {  	v3 =	vld [tilespmem:s19+$0x5190];
	_ =	sdelay $0x1  }
0x72: {  	v4 =	vld [tilespmem:s19+$0x5410];
	_ =	sdelay $0x1  }
0x73: {  	v5 =	vld [tilespmem:s19+$0x5690]  }
0x74: {  	v6 =	vld [tilespmem:s19+$0x5B90];
	v2 =	vadd.f32 v3, v2  }
0x75: {  	s18 =	simm.s32 $0x10;
	v3 =	vld [tilespmem:s19+$0x5910]  }
0x76: {  	v7 =	vld [tilespmem:s18+$0x4F10];
	v2 =	vadd.f32 v4, v2  }
0x77: {  	v8 =	vld [tilespmem:s18+$0x5190]  }
0x78: {  	v9 =	vld [tilespmem:s19+$0x5E10];
	v2 =	vadd.f32 v5, v2  }
0x79: {  	v10 =	vld [tilespmem:s18+$0x5410]  }
0x7a: {  	v4 =	vld [tilespmem:s19+$0x6090];
	v5 =	vadd.f32 v3, v2  }
0x7b: {  	v3 =	vld [tilespmem:s18+$0x5690]  }
0x7c: {  	v7 =	vadd.f32 v8, v7;
	v2 =	vld [tilespmem:s18+$0x5B90];
	v8 =	vadd.f32 v6, v5  }
0x7d: {  	s20 =	simm.s32 $0x20;
	v5 =	vld [tilespmem:s18+$0x5910]  }
0x7e: {  	s21 =	simm.s32 $0xC0;
	v7 =	vadd.f32 v10, v7;
	v6 =	vld [tilespmem:s20+$0x4F10];
	v8 =	vadd.f32 v9, v8  }
.LBB2_8:
0x7f: {  	p4 =	sne.s32 s21, $0x9C0;
	v9 =	vld [tilespmem:s20+$0x5190]  }
0x80: {  	v3 =	vadd.f32 v3, v7;
	v10 =	vld [tilespmem:s18+$0x5E10];
	v7 =	vadd.f32 v4, v8  }
0x81: {  	v8 =	vld [tilespmem:s20+$0x5410]  }
.Ltmp3:
0x82: {  	v5 =	vadd.f32 v5, v3;
	v4 =	vld [tilespmem:s18+$0x6090];
	[tilespmem:s19+$0x6310] =	vst v7;
	s19 =	smov.u32 s18;
	s18 =	smov.u32 s20;
	(pc) =	sbr.rel @p4 .LBB2_8-.Ltmp3, $4  }
0x83: {  	v3 =	vld [tilespmem:s18+$0x5690]  }
0x84: {  	v7 =	vadd.f32 v9, v6;
	v9 =	vadd.f32 v2, v5;
	v2 =	vld [tilespmem:s18+$0x5B90]  }
0x85: {  	s20 =	sshra.s32 s21, $0x2;
	v5 =	vld [tilespmem:s18+$0x5910]  }
0x86: {  	s21 =	sadd.s32 $0x40, s21;
	v6 =	vld [tilespmem:s20+$0x4F10];
	v7 =	vadd.f32 v8, v7;
	v8 =	vadd.f32 v10, v9  }
0x87: {  	v9 =	vld [tilespmem:s20+$0x5190]  }
0x88: {  	v10 =	vld [tilespmem:s18+$0x5E10];
	v4 =	vadd.f32 v4, v8  }
0x89: {  	v60 =	vld [tilespmem:s20+$0x5410]  }
0x8a: {  	v11 =	vld [tilespmem:s18+$0x6090];
	[tilespmem:s19+$0x6310] =	vst v4  }
0x8b: {  	v4 =	vld [tilespmem:s20+$0x5690]  }
0x8c: {  	v6 =	vadd.f32 v9, v6  }
0x8d: {  	v61 =	vld [tilespmem:s20+$0x5910]  }
0x8e: {  	v6 =	vadd.f32 v60, v6  }
0x8f: {  	v3 =	vadd.f32 v3, v7;
	v62 =	vld [tilespmem:s20+$0x5B90]  }
0x90: {  	v4 =	vadd.f32 v4, v6  }
0x91: {  	v3 =	vadd.f32 v5, v3;
	v63 =	vld [tilespmem:s20+$0x5E10]  }
0x92: {  	v4 =	vadd.f32 v61, v4  }
0x93: {  	v2 =	vadd.f32 v2, v3;
	v3 =	vld [tilespmem:s20+$0x6090]  }
0x94: {  	v4 =	vadd.f32 v62, v4  }
0x95: {  	v2 =	vadd.f32 v10, v2  }
0x96: {  	v4 =	vadd.f32 v63, v4  }
0x97: {  	v2 =	vadd.f32 v11, v2  }
0x98: {  	v3 =	vadd.f32 v3, v4  }
0x99: {  	[tilespmem:s18+$0x6310] =	vst v2  }
0x9a: {  	s19 =	simm.s32 @!p3 $0x6310;
	s18 =	simm.s32 @!p3 $0x0;
	[tilespmem:s20+$0x6310] =	vst v3  }
0x9b: {  	[hbm4b:s10+s18] =	stream.linear.scatter @!p3 [tilespmem:s19], [sflag:$0x1], $0x280, $0x38;
	[tilespmem:$0x8D90] =	vst v63  }
0x9c: {  	s18 =	simm.s32 @!p3 $0x1  }
0x9d: {  	s17 =	sadd.s32 $0x1, s17;
	_ =	swait.ge @!p3 [sflag:s18], $0x280  }
0x9e: {  	p4 =	sne.s32 s17, s12;
	[sflag:s18] =	ssyncset.done @!p3 $0x0  }
0x9f: {  	s19 =	simm.s32 @p0 $0x6310;
	[sflag:s18] =	ssyncadd.s32 @!p3 $0xFFFFFD80;
	s18 =	simm.s32 @p0 $0x0  }
0xa0: {  	[hbm4b:s11+s18] =	stream.linear.scatter @p0 [tilespmem:s19], [sflag:$0x1], $0x280, $0x38;
	[tilespmem:$0x8D90] =	vst v63  }
.Ltmp4:
0xa1: {  	_ = 	snop;
	(pc) =	sbr.rel @p4 .LBB2_1-.Ltmp4, $4  }
0xa2: {  	s18 =	simm.s32 @p0 $0x1  }
0xa3: {  	_ =	swait.ge @p0 [sflag:s18], $0x280  }
0xa4: {  	[sflag:s18] =	ssyncset.done @p0 $0x0  }
0xa5: {  	[sflag:s18] =	ssyncadd.s32 @p0 $0xFFFFFD80  }
0xa6: {  	_ =	sfence.sel $0x180000  }
0xa7: {  	[bflag:$0x0] =	sbarrier.arrive $0xFFFF  }
0xa8: {  	p0 =	sne.s32 s1, $0x0;
	_ =	strace $0x90000047  }
0xa9: {  	s0 =	sadd.s32 @!p0 $0x100000, s0;
	[bflag:$0x2] =	sbarrier.arrive $0xFFFF  }
0xaa: {  	[sflag:s0] =	ssyncadd.tile.s32 @!p0 $0x1;
	_ =	shalt  }
.Lfunc_end2:
_tile_overlayer_lowered:
.L_overlay_start_2:
0xab: {  	(tag) =	ssettag $0x2  }
0xac: {  	s0 =	rddreg [dreg:$0x0];
	s2 =	stileid.u32  }
0xad: {  	s1 =	rddreg [dreg:$0x1];
	p0 =	sne.s32 s2, $0x0  }
0xae: {  	s3 =	rddreg [dreg:$0x2];
	[bflag:$0x3] =	sbarrier.arrive $0xFFFF;
	s2 =	simm.s32 @!p0 $0x1C01  }
0xaf: {  	[timem:s3], [sflag:s2] =	dma.local @!p0 [hbm:s0], s1  }
0xb0: {  	s0 =	simm.s32 @!p0 $0x1  }
0xb1: {  	_ =	swait.ge @!p0 [sflag:s0], s1  }
0xb2: {  	s1 =	ssub.s32 @!p0 $0x0, s1;
	[sflag:s0] =	ssyncset.done @!p0 $0x0  }
0xb3: {  	[sflag:s0] =	ssyncadd.s32 @!p0 s1  }
0xb4: {  	[bflag:$0x3] =	sbarrier.arrive $0xFFFF  }
0xb5: {  	_ =	shalt  }

// kernel: kernel.16.cloned.1.call-start
scs
__scs_entry_jumppad:
0x0: {  	(pc) =	sbr.rel $0x88, $3  }
0x1: {  	(tag) =	ssettag $0x0;
	lr =	simm.s32 $0x1  }
0x2: {  	[smem:$0x3F91] =	sst lr;
	_ =	strace $0xD0000000  }
0x3: {  	_ = 	snop  }
0x4: {  	_ = 	snop  }
0x5: {  	_ = 	snop  }
0x6: {  	_ = 	snop  }
0x7: {  	_ = 	snop  }
__scs_overlays_trampoline_lowered:
0x8: {  	[smem:$0x3FA0] =	sst s0  }
0x9: {  	[smem:$0x3FA1] =	sst s1  }
0xa: {  	[smem:$0x3FA2] =	sst s2  }
0xb: {  	[smem:$0x3FA3] =	sst s3  }
0xc: {  	[smem:$0x3FA4] =	sst s4  }
0xd: {  	[smem:$0x3FA5] =	sst s5  }
0xe: {  	[smem:$0x3FA6] =	sst s6  }
0xf: {  	[smem:$0x3FA7] =	sst s7  }
0x10: {  	[smem:$0x3FA8] =	sst s8  }
0x11: {  	[smem:$0x3FA9] =	sst s9;
	s0 =	simm.s32 @!p0 $0x0  }
0x12: {  	s1 =	sld [smem:$0x3F8F];
	s0 =	simm.s32 @p0 $0x1  }
0x13: {  	[smem:$0x3FAA] =	sst s0;
	s0 =	simm.s32 @!p1 $0x0  }
0x14: {  	s2 =	sld [smem:$0x3F8E];
	s0 =	simm.s32 @p1 $0x1  }
0x15: {  	[smem:$0x3FAB] =	sst s0;
	s0 =	simm.s32 @!p2 $0x0  }
0x16: {  	s3 =	sld [smem:$0x3FDB];
	s0 =	simm.s32 @p2 $0x1  }
0x17: {  	s4 =	simm.s32 $0x1BF5;
	[smem:$0x3FAD] =	sst s0  }
0x18: {  	s0 =	sld [smem:$0x3F90];
	_ =	swait.ge [sflag:s4], $0x0  }
0x19: {  	s7 =	sld [smem:$0x3F91]  }
0x1a: {  	s8 =	sadd.s32 $0xFFFFE003, lr  }
0x1b: {  	s9 =	sadd.s32 $0xFFFFFEF7, lr;
	s5 =	simm.s32 $0xFFFFFFFF;
	p2 =	slt.u32 s8, $0xFFFFF086  }
0x1c: {  	p1 =	slt.u32 s9, $0xF7A;
	s5 =	simm.s32 @!p2 $0x0  }
0x1d: {  	s5 =	simm.s32 @p1 $0x1;
	p0 =	seq.s32 s7, s2  }
0x1e: {  	s7 =	smul.u32 @!p0 $0xF7A, s2;
	p2 =	seq.s32 @!p0 s5, $0x0  }
0x1f: {  	s9 =	smul.u32 $0xF7A, s1;
	s8 =	simm.s32 @!p0 $0x1BF5;
	p2 =	por !p2, p0  }
0x20: {  	[sflag:s8] =	ssyncset.s32 @!p0 $0xFFFFF086;
	s6 =	sadd.s32 @!p0 s3, s7;
	s7 =	simm.s32 @!p0 $0x108  }
0x21: {  	s3 =	sadd.s32 s3, s9;
	s6 =	sadd.s32 @!p0 $0x88, s6;
	s7 =	simm.s32 @p2 $0x1082  }
0x22: {  	[simem:s7], [sflag:s8] =	dma.local @!p0 [hbm:s6], $0xF7A  }
0x23: {  	s9 =	sor.u32 $0xD0000000, s2;
	s6 =	simm.s32 $0x108;
	_ =	swait.ge @!p0 [sflag:s8], $0x0  }
0x24: {  	s3 =	sadd.s32 $0x88, s3;
	s6 =	simm.s32 @!p1 $0x1082;
	[sflag:s4] =	ssyncset.s32 $0xFFFFF086  }
0x25: {  	[simem:s6], [sflag:s4] =	dma.local [hbm:s3], $0xF7A  }
0x26: {  	[smem:$0x3F91] =	sst s1;
	(tag) =	ssettag s2;
	_ =	strace s9  }
0x27: {  	s1 =	sld [smem:$0x3FA1]  }
0x28: {  	s2 =	sld [smem:$0x3FA2]  }
0x29: {  	s4 =	sld [smem:$0x3FA4]  }
0x2a: {  	p0 =	seq.s32 s5, $0x0;
	s5 =	sld [smem:$0x3FA5]  }
0x2b: {  	s6 =	sld [smem:$0x3FA6]  }
0x2c: {  	s7 =	sld [smem:$0x3FA7]  }
0x2d: {  	s3 =	simm.s32 $0x108;
	s8 =	sld [smem:$0x3FA8]  }
0x2e: {  	s3 =	simm.s32 @!p0 $0x1082;
	s9 =	sld [smem:$0x3FA9]  }
0x2f: {  	lr =	sadd.s32 s0, s3;
	s0 =	sld [smem:$0x3FA0]  }
0x30: {  	s3 =	sld [smem:$0x3FA3]  }
0x31: {  	[smem:$0x3FAC] =	sst s10  }
0x32: {  	s10 =	sld [smem:$0x3FAA];
	_ =	sdelay $0x3  }
0x33: {  	p0 =	seq.s32 s10, $0x1;
	s10 =	sld [smem:$0x3FAC];
	_ =	sdelay $0x3  }
0x34: {  	[smem:$0x3FAC] =	sst s10  }
0x35: {  	s10 =	sld [smem:$0x3FAB];
	_ =	sdelay $0x3  }
0x36: {  	p1 =	seq.s32 s10, $0x1;
	s10 =	sld [smem:$0x3FAC];
	_ =	sdelay $0x3  }
0x37: {  	[smem:$0x3FAC] =	sst s10  }
0x38: {  	s10 =	sld [smem:$0x3FAD]  }
0x39: {  	_ = 	snop;
	(pc) =	sbr.ind lr, $3  }
0x3a: {  	_ = 	snop  }
0x3b: {  	_ = 	snop  }
0x3c: {  	p2 =	seq.s32 s10, $0x1;
	s10 =	sld [smem:$0x3FAC]  }
0x3d: {  	_ =	shalt  }
0x3e: {  	_ =	shalt  }
0x3f: {  	_ =	shalt  }
0x40: {  	_ =	shalt  }
0x41: {  	_ =	shalt  }
0x42: {  	_ =	shalt  }
0x43: {  	_ =	shalt  }
0x44: {  	_ =	shalt  }
0x45: {  	_ =	shalt  }
0x46: {  	_ =	shalt  }
0x47: {  	_ =	shalt  }
0x48: {  	_ =	shalt  }
0x49: {  	_ =	shalt  }
0x4a: {  	_ =	shalt  }
0x4b: {  	_ =	shalt  }
0x4c: {  	_ =	shalt  }
0x4d: {  	_ =	shalt  }
0x4e: {  	_ =	shalt  }
0x4f: {  	_ =	shalt  }
0x50: {  	_ =	shalt  }
0x51: {  	_ =	shalt  }
0x52: {  	_ =	shalt  }
0x53: {  	_ =	shalt  }
0x54: {  	_ =	shalt  }
0x55: {  	_ =	shalt  }
0x56: {  	_ =	shalt  }
0x57: {  	_ =	shalt  }
0x58: {  	_ =	shalt  }
0x59: {  	_ =	shalt  }
0x5a: {  	_ =	shalt  }
0x5b: {  	_ =	shalt  }
0x5c: {  	_ =	shalt  }
0x5d: {  	_ =	shalt  }
0x5e: {  	_ =	shalt  }
0x5f: {  	_ =	shalt  }
0x60: {  	_ =	shalt  }
0x61: {  	_ =	shalt  }
0x62: {  	_ =	shalt  }
0x63: {  	_ =	shalt  }
0x64: {  	_ =	shalt  }
0x65: {  	_ =	shalt  }
0x66: {  	_ =	shalt  }
0x67: {  	_ =	shalt  }
0x68: {  	_ =	shalt  }
0x69: {  	_ =	shalt  }
0x6a: {  	_ =	shalt  }
0x6b: {  	_ =	shalt  }
0x6c: {  	_ =	shalt  }
0x6d: {  	_ =	shalt  }
0x6e: {  	_ =	shalt  }
0x6f: {  	_ =	shalt  }
0x70: {  	_ =	shalt  }
0x71: {  	_ =	shalt  }
0x72: {  	_ =	shalt  }
0x73: {  	_ =	shalt  }
0x74: {  	_ =	shalt  }
0x75: {  	_ =	shalt  }
0x76: {  	_ =	shalt  }
0x77: {  	_ =	shalt  }
0x78: {  	_ =	shalt  }
0x79: {  	_ =	shalt  }
0x7a: {  	_ =	shalt  }
0x7b: {  	_ =	shalt  }
0x7c: {  	_ =	shalt  }
0x7d: {  	_ =	shalt  }
0x7e: {  	_ =	shalt  }
0x7f: {  	_ =	shalt  }
0x80: {  	_ =	shalt  }
0x81: {  	_ =	shalt  }
0x82: {  	_ =	shalt  }
0x83: {  	_ =	shalt  }
0x84: {  	_ =	shalt  }
0x85: {  	_ =	shalt  }
0x86: {  	_ =	shalt  }
0x87: {  	_ =	shalt  }
.Lfunc_end0:
.L_simem_size_0:
called_computation.1_lowered:
.L_overlay_start_0:
0x88: {  	s2 =	sld [smem:$0x3FD9]  }
0x89: {  	s3 =	sld [smem:$0x3FFE];
	_ =	sdelay $0x1  }
0x8a: {  	s1 =	srdreg.scid  }
0x8b: {  	s0 =	sand.u32 $0x1, s1  }
0x8c: {  	s17 =	sshll.u32 s0, $0xA;
	s2 =	sadd.s32 s3, s2  }
0x8d: {  	s2 =	sadd.s32 s2, s17  }
0x8e: {  	[smem:$0x3FB8] =	sst s2  }
0x8f: {  	_ = 	snop  }
0x90: {  	(tm) =	ssettm $0x1  }
0x91: {  	s18 =	sld [smem:$0x3FFB];
	_ =	sdelay $0x3  }
0x92: {  	_ =	strace s18  }
0x93: {  	s2 =	sld [smem:$0x3FFC];
	_ =	sdelay $0x3  }
0x94: {  	_ =	strace s2  }
0x95: {  	s2 =	sld [smem:$0x3FFD];
	_ =	sdelay $0x3  }
0x96: {  	_ =	strace s2  }
0x97: {  	_ =	strace $0x8FFFFFFF  }
0x98: {  	s19 =	sld [smem:$0x3FDB];
	_ =	sdelay $0x1  }
0x99: {  	s20 =	simm.s32 $_scs_section_size  }
0x9a: {  	s4 =	simm.s32 $_size__tile_overlayer_lowered;
	s5 =	simm.s32 $_tile_overlayer_lowered  }
0x9b: {  	s6 =	simm.s32 $0x1BFF;
	s21 =	sshll.u32 s5, $0x1;
	s3 =	sadd.s32 s20, s19  }
0x9c: {  	s22 =	simm.s32 $0x0;
	s4 =	sshll.u32 s4, $0x1;
	s5 =	sadd.s32 s21, s3  }
0x9d: {  	[timem:s22], [sflag:s6] =	dma.local [hbm:s5], s4  }
0x9e: {  	_ =	swait.ge [sflag:s6], s4  }
0x9f: {  	s4 =	ssub.s32 $0x0, s4;
	[sflag:s6] =	ssyncset.done $0x0  }
0xa0: {  	[sflag:s6] =	ssyncadd.s32 s4;
	_ =	sdelay $0x1  }
0xa1: {  	s23 =	simm.s32 $0x1B8B  }
0xa2: {  	_ =	swait.ge [sflag:s23], $0x1  }
0xa3: {  	[sflag:s23] =	ssyncset.done $0x0  }
0xa4: {  	[sflag:s23] =	ssyncadd.s32 $0xFFFFFFFF  }
0xa5: {  	s4 =	sld [smem:$0x0]  }
0xa6: {  	s5 =	sand.u32 $0xFFFFFFFE, s1  }
0xa7: {  	p0 =	sne.s32 s1, s5  }
0xa8: {  	s5 =	sshll.u32 @p0 s5, $0xE  }
0xa9: {  	s5 =	sadd.s32 @p0 $0x11B8D, s5;
	s6 =	sshll.u32 @p0 s4, $0x11  }
0xaa: {  	s5 =	sor.u32 @p0 s6, s5  }
0xab: {  	[sflag:s5] =	ssyncadd.remote.s32 @p0 $0x1;
	_ =	sdelay $0x1  }
0xac: {  	s5 =	simm.s32 @p0 $0x1B8D  }
0xad: {  	_ =	swait.eq @p0 [sflag:s5], $0x1  }
0xae: {  	[sflag:s5] =	ssyncadd.s32 @p0 $0xFFFFFFFF  }
0xaf: {  	s6 =	sshll.u32 @!p0 s1, $0xE  }
0xb0: {  	s6 =	sor.u32 @!p0 $0x4000, s6;
	s5 =	simm.s32 @!p0 $0x1B8D  }
0xb1: {  	s4 =	sshll.u32 @!p0 s4, $0x11;
	s6 =	sadd.s32 @!p0 $0x11B8D, s6;
	_ =	swait.eq @!p0 [sflag:s5], $0x1  }
0xb2: {  	s4 =	sor.u32 @!p0 s4, s6;
	[sflag:s5] =	ssyncadd.s32 @!p0 $0xFFFFFFFF  }
0xb3: {  	s25 =	simm.s32 $0x1B8E;
	s24 =	sld [smem:$0x3FFE];
	[sflag:s4] =	ssyncadd.remote.s32 @!p0 $0x1  }
0xb4: {  	s26 =	simm.s32 $execute0_lowered;
	[smem:$0x3FD2] =	sst s25  }
0xb5: {  	s5 =	sshll.u32 s26, $0x1;
	_ =	strace $0x8000004C;
	[dreg:$0x1] =	wrdreg $0xFFFFFFFF  }
0xb6: {  	s28 =	simm.s32 $_size_execute0_lowered;
	s3 =	sadd.s32 s3, s5;
	[dreg:$0x0] =	wrdreg $0x0  }
0xb7: {  	s5 =	sshll.u32 s28, $0x1;
	[dreg:$0x2] =	wrdreg s3  }
0xb8: {  	[dreg:$0x3] =	wrdreg s5  }
0xb9: {  	[dreg:$0x4] =	wrdreg $0xC0  }
0xba: {  	_ =	task [dreg:s22], $0x5FFFF  }
0xbb: {  	[dreg:$0x1] =	wrdreg $0xFFFFFFFF  }
0xbc: {  	[dreg:$0x0] =	wrdreg $0x60  }
0xbd: {  	[dreg:$0x2] =	wrdreg s24  }
0xbe: {  	[dreg:$0x3] =	wrdreg $0x0  }
0xbf: {  	[dreg:$0x4] =	wrdreg $0x9  }
0xc0: {  	_ =	task.clear_ibuf [dreg:s22], $0x5FFFF;
	_ =	strace $0x9000004C  }
0xc1: {  	s29 =	simm.s32 $0x9;
	_ =	strace $0x8000004E  }
0xc2: {  	_ =	swait.ge [sflag:s29], $0x1  }
0xc3: {  	[sflag:s29] =	ssyncadd.s32 $0xFFFFFFFF  }
0xc4: {  	_ =	strace $0x9000004E  }
0xc5: {  	_ =	sfence  }
0xc6: {  	s30 =	sld [smem:$0x0];
	_ =	sdelay $0x2  }
0xc7: {  	s31 =	sshll.u32 s1, $0xD;
	s1 =	sshrl.u32 s1, $0x2  }
0xc8: {  	s4 =	sand.u32 $0x4000, s31;
	s1 =	sadd.s32 s1, s30  }
0xc9: {  	s0 =	sor.u32 s4, s0;
	s1 =	sshll.u32 s1, $0x11  }
0xca: {  	s0 =	sor.u32 s1, s0  }
0xcb: {  	s0 =	sadd.s32 $0x8F2B, s0  }
0xcc: {  	[sflag:s0] =	ssyncadd.remote.s32 $0x1  }
0xcd: {  	_ =	sfence.sel $0xFFFF  }
0xce: {  	[dreg:$0x0] =	wrdreg $0xFFFFFFFF;
	(pc) =	sbr.abs _section_cstart, $3  }
0xcf: {  	[dreg:$0x1] =	wrdreg $0xFFFFFFFF  }
0xd0: {  	_ =	task.clear_ibuf [dreg:s22], $0x2FFFF;
	_ =	strace $0x9FFFFFFF  }
0xd1: {  	(tm) =	ssettm $0x7FFFFFFF  }
tec
execute0_lowered:
.L_overlay_start_1:
0x0: {  	(tag) =	ssettag $0x1  }
0x1: {  	s0 =	rddreg [dreg:$0x0]  }
0x2: {  	s1 =	rddreg [dreg:$0x1];
	s3 =	simm.s32 $0x0  }
0x3: {  	s9 =	stileid.u32;
	s2 =	srdreg.scid;
	s22 =	simm.s32 $0x1D100  }
0x4: {  	s23 =	simm.s32 $0x3;
	s28 =	simm.s32 $0x19280;
	s29 =	simm.s32 $0x1  }
0x5: {  	s30 =	simm.s32 $0x2;
	[smem:$0x7FF] =	sst s3;
	s6 =	smul.u32 $0x280, s9  }
0x6: {  	s4 =	sadd.s32 $0x102000, s0;
	s5 =	sadd.s32 $0x129200, s0;
	s20 =	smul.u32 $0x28000, s9  }
0x7: {  	s2 =	sand.u32 $0x1, s2;
	s9 =	smul.u32 $0x50000, s9;
	s10 =	sadd.s32 $0x150400, s0  }
0x8: {  	_ =	strace $0x8000004D;
	s7 =	ssub.s32 $0x2, s2;
	[dreg:$0x3] =	wrdreg s10  }
0x9: {  	p0 =	sne.s32 s2, $0x0;
	s6 =	sadd.s32 s6, s0;
	s8 =	sshrl.u32 s7, $0x1  }
0xa: {  	s0 =	sadd.s32 $0x178400, s0;
	s26 =	sshrl.u32 s20, $0x1;
	s11 =	sshrl.u32 s9, $0x2  }
0xb: {  	s20 =	sshrl.u32 s20, $0x4;
	[dreg:$0x4] =	wrdreg s0;
	s25 =	ssub.s32 s7, s8  }
0xc: {  	s8 =	sadd.s32 $0x8400, s6;
	s9 =	sadd.s32 $0x5C00, s6;
	s10 =	sadd.s32 s26, s1  }
.Ltmp0:
0xd: {  	s31 =	sadd.s32 s11, s1;
	s26 =	simm.s32 $0x7D;
	(pc) =	sbr.rel .LBB2_1-.Ltmp0, $4  }
0xe: {  	s7 =	simm.s32 $0x0;
	s11 =	sadd.s32 $0x2000, s31;
	s12 =	sadd.s32 $0x4000, s31  }
0xf: {  	s13 =	sadd.s32 $0x6000, s31;
	s14 =	sadd.s32 $0x8000, s31;
	s15 =	sadd.s32 $0xA000, s31  }
0x10: {  	s16 =	sadd.s32 $0xC000, s31;
	s17 =	sadd.s32 $0xE000, s31;
	s18 =	sadd.s32 $0x10000, s31  }
0x11: {  	v0 =	vimm.bf16 $0.0e+00;
	s19 =	sadd.s32 $0x12000, s31;
	s21 =	smax.u32 s25, $0x1;
	s25 =	simm.s32 $0x15400  }
.LBB2_9:
0x12: {  	s0 =	sadd.s32 $0x1D180, s24;
	[sflag:s23] =	ssyncadd.s32 $0xFFFFC180  }
0x13: {  	[tilespmem:s28], [sflag:$0x2] =	stream.indirect.gather [hbm4b:s5+s26], $0x80, s0, s26, $0xb8;
	[tilespmem:$0x1E500] =	vst v63  }
0x14: {  	_ =	swait.ge [sflag:s29], $0x3E80  }
0x15: {  	[sflag:s29] =	ssyncset.done $0x0  }
0x16: {  	s2 =	sadd.s32 $0x14000, s24;
	[sflag:s29] =	ssyncadd.s32 $0xFFFFC180  }
0x17: {  	[spmem:s1] =	stream.indirect.scatter.add.bf16 [tilespmem:s25], [sflag:$0x3], $0x80, s2, s26, $0xb8;
	[tilespmem:$0x1E500] =	vst v63  }
0x18: {  	_ =	swait.ge [sflag:s23], $0x3E80  }
0x19: {  	[sflag:s23] =	ssyncset.done $0x0  }
0x1a: {  	s6 =	sadd.s32 $0x1D200, s24;
	[sflag:s23] =	ssyncadd.s32 $0xFFFFC180  }
0x1b: {  	[tilespmem:s25], [sflag:$0x1] =	stream.indirect.gather [hbm4b:s5+s26], $0x80, s6, s26, $0xb8;
	[tilespmem:$0x1E500] =	vst v63  }
0x1c: {  	_ =	swait.ge [sflag:s30], $0x3E80  }
0x1d: {  	[sflag:s30] =	ssyncset.done $0x0  }
0x1e: {  	s24 =	sadd.s32 $0x14080, s24;
	[sflag:s30] =	ssyncadd.s32 $0xFFFFC180  }
0x1f: {  	[spmem:s1] =	stream.indirect.scatter.add.bf16 [tilespmem:s28], [sflag:$0x3], $0x80, s24, s26, $0xb8;
	[tilespmem:$0x1E500] =	vst v63  }
0x20: {  	_ =	swait.ge [sflag:s23], $0x3E80  }
0x21: {  	[sflag:s23] =	ssyncset.done $0x0  }
0x22: {  	s31 =	simm.s32 $0x1E480;
	s2 =	rddreg [dreg:$0x4];
	[sflag:s23] =	ssyncadd.s32 $0xFFFFC180  }
0x23: {  	[tilespmem:s28], [sflag:$0x2] =	stream.indirect.gather [hbm4b:s5+s26], $0x80, s31, s26, $0xb8;
	[tilespmem:$0x1E500] =	vst v63  }
.LBB2_10:
0x24: {  	_ =	swait.ge [sflag:s29], $0x3E80  }
0x25: {  	[sflag:s29] =	ssyncset.done $0x0  }
0x26: {  	s0 =	simm.s32 $0x15300;
	[sflag:s29] =	ssyncadd.s32 $0xFFFFC180  }
0x27: {  	[spmem:s1] =	stream.indirect.scatter.add.bf16 [tilespmem:s25], [sflag:$0x3], $0x80, s0, s26, $0xb8;
	[tilespmem:$0x1E500] =	vst v63  }
0x28: {  	_ =	swait.ge [sflag:s23], $0x3E80  }
0x29: {  	[sflag:s23] =	ssyncset.done $0x0  }
0x2a: {  	[sflag:s23] =	ssyncadd.s32 $0xFFFFC180  }
0x2b: {  	_ =	swait.ge [sflag:s30], $0x3E80  }
0x2c: {  	[sflag:s30] =	ssyncset.done $0x0  }
0x2d: {  	s6 =	simm.s32 $0x15380;
	[sflag:s30] =	ssyncadd.s32 $0xFFFFC180  }
0x2e: {  	[spmem:s1] =	stream.indirect.scatter.add.bf16 [tilespmem:s28], [sflag:$0x3], $0x80, s6, s26, $0xb8;
	[tilespmem:$0x1E500] =	vst v63  }
0x2f: {  	s24 =	sadd.s32 s2, s20;
	s31 =	stileid.u32;
	_ =	swait.ge [sflag:s23], $0x3E80  }
0x30: {  	s7 =	sadd.s32 $0x1, s7;
	s2 =	sshll.u32 s31, $0x6;
	[sflag:s23] =	ssyncset.done $0x0  }
0x31: {  	p1 =	sne.s32 s7, s21;
	s2 =	sor.u32 $0x1C03, s2;
	[sflag:s23] =	ssyncadd.s32 $0xFFFFC180  }
.Ltmp1:
0x32: {  	s6 =	sshrl.u32 s10, $0x3;
	[bflag:$0x0] =	sbarrier.arrive $0xFFFF;
	(pc) =	sbr.rel @!p1 .LBB2_11-.Ltmp1, $4  }
0x33: {  	[hbm:s24], [sflag:s2] =	dma.local [spmem:s6], $0x2800  }
0x34: {  	_ =	swait.ge [sflag:s23], $0x2800  }
0x35: {  	[sflag:s23] =	ssyncset.done $0x0  }
0x36: {  	[sflag:s23] =	ssyncadd.s32 $0xFFFFD800  }
.LBB2_1:
0x37: {  	[tilespmem:s22], [sflag:$0x3] =	stream.linear.gather [hbm4b:s8+s3], $0x1400, $0x38;
	[tilespmem:$0x1E500] =	vst v63  }
0x38: {  	_ =	swait.ge [sflag:s23], $0x1400  }
0x39: {  	[sflag:s23] =	ssyncset.done $0x0  }
0x3a: {  	s0 =	simm.s32 $0x14000;
	[sflag:s23] =	ssyncadd.s32 $0xFFFFEC00  }
0x3b: {  	[tilespmem:s0], [sflag:$0x3] =	stream.linear.gather [hbm4b:s9+s3], $0x1400, $0x38;
	[tilespmem:$0x1E500] =	vst v63  }
0x3c: {  	_ =	swait.ge [sflag:s23], $0x1400  }
0x3d: {  	[sflag:s23] =	ssyncset.done $0x0  }
0x3e: {  	s24 =	simm.s32 $0x0;
	s2 =	simm.s32 $0x200;
	[sflag:s23] =	ssyncadd.s32 $0xFFFFEC00  }
.LBB2_2:
0x3f: {  	p1 =	sne.s32 s2, $0x7E00;
	[tilespmem:s24+$0x15470] =	vst v0  }
0x40: {  	[tilespmem:s24+$0x15400] =	vst v0  }
0x41: {  	[tilespmem:s24+$0x15410] =	vst v0  }
.Ltmp2:
0x42: {  	[tilespmem:s24+$0x15420] =	vst v0;
	(pc) =	sbr.rel @p1 .LBB2_2-.Ltmp2, $4  }
0x43: {  	[tilespmem:s24+$0x15430] =	vst v0  }
0x44: {  	[tilespmem:s24+$0x15440] =	vst v0  }
0x45: {  	[tilespmem:s24+$0x15450] =	vst v0  }
0x46: {  	[tilespmem:s24+$0x15460] =	vst v0;
	s24 =	sshra.s32 s2, $0x2;
	s2 =	sadd.s32 $0x200, s2  }
0x47: {  	[tilespmem:s24+$0x15470] =	vst v0  }
0x48: {  	[tilespmem:s24+$0x15400] =	vst v0  }
0x49: {  	[tilespmem:s24+$0x15410] =	vst v0  }
0x4a: {  	[tilespmem:s24+$0x15420] =	vst v0  }
0x4b: {  	[tilespmem:s24+$0x15430] =	vst v0  }
0x4c: {  	[tilespmem:s24+$0x15440] =	vst v0  }
0x4d: {  	[tilespmem:s24+$0x15450] =	vst v0  }
0x4e: {  	[tilespmem:s24+$0x15460] =	vst v0  }
0x4f: {  	[spmem:s10] =	stream.linear.scatter [tilespmem:s25], [sflag:$0x3], $0x2000, $0x38;
	[tilespmem:$0x1E500] =	vst v63  }
0x50: {  	_ =	swait.ge [sflag:s23], $0x2000  }
0x51: {  	[sflag:s23] =	ssyncset.done $0x0  }
0x52: {  	[sflag:s23] =	ssyncadd.s32 $0xFFFFE000  }
0x53: {  	[spmem:s11] =	stream.linear.scatter [tilespmem:s25], [sflag:$0x3], $0x2000, $0x38;
	[tilespmem:$0x1E500] =	vst v63  }
0x54: {  	_ =	swait.ge [sflag:s23], $0x2000  }
0x55: {  	[sflag:s23] =	ssyncset.done $0x0  }
0x56: {  	[sflag:s23] =	ssyncadd.s32 $0xFFFFE000  }
0x57: {  	[spmem:s12] =	stream.linear.scatter [tilespmem:s25], [sflag:$0x3], $0x2000, $0x38;
	[tilespmem:$0x1E500] =	vst v63  }
0x58: {  	_ =	swait.ge [sflag:s23], $0x2000  }
0x59: {  	[sflag:s23] =	ssyncset.done $0x0  }
0x5a: {  	[sflag:s23] =	ssyncadd.s32 $0xFFFFE000  }
0x5b: {  	[spmem:s13] =	stream.linear.scatter [tilespmem:s25], [sflag:$0x3], $0x2000, $0x38;
	[tilespmem:$0x1E500] =	vst v63  }
0x5c: {  	_ =	swait.ge [sflag:s23], $0x2000  }
0x5d: {  	[sflag:s23] =	ssyncset.done $0x0  }
0x5e: {  	[sflag:s23] =	ssyncadd.s32 $0xFFFFE000  }
0x5f: {  	[spmem:s14] =	stream.linear.scatter [tilespmem:s25], [sflag:$0x3], $0x2000, $0x38;
	[tilespmem:$0x1E500] =	vst v63  }
0x60: {  	_ =	swait.ge [sflag:s23], $0x2000  }
0x61: {  	[sflag:s23] =	ssyncset.done $0x0  }
0x62: {  	[sflag:s23] =	ssyncadd.s32 $0xFFFFE000  }
0x63: {  	[spmem:s15] =	stream.linear.scatter [tilespmem:s25], [sflag:$0x3], $0x2000, $0x38;
	[tilespmem:$0x1E500] =	vst v63  }
0x64: {  	_ =	swait.ge [sflag:s23], $0x2000  }
0x65: {  	[sflag:s23] =	ssyncset.done $0x0  }
0x66: {  	[sflag:s23] =	ssyncadd.s32 $0xFFFFE000  }
0x67: {  	[spmem:s16] =	stream.linear.scatter [tilespmem:s25], [sflag:$0x3], $0x2000, $0x38;
	[tilespmem:$0x1E500] =	vst v63  }
0x68: {  	_ =	swait.ge [sflag:s23], $0x2000  }
0x69: {  	[sflag:s23] =	ssyncset.done $0x0  }
0x6a: {  	[sflag:s23] =	ssyncadd.s32 $0xFFFFE000  }
0x6b: {  	[spmem:s17] =	stream.linear.scatter [tilespmem:s25], [sflag:$0x3], $0x2000, $0x38;
	[tilespmem:$0x1E500] =	vst v63  }
0x6c: {  	_ =	swait.ge [sflag:s23], $0x2000  }
0x6d: {  	[sflag:s23] =	ssyncset.done $0x0  }
0x6e: {  	[sflag:s23] =	ssyncadd.s32 $0xFFFFE000  }
0x6f: {  	[spmem:s18] =	stream.linear.scatter [tilespmem:s25], [sflag:$0x3], $0x2000, $0x38;
	[tilespmem:$0x1E500] =	vst v63  }
0x70: {  	_ =	swait.ge [sflag:s23], $0x2000  }
0x71: {  	[sflag:s23] =	ssyncset.done $0x0  }
0x72: {  	[sflag:s23] =	ssyncadd.s32 $0xFFFFE000  }
0x73: {  	[spmem:s19] =	stream.linear.scatter [tilespmem:s25], [sflag:$0x3], $0x2000, $0x38;
	[tilespmem:$0x1E500] =	vst v63  }
.Ltmp3:
0x74: {  	_ =	swait.ge [sflag:s23], $0x2000;
	(pc) =	sbr.rel @p0 .LBB2_7-.Ltmp3, $3  }
0x75: {  	[sflag:s23] =	ssyncset.done $0x0  }
0x76: {  	[sflag:s23] =	ssyncadd.s32 $0xFFFFE000  }
0x77: {  	[bflag:$0x0] =	sbarrier.arrive $0xFFFF;
	_ =	sdelay $0x1  }
0x78: {  	[tilespmem:s25], [sflag:$0x1] =	stream.indirect.gather [hbm4b:s4+s26], $0x80, s22, s26, $0xb8;
	[tilespmem:$0x1E500] =	vst v63  }
0x79: {  	s2 =	simm.s32 $0x1D180  }
0x7a: {  	[tilespmem:s28], [sflag:$0x2] =	stream.indirect.gather [hbm4b:s4+s26], $0x80, s2, s26, $0xb8;
	[tilespmem:$0x1E500] =	vst v63  }
0x7b: {  	_ =	swait.ge [sflag:s29], $0x3E80  }
0x7c: {  	[sflag:s29] =	ssyncset.done $0x0  }
0x7d: {  	s6 =	simm.s32 $0x14000;
	[sflag:s29] =	ssyncadd.s32 $0xFFFFC180  }
0x7e: {  	[spmem:s1] =	stream.indirect.scatter.add.bf16 [tilespmem:s25], [sflag:$0x3], $0x80, s6, s26, $0xb8;
	[tilespmem:$0x1E500] =	vst v63  }
0x7f: {  	_ =	swait.ge [sflag:s23], $0x3E80  }
0x80: {  	[sflag:s23] =	ssyncset.done $0x0  }
0x81: {  	s24 =	simm.s32 $0x1D200;
	[sflag:s23] =	ssyncadd.s32 $0xFFFFC180  }
0x82: {  	[tilespmem:s25], [sflag:$0x1] =	stream.indirect.gather [hbm4b:s4+s26], $0x80, s24, s26, $0xb8;
	[tilespmem:$0x1E500] =	vst v63  }
0x83: {  	_ =	swait.ge [sflag:s30], $0x3E80  }
0x84: {  	[sflag:s30] =	ssyncset.done $0x0  }
0x85: {  	s31 =	simm.s32 $0x14080;
	[sflag:s30] =	ssyncadd.s32 $0xFFFFC180  }
0x86: {  	[spmem:s1] =	stream.indirect.scatter.add.bf16 [tilespmem:s28], [sflag:$0x3], $0x80, s31, s26, $0xb8;
	[tilespmem:$0x1E500] =	vst v63  }
0x87: {  	_ =	swait.ge [sflag:s23], $0x3E80  }
0x88: {  	s2 =	simm.s32 $0x800;
	s24 =	simm.s32 $0x100;
	[sflag:s23] =	ssyncset.done $0x0  }
.LBB2_5:
0x89: {  	s31 =	sadd.s32 $0x1D180, s24  }
0x8a: {  	[sflag:s23] =	ssyncadd.s32 $0xFFFFC180;
	s0 =	smov.u32 s2;
	s6 =	sadd.s32 $0x400, s2  }
0x8b: {  	[tilespmem:s28], [sflag:$0x2] =	stream.indirect.gather [hbm4b:s4+s26], $0x80, s31, s26, $0xb8;
	[tilespmem:$0x1E500] =	vst v63  }
0x8c: {  	p1 =	sne.s32 s2, $0x4800;
	_ =	swait.ge [sflag:s29], $0x3E80  }
0x8d: {  	[sflag:s29] =	ssyncset.done $0x0  }
0x8e: {  	s2 =	sadd.s32 $0x14000, s24;
	[sflag:s29] =	ssyncadd.s32 $0xFFFFC180  }
0x8f: {  	[spmem:s1] =	stream.indirect.scatter.add.bf16 [tilespmem:s25], [sflag:$0x3], $0x80, s2, s26, $0xb8;
	[tilespmem:$0x1E500] =	vst v63  }
0x90: {  	_ =	swait.ge [sflag:s23], $0x3E80  }
0x91: {  	[sflag:s23] =	ssyncset.done $0x0  }
0x92: {  	s2 =	sadd.s32 $0x1D200, s24;
	[sflag:s23] =	ssyncadd.s32 $0xFFFFC180  }
0x93: {  	[tilespmem:s25], [sflag:$0x1] =	stream.indirect.gather [hbm4b:s4+s26], $0x80, s2, s26, $0xb8;
	[tilespmem:$0x1E500] =	vst v63  }
0x94: {  	_ =	swait.ge [sflag:s30], $0x3E80  }
.Ltmp4:
0x95: {  	[sflag:s30] =	ssyncset.done $0x0;
	(pc) =	sbr.rel @p1 .LBB2_5-.Ltmp4, $4  }
0x96: {  	s2 =	sadd.s32 $0x14080, s24;
	[sflag:s30] =	ssyncadd.s32 $0xFFFFC180  }
0x97: {  	[spmem:s1] =	stream.indirect.scatter.add.bf16 [tilespmem:s28], [sflag:$0x3], $0x80, s2, s26, $0xb8;
	[tilespmem:$0x1E500] =	vst v63  }
0x98: {  	_ =	swait.ge [sflag:s23], $0x3E80  }
0x99: {  	s24 =	sshra.s32 s0, $0x2;
	s2 =	smov.u32 s6;
	[sflag:s23] =	ssyncset.done $0x0  }
0x9a: {  	s0 =	sadd.s32 $0x1D180, s24;
	[sflag:s23] =	ssyncadd.s32 $0xFFFFC180  }
0x9b: {  	[tilespmem:s28], [sflag:$0x2] =	stream.indirect.gather [hbm4b:s4+s26], $0x80, s0, s26, $0xb8;
	[tilespmem:$0x1E500] =	vst v63  }
0x9c: {  	_ =	swait.ge [sflag:s29], $0x3E80  }
0x9d: {  	[sflag:s29] =	ssyncset.done $0x0  }
0x9e: {  	s2 =	sadd.s32 $0x14000, s24;
	[sflag:s29] =	ssyncadd.s32 $0xFFFFC180  }
0x9f: {  	[spmem:s1] =	stream.indirect.scatter.add.bf16 [tilespmem:s25], [sflag:$0x3], $0x80, s2, s26, $0xb8;
	[tilespmem:$0x1E500] =	vst v63  }
0xa0: {  	_ =	swait.ge [sflag:s23], $0x3E80  }
0xa1: {  	[sflag:s23] =	ssyncset.done $0x0  }
0xa2: {  	s6 =	sadd.s32 $0x1D200, s24;
	[sflag:s23] =	ssyncadd.s32 $0xFFFFC180  }
0xa3: {  	[tilespmem:s25], [sflag:$0x1] =	stream.indirect.gather [hbm4b:s4+s26], $0x80, s6, s26, $0xb8;
	[tilespmem:$0x1E500] =	vst v63  }
0xa4: {  	_ =	swait.ge [sflag:s30], $0x3E80  }
0xa5: {  	[sflag:s30] =	ssyncset.done $0x0  }
0xa6: {  	s24 =	sadd.s32 $0x14080, s24;
	[sflag:s30] =	ssyncadd.s32 $0xFFFFC180  }
0xa7: {  	[spmem:s1] =	stream.indirect.scatter.add.bf16 [tilespmem:s28], [sflag:$0x3], $0x80, s24, s26, $0xb8;
	[tilespmem:$0x1E500] =	vst v63  }
.Ltmp5:
0xa8: {  	_ = 	snop;
	(pc) =	sbr.rel .LBB2_10-.Ltmp5, $4  }
0xa9: {  	_ =	swait.ge [sflag:s23], $0x3E80  }
0xaa: {  	[sflag:s23] =	ssyncset.done $0x0  }
0xab: {  	s31 =	simm.s32 $0x1E480;
	s2 =	rddreg [dreg:$0x3];
	[sflag:s23] =	ssyncadd.s32 $0xFFFFC180  }
0xac: {  	[tilespmem:s28], [sflag:$0x2] =	stream.indirect.gather [hbm4b:s4+s26], $0x80, s31, s26, $0xb8;
	[tilespmem:$0x1E500] =	vst v63  }
.LBB2_7:
0xad: {  	[tilespmem:s25], [sflag:$0x1] =	stream.indirect.gather [hbm4b:s5+s26], $0x80, s22, s26, $0xb8;
	[tilespmem:$0x1E500] =	vst v63  }
0xae: {  	s0 =	simm.s32 $0x1D180  }
0xaf: {  	[tilespmem:s28], [sflag:$0x2] =	stream.indirect.gather [hbm4b:s5+s26], $0x80, s0, s26, $0xb8;
	[tilespmem:$0x1E500] =	vst v63  }
0xb0: {  	_ =	swait.ge [sflag:s29], $0x3E80  }
0xb1: {  	[sflag:s29] =	ssyncset.done $0x0  }
0xb2: {  	s6 =	simm.s32 $0x14000;
	[sflag:s29] =	ssyncadd.s32 $0xFFFFC180  }
0xb3: {  	[spmem:s1] =	stream.indirect.scatter.add.bf16 [tilespmem:s25], [sflag:$0x3], $0x80, s6, s26, $0xb8;
	[tilespmem:$0x1E500] =	vst v63  }
0xb4: {  	_ =	swait.ge [sflag:s23], $0x3E80  }
0xb5: {  	[sflag:s23] =	ssyncset.done $0x0  }
0xb6: {  	s24 =	simm.s32 $0x1D200;
	[sflag:s23] =	ssyncadd.s32 $0xFFFFC180  }
0xb7: {  	[tilespmem:s25], [sflag:$0x1] =	stream.indirect.gather [hbm4b:s5+s26], $0x80, s24, s26, $0xb8;
	[tilespmem:$0x1E500] =	vst v63  }
0xb8: {  	_ =	swait.ge [sflag:s30], $0x3E80  }
0xb9: {  	[sflag:s30] =	ssyncset.done $0x0  }
0xba: {  	s31 =	simm.s32 $0x14080;
	[sflag:s30] =	ssyncadd.s32 $0xFFFFC180  }
0xbb: {  	[spmem:s1] =	stream.indirect.scatter.add.bf16 [tilespmem:s28], [sflag:$0x3], $0x80, s31, s26, $0xb8;
	[tilespmem:$0x1E500] =	vst v63  }
0xbc: {  	_ =	swait.ge [sflag:s23], $0x3E80  }
0xbd: {  	s2 =	simm.s32 $0x800;
	s24 =	simm.s32 $0x100;
	[sflag:s23] =	ssyncset.done $0x0  }
.LBB2_8:
0xbe: {  	s0 =	sadd.s32 $0x1D180, s24  }
0xbf: {  	[sflag:s23] =	ssyncadd.s32 $0xFFFFC180;
	s6 =	smov.u32 s2;
	s31 =	sadd.s32 $0x400, s2  }
0xc0: {  	[tilespmem:s28], [sflag:$0x2] =	stream.indirect.gather [hbm4b:s5+s26], $0x80, s0, s26, $0xb8;
	[tilespmem:$0x1E500] =	vst v63  }
0xc1: {  	p1 =	sne.s32 s2, $0x4800;
	_ =	swait.ge [sflag:s29], $0x3E80  }
0xc2: {  	[sflag:s29] =	ssyncset.done $0x0  }
0xc3: {  	s0 =	sadd.s32 $0x14000, s24;
	[sflag:s29] =	ssyncadd.s32 $0xFFFFC180  }
0xc4: {  	[spmem:s1] =	stream.indirect.scatter.add.bf16 [tilespmem:s25], [sflag:$0x3], $0x80, s0, s26, $0xb8;
	[tilespmem:$0x1E500] =	vst v63  }
0xc5: {  	_ =	swait.ge [sflag:s23], $0x3E80  }
0xc6: {  	[sflag:s23] =	ssyncset.done $0x0  }
0xc7: {  	s0 =	sadd.s32 $0x1D200, s24;
	[sflag:s23] =	ssyncadd.s32 $0xFFFFC180  }
0xc8: {  	[tilespmem:s25], [sflag:$0x1] =	stream.indirect.gather [hbm4b:s5+s26], $0x80, s0, s26, $0xb8;
	[tilespmem:$0x1E500] =	vst v63  }
0xc9: {  	_ =	swait.ge [sflag:s30], $0x3E80  }
.Ltmp6:
0xca: {  	[sflag:s30] =	ssyncset.done $0x0;
	(pc) =	sbr.rel @p1 .LBB2_8-.Ltmp6, $4  }
0xcb: {  	s0 =	sadd.s32 $0x14080, s24;
	[sflag:s30] =	ssyncadd.s32 $0xFFFFC180  }
0xcc: {  	[spmem:s1] =	stream.indirect.scatter.add.bf16 [tilespmem:s28], [sflag:$0x3], $0x80, s0, s26, $0xb8;
	[tilespmem:$0x1E500] =	vst v63  }
0xcd: {  	_ =	swait.ge [sflag:s23], $0x3E80  }
0xce: {  	s2 =	smov.u32 s31;
	s24 =	sshra.s32 s6, $0x2;
	[sflag:s23] =	ssyncset.done $0x0  }
.Ltmp7:
0xcf: {  	_ = 	snop;
	(pc) =	sbr.rel .LBB2_9-.Ltmp7, $1  }
0xd0: {  	_ =	sdelay $0x3  }
.LBB2_11:
0xd1: {  	_ =	sfence.sel $0x180000  }
0xd2: {  	[bflag:$0x0] =	sbarrier.arrive $0xFFFF  }
0xd3: {  	_ =	strace $0x9000004D  }
0xd4: {  	s0 =	stileid.u32;
	[bflag:$0x2] =	sbarrier.arrive $0xFFFF  }
0xd5: {  	p0 =	sne.s32 s0, $0x0;
	s0 =	rddreg [dreg:$0x2]  }
0xd6: {  	s0 =	sadd.s32 @!p0 $0x100000, s0  }
0xd7: {  	[sflag:s0] =	ssyncadd.tile.s32 @!p0 $0x1;
	_ =	shalt  }
.Lfunc_end2:
_tile_overlayer_lowered:
.L_overlay_start_2:
0xd8: {  	(tag) =	ssettag $0x2  }
0xd9: {  	s0 =	rddreg [dreg:$0x0];
	s2 =	stileid.u32  }
0xda: {  	s1 =	rddreg [dreg:$0x1];
	p0 =	sne.s32 s2, $0x0  }
0xdb: {  	s3 =	rddreg [dreg:$0x2];
	[bflag:$0x3] =	sbarrier.arrive $0xFFFF;
	s2 =	simm.s32 @!p0 $0x1C03  }
0xdc: {  	[timem:s3], [sflag:s2] =	dma.local @!p0 [hbm:s0], s1  }
0xdd: {  	s0 =	simm.s32 @!p0 $0x3  }
0xde: {  	_ =	swait.ge @!p0 [sflag:s0], s1  }
0xdf: {  	s1 =	ssub.s32 @!p0 $0x0, s1;
	[sflag:s0] =	ssyncset.done @!p0 $0x0  }
0xe0: {  	[sflag:s0] =	ssyncadd.s32 @!p0 s1  }
0xe1: {  	[bflag:$0x3] =	sbarrier.arrive $0xFFFF  }
0xe2: {  	_ =	shalt  }

// kernel: kernel.19.cloned.1.call-start
scs
__scs_entry_jumppad:
0x0: {  	(pc) =	sbr.rel $0x88, $3  }
0x1: {  	(tag) =	ssettag $0x0;
	lr =	simm.s32 $0x1  }
0x2: {  	[smem:$0x3F91] =	sst lr;
	_ =	strace $0xD0000000  }
0x3: {  	_ = 	snop  }
0x4: {  	_ = 	snop  }
0x5: {  	_ = 	snop  }
0x6: {  	_ = 	snop  }
0x7: {  	_ = 	snop  }
__scs_overlays_trampoline_lowered:
0x8: {  	[smem:$0x3FA0] =	sst s0  }
0x9: {  	[smem:$0x3FA1] =	sst s1  }
0xa: {  	[smem:$0x3FA2] =	sst s2  }
0xb: {  	[smem:$0x3FA3] =	sst s3  }
0xc: {  	[smem:$0x3FA4] =	sst s4  }
0xd: {  	[smem:$0x3FA5] =	sst s5  }
0xe: {  	[smem:$0x3FA6] =	sst s6  }
0xf: {  	[smem:$0x3FA7] =	sst s7  }
0x10: {  	[smem:$0x3FA8] =	sst s8  }
0x11: {  	[smem:$0x3FA9] =	sst s9;
	s0 =	simm.s32 @!p0 $0x0  }
0x12: {  	s1 =	sld [smem:$0x3F8F];
	s0 =	simm.s32 @p0 $0x1  }
0x13: {  	[smem:$0x3FAA] =	sst s0;
	s0 =	simm.s32 @!p1 $0x0  }
0x14: {  	s2 =	sld [smem:$0x3F8E];
	s0 =	simm.s32 @p1 $0x1  }
0x15: {  	[smem:$0x3FAB] =	sst s0;
	s0 =	simm.s32 @!p2 $0x0  }
0x16: {  	s3 =	sld [smem:$0x3FDB];
	s0 =	simm.s32 @p2 $0x1  }
0x17: {  	s4 =	simm.s32 $0x1BF5;
	[smem:$0x3FAD] =	sst s0  }
0x18: {  	s0 =	sld [smem:$0x3F90];
	_ =	swait.ge [sflag:s4], $0x0  }
0x19: {  	s7 =	sld [smem:$0x3F91]  }
0x1a: {  	s8 =	sadd.s32 $0xFFFFE003, lr  }
0x1b: {  	s9 =	sadd.s32 $0xFFFFFEF7, lr;
	s5 =	simm.s32 $0xFFFFFFFF;
	p2 =	slt.u32 s8, $0xFFFFF086  }
0x1c: {  	p1 =	slt.u32 s9, $0xF7A;
	s5 =	simm.s32 @!p2 $0x0  }
0x1d: {  	s5 =	simm.s32 @p1 $0x1;
	p0 =	seq.s32 s7, s2  }
0x1e: {  	s7 =	smul.u32 @!p0 $0xF7A, s2;
	p2 =	seq.s32 @!p0 s5, $0x0  }
0x1f: {  	s9 =	smul.u32 $0xF7A, s1;
	s8 =	simm.s32 @!p0 $0x1BF5;
	p2 =	por !p2, p0  }
0x20: {  	[sflag:s8] =	ssyncset.s32 @!p0 $0xFFFFF086;
	s6 =	sadd.s32 @!p0 s3, s7;
	s7 =	simm.s32 @!p0 $0x108  }
0x21: {  	s3 =	sadd.s32 s3, s9;
	s6 =	sadd.s32 @!p0 $0x88, s6;
	s7 =	simm.s32 @p2 $0x1082  }
0x22: {  	[simem:s7], [sflag:s8] =	dma.local @!p0 [hbm:s6], $0xF7A  }
0x23: {  	s9 =	sor.u32 $0xD0000000, s2;
	s6 =	simm.s32 $0x108;
	_ =	swait.ge @!p0 [sflag:s8], $0x0  }
0x24: {  	s3 =	sadd.s32 $0x88, s3;
	s6 =	simm.s32 @!p1 $0x1082;
	[sflag:s4] =	ssyncset.s32 $0xFFFFF086  }
0x25: {  	[simem:s6], [sflag:s4] =	dma.local [hbm:s3], $0xF7A  }
0x26: {  	[smem:$0x3F91] =	sst s1;
	(tag) =	ssettag s2;
	_ =	strace s9  }
0x27: {  	s1 =	sld [smem:$0x3FA1]  }
0x28: {  	s2 =	sld [smem:$0x3FA2]  }
0x29: {  	s4 =	sld [smem:$0x3FA4]  }
0x2a: {  	p0 =	seq.s32 s5, $0x0;
	s5 =	sld [smem:$0x3FA5]  }
0x2b: {  	s6 =	sld [smem:$0x3FA6]  }
0x2c: {  	s7 =	sld [smem:$0x3FA7]  }
0x2d: {  	s3 =	simm.s32 $0x108;
	s8 =	sld [smem:$0x3FA8]  }
0x2e: {  	s3 =	simm.s32 @!p0 $0x1082;
	s9 =	sld [smem:$0x3FA9]  }
0x2f: {  	lr =	sadd.s32 s0, s3;
	s0 =	sld [smem:$0x3FA0]  }
0x30: {  	s3 =	sld [smem:$0x3FA3]  }
0x31: {  	[smem:$0x3FAC] =	sst s10  }
0x32: {  	s10 =	sld [smem:$0x3FAA];
	_ =	sdelay $0x3  }
0x33: {  	p0 =	seq.s32 s10, $0x1;
	s10 =	sld [smem:$0x3FAC];
	_ =	sdelay $0x3  }
0x34: {  	[smem:$0x3FAC] =	sst s10  }
0x35: {  	s10 =	sld [smem:$0x3FAB];
	_ =	sdelay $0x3  }
0x36: {  	p1 =	seq.s32 s10, $0x1;
	s10 =	sld [smem:$0x3FAC];
	_ =	sdelay $0x3  }
0x37: {  	[smem:$0x3FAC] =	sst s10  }
0x38: {  	s10 =	sld [smem:$0x3FAD]  }
0x39: {  	_ = 	snop;
	(pc) =	sbr.ind lr, $3  }
0x3a: {  	_ = 	snop  }
0x3b: {  	_ = 	snop  }
0x3c: {  	p2 =	seq.s32 s10, $0x1;
	s10 =	sld [smem:$0x3FAC]  }
0x3d: {  	_ =	shalt  }
0x3e: {  	_ =	shalt  }
0x3f: {  	_ =	shalt  }
0x40: {  	_ =	shalt  }
0x41: {  	_ =	shalt  }
0x42: {  	_ =	shalt  }
0x43: {  	_ =	shalt  }
0x44: {  	_ =	shalt  }
0x45: {  	_ =	shalt  }
0x46: {  	_ =	shalt  }
0x47: {  	_ =	shalt  }
0x48: {  	_ =	shalt  }
0x49: {  	_ =	shalt  }
0x4a: {  	_ =	shalt  }
0x4b: {  	_ =	shalt  }
0x4c: {  	_ =	shalt  }
0x4d: {  	_ =	shalt  }
0x4e: {  	_ =	shalt  }
0x4f: {  	_ =	shalt  }
0x50: {  	_ =	shalt  }
0x51: {  	_ =	shalt  }
0x52: {  	_ =	shalt  }
0x53: {  	_ =	shalt  }
0x54: {  	_ =	shalt  }
0x55: {  	_ =	shalt  }
0x56: {  	_ =	shalt  }
0x57: {  	_ =	shalt  }
0x58: {  	_ =	shalt  }
0x59: {  	_ =	shalt  }
0x5a: {  	_ =	shalt  }
0x5b: {  	_ =	shalt  }
0x5c: {  	_ =	shalt  }
0x5d: {  	_ =	shalt  }
0x5e: {  	_ =	shalt  }
0x5f: {  	_ =	shalt  }
0x60: {  	_ =	shalt  }
0x61: {  	_ =	shalt  }
0x62: {  	_ =	shalt  }
0x63: {  	_ =	shalt  }
0x64: {  	_ =	shalt  }
0x65: {  	_ =	shalt  }
0x66: {  	_ =	shalt  }
0x67: {  	_ =	shalt  }
0x68: {  	_ =	shalt  }
0x69: {  	_ =	shalt  }
0x6a: {  	_ =	shalt  }
0x6b: {  	_ =	shalt  }
0x6c: {  	_ =	shalt  }
0x6d: {  	_ =	shalt  }
0x6e: {  	_ =	shalt  }
0x6f: {  	_ =	shalt  }
0x70: {  	_ =	shalt  }
0x71: {  	_ =	shalt  }
0x72: {  	_ =	shalt  }
0x73: {  	_ =	shalt  }
0x74: {  	_ =	shalt  }
0x75: {  	_ =	shalt  }
0x76: {  	_ =	shalt  }
0x77: {  	_ =	shalt  }
0x78: {  	_ =	shalt  }
0x79: {  	_ =	shalt  }
0x7a: {  	_ =	shalt  }
0x7b: {  	_ =	shalt  }
0x7c: {  	_ =	shalt  }
0x7d: {  	_ =	shalt  }
0x7e: {  	_ =	shalt  }
0x7f: {  	_ =	shalt  }
0x80: {  	_ =	shalt  }
0x81: {  	_ =	shalt  }
0x82: {  	_ =	shalt  }
0x83: {  	_ =	shalt  }
0x84: {  	_ =	shalt  }
0x85: {  	_ =	shalt  }
0x86: {  	_ =	shalt  }
0x87: {  	_ =	shalt  }
.Lfunc_end0:
.L_simem_size_0:
called_computation.2_lowered:
.L_overlay_start_0:
0x88: {  	s2 =	sld [smem:$0x3FD9]  }
0x89: {  	s3 =	sld [smem:$0x3FFE];
	_ =	sdelay $0x1  }
0x8a: {  	s1 =	srdreg.scid  }
0x8b: {  	s0 =	sand.u32 $0x1, s1  }
0x8c: {  	s16 =	sshll.u32 s0, $0xA;
	s2 =	sadd.s32 s3, s2  }
0x8d: {  	s2 =	sadd.s32 s2, s16  }
0x8e: {  	[smem:$0x3FB8] =	sst s2  }
0x8f: {  	_ = 	snop  }
0x90: {  	(tm) =	ssettm $0x1  }
0x91: {  	s17 =	sld [smem:$0x3FFB];
	_ =	sdelay $0x3  }
0x92: {  	_ =	strace s17  }
0x93: {  	s2 =	sld [smem:$0x3FFC];
	_ =	sdelay $0x3  }
0x94: {  	_ =	strace s2  }
0x95: {  	s2 =	sld [smem:$0x3FFD];
	_ =	sdelay $0x3  }
0x96: {  	_ =	strace s2  }
0x97: {  	_ =	strace $0x8FFFFFFF  }
0x98: {  	s18 =	sld [smem:$0x3FDB];
	_ =	sdelay $0x1  }
0x99: {  	s19 =	simm.s32 $_scs_section_size  }
0x9a: {  	s4 =	simm.s32 $_size__tile_overlayer_lowered;
	s5 =	simm.s32 $_tile_overlayer_lowered  }
0x9b: {  	s22 =	simm.s32 $0x1BFF;
	s21 =	sshll.u32 s5, $0x1;
	s2 =	sadd.s32 s19, s18  }
0x9c: {  	s6 =	simm.s32 $0x0;
	s20 =	sshll.u32 s4, $0x1;
	s4 =	sadd.s32 s21, s2  }
0x9d: {  	[timem:s6], [sflag:s22] =	dma.local [hbm:s4], s20  }
0x9e: {  	_ =	swait.ge [sflag:s22], s20  }
0x9f: {  	s3 =	ssub.s32 $0x0, s20;
	[sflag:s22] =	ssyncset.done $0x0  }
0xa0: {  	[sflag:s22] =	ssyncadd.s32 s3;
	_ =	sdelay $0x1  }
0xa1: {  	s23 =	simm.s32 $0x1B8B  }
0xa2: {  	_ =	swait.ge [sflag:s23], $0x1  }
0xa3: {  	[sflag:s23] =	ssyncset.done $0x0  }
0xa4: {  	s25 =	simm.s32 $0x1B8E;
	s24 =	sld [smem:$0x3FFE];
	[sflag:s23] =	ssyncadd.s32 $0xFFFFFFFF  }
0xa5: {  	s26 =	simm.s32 $execute0_lowered;
	[smem:$0x3FD2] =	sst s25  }
0xa6: {  	s4 =	sshll.u32 s26, $0x1;
	_ =	strace $0x80000049;
	[dreg:$0x1] =	wrdreg $0xFFFFFFFF  }
0xa7: {  	s28 =	simm.s32 $_size_execute0_lowered;
	s2 =	sadd.s32 s2, s4;
	[dreg:$0x0] =	wrdreg $0x0  }
0xa8: {  	s4 =	sshll.u32 s28, $0x1;
	[dreg:$0x2] =	wrdreg s2  }
0xa9: {  	[dreg:$0x3] =	wrdreg s4  }
0xaa: {  	[dreg:$0x4] =	wrdreg $0xC0  }
0xab: {  	_ =	task [dreg:s6], $0x5FFFF  }
0xac: {  	[dreg:$0x1] =	wrdreg $0xFFFFFFFF  }
0xad: {  	[dreg:$0x0] =	wrdreg $0x60  }
0xae: {  	[dreg:$0x2] =	wrdreg s24  }
0xaf: {  	[dreg:$0x3] =	wrdreg $0x0  }
0xb0: {  	[dreg:$0x4] =	wrdreg $0xA  }
0xb1: {  	_ =	task.clear_ibuf [dreg:s6], $0x5FFFF;
	_ =	strace $0x90000049  }
0xb2: {  	s29 =	simm.s32 $0xA;
	_ =	strace $0x8000004B  }
0xb3: {  	_ =	swait.ge [sflag:s29], $0x1  }
0xb4: {  	[sflag:s29] =	ssyncadd.s32 $0xFFFFFFFF  }
0xb5: {  	_ =	strace $0x9000004B  }
0xb6: {  	_ =	sfence  }
0xb7: {  	s30 =	sld [smem:$0x0];
	_ =	sdelay $0x2  }
0xb8: {  	s31 =	sshll.u32 s1, $0xD;
	s1 =	sshrl.u32 s1, $0x2  }
0xb9: {  	s3 =	sand.u32 $0x4000, s31;
	s1 =	sadd.s32 s1, s30  }
0xba: {  	s0 =	sor.u32 s3, s0;
	s1 =	sshll.u32 s1, $0x11  }
0xbb: {  	s0 =	sor.u32 s1, s0  }
0xbc: {  	s0 =	sadd.s32 $0x8F2B, s0  }
0xbd: {  	[sflag:s0] =	ssyncadd.remote.s32 $0x1  }
0xbe: {  	_ =	sfence.sel $0xFFFF  }
0xbf: {  	[dreg:$0x0] =	wrdreg $0xFFFFFFFF;
	(pc) =	sbr.abs _section_cstart, $3  }
0xc0: {  	[dreg:$0x1] =	wrdreg $0xFFFFFFFF  }
0xc1: {  	_ =	task.clear_ibuf [dreg:s6], $0x2FFFF;
	_ =	strace $0x9FFFFFFF  }
0xc2: {  	(tm) =	ssettm $0x7FFFFFFF  }
0xc3: {  	_ =	shalt  }
tec
execute0_lowered:
.L_overlay_start_1:
0x0: {  	(tag) =	ssettag $0x1  }
0x1: {  	s0 =	rddreg [dreg:$0x0]  }
0x2: {  	s1 =	rddreg [dreg:$0x1];
	s3 =	simm.s32 $0x0  }
0x3: {  	s9 =	stileid.u32;
	s2 =	srdreg.scid;
	s22 =	simm.s32 $0x1D100  }
0x4: {  	s23 =	simm.s32 $0x3;
	s28 =	simm.s32 $0x19280;
	s29 =	simm.s32 $0x1  }
0x5: {  	s30 =	simm.s32 $0x2;
	[smem:$0x7FF] =	sst s3;
	s6 =	smul.u32 $0x280, s9  }
0x6: {  	s4 =	sadd.s32 $0x3BC00, s0;
	s2 =	sand.u32 $0x1, s2;
	s20 =	smul.u32 $0x28000, s9  }
0x7: {  	s5 =	sadd.s32 $0x62E00, s0;
	s9 =	smul.u32 $0x50000, s9;
	s10 =	sadd.s32 $0x8A000, s0  }
0x8: {  	_ =	strace $0x8000004A;
	s7 =	ssub.s32 $0x2, s2;
	[dreg:$0x3] =	wrdreg s10  }
0x9: {  	p0 =	sne.s32 s2, $0x0;
	s6 =	sadd.s32 s6, s0;
	s8 =	sshrl.u32 s7, $0x1  }
0xa: {  	s0 =	sadd.s32 $0xB2000, s0;
	s26 =	sshrl.u32 s20, $0x1;
	s11 =	sshrl.u32 s9, $0x2  }
0xb: {  	s20 =	sshrl.u32 s20, $0x4;
	[dreg:$0x4] =	wrdreg s0;
	s25 =	ssub.s32 s7, s8  }
0xc: {  	s8 =	sadd.s32 $0x11400, s6;
	s9 =	sadd.s32 $0xEC00, s6;
	s10 =	sadd.s32 s26, s1  }
.Ltmp0:
0xd: {  	s31 =	sadd.s32 s11, s1;
	s26 =	simm.s32 $0x7D;
	(pc) =	sbr.rel .LBB2_1-.Ltmp0, $4  }
0xe: {  	s7 =	simm.s32 $0x0;
	s11 =	sadd.s32 $0x2000, s31;
	s12 =	sadd.s32 $0x4000, s31  }
0xf: {  	s13 =	sadd.s32 $0x6000, s31;
	s14 =	sadd.s32 $0x8000, s31;
	s15 =	sadd.s32 $0xA000, s31  }
0x10: {  	s16 =	sadd.s32 $0xC000, s31;
	s17 =	sadd.s32 $0xE000, s31;
	s18 =	sadd.s32 $0x10000, s31  }
0x11: {  	v0 =	vimm.bf16 $0.0e+00;
	s19 =	sadd.s32 $0x12000, s31;
	s21 =	smax.u32 s25, $0x1;
	s25 =	simm.s32 $0x15400  }
.LBB2_9:
0x12: {  	s0 =	sadd.s32 $0x1D180, s24;
	[sflag:s23] =	ssyncadd.s32 $0xFFFFC180  }
0x13: {  	[tilespmem:s28], [sflag:$0x2] =	stream.indirect.gather [hbm4b:s5+s26], $0x80, s0, s26, $0xb8;
	[tilespmem:$0x1E500] =	vst v63  }
0x14: {  	_ =	swait.ge [sflag:s29], $0x3E80  }
0x15: {  	[sflag:s29] =	ssyncset.done $0x0  }
0x16: {  	s2 =	sadd.s32 $0x14000, s24;
	[sflag:s29] =	ssyncadd.s32 $0xFFFFC180  }
0x17: {  	[spmem:s1] =	stream.indirect.scatter.add.bf16 [tilespmem:s25], [sflag:$0x3], $0x80, s2, s26, $0xb8;
	[tilespmem:$0x1E500] =	vst v63  }
0x18: {  	_ =	swait.ge [sflag:s23], $0x3E80  }
0x19: {  	[sflag:s23] =	ssyncset.done $0x0  }
0x1a: {  	s6 =	sadd.s32 $0x1D200, s24;
	[sflag:s23] =	ssyncadd.s32 $0xFFFFC180  }
0x1b: {  	[tilespmem:s25], [sflag:$0x1] =	stream.indirect.gather [hbm4b:s5+s26], $0x80, s6, s26, $0xb8;
	[tilespmem:$0x1E500] =	vst v63  }
0x1c: {  	_ =	swait.ge [sflag:s30], $0x3E80  }
0x1d: {  	[sflag:s30] =	ssyncset.done $0x0  }
0x1e: {  	s24 =	sadd.s32 $0x14080, s24;
	[sflag:s30] =	ssyncadd.s32 $0xFFFFC180  }
0x1f: {  	[spmem:s1] =	stream.indirect.scatter.add.bf16 [tilespmem:s28], [sflag:$0x3], $0x80, s24, s26, $0xb8;
	[tilespmem:$0x1E500] =	vst v63  }
0x20: {  	_ =	swait.ge [sflag:s23], $0x3E80  }
0x21: {  	[sflag:s23] =	ssyncset.done $0x0  }
0x22: {  	s31 =	simm.s32 $0x1E480;
	s2 =	rddreg [dreg:$0x4];
	[sflag:s23] =	ssyncadd.s32 $0xFFFFC180  }
0x23: {  	[tilespmem:s28], [sflag:$0x2] =	stream.indirect.gather [hbm4b:s5+s26], $0x80, s31, s26, $0xb8;
	[tilespmem:$0x1E500] =	vst v63  }
.LBB2_10:
0x24: {  	_ =	swait.ge [sflag:s29], $0x3E80  }
0x25: {  	[sflag:s29] =	ssyncset.done $0x0  }
0x26: {  	s0 =	simm.s32 $0x15300;
	[sflag:s29] =	ssyncadd.s32 $0xFFFFC180  }
0x27: {  	[spmem:s1] =	stream.indirect.scatter.add.bf16 [tilespmem:s25], [sflag:$0x3], $0x80, s0, s26, $0xb8;
	[tilespmem:$0x1E500] =	vst v63  }
0x28: {  	_ =	swait.ge [sflag:s23], $0x3E80  }
0x29: {  	[sflag:s23] =	ssyncset.done $0x0  }
0x2a: {  	[sflag:s23] =	ssyncadd.s32 $0xFFFFC180  }
0x2b: {  	_ =	swait.ge [sflag:s30], $0x3E80  }
0x2c: {  	[sflag:s30] =	ssyncset.done $0x0  }
0x2d: {  	s6 =	simm.s32 $0x15380;
	[sflag:s30] =	ssyncadd.s32 $0xFFFFC180  }
0x2e: {  	[spmem:s1] =	stream.indirect.scatter.add.bf16 [tilespmem:s28], [sflag:$0x3], $0x80, s6, s26, $0xb8;
	[tilespmem:$0x1E500] =	vst v63  }
0x2f: {  	s24 =	sadd.s32 s2, s20;
	s31 =	stileid.u32;
	_ =	swait.ge [sflag:s23], $0x3E80  }
0x30: {  	s7 =	sadd.s32 $0x1, s7;
	s2 =	sshll.u32 s31, $0x6;
	[sflag:s23] =	ssyncset.done $0x0  }
0x31: {  	p1 =	sne.s32 s7, s21;
	s2 =	sor.u32 $0x1C03, s2;
	[sflag:s23] =	ssyncadd.s32 $0xFFFFC180  }
.Ltmp1:
0x32: {  	s6 =	sshrl.u32 s10, $0x3;
	[bflag:$0x0] =	sbarrier.arrive $0xFFFF;
	(pc) =	sbr.rel @!p1 .LBB2_11-.Ltmp1, $4  }
0x33: {  	[hbm:s24], [sflag:s2] =	dma.local [spmem:s6], $0x2800  }
0x34: {  	_ =	swait.ge [sflag:s23], $0x2800  }
0x35: {  	[sflag:s23] =	ssyncset.done $0x0  }
0x36: {  	[sflag:s23] =	ssyncadd.s32 $0xFFFFD800  }
.LBB2_1:
0x37: {  	[tilespmem:s22], [sflag:$0x3] =	stream.linear.gather [hbm4b:s8+s3], $0x1400, $0x38;
	[tilespmem:$0x1E500] =	vst v63  }
0x38: {  	_ =	swait.ge [sflag:s23], $0x1400  }
0x39: {  	[sflag:s23] =	ssyncset.done $0x0  }
0x3a: {  	s0 =	simm.s32 $0x14000;
	[sflag:s23] =	ssyncadd.s32 $0xFFFFEC00  }
0x3b: {  	[tilespmem:s0], [sflag:$0x3] =	stream.linear.gather [hbm4b:s9+s3], $0x1400, $0x38;
	[tilespmem:$0x1E500] =	vst v63  }
0x3c: {  	_ =	swait.ge [sflag:s23], $0x1400  }
0x3d: {  	[sflag:s23] =	ssyncset.done $0x0  }
0x3e: {  	s24 =	simm.s32 $0x0;
	s2 =	simm.s32 $0x200;
	[sflag:s23] =	ssyncadd.s32 $0xFFFFEC00  }
.LBB2_2:
0x3f: {  	p1 =	sne.s32 s2, $0x7E00;
	[tilespmem:s24+$0x15470] =	vst v0  }
0x40: {  	[tilespmem:s24+$0x15400] =	vst v0  }
0x41: {  	[tilespmem:s24+$0x15410] =	vst v0  }
.Ltmp2:
0x42: {  	[tilespmem:s24+$0x15420] =	vst v0;
	(pc) =	sbr.rel @p1 .LBB2_2-.Ltmp2, $4  }
0x43: {  	[tilespmem:s24+$0x15430] =	vst v0  }
0x44: {  	[tilespmem:s24+$0x15440] =	vst v0  }
0x45: {  	[tilespmem:s24+$0x15450] =	vst v0  }
0x46: {  	[tilespmem:s24+$0x15460] =	vst v0;
	s24 =	sshra.s32 s2, $0x2;
	s2 =	sadd.s32 $0x200, s2  }
0x47: {  	[tilespmem:s24+$0x15470] =	vst v0  }
0x48: {  	[tilespmem:s24+$0x15400] =	vst v0  }
0x49: {  	[tilespmem:s24+$0x15410] =	vst v0  }
0x4a: {  	[tilespmem:s24+$0x15420] =	vst v0  }
0x4b: {  	[tilespmem:s24+$0x15430] =	vst v0  }
0x4c: {  	[tilespmem:s24+$0x15440] =	vst v0  }
0x4d: {  	[tilespmem:s24+$0x15450] =	vst v0  }
0x4e: {  	[tilespmem:s24+$0x15460] =	vst v0  }
0x4f: {  	[spmem:s10] =	stream.linear.scatter [tilespmem:s25], [sflag:$0x3], $0x2000, $0x38;
	[tilespmem:$0x1E500] =	vst v63  }
0x50: {  	_ =	swait.ge [sflag:s23], $0x2000  }
0x51: {  	[sflag:s23] =	ssyncset.done $0x0  }
0x52: {  	[sflag:s23] =	ssyncadd.s32 $0xFFFFE000  }
0x53: {  	[spmem:s11] =	stream.linear.scatter [tilespmem:s25], [sflag:$0x3], $0x2000, $0x38;
	[tilespmem:$0x1E500] =	vst v63  }
0x54: {  	_ =	swait.ge [sflag:s23], $0x2000  }
0x55: {  	[sflag:s23] =	ssyncset.done $0x0  }
0x56: {  	[sflag:s23] =	ssyncadd.s32 $0xFFFFE000  }
0x57: {  	[spmem:s12] =	stream.linear.scatter [tilespmem:s25], [sflag:$0x3], $0x2000, $0x38;
	[tilespmem:$0x1E500] =	vst v63  }
0x58: {  	_ =	swait.ge [sflag:s23], $0x2000  }
0x59: {  	[sflag:s23] =	ssyncset.done $0x0  }
0x5a: {  	[sflag:s23] =	ssyncadd.s32 $0xFFFFE000  }
0x5b: {  	[spmem:s13] =	stream.linear.scatter [tilespmem:s25], [sflag:$0x3], $0x2000, $0x38;
	[tilespmem:$0x1E500] =	vst v63  }
0x5c: {  	_ =	swait.ge [sflag:s23], $0x2000  }
0x5d: {  	[sflag:s23] =	ssyncset.done $0x0  }
0x5e: {  	[sflag:s23] =	ssyncadd.s32 $0xFFFFE000  }
0x5f: {  	[spmem:s14] =	stream.linear.scatter [tilespmem:s25], [sflag:$0x3], $0x2000, $0x38;
	[tilespmem:$0x1E500] =	vst v63  }
0x60: {  	_ =	swait.ge [sflag:s23], $0x2000  }
0x61: {  	[sflag:s23] =	ssyncset.done $0x0  }
0x62: {  	[sflag:s23] =	ssyncadd.s32 $0xFFFFE000  }
0x63: {  	[spmem:s15] =	stream.linear.scatter [tilespmem:s25], [sflag:$0x3], $0x2000, $0x38;
	[tilespmem:$0x1E500] =	vst v63  }
0x64: {  	_ =	swait.ge [sflag:s23], $0x2000  }
0x65: {  	[sflag:s23] =	ssyncset.done $0x0  }
0x66: {  	[sflag:s23] =	ssyncadd.s32 $0xFFFFE000  }
0x67: {  	[spmem:s16] =	stream.linear.scatter [tilespmem:s25], [sflag:$0x3], $0x2000, $0x38;
	[tilespmem:$0x1E500] =	vst v63  }
0x68: {  	_ =	swait.ge [sflag:s23], $0x2000  }
0x69: {  	[sflag:s23] =	ssyncset.done $0x0  }
0x6a: {  	[sflag:s23] =	ssyncadd.s32 $0xFFFFE000  }
0x6b: {  	[spmem:s17] =	stream.linear.scatter [tilespmem:s25], [sflag:$0x3], $0x2000, $0x38;
	[tilespmem:$0x1E500] =	vst v63  }
0x6c: {  	_ =	swait.ge [sflag:s23], $0x2000  }
0x6d: {  	[sflag:s23] =	ssyncset.done $0x0  }
0x6e: {  	[sflag:s23] =	ssyncadd.s32 $0xFFFFE000  }
0x6f: {  	[spmem:s18] =	stream.linear.scatter [tilespmem:s25], [sflag:$0x3], $0x2000, $0x38;
	[tilespmem:$0x1E500] =	vst v63  }
0x70: {  	_ =	swait.ge [sflag:s23], $0x2000  }
0x71: {  	[sflag:s23] =	ssyncset.done $0x0  }
0x72: {  	[sflag:s23] =	ssyncadd.s32 $0xFFFFE000  }
0x73: {  	[spmem:s19] =	stream.linear.scatter [tilespmem:s25], [sflag:$0x3], $0x2000, $0x38;
	[tilespmem:$0x1E500] =	vst v63  }
.Ltmp3:
0x74: {  	_ =	swait.ge [sflag:s23], $0x2000;
	(pc) =	sbr.rel @p0 .LBB2_7-.Ltmp3, $3  }
0x75: {  	[sflag:s23] =	ssyncset.done $0x0  }
0x76: {  	[sflag:s23] =	ssyncadd.s32 $0xFFFFE000  }
0x77: {  	[bflag:$0x0] =	sbarrier.arrive $0xFFFF;
	_ =	sdelay $0x1  }
0x78: {  	[tilespmem:s25], [sflag:$0x1] =	stream.indirect.gather [hbm4b:s4+s26], $0x80, s22, s26, $0xb8;
	[tilespmem:$0x1E500] =	vst v63  }
0x79: {  	s2 =	simm.s32 $0x1D180  }
0x7a: {  	[tilespmem:s28], [sflag:$0x2] =	stream.indirect.gather [hbm4b:s4+s26], $0x80, s2, s26, $0xb8;
	[tilespmem:$0x1E500] =	vst v63  }
0x7b: {  	_ =	swait.ge [sflag:s29], $0x3E80  }
0x7c: {  	[sflag:s29] =	ssyncset.done $0x0  }
0x7d: {  	s6 =	simm.s32 $0x14000;
	[sflag:s29] =	ssyncadd.s32 $0xFFFFC180  }
0x7e: {  	[spmem:s1] =	stream.indirect.scatter.add.bf16 [tilespmem:s25], [sflag:$0x3], $0x80, s6, s26, $0xb8;
	[tilespmem:$0x1E500] =	vst v63  }
0x7f: {  	_ =	swait.ge [sflag:s23], $0x3E80  }
0x80: {  	[sflag:s23] =	ssyncset.done $0x0  }
0x81: {  	s24 =	simm.s32 $0x1D200;
	[sflag:s23] =	ssyncadd.s32 $0xFFFFC180  }
0x82: {  	[tilespmem:s25], [sflag:$0x1] =	stream.indirect.gather [hbm4b:s4+s26], $0x80, s24, s26, $0xb8;
	[tilespmem:$0x1E500] =	vst v63  }
0x83: {  	_ =	swait.ge [sflag:s30], $0x3E80  }
0x84: {  	[sflag:s30] =	ssyncset.done $0x0  }
0x85: {  	s31 =	simm.s32 $0x14080;
	[sflag:s30] =	ssyncadd.s32 $0xFFFFC180  }
0x86: {  	[spmem:s1] =	stream.indirect.scatter.add.bf16 [tilespmem:s28], [sflag:$0x3], $0x80, s31, s26, $0xb8;
	[tilespmem:$0x1E500] =	vst v63  }
0x87: {  	_ =	swait.ge [sflag:s23], $0x3E80  }
0x88: {  	s2 =	simm.s32 $0x800;
	s24 =	simm.s32 $0x100;
	[sflag:s23] =	ssyncset.done $0x0  }
.LBB2_5:
0x89: {  	s31 =	sadd.s32 $0x1D180, s24  }
0x8a: {  	[sflag:s23] =	ssyncadd.s32 $0xFFFFC180;
	s0 =	smov.u32 s2;
	s6 =	sadd.s32 $0x400, s2  }
0x8b: {  	[tilespmem:s28], [sflag:$0x2] =	stream.indirect.gather [hbm4b:s4+s26], $0x80, s31, s26, $0xb8;
	[tilespmem:$0x1E500] =	vst v63  }
0x8c: {  	p1 =	sne.s32 s2, $0x4800;
	_ =	swait.ge [sflag:s29], $0x3E80  }
0x8d: {  	[sflag:s29] =	ssyncset.done $0x0  }
0x8e: {  	s2 =	sadd.s32 $0x14000, s24;
	[sflag:s29] =	ssyncadd.s32 $0xFFFFC180  }
0x8f: {  	[spmem:s1] =	stream.indirect.scatter.add.bf16 [tilespmem:s25], [sflag:$0x3], $0x80, s2, s26, $0xb8;
	[tilespmem:$0x1E500] =	vst v63  }
0x90: {  	_ =	swait.ge [sflag:s23], $0x3E80  }
0x91: {  	[sflag:s23] =	ssyncset.done $0x0  }
0x92: {  	s2 =	sadd.s32 $0x1D200, s24;
	[sflag:s23] =	ssyncadd.s32 $0xFFFFC180  }
0x93: {  	[tilespmem:s25], [sflag:$0x1] =	stream.indirect.gather [hbm4b:s4+s26], $0x80, s2, s26, $0xb8;
	[tilespmem:$0x1E500] =	vst v63  }
0x94: {  	_ =	swait.ge [sflag:s30], $0x3E80  }
.Ltmp4:
0x95: {  	[sflag:s30] =	ssyncset.done $0x0;
	(pc) =	sbr.rel @p1 .LBB2_5-.Ltmp4, $4  }
0x96: {  	s2 =	sadd.s32 $0x14080, s24;
	[sflag:s30] =	ssyncadd.s32 $0xFFFFC180  }
0x97: {  	[spmem:s1] =	stream.indirect.scatter.add.bf16 [tilespmem:s28], [sflag:$0x3], $0x80, s2, s26, $0xb8;
	[tilespmem:$0x1E500] =	vst v63  }
0x98: {  	_ =	swait.ge [sflag:s23], $0x3E80  }
0x99: {  	s24 =	sshra.s32 s0, $0x2;
	s2 =	smov.u32 s6;
	[sflag:s23] =	ssyncset.done $0x0  }
0x9a: {  	s0 =	sadd.s32 $0x1D180, s24;
	[sflag:s23] =	ssyncadd.s32 $0xFFFFC180  }
0x9b: {  	[tilespmem:s28], [sflag:$0x2] =	stream.indirect.gather [hbm4b:s4+s26], $0x80, s0, s26, $0xb8;
	[tilespmem:$0x1E500] =	vst v63  }
0x9c: {  	_ =	swait.ge [sflag:s29], $0x3E80  }
0x9d: {  	[sflag:s29] =	ssyncset.done $0x0  }
0x9e: {  	s2 =	sadd.s32 $0x14000, s24;
	[sflag:s29] =	ssyncadd.s32 $0xFFFFC180  }
0x9f: {  	[spmem:s1] =	stream.indirect.scatter.add.bf16 [tilespmem:s25], [sflag:$0x3], $0x80, s2, s26, $0xb8;
	[tilespmem:$0x1E500] =	vst v63  }
0xa0: {  	_ =	swait.ge [sflag:s23], $0x3E80  }
0xa1: {  	[sflag:s23] =	ssyncset.done $0x0  }
0xa2: {  	s6 =	sadd.s32 $0x1D200, s24;
	[sflag:s23] =	ssyncadd.s32 $0xFFFFC180  }
0xa3: {  	[tilespmem:s25], [sflag:$0x1] =	stream.indirect.gather [hbm4b:s4+s26], $0x80, s6, s26, $0xb8;
	[tilespmem:$0x1E500] =	vst v63  }
0xa4: {  	_ =	swait.ge [sflag:s30], $0x3E80  }
0xa5: {  	[sflag:s30] =	ssyncset.done $0x0  }
0xa6: {  	s24 =	sadd.s32 $0x14080, s24;
	[sflag:s30] =	ssyncadd.s32 $0xFFFFC180  }
0xa7: {  	[spmem:s1] =	stream.indirect.scatter.add.bf16 [tilespmem:s28], [sflag:$0x3], $0x80, s24, s26, $0xb8;
	[tilespmem:$0x1E500] =	vst v63  }
.Ltmp5:
0xa8: {  	_ = 	snop;
	(pc) =	sbr.rel .LBB2_10-.Ltmp5, $4  }
0xa9: {  	_ =	swait.ge [sflag:s23], $0x3E80  }
0xaa: {  	[sflag:s23] =	ssyncset.done $0x0  }
0xab: {  	s31 =	simm.s32 $0x1E480;
	s2 =	rddreg [dreg:$0x3];
	[sflag:s23] =	ssyncadd.s32 $0xFFFFC180  }
0xac: {  	[tilespmem:s28], [sflag:$0x2] =	stream.indirect.gather [hbm4b:s4+s26], $0x80, s31, s26, $0xb8;
	[tilespmem:$0x1E500] =	vst v63  }
.LBB2_7:
0xad: {  	[tilespmem:s25], [sflag:$0x1] =	stream.indirect.gather [hbm4b:s5+s26], $0x80, s22, s26, $0xb8;
	[tilespmem:$0x1E500] =	vst v63  }
0xae: {  	s0 =	simm.s32 $0x1D180  }
0xaf: {  	[tilespmem:s28], [sflag:$0x2] =	stream.indirect.gather [hbm4b:s5+s26], $0x80, s0, s26, $0xb8;
	[tilespmem:$0x1E500] =	vst v63  }
0xb0: {  	_ =	swait.ge [sflag:s29], $0x3E80  }
0xb1: {  	[sflag:s29] =	ssyncset.done $0x0  }
0xb2: {  	s6 =	simm.s32 $0x14000;
	[sflag:s29] =	ssyncadd.s32 $0xFFFFC180  }
0xb3: {  	[spmem:s1] =	stream.indirect.scatter.add.bf16 [tilespmem:s25], [sflag:$0x3], $0x80, s6, s26, $0xb8;
	[tilespmem:$0x1E500] =	vst v63  }
0xb4: {  	_ =	swait.ge [sflag:s23], $0x3E80  }
0xb5: {  	[sflag:s23] =	ssyncset.done $0x0  }
0xb6: {  	s24 =	simm.s32 $0x1D200;
	[sflag:s23] =	ssyncadd.s32 $0xFFFFC180  }
0xb7: {  	[tilespmem:s25], [sflag:$0x1] =	stream.indirect.gather [hbm4b:s5+s26], $0x80, s24, s26, $0xb8;
	[tilespmem:$0x1E500] =	vst v63  }
0xb8: {  	_ =	swait.ge [sflag:s30], $0x3E80  }
0xb9: {  	[sflag:s30] =	ssyncset.done $0x0  }
0xba: {  	s31 =	simm.s32 $0x14080;
	[sflag:s30] =	ssyncadd.s32 $0xFFFFC180  }
0xbb: {  	[spmem:s1] =	stream.indirect.scatter.add.bf16 [tilespmem:s28], [sflag:$0x3], $0x80, s31, s26, $0xb8;
	[tilespmem:$0x1E500] =	vst v63  }
0xbc: {  	_ =	swait.ge [sflag:s23], $0x3E80  }
0xbd: {  	s2 =	simm.s32 $0x800;
	s24 =	simm.s32 $0x100;
	[sflag:s23] =	ssyncset.done $0x0  }
.LBB2_8:
0xbe: {  	s0 =	sadd.s32 $0x1D180, s24  }
0xbf: {  	[sflag:s23] =	ssyncadd.s32 $0xFFFFC180;
	s6 =	smov.u32 s2;
	s31 =	sadd.s32 $0x400, s2  }
0xc0: {  	[tilespmem:s28], [sflag:$0x2] =	stream.indirect.gather [hbm4b:s5+s26], $0x80, s0, s26, $0xb8;
	[tilespmem:$0x1E500] =	vst v63  }
0xc1: {  	p1 =	sne.s32 s2, $0x4800;
	_ =	swait.ge [sflag:s29], $0x3E80  }
0xc2: {  	[sflag:s29] =	ssyncset.done $0x0  }
0xc3: {  	s0 =	sadd.s32 $0x14000, s24;
	[sflag:s29] =	ssyncadd.s32 $0xFFFFC180  }
0xc4: {  	[spmem:s1] =	stream.indirect.scatter.add.bf16 [tilespmem:s25], [sflag:$0x3], $0x80, s0, s26, $0xb8;
	[tilespmem:$0x1E500] =	vst v63  }
0xc5: {  	_ =	swait.ge [sflag:s23], $0x3E80  }
0xc6: {  	[sflag:s23] =	ssyncset.done $0x0  }
0xc7: {  	s0 =	sadd.s32 $0x1D200, s24;
	[sflag:s23] =	ssyncadd.s32 $0xFFFFC180  }
0xc8: {  	[tilespmem:s25], [sflag:$0x1] =	stream.indirect.gather [hbm4b:s5+s26], $0x80, s0, s26, $0xb8;
	[tilespmem:$0x1E500] =	vst v63  }
0xc9: {  	_ =	swait.ge [sflag:s30], $0x3E80  }
.Ltmp6:
0xca: {  	[sflag:s30] =	ssyncset.done $0x0;
	(pc) =	sbr.rel @p1 .LBB2_8-.Ltmp6, $4  }
0xcb: {  	s0 =	sadd.s32 $0x14080, s24;
	[sflag:s30] =	ssyncadd.s32 $0xFFFFC180  }
0xcc: {  	[spmem:s1] =	stream.indirect.scatter.add.bf16 [tilespmem:s28], [sflag:$0x3], $0x80, s0, s26, $0xb8;
	[tilespmem:$0x1E500] =	vst v63  }
0xcd: {  	_ =	swait.ge [sflag:s23], $0x3E80  }
0xce: {  	s2 =	smov.u32 s31;
	s24 =	sshra.s32 s6, $0x2;
	[sflag:s23] =	ssyncset.done $0x0  }
.Ltmp7:
0xcf: {  	_ = 	snop;
	(pc) =	sbr.rel .LBB2_9-.Ltmp7, $1  }
0xd0: {  	_ =	sdelay $0x3  }
.LBB2_11:
0xd1: {  	_ =	sfence.sel $0x180000  }
0xd2: {  	[bflag:$0x0] =	sbarrier.arrive $0xFFFF  }
0xd3: {  	_ =	strace $0x9000004A  }
0xd4: {  	s0 =	stileid.u32;
	[bflag:$0x2] =	sbarrier.arrive $0xFFFF  }
0xd5: {  	p0 =	sne.s32 s0, $0x0;
	s0 =	rddreg [dreg:$0x2]  }
0xd6: {  	s0 =	sadd.s32 @!p0 $0x100000, s0  }
0xd7: {  	[sflag:s0] =	ssyncadd.tile.s32 @!p0 $0x1;
	_ =	shalt  }
.Lfunc_end2:
_tile_overlayer_lowered:
.L_overlay_start_2:
0xd8: {  	(tag) =	ssettag $0x2  }
0xd9: {  	s0 =	rddreg [dreg:$0x0];
	s2 =	stileid.u32  }
0xda: {  	s1 =	rddreg [dreg:$0x1];
	p0 =	sne.s32 s2, $0x0  }
0xdb: {  	s3 =	rddreg [dreg:$0x2];
	[bflag:$0x3] =	sbarrier.arrive $0xFFFF;
	s2 =	simm.s32 @!p0 $0x1C03  }
0xdc: {  	[timem:s3], [sflag:s2] =	dma.local @!p0 [hbm:s0], s1  }
0xdd: {  	s0 =	simm.s32 @!p0 $0x3  }
0xde: {  	_ =	swait.ge @!p0 [sflag:s0], s1  }
0xdf: {  	s1 =	ssub.s32 @!p0 $0x0, s1;
	[sflag:s0] =	ssyncset.done @!p0 $0x0  }
0xe0: {  	[sflag:s0] =	ssyncadd.s32 @!p0 s1  }
0xe1: {  	[bflag:$0x3] =	sbarrier.arrive $0xFFFF  }
0xe2: {  	_ =	shalt  }

// kernel: kernel.22.cloned.1.call-start
scs
__scs_entry_jumppad:
0x0: {  	(pc) =	sbr.rel $0x88, $3  }
0x1: {  	(tag) =	ssettag $0x0;
	lr =	simm.s32 $0x1  }
0x2: {  	[smem:$0x3F91] =	sst lr;
	_ =	strace $0xD0000000  }
0x3: {  	_ = 	snop  }
0x4: {  	_ = 	snop  }
0x5: {  	_ = 	snop  }
0x6: {  	_ = 	snop  }
0x7: {  	_ = 	snop  }
__scs_overlays_trampoline_lowered:
0x8: {  	[smem:$0x3FA0] =	sst s0  }
0x9: {  	[smem:$0x3FA1] =	sst s1  }
0xa: {  	[smem:$0x3FA2] =	sst s2  }
0xb: {  	[smem:$0x3FA3] =	sst s3  }
0xc: {  	[smem:$0x3FA4] =	sst s4  }
0xd: {  	[smem:$0x3FA5] =	sst s5  }
0xe: {  	[smem:$0x3FA6] =	sst s6  }
0xf: {  	[smem:$0x3FA7] =	sst s7  }
0x10: {  	[smem:$0x3FA8] =	sst s8  }
0x11: {  	[smem:$0x3FA9] =	sst s9;
	s0 =	simm.s32 @!p0 $0x0  }
0x12: {  	s1 =	sld [smem:$0x3F8F];
	s0 =	simm.s32 @p0 $0x1  }
0x13: {  	[smem:$0x3FAA] =	sst s0;
	s0 =	simm.s32 @!p1 $0x0  }
0x14: {  	s2 =	sld [smem:$0x3F8E];
	s0 =	simm.s32 @p1 $0x1  }
0x15: {  	[smem:$0x3FAB] =	sst s0;
	s0 =	simm.s32 @!p2 $0x0  }
0x16: {  	s3 =	sld [smem:$0x3FDB];
	s0 =	simm.s32 @p2 $0x1  }
0x17: {  	s4 =	simm.s32 $0x1BF5;
	[smem:$0x3FAD] =	sst s0  }
0x18: {  	s0 =	sld [smem:$0x3F90];
	_ =	swait.ge [sflag:s4], $0x0  }
0x19: {  	s7 =	sld [smem:$0x3F91]  }
0x1a: {  	s8 =	sadd.s32 $0xFFFFE003, lr  }
0x1b: {  	s9 =	sadd.s32 $0xFFFFFEF7, lr;
	s5 =	simm.s32 $0xFFFFFFFF;
	p2 =	slt.u32 s8, $0xFFFFF086  }
0x1c: {  	p1 =	slt.u32 s9, $0xF7A;
	s5 =	simm.s32 @!p2 $0x0  }
0x1d: {  	s5 =	simm.s32 @p1 $0x1;
	p0 =	seq.s32 s7, s2  }
0x1e: {  	s7 =	smul.u32 @!p0 $0xF7A, s2;
	p2 =	seq.s32 @!p0 s5, $0x0  }
0x1f: {  	s9 =	smul.u32 $0xF7A, s1;
	s8 =	simm.s32 @!p0 $0x1BF5;
	p2 =	por !p2, p0  }
0x20: {  	[sflag:s8] =	ssyncset.s32 @!p0 $0xFFFFF086;
	s6 =	sadd.s32 @!p0 s3, s7;
	s7 =	simm.s32 @!p0 $0x108  }
0x21: {  	s3 =	sadd.s32 s3, s9;
	s6 =	sadd.s32 @!p0 $0x88, s6;
	s7 =	simm.s32 @p2 $0x1082  }
0x22: {  	[simem:s7], [sflag:s8] =	dma.local @!p0 [hbm:s6], $0xF7A  }
0x23: {  	s9 =	sor.u32 $0xD0000000, s2;
	s6 =	simm.s32 $0x108;
	_ =	swait.ge @!p0 [sflag:s8], $0x0  }
0x24: {  	s3 =	sadd.s32 $0x88, s3;
	s6 =	simm.s32 @!p1 $0x1082;
	[sflag:s4] =	ssyncset.s32 $0xFFFFF086  }
0x25: {  	[simem:s6], [sflag:s4] =	dma.local [hbm:s3], $0xF7A  }
0x26: {  	[smem:$0x3F91] =	sst s1;
	(tag) =	ssettag s2;
	_ =	strace s9  }
0x27: {  	s1 =	sld [smem:$0x3FA1]  }
0x28: {  	s2 =	sld [smem:$0x3FA2]  }
0x29: {  	s4 =	sld [smem:$0x3FA4]  }
0x2a: {  	p0 =	seq.s32 s5, $0x0;
	s5 =	sld [smem:$0x3FA5]  }
0x2b: {  	s6 =	sld [smem:$0x3FA6]  }
0x2c: {  	s7 =	sld [smem:$0x3FA7]  }
0x2d: {  	s3 =	simm.s32 $0x108;
	s8 =	sld [smem:$0x3FA8]  }
0x2e: {  	s3 =	simm.s32 @!p0 $0x1082;
	s9 =	sld [smem:$0x3FA9]  }
0x2f: {  	lr =	sadd.s32 s0, s3;
	s0 =	sld [smem:$0x3FA0]  }
0x30: {  	s3 =	sld [smem:$0x3FA3]  }
0x31: {  	[smem:$0x3FAC] =	sst s10  }
0x32: {  	s10 =	sld [smem:$0x3FAA];
	_ =	sdelay $0x3  }
0x33: {  	p0 =	seq.s32 s10, $0x1;
	s10 =	sld [smem:$0x3FAC];
	_ =	sdelay $0x3  }
0x34: {  	[smem:$0x3FAC] =	sst s10  }
0x35: {  	s10 =	sld [smem:$0x3FAB];
	_ =	sdelay $0x3  }
0x36: {  	p1 =	seq.s32 s10, $0x1;
	s10 =	sld [smem:$0x3FAC];
	_ =	sdelay $0x3  }
0x37: {  	[smem:$0x3FAC] =	sst s10  }
0x38: {  	s10 =	sld [smem:$0x3FAD]  }
0x39: {  	_ = 	snop;
	(pc) =	sbr.ind lr, $3  }
0x3a: {  	_ = 	snop  }
0x3b: {  	_ = 	snop  }
0x3c: {  	p2 =	seq.s32 s10, $0x1;
	s10 =	sld [smem:$0x3FAC]  }
0x3d: {  	_ =	shalt  }
0x3e: {  	_ =	shalt  }
0x3f: {  	_ =	shalt  }
0x40: {  	_ =	shalt  }
0x41: {  	_ =	shalt  }
0x42: {  	_ =	shalt  }
0x43: {  	_ =	shalt  }
0x44: {  	_ =	shalt  }
0x45: {  	_ =	shalt  }
0x46: {  	_ =	shalt  }
0x47: {  	_ =	shalt  }
0x48: {  	_ =	shalt  }
0x49: {  	_ =	shalt  }
0x4a: {  	_ =	shalt  }
0x4b: {  	_ =	shalt  }
0x4c: {  	_ =	shalt  }
0x4d: {  	_ =	shalt  }
0x4e: {  	_ =	shalt  }
0x4f: {  	_ =	shalt  }
0x50: {  	_ =	shalt  }
0x51: {  	_ =	shalt  }
0x52: {  	_ =	shalt  }
0x53: {  	_ =	shalt  }
0x54: {  	_ =	shalt  }
0x55: {  	_ =	shalt  }
0x56: {  	_ =	shalt  }
0x57: {  	_ =	shalt  }
0x58: {  	_ =	shalt  }
0x59: {  	_ =	shalt  }
0x5a: {  	_ =	shalt  }
0x5b: {  	_ =	shalt  }
0x5c: {  	_ =	shalt  }
0x5d: {  	_ =	shalt  }
0x5e: {  	_ =	shalt  }
0x5f: {  	_ =	shalt  }
0x60: {  	_ =	shalt  }
0x61: {  	_ =	shalt  }
0x62: {  	_ =	shalt  }
0x63: {  	_ =	shalt  }
0x64: {  	_ =	shalt  }
0x65: {  	_ =	shalt  }
0x66: {  	_ =	shalt  }
0x67: {  	_ =	shalt  }
0x68: {  	_ =	shalt  }
0x69: {  	_ =	shalt  }
0x6a: {  	_ =	shalt  }
0x6b: {  	_ =	shalt  }
0x6c: {  	_ =	shalt  }
0x6d: {  	_ =	shalt  }
0x6e: {  	_ =	shalt  }
0x6f: {  	_ =	shalt  }
0x70: {  	_ =	shalt  }
0x71: {  	_ =	shalt  }
0x72: {  	_ =	shalt  }
0x73: {  	_ =	shalt  }
0x74: {  	_ =	shalt  }
0x75: {  	_ =	shalt  }
0x76: {  	_ =	shalt  }
0x77: {  	_ =	shalt  }
0x78: {  	_ =	shalt  }
0x79: {  	_ =	shalt  }
0x7a: {  	_ =	shalt  }
0x7b: {  	_ =	shalt  }
0x7c: {  	_ =	shalt  }
0x7d: {  	_ =	shalt  }
0x7e: {  	_ =	shalt  }
0x7f: {  	_ =	shalt  }
0x80: {  	_ =	shalt  }
0x81: {  	_ =	shalt  }
0x82: {  	_ =	shalt  }
0x83: {  	_ =	shalt  }
0x84: {  	_ =	shalt  }
0x85: {  	_ =	shalt  }
0x86: {  	_ =	shalt  }
0x87: {  	_ =	shalt  }
.Lfunc_end0:
.L_simem_size_0:
called_computation.3_lowered:
.L_overlay_start_0:
0x88: {  	s2 =	sld [smem:$0x3FD9]  }
0x89: {  	s3 =	sld [smem:$0x3FFE];
	_ =	sdelay $0x1  }
0x8a: {  	s1 =	srdreg.scid  }
0x8b: {  	s0 =	sand.u32 $0x1, s1  }
0x8c: {  	s17 =	sshll.u32 s0, $0xA;
	s2 =	sadd.s32 s3, s2  }
0x8d: {  	s2 =	sadd.s32 s2, s17  }
0x8e: {  	[smem:$0x3FB8] =	sst s2  }
0x8f: {  	_ = 	snop  }
0x90: {  	(tm) =	ssettm $0x1  }
0x91: {  	s18 =	sld [smem:$0x3FFB];
	_ =	sdelay $0x3  }
0x92: {  	_ =	strace s18  }
0x93: {  	s2 =	sld [smem:$0x3FFC];
	_ =	sdelay $0x3  }
0x94: {  	_ =	strace s2  }
0x95: {  	s2 =	sld [smem:$0x3FFD];
	_ =	sdelay $0x3  }
0x96: {  	_ =	strace s2  }
0x97: {  	_ =	strace $0x8FFFFFFF  }
0x98: {  	s19 =	sld [smem:$0x3FDB];
	_ =	sdelay $0x1  }
0x99: {  	s20 =	simm.s32 $_scs_section_size  }
0x9a: {  	s4 =	simm.s32 $_size__tile_overlayer_lowered;
	s5 =	simm.s32 $_tile_overlayer_lowered  }
0x9b: {  	s6 =	simm.s32 $0x1BFF;
	s21 =	sshll.u32 s5, $0x1;
	s3 =	sadd.s32 s20, s19  }
0x9c: {  	s22 =	simm.s32 $0x0;
	s4 =	sshll.u32 s4, $0x1;
	s5 =	sadd.s32 s21, s3  }
0x9d: {  	[timem:s22], [sflag:s6] =	dma.local [hbm:s5], s4  }
0x9e: {  	_ =	swait.ge [sflag:s6], s4  }
0x9f: {  	s4 =	ssub.s32 $0x0, s4;
	[sflag:s6] =	ssyncset.done $0x0  }
0xa0: {  	[sflag:s6] =	ssyncadd.s32 s4;
	_ =	sdelay $0x1  }
0xa1: {  	s23 =	simm.s32 $0x1B8B  }
0xa2: {  	_ =	swait.ge [sflag:s23], $0x1  }
0xa3: {  	[sflag:s23] =	ssyncset.done $0x0  }
0xa4: {  	[sflag:s23] =	ssyncadd.s32 $0xFFFFFFFF  }
0xa5: {  	s4 =	sld [smem:$0x0]  }
0xa6: {  	s5 =	sand.u32 $0xFFFFFFFE, s1  }
0xa7: {  	p0 =	sne.s32 s1, s5  }
0xa8: {  	s5 =	sshll.u32 @p0 s5, $0xE  }
0xa9: {  	s5 =	sadd.s32 @p0 $0x11B8D, s5;
	s6 =	sshll.u32 @p0 s4, $0x11  }
0xaa: {  	s5 =	sor.u32 @p0 s6, s5  }
0xab: {  	[sflag:s5] =	ssyncadd.remote.s32 @p0 $0x1;
	_ =	sdelay $0x1  }
0xac: {  	s5 =	simm.s32 @p0 $0x1B8D  }
0xad: {  	_ =	swait.eq @p0 [sflag:s5], $0x1  }
0xae: {  	[sflag:s5] =	ssyncadd.s32 @p0 $0xFFFFFFFF  }
0xaf: {  	s6 =	sshll.u32 @!p0 s1, $0xE  }
0xb0: {  	s6 =	sor.u32 @!p0 $0x4000, s6;
	s5 =	simm.s32 @!p0 $0x1B8D  }
0xb1: {  	s4 =	sshll.u32 @!p0 s4, $0x11;
	s6 =	sadd.s32 @!p0 $0x11B8D, s6;
	_ =	swait.eq @!p0 [sflag:s5], $0x1  }
0xb2: {  	s4 =	sor.u32 @!p0 s4, s6;
	[sflag:s5] =	ssyncadd.s32 @!p0 $0xFFFFFFFF  }
0xb3: {  	s25 =	simm.s32 $0x1B8E;
	s24 =	sld [smem:$0x3FFE];
	[sflag:s4] =	ssyncadd.remote.s32 @!p0 $0x1  }
0xb4: {  	s26 =	simm.s32 $execute0_lowered;
	[smem:$0x3FD2] =	sst s25  }
0xb5: {  	s5 =	sshll.u32 s26, $0x1;
	_ =	strace $0x8000004F;
	[dreg:$0x1] =	wrdreg $0xFFFFFFFF  }
0xb6: {  	s28 =	simm.s32 $_size_execute0_lowered;
	s3 =	sadd.s32 s3, s5;
	[dreg:$0x0] =	wrdreg $0x0  }
0xb7: {  	s5 =	sshll.u32 s28, $0x1;
	[dreg:$0x2] =	wrdreg s3  }
0xb8: {  	[dreg:$0x3] =	wrdreg s5  }
0xb9: {  	[dreg:$0x4] =	wrdreg $0xC0  }
0xba: {  	_ =	task [dreg:s22], $0x5FFFF  }
0xbb: {  	[dreg:$0x1] =	wrdreg $0xFFFFFFFF  }
0xbc: {  	[dreg:$0x0] =	wrdreg $0x60  }
0xbd: {  	[dreg:$0x2] =	wrdreg s24  }
0xbe: {  	[dreg:$0x3] =	wrdreg $0x0  }
0xbf: {  	[dreg:$0x4] =	wrdreg $0xA  }
0xc0: {  	_ =	task.clear_ibuf [dreg:s22], $0x5FFFF;
	_ =	strace $0x9000004F  }
0xc1: {  	s29 =	simm.s32 $0xA;
	_ =	strace $0x80000051  }
0xc2: {  	_ =	swait.ge [sflag:s29], $0x1  }
0xc3: {  	[sflag:s29] =	ssyncadd.s32 $0xFFFFFFFF  }
0xc4: {  	_ =	strace $0x90000051  }
0xc5: {  	_ =	sfence  }
0xc6: {  	s30 =	sld [smem:$0x0];
	_ =	sdelay $0x2  }
0xc7: {  	s31 =	sshll.u32 s1, $0xD;
	s1 =	sshrl.u32 s1, $0x2  }
0xc8: {  	s4 =	sand.u32 $0x4000, s31;
	s1 =	sadd.s32 s1, s30  }
0xc9: {  	s0 =	sor.u32 s4, s0;
	s1 =	sshll.u32 s1, $0x11  }
0xca: {  	s0 =	sor.u32 s1, s0  }
0xcb: {  	s0 =	sadd.s32 $0x8F2B, s0  }
0xcc: {  	[sflag:s0] =	ssyncadd.remote.s32 $0x1  }
0xcd: {  	_ =	sfence.sel $0xFFFF  }
0xce: {  	[dreg:$0x0] =	wrdreg $0xFFFFFFFF;
	(pc) =	sbr.abs _section_cstart, $3  }
0xcf: {  	[dreg:$0x1] =	wrdreg $0xFFFFFFFF  }
0xd0: {  	_ =	task.clear_ibuf [dreg:s22], $0x2FFFF;
	_ =	strace $0x9FFFFFFF  }
0xd1: {  	(tm) =	ssettm $0x7FFFFFFF  }
tec
execute0_lowered:
.L_overlay_start_1:
0x0: {  	(tag) =	ssettag $0x1  }
0x1: {  	s0 =	rddreg [dreg:$0x0]  }
0x2: {  	s1 =	rddreg [dreg:$0x1];
	s3 =	simm.s32 $0x0  }
0x3: {  	s9 =	stileid.u32;
	s2 =	srdreg.scid;
	s22 =	simm.s32 $0x1D100  }
0x4: {  	s23 =	simm.s32 $0x3;
	s28 =	simm.s32 $0x19280;
	s29 =	simm.s32 $0x1  }
0x5: {  	s30 =	simm.s32 $0x2;
	[smem:$0x7FF] =	sst s3;
	s6 =	smul.u32 $0x280, s9  }
0x6: {  	s4 =	sadd.s32 $0x3BC00, s0;
	s2 =	sand.u32 $0x1, s2;
	s20 =	smul.u32 $0x28000, s9  }
0x7: {  	s5 =	sadd.s32 $0x63C00, s0;
	s9 =	smul.u32 $0x50000, s9;
	s10 =	sadd.s32 $0x8BC00, s0  }
0x8: {  	_ =	strace $0x80000050;
	s7 =	ssub.s32 $0x2, s2;
	[dreg:$0x3] =	wrdreg s10  }
0x9: {  	p0 =	sne.s32 s2, $0x0;
	s6 =	sadd.s32 s6, s0;
	s8 =	sshrl.u32 s7, $0x1  }
0xa: {  	s0 =	sadd.s32 $0xB3C00, s0;
	s26 =	sshrl.u32 s20, $0x1;
	s11 =	sshrl.u32 s9, $0x2  }
0xb: {  	s20 =	sshrl.u32 s20, $0x4;
	[dreg:$0x4] =	wrdreg s0;
	s25 =	ssub.s32 s7, s8  }
0xc: {  	s8 =	sadd.s32 $0x8400, s6;
	s9 =	sadd.s32 $0x5C00, s6;
	s10 =	sadd.s32 s26, s1  }
.Ltmp0:
0xd: {  	s31 =	sadd.s32 s11, s1;
	s26 =	simm.s32 $0x7D;
	(pc) =	sbr.rel .LBB2_1-.Ltmp0, $4  }
0xe: {  	s7 =	simm.s32 $0x0;
	s11 =	sadd.s32 $0x2000, s31;
	s12 =	sadd.s32 $0x4000, s31  }
0xf: {  	s13 =	sadd.s32 $0x6000, s31;
	s14 =	sadd.s32 $0x8000, s31;
	s15 =	sadd.s32 $0xA000, s31  }
0x10: {  	s16 =	sadd.s32 $0xC000, s31;
	s17 =	sadd.s32 $0xE000, s31;
	s18 =	sadd.s32 $0x10000, s31  }
0x11: {  	v0 =	vimm.bf16 $0.0e+00;
	s19 =	sadd.s32 $0x12000, s31;
	s21 =	smax.u32 s25, $0x1;
	s25 =	simm.s32 $0x15400  }
.LBB2_9:
0x12: {  	s0 =	sadd.s32 $0x1D180, s24;
	[sflag:s23] =	ssyncadd.s32 $0xFFFFC180  }
0x13: {  	[tilespmem:s28], [sflag:$0x2] =	stream.indirect.gather [hbm4b:s5+s26], $0x80, s0, s26, $0xb8;
	[tilespmem:$0x1E500] =	vst v63  }
0x14: {  	_ =	swait.ge [sflag:s29], $0x3E80  }
0x15: {  	[sflag:s29] =	ssyncset.done $0x0  }
0x16: {  	s2 =	sadd.s32 $0x14000, s24;
	[sflag:s29] =	ssyncadd.s32 $0xFFFFC180  }
0x17: {  	[spmem:s1] =	stream.indirect.scatter.add.bf16 [tilespmem:s25], [sflag:$0x3], $0x80, s2, s26, $0xb8;
	[tilespmem:$0x1E500] =	vst v63  }
0x18: {  	_ =	swait.ge [sflag:s23], $0x3E80  }
0x19: {  	[sflag:s23] =	ssyncset.done $0x0  }
0x1a: {  	s6 =	sadd.s32 $0x1D200, s24;
	[sflag:s23] =	ssyncadd.s32 $0xFFFFC180  }
0x1b: {  	[tilespmem:s25], [sflag:$0x1] =	stream.indirect.gather [hbm4b:s5+s26], $0x80, s6, s26, $0xb8;
	[tilespmem:$0x1E500] =	vst v63  }
0x1c: {  	_ =	swait.ge [sflag:s30], $0x3E80  }
0x1d: {  	[sflag:s30] =	ssyncset.done $0x0  }
0x1e: {  	s24 =	sadd.s32 $0x14080, s24;
	[sflag:s30] =	ssyncadd.s32 $0xFFFFC180  }
0x1f: {  	[spmem:s1] =	stream.indirect.scatter.add.bf16 [tilespmem:s28], [sflag:$0x3], $0x80, s24, s26, $0xb8;
	[tilespmem:$0x1E500] =	vst v63  }
0x20: {  	_ =	swait.ge [sflag:s23], $0x3E80  }
0x21: {  	[sflag:s23] =	ssyncset.done $0x0  }
0x22: {  	s31 =	simm.s32 $0x1E480;
	s2 =	rddreg [dreg:$0x4];
	[sflag:s23] =	ssyncadd.s32 $0xFFFFC180  }
0x23: {  	[tilespmem:s28], [sflag:$0x2] =	stream.indirect.gather [hbm4b:s5+s26], $0x80, s31, s26, $0xb8;
	[tilespmem:$0x1E500] =	vst v63  }
.LBB2_10:
0x24: {  	_ =	swait.ge [sflag:s29], $0x3E80  }
0x25: {  	[sflag:s29] =	ssyncset.done $0x0  }
0x26: {  	s0 =	simm.s32 $0x15300;
	[sflag:s29] =	ssyncadd.s32 $0xFFFFC180  }
0x27: {  	[spmem:s1] =	stream.indirect.scatter.add.bf16 [tilespmem:s25], [sflag:$0x3], $0x80, s0, s26, $0xb8;
	[tilespmem:$0x1E500] =	vst v63  }
0x28: {  	_ =	swait.ge [sflag:s23], $0x3E80  }
0x29: {  	[sflag:s23] =	ssyncset.done $0x0  }
0x2a: {  	[sflag:s23] =	ssyncadd.s32 $0xFFFFC180  }
0x2b: {  	_ =	swait.ge [sflag:s30], $0x3E80  }
0x2c: {  	[sflag:s30] =	ssyncset.done $0x0  }
0x2d: {  	s6 =	simm.s32 $0x15380;
	[sflag:s30] =	ssyncadd.s32 $0xFFFFC180  }
0x2e: {  	[spmem:s1] =	stream.indirect.scatter.add.bf16 [tilespmem:s28], [sflag:$0x3], $0x80, s6, s26, $0xb8;
	[tilespmem:$0x1E500] =	vst v63  }
0x2f: {  	s24 =	sadd.s32 s2, s20;
	s31 =	stileid.u32;
	_ =	swait.ge [sflag:s23], $0x3E80  }
0x30: {  	s7 =	sadd.s32 $0x1, s7;
	s2 =	sshll.u32 s31, $0x6;
	[sflag:s23] =	ssyncset.done $0x0  }
0x31: {  	p1 =	sne.s32 s7, s21;
	s2 =	sor.u32 $0x1C03, s2;
	[sflag:s23] =	ssyncadd.s32 $0xFFFFC180  }
.Ltmp1:
0x32: {  	s6 =	sshrl.u32 s10, $0x3;
	[bflag:$0x0] =	sbarrier.arrive $0xFFFF;
	(pc) =	sbr.rel @!p1 .LBB2_11-.Ltmp1, $4  }
0x33: {  	[hbm:s24], [sflag:s2] =	dma.local [spmem:s6], $0x2800  }
0x34: {  	_ =	swait.ge [sflag:s23], $0x2800  }
0x35: {  	[sflag:s23] =	ssyncset.done $0x0  }
0x36: {  	[sflag:s23] =	ssyncadd.s32 $0xFFFFD800  }
.LBB2_1:
0x37: {  	[tilespmem:s22], [sflag:$0x3] =	stream.linear.gather [hbm4b:s8+s3], $0x1400, $0x38;
	[tilespmem:$0x1E500] =	vst v63  }
0x38: {  	_ =	swait.ge [sflag:s23], $0x1400  }
0x39: {  	[sflag:s23] =	ssyncset.done $0x0  }
0x3a: {  	s0 =	simm.s32 $0x14000;
	[sflag:s23] =	ssyncadd.s32 $0xFFFFEC00  }
0x3b: {  	[tilespmem:s0], [sflag:$0x3] =	stream.linear.gather [hbm4b:s9+s3], $0x1400, $0x38;
	[tilespmem:$0x1E500] =	vst v63  }
0x3c: {  	_ =	swait.ge [sflag:s23], $0x1400  }
0x3d: {  	[sflag:s23] =	ssyncset.done $0x0  }
0x3e: {  	s24 =	simm.s32 $0x0;
	s2 =	simm.s32 $0x200;
	[sflag:s23] =	ssyncadd.s32 $0xFFFFEC00  }
.LBB2_2:
0x3f: {  	p1 =	sne.s32 s2, $0x7E00;
	[tilespmem:s24+$0x15470] =	vst v0  }
0x40: {  	[tilespmem:s24+$0x15400] =	vst v0  }
0x41: {  	[tilespmem:s24+$0x15410] =	vst v0  }
.Ltmp2:
0x42: {  	[tilespmem:s24+$0x15420] =	vst v0;
	(pc) =	sbr.rel @p1 .LBB2_2-.Ltmp2, $4  }
0x43: {  	[tilespmem:s24+$0x15430] =	vst v0  }
0x44: {  	[tilespmem:s24+$0x15440] =	vst v0  }
0x45: {  	[tilespmem:s24+$0x15450] =	vst v0  }
0x46: {  	[tilespmem:s24+$0x15460] =	vst v0;
	s24 =	sshra.s32 s2, $0x2;
	s2 =	sadd.s32 $0x200, s2  }
0x47: {  	[tilespmem:s24+$0x15470] =	vst v0  }
0x48: {  	[tilespmem:s24+$0x15400] =	vst v0  }
0x49: {  	[tilespmem:s24+$0x15410] =	vst v0  }
0x4a: {  	[tilespmem:s24+$0x15420] =	vst v0  }
0x4b: {  	[tilespmem:s24+$0x15430] =	vst v0  }
0x4c: {  	[tilespmem:s24+$0x15440] =	vst v0  }
0x4d: {  	[tilespmem:s24+$0x15450] =	vst v0  }
0x4e: {  	[tilespmem:s24+$0x15460] =	vst v0  }
0x4f: {  	[spmem:s10] =	stream.linear.scatter [tilespmem:s25], [sflag:$0x3], $0x2000, $0x38;
	[tilespmem:$0x1E500] =	vst v63  }
0x50: {  	_ =	swait.ge [sflag:s23], $0x2000  }
0x51: {  	[sflag:s23] =	ssyncset.done $0x0  }
0x52: {  	[sflag:s23] =	ssyncadd.s32 $0xFFFFE000  }
0x53: {  	[spmem:s11] =	stream.linear.scatter [tilespmem:s25], [sflag:$0x3], $0x2000, $0x38;
	[tilespmem:$0x1E500] =	vst v63  }
0x54: {  	_ =	swait.ge [sflag:s23], $0x2000  }
0x55: {  	[sflag:s23] =	ssyncset.done $0x0  }
0x56: {  	[sflag:s23] =	ssyncadd.s32 $0xFFFFE000  }
0x57: {  	[spmem:s12] =	stream.linear.scatter [tilespmem:s25], [sflag:$0x3], $0x2000, $0x38;
	[tilespmem:$0x1E500] =	vst v63  }
0x58: {  	_ =	swait.ge [sflag:s23], $0x2000  }
0x59: {  	[sflag:s23] =	ssyncset.done $0x0  }
0x5a: {  	[sflag:s23] =	ssyncadd.s32 $0xFFFFE000  }
0x5b: {  	[spmem:s13] =	stream.linear.scatter [tilespmem:s25], [sflag:$0x3], $0x2000, $0x38;
	[tilespmem:$0x1E500] =	vst v63  }
0x5c: {  	_ =	swait.ge [sflag:s23], $0x2000  }
0x5d: {  	[sflag:s23] =	ssyncset.done $0x0  }
0x5e: {  	[sflag:s23] =	ssyncadd.s32 $0xFFFFE000  }
0x5f: {  	[spmem:s14] =	stream.linear.scatter [tilespmem:s25], [sflag:$0x3], $0x2000, $0x38;
	[tilespmem:$0x1E500] =	vst v63  }
0x60: {  	_ =	swait.ge [sflag:s23], $0x2000  }
0x61: {  	[sflag:s23] =	ssyncset.done $0x0  }
0x62: {  	[sflag:s23] =	ssyncadd.s32 $0xFFFFE000  }
0x63: {  	[spmem:s15] =	stream.linear.scatter [tilespmem:s25], [sflag:$0x3], $0x2000, $0x38;
	[tilespmem:$0x1E500] =	vst v63  }
0x64: {  	_ =	swait.ge [sflag:s23], $0x2000  }
0x65: {  	[sflag:s23] =	ssyncset.done $0x0  }
0x66: {  	[sflag:s23] =	ssyncadd.s32 $0xFFFFE000  }
0x67: {  	[spmem:s16] =	stream.linear.scatter [tilespmem:s25], [sflag:$0x3], $0x2000, $0x38;
	[tilespmem:$0x1E500] =	vst v63  }
0x68: {  	_ =	swait.ge [sflag:s23], $0x2000  }
0x69: {  	[sflag:s23] =	ssyncset.done $0x0  }
0x6a: {  	[sflag:s23] =	ssyncadd.s32 $0xFFFFE000  }
0x6b: {  	[spmem:s17] =	stream.linear.scatter [tilespmem:s25], [sflag:$0x3], $0x2000, $0x38;
	[tilespmem:$0x1E500] =	vst v63  }
0x6c: {  	_ =	swait.ge [sflag:s23], $0x2000  }
0x6d: {  	[sflag:s23] =	ssyncset.done $0x0  }
0x6e: {  	[sflag:s23] =	ssyncadd.s32 $0xFFFFE000  }
0x6f: {  	[spmem:s18] =	stream.linear.scatter [tilespmem:s25], [sflag:$0x3], $0x2000, $0x38;
	[tilespmem:$0x1E500] =	vst v63  }
0x70: {  	_ =	swait.ge [sflag:s23], $0x2000  }
0x71: {  	[sflag:s23] =	ssyncset.done $0x0  }
0x72: {  	[sflag:s23] =	ssyncadd.s32 $0xFFFFE000  }
0x73: {  	[spmem:s19] =	stream.linear.scatter [tilespmem:s25], [sflag:$0x3], $0x2000, $0x38;
	[tilespmem:$0x1E500] =	vst v63  }
.Ltmp3:
0x74: {  	_ =	swait.ge [sflag:s23], $0x2000;
	(pc) =	sbr.rel @p0 .LBB2_7-.Ltmp3, $3  }
0x75: {  	[sflag:s23] =	ssyncset.done $0x0  }
0x76: {  	[sflag:s23] =	ssyncadd.s32 $0xFFFFE000  }
0x77: {  	[bflag:$0x0] =	sbarrier.arrive $0xFFFF;
	_ =	sdelay $0x1  }
0x78: {  	[tilespmem:s25], [sflag:$0x1] =	stream.indirect.gather [hbm4b:s4+s26], $0x80, s22, s26, $0xb8;
	[tilespmem:$0x1E500] =	vst v63  }
0x79: {  	s2 =	simm.s32 $0x1D180  }
0x7a: {  	[tilespmem:s28], [sflag:$0x2] =	stream.indirect.gather [hbm4b:s4+s26], $0x80, s2, s26, $0xb8;
	[tilespmem:$0x1E500] =	vst v63  }
0x7b: {  	_ =	swait.ge [sflag:s29], $0x3E80  }
0x7c: {  	[sflag:s29] =	ssyncset.done $0x0  }
0x7d: {  	s6 =	simm.s32 $0x14000;
	[sflag:s29] =	ssyncadd.s32 $0xFFFFC180  }
0x7e: {  	[spmem:s1] =	stream.indirect.scatter.add.bf16 [tilespmem:s25], [sflag:$0x3], $0x80, s6, s26, $0xb8;
	[tilespmem:$0x1E500] =	vst v63  }
0x7f: {  	_ =	swait.ge [sflag:s23], $0x3E80  }
0x80: {  	[sflag:s23] =	ssyncset.done $0x0  }
0x81: {  	s24 =	simm.s32 $0x1D200;
	[sflag:s23] =	ssyncadd.s32 $0xFFFFC180  }
0x82: {  	[tilespmem:s25], [sflag:$0x1] =	stream.indirect.gather [hbm4b:s4+s26], $0x80, s24, s26, $0xb8;
	[tilespmem:$0x1E500] =	vst v63  }
0x83: {  	_ =	swait.ge [sflag:s30], $0x3E80  }
0x84: {  	[sflag:s30] =	ssyncset.done $0x0  }
0x85: {  	s31 =	simm.s32 $0x14080;
	[sflag:s30] =	ssyncadd.s32 $0xFFFFC180  }
0x86: {  	[spmem:s1] =	stream.indirect.scatter.add.bf16 [tilespmem:s28], [sflag:$0x3], $0x80, s31, s26, $0xb8;
	[tilespmem:$0x1E500] =	vst v63  }
0x87: {  	_ =	swait.ge [sflag:s23], $0x3E80  }
0x88: {  	s2 =	simm.s32 $0x800;
	s24 =	simm.s32 $0x100;
	[sflag:s23] =	ssyncset.done $0x0  }
.LBB2_5:
0x89: {  	s31 =	sadd.s32 $0x1D180, s24  }
0x8a: {  	[sflag:s23] =	ssyncadd.s32 $0xFFFFC180;
	s0 =	smov.u32 s2;
	s6 =	sadd.s32 $0x400, s2  }
0x8b: {  	[tilespmem:s28], [sflag:$0x2] =	stream.indirect.gather [hbm4b:s4+s26], $0x80, s31, s26, $0xb8;
	[tilespmem:$0x1E500] =	vst v63  }
0x8c: {  	p1 =	sne.s32 s2, $0x4800;
	_ =	swait.ge [sflag:s29], $0x3E80  }
0x8d: {  	[sflag:s29] =	ssyncset.done $0x0  }
0x8e: {  	s2 =	sadd.s32 $0x14000, s24;
	[sflag:s29] =	ssyncadd.s32 $0xFFFFC180  }
0x8f: {  	[spmem:s1] =	stream.indirect.scatter.add.bf16 [tilespmem:s25], [sflag:$0x3], $0x80, s2, s26, $0xb8;
	[tilespmem:$0x1E500] =	vst v63  }
0x90: {  	_ =	swait.ge [sflag:s23], $0x3E80  }
0x91: {  	[sflag:s23] =	ssyncset.done $0x0  }
0x92: {  	s2 =	sadd.s32 $0x1D200, s24;
	[sflag:s23] =	ssyncadd.s32 $0xFFFFC180  }
0x93: {  	[tilespmem:s25], [sflag:$0x1] =	stream.indirect.gather [hbm4b:s4+s26], $0x80, s2, s26, $0xb8;
	[tilespmem:$0x1E500] =	vst v63  }
0x94: {  	_ =	swait.ge [sflag:s30], $0x3E80  }
.Ltmp4:
0x95: {  	[sflag:s30] =	ssyncset.done $0x0;
	(pc) =	sbr.rel @p1 .LBB2_5-.Ltmp4, $4  }
0x96: {  	s2 =	sadd.s32 $0x14080, s24;
	[sflag:s30] =	ssyncadd.s32 $0xFFFFC180  }
0x97: {  	[spmem:s1] =	stream.indirect.scatter.add.bf16 [tilespmem:s28], [sflag:$0x3], $0x80, s2, s26, $0xb8;
	[tilespmem:$0x1E500] =	vst v63  }
0x98: {  	_ =	swait.ge [sflag:s23], $0x3E80  }
0x99: {  	s24 =	sshra.s32 s0, $0x2;
	s2 =	smov.u32 s6;
	[sflag:s23] =	ssyncset.done $0x0  }
0x9a: {  	s0 =	sadd.s32 $0x1D180, s24;
	[sflag:s23] =	ssyncadd.s32 $0xFFFFC180  }
0x9b: {  	[tilespmem:s28], [sflag:$0x2] =	stream.indirect.gather [hbm4b:s4+s26], $0x80, s0, s26, $0xb8;
	[tilespmem:$0x1E500] =	vst v63  }
0x9c: {  	_ =	swait.ge [sflag:s29], $0x3E80  }
0x9d: {  	[sflag:s29] =	ssyncset.done $0x0  }
0x9e: {  	s2 =	sadd.s32 $0x14000, s24;
	[sflag:s29] =	ssyncadd.s32 $0xFFFFC180  }
0x9f: {  	[spmem:s1] =	stream.indirect.scatter.add.bf16 [tilespmem:s25], [sflag:$0x3], $0x80, s2, s26, $0xb8;
	[tilespmem:$0x1E500] =	vst v63  }
0xa0: {  	_ =	swait.ge [sflag:s23], $0x3E80  }
0xa1: {  	[sflag:s23] =	ssyncset.done $0x0  }
0xa2: {  	s6 =	sadd.s32 $0x1D200, s24;
	[sflag:s23] =	ssyncadd.s32 $0xFFFFC180  }
0xa3: {  	[tilespmem:s25], [sflag:$0x1] =	stream.indirect.gather [hbm4b:s4+s26], $0x80, s6, s26, $0xb8;
	[tilespmem:$0x1E500] =	vst v63  }
0xa4: {  	_ =	swait.ge [sflag:s30], $0x3E80  }
0xa5: {  	[sflag:s30] =	ssyncset.done $0x0  }
0xa6: {  	s24 =	sadd.s32 $0x14080, s24;
	[sflag:s30] =	ssyncadd.s32 $0xFFFFC180  }
0xa7: {  	[spmem:s1] =	stream.indirect.scatter.add.bf16 [tilespmem:s28], [sflag:$0x3], $0x80, s24, s26, $0xb8;
	[tilespmem:$0x1E500] =	vst v63  }
.Ltmp5:
0xa8: {  	_ = 	snop;
	(pc) =	sbr.rel .LBB2_10-.Ltmp5, $4  }
0xa9: {  	_ =	swait.ge [sflag:s23], $0x3E80  }
0xaa: {  	[sflag:s23] =	ssyncset.done $0x0  }
0xab: {  	s31 =	simm.s32 $0x1E480;
	s2 =	rddreg [dreg:$0x3];
	[sflag:s23] =	ssyncadd.s32 $0xFFFFC180  }
0xac: {  	[tilespmem:s28], [sflag:$0x2] =	stream.indirect.gather [hbm4b:s4+s26], $0x80, s31, s26, $0xb8;
	[tilespmem:$0x1E500] =	vst v63  }
.LBB2_7:
0xad: {  	[tilespmem:s25], [sflag:$0x1] =	stream.indirect.gather [hbm4b:s5+s26], $0x80, s22, s26, $0xb8;
	[tilespmem:$0x1E500] =	vst v63  }
0xae: {  	s0 =	simm.s32 $0x1D180  }
0xaf: {  	[tilespmem:s28], [sflag:$0x2] =	stream.indirect.gather [hbm4b:s5+s26], $0x80, s0, s26, $0xb8;
	[tilespmem:$0x1E500] =	vst v63  }
0xb0: {  	_ =	swait.ge [sflag:s29], $0x3E80  }
0xb1: {  	[sflag:s29] =	ssyncset.done $0x0  }
0xb2: {  	s6 =	simm.s32 $0x14000;
	[sflag:s29] =	ssyncadd.s32 $0xFFFFC180  }
0xb3: {  	[spmem:s1] =	stream.indirect.scatter.add.bf16 [tilespmem:s25], [sflag:$0x3], $0x80, s6, s26, $0xb8;
	[tilespmem:$0x1E500] =	vst v63  }
0xb4: {  	_ =	swait.ge [sflag:s23], $0x3E80  }
0xb5: {  	[sflag:s23] =	ssyncset.done $0x0  }
0xb6: {  	s24 =	simm.s32 $0x1D200;
	[sflag:s23] =	ssyncadd.s32 $0xFFFFC180  }
0xb7: {  	[tilespmem:s25], [sflag:$0x1] =	stream.indirect.gather [hbm4b:s5+s26], $0x80, s24, s26, $0xb8;
	[tilespmem:$0x1E500] =	vst v63  }
0xb8: {  	_ =	swait.ge [sflag:s30], $0x3E80  }
0xb9: {  	[sflag:s30] =	ssyncset.done $0x0  }
0xba: {  	s31 =	simm.s32 $0x14080;
	[sflag:s30] =	ssyncadd.s32 $0xFFFFC180  }
0xbb: {  	[spmem:s1] =	stream.indirect.scatter.add.bf16 [tilespmem:s28], [sflag:$0x3], $0x80, s31, s26, $0xb8;
	[tilespmem:$0x1E500] =	vst v63  }
0xbc: {  	_ =	swait.ge [sflag:s23], $0x3E80  }
0xbd: {  	s2 =	simm.s32 $0x800;
	s24 =	simm.s32 $0x100;
	[sflag:s23] =	ssyncset.done $0x0  }
.LBB2_8:
0xbe: {  	s0 =	sadd.s32 $0x1D180, s24  }
0xbf: {  	[sflag:s23] =	ssyncadd.s32 $0xFFFFC180;
	s6 =	smov.u32 s2;
	s31 =	sadd.s32 $0x400, s2  }
0xc0: {  	[tilespmem:s28], [sflag:$0x2] =	stream.indirect.gather [hbm4b:s5+s26], $0x80, s0, s26, $0xb8;
	[tilespmem:$0x1E500] =	vst v63  }
0xc1: {  	p1 =	sne.s32 s2, $0x4800;
	_ =	swait.ge [sflag:s29], $0x3E80  }
0xc2: {  	[sflag:s29] =	ssyncset.done $0x0  }
0xc3: {  	s0 =	sadd.s32 $0x14000, s24;
	[sflag:s29] =	ssyncadd.s32 $0xFFFFC180  }
0xc4: {  	[spmem:s1] =	stream.indirect.scatter.add.bf16 [tilespmem:s25], [sflag:$0x3], $0x80, s0, s26, $0xb8;
	[tilespmem:$0x1E500] =	vst v63  }
0xc5: {  	_ =	swait.ge [sflag:s23], $0x3E80  }
0xc6: {  	[sflag:s23] =	ssyncset.done $0x0  }
0xc7: {  	s0 =	sadd.s32 $0x1D200, s24;
	[sflag:s23] =	ssyncadd.s32 $0xFFFFC180  }
0xc8: {  	[tilespmem:s25], [sflag:$0x1] =	stream.indirect.gather [hbm4b:s5+s26], $0x80, s0, s26, $0xb8;
	[tilespmem:$0x1E500] =	vst v63  }
0xc9: {  	_ =	swait.ge [sflag:s30], $0x3E80  }
.Ltmp6:
0xca: {  	[sflag:s30] =	ssyncset.done $0x0;
	(pc) =	sbr.rel @p1 .LBB2_8-.Ltmp6, $4  }
0xcb: {  	s0 =	sadd.s32 $0x14080, s24;
	[sflag:s30] =	ssyncadd.s32 $0xFFFFC180  }
0xcc: {  	[spmem:s1] =	stream.indirect.scatter.add.bf16 [tilespmem:s28], [sflag:$0x3], $0x80, s0, s26, $0xb8;
	[tilespmem:$0x1E500] =	vst v63  }
0xcd: {  	_ =	swait.ge [sflag:s23], $0x3E80  }
0xce: {  	s2 =	smov.u32 s31;
	s24 =	sshra.s32 s6, $0x2;
	[sflag:s23] =	ssyncset.done $0x0  }
.Ltmp7:
0xcf: {  	_ = 	snop;
	(pc) =	sbr.rel .LBB2_9-.Ltmp7, $1  }
0xd0: {  	_ =	sdelay $0x3  }
.LBB2_11:
0xd1: {  	_ =	sfence.sel $0x180000  }
0xd2: {  	[bflag:$0x0] =	sbarrier.arrive $0xFFFF  }
0xd3: {  	_ =	strace $0x90000050  }
0xd4: {  	s0 =	stileid.u32;
	[bflag:$0x2] =	sbarrier.arrive $0xFFFF  }
0xd5: {  	p0 =	sne.s32 s0, $0x0;
	s0 =	rddreg [dreg:$0x2]  }
0xd6: {  	s0 =	sadd.s32 @!p0 $0x100000, s0  }
0xd7: {  	[sflag:s0] =	ssyncadd.tile.s32 @!p0 $0x1;
	_ =	shalt  }
.Lfunc_end2:
_tile_overlayer_lowered:
.L_overlay_start_2:
0xd8: {  	(tag) =	ssettag $0x2  }
0xd9: {  	s0 =	rddreg [dreg:$0x0];
	s2 =	stileid.u32  }
0xda: {  	s1 =	rddreg [dreg:$0x1];
	p0 =	sne.s32 s2, $0x0  }
0xdb: {  	s3 =	rddreg [dreg:$0x2];
	[bflag:$0x3] =	sbarrier.arrive $0xFFFF;
	s2 =	simm.s32 @!p0 $0x1C03  }
0xdc: {  	[timem:s3], [sflag:s2] =	dma.local @!p0 [hbm:s0], s1  }
0xdd: {  	s0 =	simm.s32 @!p0 $0x3  }
0xde: {  	_ =	swait.ge @!p0 [sflag:s0], s1  }
0xdf: {  	s1 =	ssub.s32 @!p0 $0x0, s1;
	[sflag:s0] =	ssyncset.done @!p0 $0x0  }
0xe0: {  	[sflag:s0] =	ssyncadd.s32 @!p0 s1  }
0xe1: {  	[bflag:$0x3] =	sbarrier.arrive $0xFFFF  }
0xe2: {  	_ =	shalt  }

// kernel: kernel.25.cloned.1.call-start
scs
__scs_entry_jumppad:
0x0: {  	(pc) =	sbr.rel $0x88, $3  }
0x1: {  	(tag) =	ssettag $0x0;
	lr =	simm.s32 $0x1  }
0x2: {  	[smem:$0x3F91] =	sst lr;
	_ =	strace $0xD0000000  }
0x3: {  	_ = 	snop  }
0x4: {  	_ = 	snop  }
0x5: {  	_ = 	snop  }
0x6: {  	_ = 	snop  }
0x7: {  	_ = 	snop  }
__scs_overlays_trampoline_lowered:
0x8: {  	[smem:$0x3FA0] =	sst s0  }
0x9: {  	[smem:$0x3FA1] =	sst s1  }
0xa: {  	[smem:$0x3FA2] =	sst s2  }
0xb: {  	[smem:$0x3FA3] =	sst s3  }
0xc: {  	[smem:$0x3FA4] =	sst s4  }
0xd: {  	[smem:$0x3FA5] =	sst s5  }
0xe: {  	[smem:$0x3FA6] =	sst s6  }
0xf: {  	[smem:$0x3FA7] =	sst s7  }
0x10: {  	[smem:$0x3FA8] =	sst s8  }
0x11: {  	[smem:$0x3FA9] =	sst s9;
	s0 =	simm.s32 @!p0 $0x0  }
0x12: {  	s1 =	sld [smem:$0x3F8F];
	s0 =	simm.s32 @p0 $0x1  }
0x13: {  	[smem:$0x3FAA] =	sst s0;
	s0 =	simm.s32 @!p1 $0x0  }
0x14: {  	s2 =	sld [smem:$0x3F8E];
	s0 =	simm.s32 @p1 $0x1  }
0x15: {  	[smem:$0x3FAB] =	sst s0;
	s0 =	simm.s32 @!p2 $0x0  }
0x16: {  	s3 =	sld [smem:$0x3FDB];
	s0 =	simm.s32 @p2 $0x1  }
0x17: {  	s4 =	simm.s32 $0x1BF5;
	[smem:$0x3FAD] =	sst s0  }
0x18: {  	s0 =	sld [smem:$0x3F90];
	_ =	swait.ge [sflag:s4], $0x0  }
0x19: {  	s7 =	sld [smem:$0x3F91]  }
0x1a: {  	s8 =	sadd.s32 $0xFFFFE003, lr  }
0x1b: {  	s9 =	sadd.s32 $0xFFFFFEF7, lr;
	s5 =	simm.s32 $0xFFFFFFFF;
	p2 =	slt.u32 s8, $0xFFFFF086  }
0x1c: {  	p1 =	slt.u32 s9, $0xF7A;
	s5 =	simm.s32 @!p2 $0x0  }
0x1d: {  	s5 =	simm.s32 @p1 $0x1;
	p0 =	seq.s32 s7, s2  }
0x1e: {  	s7 =	smul.u32 @!p0 $0xF7A, s2;
	p2 =	seq.s32 @!p0 s5, $0x0  }
0x1f: {  	s9 =	smul.u32 $0xF7A, s1;
	s8 =	simm.s32 @!p0 $0x1BF5;
	p2 =	por !p2, p0  }
0x20: {  	[sflag:s8] =	ssyncset.s32 @!p0 $0xFFFFF086;
	s6 =	sadd.s32 @!p0 s3, s7;
	s7 =	simm.s32 @!p0 $0x108  }
0x21: {  	s3 =	sadd.s32 s3, s9;
	s6 =	sadd.s32 @!p0 $0x88, s6;
	s7 =	simm.s32 @p2 $0x1082  }
0x22: {  	[simem:s7], [sflag:s8] =	dma.local @!p0 [hbm:s6], $0xF7A  }
0x23: {  	s9 =	sor.u32 $0xD0000000, s2;
	s6 =	simm.s32 $0x108;
	_ =	swait.ge @!p0 [sflag:s8], $0x0  }
0x24: {  	s3 =	sadd.s32 $0x88, s3;
	s6 =	simm.s32 @!p1 $0x1082;
	[sflag:s4] =	ssyncset.s32 $0xFFFFF086  }
0x25: {  	[simem:s6], [sflag:s4] =	dma.local [hbm:s3], $0xF7A  }
0x26: {  	[smem:$0x3F91] =	sst s1;
	(tag) =	ssettag s2;
	_ =	strace s9  }
0x27: {  	s1 =	sld [smem:$0x3FA1]  }
0x28: {  	s2 =	sld [smem:$0x3FA2]  }
0x29: {  	s4 =	sld [smem:$0x3FA4]  }
0x2a: {  	p0 =	seq.s32 s5, $0x0;
	s5 =	sld [smem:$0x3FA5]  }
0x2b: {  	s6 =	sld [smem:$0x3FA6]  }
0x2c: {  	s7 =	sld [smem:$0x3FA7]  }
0x2d: {  	s3 =	simm.s32 $0x108;
	s8 =	sld [smem:$0x3FA8]  }
0x2e: {  	s3 =	simm.s32 @!p0 $0x1082;
	s9 =	sld [smem:$0x3FA9]  }
0x2f: {  	lr =	sadd.s32 s0, s3;
	s0 =	sld [smem:$0x3FA0]  }
0x30: {  	s3 =	sld [smem:$0x3FA3]  }
0x31: {  	[smem:$0x3FAC] =	sst s10  }
0x32: {  	s10 =	sld [smem:$0x3FAA];
	_ =	sdelay $0x3  }
0x33: {  	p0 =	seq.s32 s10, $0x1;
	s10 =	sld [smem:$0x3FAC];
	_ =	sdelay $0x3  }
0x34: {  	[smem:$0x3FAC] =	sst s10  }
0x35: {  	s10 =	sld [smem:$0x3FAB];
	_ =	sdelay $0x3  }
0x36: {  	p1 =	seq.s32 s10, $0x1;
	s10 =	sld [smem:$0x3FAC];
	_ =	sdelay $0x3  }
0x37: {  	[smem:$0x3FAC] =	sst s10  }
0x38: {  	s10 =	sld [smem:$0x3FAD]  }
0x39: {  	_ = 	snop;
	(pc) =	sbr.ind lr, $3  }
0x3a: {  	_ = 	snop  }
0x3b: {  	_ = 	snop  }
0x3c: {  	p2 =	seq.s32 s10, $0x1;
	s10 =	sld [smem:$0x3FAC]  }
0x3d: {  	_ =	shalt  }
0x3e: {  	_ =	shalt  }
0x3f: {  	_ =	shalt  }
0x40: {  	_ =	shalt  }
0x41: {  	_ =	shalt  }
0x42: {  	_ =	shalt  }
0x43: {  	_ =	shalt  }
0x44: {  	_ =	shalt  }
0x45: {  	_ =	shalt  }
0x46: {  	_ =	shalt  }
0x47: {  	_ =	shalt  }
0x48: {  	_ =	shalt  }
0x49: {  	_ =	shalt  }
0x4a: {  	_ =	shalt  }
0x4b: {  	_ =	shalt  }
0x4c: {  	_ =	shalt  }
0x4d: {  	_ =	shalt  }
0x4e: {  	_ =	shalt  }
0x4f: {  	_ =	shalt  }
0x50: {  	_ =	shalt  }
0x51: {  	_ =	shalt  }
0x52: {  	_ =	shalt  }
0x53: {  	_ =	shalt  }
0x54: {  	_ =	shalt  }
0x55: {  	_ =	shalt  }
0x56: {  	_ =	shalt  }
0x57: {  	_ =	shalt  }
0x58: {  	_ =	shalt  }
0x59: {  	_ =	shalt  }
0x5a: {  	_ =	shalt  }
0x5b: {  	_ =	shalt  }
0x5c: {  	_ =	shalt  }
0x5d: {  	_ =	shalt  }
0x5e: {  	_ =	shalt  }
0x5f: {  	_ =	shalt  }
0x60: {  	_ =	shalt  }
0x61: {  	_ =	shalt  }
0x62: {  	_ =	shalt  }
0x63: {  	_ =	shalt  }
0x64: {  	_ =	shalt  }
0x65: {  	_ =	shalt  }
0x66: {  	_ =	shalt  }
0x67: {  	_ =	shalt  }
0x68: {  	_ =	shalt  }
0x69: {  	_ =	shalt  }
0x6a: {  	_ =	shalt  }
0x6b: {  	_ =	shalt  }
0x6c: {  	_ =	shalt  }
0x6d: {  	_ =	shalt  }
0x6e: {  	_ =	shalt  }
0x6f: {  	_ =	shalt  }
0x70: {  	_ =	shalt  }
0x71: {  	_ =	shalt  }
0x72: {  	_ =	shalt  }
0x73: {  	_ =	shalt  }
0x74: {  	_ =	shalt  }
0x75: {  	_ =	shalt  }
0x76: {  	_ =	shalt  }
0x77: {  	_ =	shalt  }
0x78: {  	_ =	shalt  }
0x79: {  	_ =	shalt  }
0x7a: {  	_ =	shalt  }
0x7b: {  	_ =	shalt  }
0x7c: {  	_ =	shalt  }
0x7d: {  	_ =	shalt  }
0x7e: {  	_ =	shalt  }
0x7f: {  	_ =	shalt  }
0x80: {  	_ =	shalt  }
0x81: {  	_ =	shalt  }
0x82: {  	_ =	shalt  }
0x83: {  	_ =	shalt  }
0x84: {  	_ =	shalt  }
0x85: {  	_ =	shalt  }
0x86: {  	_ =	shalt  }
0x87: {  	_ =	shalt  }
.Lfunc_end0:
.L_simem_size_0:
called_computation.4_lowered:
.L_overlay_start_0:
0x88: {  	s2 =	sld [smem:$0x3FD9]  }
0x89: {  	s3 =	sld [smem:$0x3FFE];
	_ =	sdelay $0x1  }
0x8a: {  	s1 =	srdreg.scid  }
0x8b: {  	s0 =	sand.u32 $0x1, s1  }
0x8c: {  	s17 =	sshll.u32 s0, $0xA;
	s2 =	sadd.s32 s3, s2  }
0x8d: {  	s2 =	sadd.s32 s2, s17  }
0x8e: {  	[smem:$0x3FB8] =	sst s2  }
0x8f: {  	_ = 	snop  }
0x90: {  	(tm) =	ssettm $0x1  }
0x91: {  	s18 =	sld [smem:$0x3FFB];
	_ =	sdelay $0x3  }
0x92: {  	_ =	strace s18  }
0x93: {  	s2 =	sld [smem:$0x3FFC];
	_ =	sdelay $0x3  }
0x94: {  	_ =	strace s2  }
0x95: {  	s2 =	sld [smem:$0x3FFD];
	_ =	sdelay $0x3  }
0x96: {  	_ =	strace s2  }
0x97: {  	_ =	strace $0x8FFFFFFF  }
0x98: {  	s19 =	sld [smem:$0x3FDB];
	_ =	sdelay $0x1  }
0x99: {  	s20 =	simm.s32 $_scs_section_size  }
0x9a: {  	s4 =	simm.s32 $_size__tile_overlayer_lowered;
	s5 =	simm.s32 $_tile_overlayer_lowered  }
0x9b: {  	s6 =	simm.s32 $0x1BFF;
	s21 =	sshll.u32 s5, $0x1;
	s3 =	sadd.s32 s20, s19  }
0x9c: {  	s22 =	simm.s32 $0x0;
	s4 =	sshll.u32 s4, $0x1;
	s5 =	sadd.s32 s21, s3  }
0x9d: {  	[timem:s22], [sflag:s6] =	dma.local [hbm:s5], s4  }
0x9e: {  	_ =	swait.ge [sflag:s6], s4  }
0x9f: {  	s4 =	ssub.s32 $0x0, s4;
	[sflag:s6] =	ssyncset.done $0x0  }
0xa0: {  	[sflag:s6] =	ssyncadd.s32 s4;
	_ =	sdelay $0x1  }
0xa1: {  	s23 =	simm.s32 $0x1B8B  }
0xa2: {  	_ =	swait.ge [sflag:s23], $0x1  }
0xa3: {  	[sflag:s23] =	ssyncset.done $0x0  }
0xa4: {  	[sflag:s23] =	ssyncadd.s32 $0xFFFFFFFF  }
0xa5: {  	s4 =	sld [smem:$0x0]  }
0xa6: {  	s5 =	sand.u32 $0xFFFFFFFE, s1  }
0xa7: {  	p0 =	sne.s32 s1, s5  }
0xa8: {  	s5 =	sshll.u32 @p0 s5, $0xE  }
0xa9: {  	s5 =	sadd.s32 @p0 $0x11B8D, s5;
	s6 =	sshll.u32 @p0 s4, $0x11  }
0xaa: {  	s5 =	sor.u32 @p0 s6, s5  }
0xab: {  	[sflag:s5] =	ssyncadd.remote.s32 @p0 $0x1;
	_ =	sdelay $0x1  }
0xac: {  	s5 =	simm.s32 @p0 $0x1B8D  }
0xad: {  	_ =	swait.eq @p0 [sflag:s5], $0x1  }
0xae: {  	[sflag:s5] =	ssyncadd.s32 @p0 $0xFFFFFFFF  }
0xaf: {  	s6 =	sshll.u32 @!p0 s1, $0xE  }
0xb0: {  	s6 =	sor.u32 @!p0 $0x4000, s6;
	s5 =	simm.s32 @!p0 $0x1B8D  }
0xb1: {  	s4 =	sshll.u32 @!p0 s4, $0x11;
	s6 =	sadd.s32 @!p0 $0x11B8D, s6;
	_ =	swait.eq @!p0 [sflag:s5], $0x1  }
0xb2: {  	s4 =	sor.u32 @!p0 s4, s6;
	[sflag:s5] =	ssyncadd.s32 @!p0 $0xFFFFFFFF  }
0xb3: {  	s25 =	simm.s32 $0x1B8E;
	s24 =	sld [smem:$0x3FFE];
	[sflag:s4] =	ssyncadd.remote.s32 @!p0 $0x1  }
0xb4: {  	s26 =	simm.s32 $execute0_lowered;
	[smem:$0x3FD2] =	sst s25  }
0xb5: {  	s5 =	sshll.u32 s26, $0x1;
	_ =	strace $0x80000052;
	[dreg:$0x1] =	wrdreg $0xFFFFFFFF  }
0xb6: {  	s28 =	simm.s32 $_size_execute0_lowered;
	s3 =	sadd.s32 s3, s5;
	[dreg:$0x0] =	wrdreg $0x0  }
0xb7: {  	s5 =	sshll.u32 s28, $0x1;
	[dreg:$0x2] =	wrdreg s3  }
0xb8: {  	[dreg:$0x3] =	wrdreg s5  }
0xb9: {  	[dreg:$0x4] =	wrdreg $0xC0  }
0xba: {  	_ =	task [dreg:s22], $0x5FFFF  }
0xbb: {  	[dreg:$0x1] =	wrdreg $0xFFFFFFFF  }
0xbc: {  	[dreg:$0x0] =	wrdreg $0x60  }
0xbd: {  	[dreg:$0x2] =	wrdreg s24  }
0xbe: {  	[dreg:$0x3] =	wrdreg $0x0  }
0xbf: {  	[dreg:$0x4] =	wrdreg $0x9  }
0xc0: {  	_ =	task.clear_ibuf [dreg:s22], $0x5FFFF;
	_ =	strace $0x90000052  }
0xc1: {  	s29 =	simm.s32 $0x9;
	_ =	strace $0x80000054  }
0xc2: {  	_ =	swait.ge [sflag:s29], $0x1  }
0xc3: {  	[sflag:s29] =	ssyncadd.s32 $0xFFFFFFFF  }
0xc4: {  	_ =	strace $0x90000054  }
0xc5: {  	_ =	sfence  }
0xc6: {  	s30 =	sld [smem:$0x0];
	_ =	sdelay $0x2  }
0xc7: {  	s31 =	sshll.u32 s1, $0xD;
	s1 =	sshrl.u32 s1, $0x2  }
0xc8: {  	s4 =	sand.u32 $0x4000, s31;
	s1 =	sadd.s32 s1, s30  }
0xc9: {  	s0 =	sor.u32 s4, s0;
	s1 =	sshll.u32 s1, $0x11  }
0xca: {  	s0 =	sor.u32 s1, s0  }
0xcb: {  	s0 =	sadd.s32 $0x8F2B, s0  }
0xcc: {  	[sflag:s0] =	ssyncadd.remote.s32 $0x1  }
0xcd: {  	_ =	sfence.sel $0xFFFF  }
0xce: {  	[dreg:$0x0] =	wrdreg $0xFFFFFFFF;
	(pc) =	sbr.abs _section_cstart, $3  }
0xcf: {  	[dreg:$0x1] =	wrdreg $0xFFFFFFFF  }
0xd0: {  	_ =	task.clear_ibuf [dreg:s22], $0x2FFFF;
	_ =	strace $0x9FFFFFFF  }
0xd1: {  	(tm) =	ssettm $0x7FFFFFFF  }
tec
execute0_lowered:
.L_overlay_start_1:
0x0: {  	(tag) =	ssettag $0x1  }
0x1: {  	s0 =	rddreg [dreg:$0x0]  }
0x2: {  	s1 =	rddreg [dreg:$0x1];
	s3 =	simm.s32 $0x0  }
0x3: {  	s9 =	stileid.u32;
	s2 =	srdreg.scid;
	s22 =	simm.s32 $0x1D100  }
0x4: {  	s23 =	simm.s32 $0x3;
	s28 =	simm.s32 $0x19280;
	s29 =	simm.s32 $0x1  }
0x5: {  	s30 =	simm.s32 $0x2;
	[smem:$0x7FF] =	sst s3;
	s6 =	smul.u32 $0x280, s9  }
0x6: {  	s4 =	sadd.s32 $0x13C00, s0;
	s2 =	sand.u32 $0x1, s2;
	s20 =	smul.u32 $0x28000, s9  }
0x7: {  	s5 =	sadd.s32 $0xDBC00, s0;
	s9 =	smul.u32 $0x50000, s9;
	s10 =	sadd.s32 $0x103C00, s0  }
0x8: {  	_ =	strace $0x80000053;
	s7 =	ssub.s32 $0x2, s2;
	[dreg:$0x3] =	wrdreg s10  }
0x9: {  	p0 =	sne.s32 s2, $0x0;
	s6 =	sadd.s32 s6, s0;
	s8 =	sshrl.u32 s7, $0x1  }
0xa: {  	s0 =	sadd.s32 $0x12BC00, s0;
	s26 =	sshrl.u32 s20, $0x1;
	s11 =	sshrl.u32 s9, $0x2  }
0xb: {  	s20 =	sshrl.u32 s20, $0x4;
	[dreg:$0x4] =	wrdreg s0;
	s25 =	ssub.s32 s7, s8  }
0xc: {  	s8 =	sadd.s32 $0x11400, s6;
	s9 =	sadd.s32 $0xEC00, s6;
	s10 =	sadd.s32 s26, s1  }
.Ltmp0:
0xd: {  	s31 =	sadd.s32 s11, s1;
	s26 =	simm.s32 $0x7D;
	(pc) =	sbr.rel .LBB2_1-.Ltmp0, $4  }
0xe: {  	s7 =	simm.s32 $0x0;
	s11 =	sadd.s32 $0x2000, s31;
	s12 =	sadd.s32 $0x4000, s31  }
0xf: {  	s13 =	sadd.s32 $0x6000, s31;
	s14 =	sadd.s32 $0x8000, s31;
	s15 =	sadd.s32 $0xA000, s31  }
0x10: {  	s16 =	sadd.s32 $0xC000, s31;
	s17 =	sadd.s32 $0xE000, s31;
	s18 =	sadd.s32 $0x10000, s31  }
0x11: {  	v0 =	vimm.bf16 $0.0e+00;
	s19 =	sadd.s32 $0x12000, s31;
	s21 =	smax.u32 s25, $0x1;
	s25 =	simm.s32 $0x15400  }
.LBB2_9:
0x12: {  	s0 =	sadd.s32 $0x1D180, s24;
	[sflag:s23] =	ssyncadd.s32 $0xFFFFC180  }
0x13: {  	[tilespmem:s28], [sflag:$0x2] =	stream.indirect.gather [hbm4b:s5+s26], $0x80, s0, s26, $0xb8;
	[tilespmem:$0x1E500] =	vst v63  }
0x14: {  	_ =	swait.ge [sflag:s29], $0x3E80  }
0x15: {  	[sflag:s29] =	ssyncset.done $0x0  }
0x16: {  	s2 =	sadd.s32 $0x14000, s24;
	[sflag:s29] =	ssyncadd.s32 $0xFFFFC180  }
0x17: {  	[spmem:s1] =	stream.indirect.scatter.add.bf16 [tilespmem:s25], [sflag:$0x3], $0x80, s2, s26, $0xb8;
	[tilespmem:$0x1E500] =	vst v63  }
0x18: {  	_ =	swait.ge [sflag:s23], $0x3E80  }
0x19: {  	[sflag:s23] =	ssyncset.done $0x0  }
0x1a: {  	s6 =	sadd.s32 $0x1D200, s24;
	[sflag:s23] =	ssyncadd.s32 $0xFFFFC180  }
0x1b: {  	[tilespmem:s25], [sflag:$0x1] =	stream.indirect.gather [hbm4b:s5+s26], $0x80, s6, s26, $0xb8;
	[tilespmem:$0x1E500] =	vst v63  }
0x1c: {  	_ =	swait.ge [sflag:s30], $0x3E80  }
0x1d: {  	[sflag:s30] =	ssyncset.done $0x0  }
0x1e: {  	s24 =	sadd.s32 $0x14080, s24;
	[sflag:s30] =	ssyncadd.s32 $0xFFFFC180  }
0x1f: {  	[spmem:s1] =	stream.indirect.scatter.add.bf16 [tilespmem:s28], [sflag:$0x3], $0x80, s24, s26, $0xb8;
	[tilespmem:$0x1E500] =	vst v63  }
0x20: {  	_ =	swait.ge [sflag:s23], $0x3E80  }
0x21: {  	[sflag:s23] =	ssyncset.done $0x0  }
0x22: {  	s31 =	simm.s32 $0x1E480;
	s2 =	rddreg [dreg:$0x4];
	[sflag:s23] =	ssyncadd.s32 $0xFFFFC180  }
0x23: {  	[tilespmem:s28], [sflag:$0x2] =	stream.indirect.gather [hbm4b:s5+s26], $0x80, s31, s26, $0xb8;
	[tilespmem:$0x1E500] =	vst v63  }
.LBB2_10:
0x24: {  	_ =	swait.ge [sflag:s29], $0x3E80  }
0x25: {  	[sflag:s29] =	ssyncset.done $0x0  }
0x26: {  	s0 =	simm.s32 $0x15300;
	[sflag:s29] =	ssyncadd.s32 $0xFFFFC180  }
0x27: {  	[spmem:s1] =	stream.indirect.scatter.add.bf16 [tilespmem:s25], [sflag:$0x3], $0x80, s0, s26, $0xb8;
	[tilespmem:$0x1E500] =	vst v63  }
0x28: {  	_ =	swait.ge [sflag:s23], $0x3E80  }
0x29: {  	[sflag:s23] =	ssyncset.done $0x0  }
0x2a: {  	[sflag:s23] =	ssyncadd.s32 $0xFFFFC180  }
0x2b: {  	_ =	swait.ge [sflag:s30], $0x3E80  }
0x2c: {  	[sflag:s30] =	ssyncset.done $0x0  }
0x2d: {  	s6 =	simm.s32 $0x15380;
	[sflag:s30] =	ssyncadd.s32 $0xFFFFC180  }
0x2e: {  	[spmem:s1] =	stream.indirect.scatter.add.bf16 [tilespmem:s28], [sflag:$0x3], $0x80, s6, s26, $0xb8;
	[tilespmem:$0x1E500] =	vst v63  }
0x2f: {  	s24 =	sadd.s32 s2, s20;
	s31 =	stileid.u32;
	_ =	swait.ge [sflag:s23], $0x3E80  }
0x30: {  	s7 =	sadd.s32 $0x1, s7;
	s2 =	sshll.u32 s31, $0x6;
	[sflag:s23] =	ssyncset.done $0x0  }
0x31: {  	p1 =	sne.s32 s7, s21;
	s2 =	sor.u32 $0x1C03, s2;
	[sflag:s23] =	ssyncadd.s32 $0xFFFFC180  }
.Ltmp1:
0x32: {  	s6 =	sshrl.u32 s10, $0x3;
	[bflag:$0x0] =	sbarrier.arrive $0xFFFF;
	(pc) =	sbr.rel @!p1 .LBB2_11-.Ltmp1, $4  }
0x33: {  	[hbm:s24], [sflag:s2] =	dma.local [spmem:s6], $0x2800  }
0x34: {  	_ =	swait.ge [sflag:s23], $0x2800  }
0x35: {  	[sflag:s23] =	ssyncset.done $0x0  }
0x36: {  	[sflag:s23] =	ssyncadd.s32 $0xFFFFD800  }
.LBB2_1:
0x37: {  	[tilespmem:s22], [sflag:$0x3] =	stream.linear.gather [hbm4b:s8+s3], $0x1400, $0x38;
	[tilespmem:$0x1E500] =	vst v63  }
0x38: {  	_ =	swait.ge [sflag:s23], $0x1400  }
0x39: {  	[sflag:s23] =	ssyncset.done $0x0  }
0x3a: {  	s0 =	simm.s32 $0x14000;
	[sflag:s23] =	ssyncadd.s32 $0xFFFFEC00  }
0x3b: {  	[tilespmem:s0], [sflag:$0x3] =	stream.linear.gather [hbm4b:s9+s3], $0x1400, $0x38;
	[tilespmem:$0x1E500] =	vst v63  }
0x3c: {  	_ =	swait.ge [sflag:s23], $0x1400  }
0x3d: {  	[sflag:s23] =	ssyncset.done $0x0  }
0x3e: {  	s24 =	simm.s32 $0x0;
	s2 =	simm.s32 $0x200;
	[sflag:s23] =	ssyncadd.s32 $0xFFFFEC00  }
.LBB2_2:
0x3f: {  	p1 =	sne.s32 s2, $0x7E00;
	[tilespmem:s24+$0x15470] =	vst v0  }
0x40: {  	[tilespmem:s24+$0x15400] =	vst v0  }
0x41: {  	[tilespmem:s24+$0x15410] =	vst v0  }
.Ltmp2:
0x42: {  	[tilespmem:s24+$0x15420] =	vst v0;
	(pc) =	sbr.rel @p1 .LBB2_2-.Ltmp2, $4  }
0x43: {  	[tilespmem:s24+$0x15430] =	vst v0  }
0x44: {  	[tilespmem:s24+$0x15440] =	vst v0  }
0x45: {  	[tilespmem:s24+$0x15450] =	vst v0  }
0x46: {  	[tilespmem:s24+$0x15460] =	vst v0;
	s24 =	sshra.s32 s2, $0x2;
	s2 =	sadd.s32 $0x200, s2  }
0x47: {  	[tilespmem:s24+$0x15470] =	vst v0  }
0x48: {  	[tilespmem:s24+$0x15400] =	vst v0  }
0x49: {  	[tilespmem:s24+$0x15410] =	vst v0  }
0x4a: {  	[tilespmem:s24+$0x15420] =	vst v0  }
0x4b: {  	[tilespmem:s24+$0x15430] =	vst v0  }
0x4c: {  	[tilespmem:s24+$0x15440] =	vst v0  }
0x4d: {  	[tilespmem:s24+$0x15450] =	vst v0  }
0x4e: {  	[tilespmem:s24+$0x15460] =	vst v0  }
0x4f: {  	[spmem:s10] =	stream.linear.scatter [tilespmem:s25], [sflag:$0x3], $0x2000, $0x38;
	[tilespmem:$0x1E500] =	vst v63  }
0x50: {  	_ =	swait.ge [sflag:s23], $0x2000  }
0x51: {  	[sflag:s23] =	ssyncset.done $0x0  }
0x52: {  	[sflag:s23] =	ssyncadd.s32 $0xFFFFE000  }
0x53: {  	[spmem:s11] =	stream.linear.scatter [tilespmem:s25], [sflag:$0x3], $0x2000, $0x38;
	[tilespmem:$0x1E500] =	vst v63  }
0x54: {  	_ =	swait.ge [sflag:s23], $0x2000  }
0x55: {  	[sflag:s23] =	ssyncset.done $0x0  }
0x56: {  	[sflag:s23] =	ssyncadd.s32 $0xFFFFE000  }
0x57: {  	[spmem:s12] =	stream.linear.scatter [tilespmem:s25], [sflag:$0x3], $0x2000, $0x38;
	[tilespmem:$0x1E500] =	vst v63  }
0x58: {  	_ =	swait.ge [sflag:s23], $0x2000  }
0x59: {  	[sflag:s23] =	ssyncset.done $0x0  }
0x5a: {  	[sflag:s23] =	ssyncadd.s32 $0xFFFFE000  }
0x5b: {  	[spmem:s13] =	stream.linear.scatter [tilespmem:s25], [sflag:$0x3], $0x2000, $0x38;
	[tilespmem:$0x1E500] =	vst v63  }
0x5c: {  	_ =	swait.ge [sflag:s23], $0x2000  }
0x5d: {  	[sflag:s23] =	ssyncset.done $0x0  }
0x5e: {  	[sflag:s23] =	ssyncadd.s32 $0xFFFFE000  }
0x5f: {  	[spmem:s14] =	stream.linear.scatter [tilespmem:s25], [sflag:$0x3], $0x2000, $0x38;
	[tilespmem:$0x1E500] =	vst v63  }
0x60: {  	_ =	swait.ge [sflag:s23], $0x2000  }
0x61: {  	[sflag:s23] =	ssyncset.done $0x0  }
0x62: {  	[sflag:s23] =	ssyncadd.s32 $0xFFFFE000  }
0x63: {  	[spmem:s15] =	stream.linear.scatter [tilespmem:s25], [sflag:$0x3], $0x2000, $0x38;
	[tilespmem:$0x1E500] =	vst v63  }
0x64: {  	_ =	swait.ge [sflag:s23], $0x2000  }
0x65: {  	[sflag:s23] =	ssyncset.done $0x0  }
0x66: {  	[sflag:s23] =	ssyncadd.s32 $0xFFFFE000  }
0x67: {  	[spmem:s16] =	stream.linear.scatter [tilespmem:s25], [sflag:$0x3], $0x2000, $0x38;
	[tilespmem:$0x1E500] =	vst v63  }
0x68: {  	_ =	swait.ge [sflag:s23], $0x2000  }
0x69: {  	[sflag:s23] =	ssyncset.done $0x0  }
0x6a: {  	[sflag:s23] =	ssyncadd.s32 $0xFFFFE000  }
0x6b: {  	[spmem:s17] =	stream.linear.scatter [tilespmem:s25], [sflag:$0x3], $0x2000, $0x38;
	[tilespmem:$0x1E500] =	vst v63  }
0x6c: {  	_ =	swait.ge [sflag:s23], $0x2000  }
0x6d: {  	[sflag:s23] =	ssyncset.done $0x0  }
0x6e: {  	[sflag:s23] =	ssyncadd.s32 $0xFFFFE000  }
0x6f: {  	[spmem:s18] =	stream.linear.scatter [tilespmem:s25], [sflag:$0x3], $0x2000, $0x38;
	[tilespmem:$0x1E500] =	vst v63  }
0x70: {  	_ =	swait.ge [sflag:s23], $0x2000  }
0x71: {  	[sflag:s23] =	ssyncset.done $0x0  }
0x72: {  	[sflag:s23] =	ssyncadd.s32 $0xFFFFE000  }
0x73: {  	[spmem:s19] =	stream.linear.scatter [tilespmem:s25], [sflag:$0x3], $0x2000, $0x38;
	[tilespmem:$0x1E500] =	vst v63  }
.Ltmp3:
0x74: {  	_ =	swait.ge [sflag:s23], $0x2000;
	(pc) =	sbr.rel @p0 .LBB2_7-.Ltmp3, $3  }
0x75: {  	[sflag:s23] =	ssyncset.done $0x0  }
0x76: {  	[sflag:s23] =	ssyncadd.s32 $0xFFFFE000  }
0x77: {  	[bflag:$0x0] =	sbarrier.arrive $0xFFFF;
	_ =	sdelay $0x1  }
0x78: {  	[tilespmem:s25], [sflag:$0x1] =	stream.indirect.gather [hbm4b:s4+s26], $0x80, s22, s26, $0xb8;
	[tilespmem:$0x1E500] =	vst v63  }
0x79: {  	s2 =	simm.s32 $0x1D180  }
0x7a: {  	[tilespmem:s28], [sflag:$0x2] =	stream.indirect.gather [hbm4b:s4+s26], $0x80, s2, s26, $0xb8;
	[tilespmem:$0x1E500] =	vst v63  }
0x7b: {  	_ =	swait.ge [sflag:s29], $0x3E80  }
0x7c: {  	[sflag:s29] =	ssyncset.done $0x0  }
0x7d: {  	s6 =	simm.s32 $0x14000;
	[sflag:s29] =	ssyncadd.s32 $0xFFFFC180  }
0x7e: {  	[spmem:s1] =	stream.indirect.scatter.add.bf16 [tilespmem:s25], [sflag:$0x3], $0x80, s6, s26, $0xb8;
	[tilespmem:$0x1E500] =	vst v63  }
0x7f: {  	_ =	swait.ge [sflag:s23], $0x3E80  }
0x80: {  	[sflag:s23] =	ssyncset.done $0x0  }
0x81: {  	s24 =	simm.s32 $0x1D200;
	[sflag:s23] =	ssyncadd.s32 $0xFFFFC180  }
0x82: {  	[tilespmem:s25], [sflag:$0x1] =	stream.indirect.gather [hbm4b:s4+s26], $0x80, s24, s26, $0xb8;
	[tilespmem:$0x1E500] =	vst v63  }
0x83: {  	_ =	swait.ge [sflag:s30], $0x3E80  }
0x84: {  	[sflag:s30] =	ssyncset.done $0x0  }
0x85: {  	s31 =	simm.s32 $0x14080;
	[sflag:s30] =	ssyncadd.s32 $0xFFFFC180  }
0x86: {  	[spmem:s1] =	stream.indirect.scatter.add.bf16 [tilespmem:s28], [sflag:$0x3], $0x80, s31, s26, $0xb8;
	[tilespmem:$0x1E500] =	vst v63  }
0x87: {  	_ =	swait.ge [sflag:s23], $0x3E80  }
0x88: {  	s2 =	simm.s32 $0x800;
	s24 =	simm.s32 $0x100;
	[sflag:s23] =	ssyncset.done $0x0  }
.LBB2_5:
0x89: {  	s31 =	sadd.s32 $0x1D180, s24  }
0x8a: {  	[sflag:s23] =	ssyncadd.s32 $0xFFFFC180;
	s0 =	smov.u32 s2;
	s6 =	sadd.s32 $0x400, s2  }
0x8b: {  	[tilespmem:s28], [sflag:$0x2] =	stream.indirect.gather [hbm4b:s4+s26], $0x80, s31, s26, $0xb8;
	[tilespmem:$0x1E500] =	vst v63  }
0x8c: {  	p1 =	sne.s32 s2, $0x4800;
	_ =	swait.ge [sflag:s29], $0x3E80  }
0x8d: {  	[sflag:s29] =	ssyncset.done $0x0  }
0x8e: {  	s2 =	sadd.s32 $0x14000, s24;
	[sflag:s29] =	ssyncadd.s32 $0xFFFFC180  }
0x8f: {  	[spmem:s1] =	stream.indirect.scatter.add.bf16 [tilespmem:s25], [sflag:$0x3], $0x80, s2, s26, $0xb8;
	[tilespmem:$0x1E500] =	vst v63  }
0x90: {  	_ =	swait.ge [sflag:s23], $0x3E80  }
0x91: {  	[sflag:s23] =	ssyncset.done $0x0  }
0x92: {  	s2 =	sadd.s32 $0x1D200, s24;
	[sflag:s23] =	ssyncadd.s32 $0xFFFFC180  }
0x93: {  	[tilespmem:s25], [sflag:$0x1] =	stream.indirect.gather [hbm4b:s4+s26], $0x80, s2, s26, $0xb8;
	[tilespmem:$0x1E500] =	vst v63  }
0x94: {  	_ =	swait.ge [sflag:s30], $0x3E80  }
.Ltmp4:
0x95: {  	[sflag:s30] =	ssyncset.done $0x0;
	(pc) =	sbr.rel @p1 .LBB2_5-.Ltmp4, $4  }
0x96: {  	s2 =	sadd.s32 $0x14080, s24;
	[sflag:s30] =	ssyncadd.s32 $0xFFFFC180  }
0x97: {  	[spmem:s1] =	stream.indirect.scatter.add.bf16 [tilespmem:s28], [sflag:$0x3], $0x80, s2, s26, $0xb8;
	[tilespmem:$0x1E500] =	vst v63  }
0x98: {  	_ =	swait.ge [sflag:s23], $0x3E80  }
0x99: {  	s24 =	sshra.s32 s0, $0x2;
	s2 =	smov.u32 s6;
	[sflag:s23] =	ssyncset.done $0x0  }
0x9a: {  	s0 =	sadd.s32 $0x1D180, s24;
	[sflag:s23] =	ssyncadd.s32 $0xFFFFC180  }
0x9b: {  	[tilespmem:s28], [sflag:$0x2] =	stream.indirect.gather [hbm4b:s4+s26], $0x80, s0, s26, $0xb8;
	[tilespmem:$0x1E500] =	vst v63  }
0x9c: {  	_ =	swait.ge [sflag:s29], $0x3E80  }
0x9d: {  	[sflag:s29] =	ssyncset.done $0x0  }
0x9e: {  	s2 =	sadd.s32 $0x14000, s24;
	[sflag:s29] =	ssyncadd.s32 $0xFFFFC180  }
0x9f: {  	[spmem:s1] =	stream.indirect.scatter.add.bf16 [tilespmem:s25], [sflag:$0x3], $0x80, s2, s26, $0xb8;
	[tilespmem:$0x1E500] =	vst v63  }
0xa0: {  	_ =	swait.ge [sflag:s23], $0x3E80  }
0xa1: {  	[sflag:s23] =	ssyncset.done $0x0  }
0xa2: {  	s6 =	sadd.s32 $0x1D200, s24;
	[sflag:s23] =	ssyncadd.s32 $0xFFFFC180  }
0xa3: {  	[tilespmem:s25], [sflag:$0x1] =	stream.indirect.gather [hbm4b:s4+s26], $0x80, s6, s26, $0xb8;
	[tilespmem:$0x1E500] =	vst v63  }
0xa4: {  	_ =	swait.ge [sflag:s30], $0x3E80  }
0xa5: {  	[sflag:s30] =	ssyncset.done $0x0  }
0xa6: {  	s24 =	sadd.s32 $0x14080, s24;
	[sflag:s30] =	ssyncadd.s32 $0xFFFFC180  }
0xa7: {  	[spmem:s1] =	stream.indirect.scatter.add.bf16 [tilespmem:s28], [sflag:$0x3], $0x80, s24, s26, $0xb8;
	[tilespmem:$0x1E500] =	vst v63  }
.Ltmp5:
0xa8: {  	_ = 	snop;
	(pc) =	sbr.rel .LBB2_10-.Ltmp5, $4  }
0xa9: {  	_ =	swait.ge [sflag:s23], $0x3E80  }
0xaa: {  	[sflag:s23] =	ssyncset.done $0x0  }
0xab: {  	s31 =	simm.s32 $0x1E480;
	s2 =	rddreg [dreg:$0x3];
	[sflag:s23] =	ssyncadd.s32 $0xFFFFC180  }
0xac: {  	[tilespmem:s28], [sflag:$0x2] =	stream.indirect.gather [hbm4b:s4+s26], $0x80, s31, s26, $0xb8;
	[tilespmem:$0x1E500] =	vst v63  }
.LBB2_7:
0xad: {  	[tilespmem:s25], [sflag:$0x1] =	stream.indirect.gather [hbm4b:s5+s26], $0x80, s22, s26, $0xb8;
	[tilespmem:$0x1E500] =	vst v63  }
0xae: {  	s0 =	simm.s32 $0x1D180  }
0xaf: {  	[tilespmem:s28], [sflag:$0x2] =	stream.indirect.gather [hbm4b:s5+s26], $0x80, s0, s26, $0xb8;
	[tilespmem:$0x1E500] =	vst v63  }
0xb0: {  	_ =	swait.ge [sflag:s29], $0x3E80  }
0xb1: {  	[sflag:s29] =	ssyncset.done $0x0  }
0xb2: {  	s6 =	simm.s32 $0x14000;
	[sflag:s29] =	ssyncadd.s32 $0xFFFFC180  }
0xb3: {  	[spmem:s1] =	stream.indirect.scatter.add.bf16 [tilespmem:s25], [sflag:$0x3], $0x80, s6, s26, $0xb8;
	[tilespmem:$0x1E500] =	vst v63  }
0xb4: {  	_ =	swait.ge [sflag:s23], $0x3E80  }
0xb5: {  	[sflag:s23] =	ssyncset.done $0x0  }
0xb6: {  	s24 =	simm.s32 $0x1D200;
	[sflag:s23] =	ssyncadd.s32 $0xFFFFC180  }
0xb7: {  	[tilespmem:s25], [sflag:$0x1] =	stream.indirect.gather [hbm4b:s5+s26], $0x80, s24, s26, $0xb8;
	[tilespmem:$0x1E500] =	vst v63  }
0xb8: {  	_ =	swait.ge [sflag:s30], $0x3E80  }
0xb9: {  	[sflag:s30] =	ssyncset.done $0x0  }
0xba: {  	s31 =	simm.s32 $0x14080;
	[sflag:s30] =	ssyncadd.s32 $0xFFFFC180  }
0xbb: {  	[spmem:s1] =	stream.indirect.scatter.add.bf16 [tilespmem:s28], [sflag:$0x3], $0x80, s31, s26, $0xb8;
	[tilespmem:$0x1E500] =	vst v63  }
0xbc: {  	_ =	swait.ge [sflag:s23], $0x3E80  }
0xbd: {  	s2 =	simm.s32 $0x800;
	s24 =	simm.s32 $0x100;
	[sflag:s23] =	ssyncset.done $0x0  }
.LBB2_8:
0xbe: {  	s0 =	sadd.s32 $0x1D180, s24  }
0xbf: {  	[sflag:s23] =	ssyncadd.s32 $0xFFFFC180;
	s6 =	smov.u32 s2;
	s31 =	sadd.s32 $0x400, s2  }
0xc0: {  	[tilespmem:s28], [sflag:$0x2] =	stream.indirect.gather [hbm4b:s5+s26], $0x80, s0, s26, $0xb8;
	[tilespmem:$0x1E500] =	vst v63  }
0xc1: {  	p1 =	sne.s32 s2, $0x4800;
	_ =	swait.ge [sflag:s29], $0x3E80  }
0xc2: {  	[sflag:s29] =	ssyncset.done $0x0  }
0xc3: {  	s0 =	sadd.s32 $0x14000, s24;
	[sflag:s29] =	ssyncadd.s32 $0xFFFFC180  }
0xc4: {  	[spmem:s1] =	stream.indirect.scatter.add.bf16 [tilespmem:s25], [sflag:$0x3], $0x80, s0, s26, $0xb8;
	[tilespmem:$0x1E500] =	vst v63  }
0xc5: {  	_ =	swait.ge [sflag:s23], $0x3E80  }
0xc6: {  	[sflag:s23] =	ssyncset.done $0x0  }
0xc7: {  	s0 =	sadd.s32 $0x1D200, s24;
	[sflag:s23] =	ssyncadd.s32 $0xFFFFC180  }
0xc8: {  	[tilespmem:s25], [sflag:$0x1] =	stream.indirect.gather [hbm4b:s5+s26], $0x80, s0, s26, $0xb8;
	[tilespmem:$0x1E500] =	vst v63  }
0xc9: {  	_ =	swait.ge [sflag:s30], $0x3E80  }
.Ltmp6:
0xca: {  	[sflag:s30] =	ssyncset.done $0x0;
	(pc) =	sbr.rel @p1 .LBB2_8-.Ltmp6, $4  }
0xcb: {  	s0 =	sadd.s32 $0x14080, s24;
	[sflag:s30] =	ssyncadd.s32 $0xFFFFC180  }
0xcc: {  	[spmem:s1] =	stream.indirect.scatter.add.bf16 [tilespmem:s28], [sflag:$0x3], $0x80, s0, s26, $0xb8;
	[tilespmem:$0x1E500] =	vst v63  }
0xcd: {  	_ =	swait.ge [sflag:s23], $0x3E80  }
0xce: {  	s2 =	smov.u32 s31;
	s24 =	sshra.s32 s6, $0x2;
	[sflag:s23] =	ssyncset.done $0x0  }
.Ltmp7:
0xcf: {  	_ = 	snop;
	(pc) =	sbr.rel .LBB2_9-.Ltmp7, $1  }
0xd0: {  	_ =	sdelay $0x3  }
.LBB2_11:
0xd1: {  	_ =	sfence.sel $0x180000  }
0xd2: {  	[bflag:$0x0] =	sbarrier.arrive $0xFFFF  }
0xd3: {  	_ =	strace $0x90000053  }
0xd4: {  	s0 =	stileid.u32;
	[bflag:$0x2] =	sbarrier.arrive $0xFFFF  }
0xd5: {  	p0 =	sne.s32 s0, $0x0;
	s0 =	rddreg [dreg:$0x2]  }
0xd6: {  	s0 =	sadd.s32 @!p0 $0x100000, s0  }
0xd7: {  	[sflag:s0] =	ssyncadd.tile.s32 @!p0 $0x1;
	_ =	shalt  }
.Lfunc_end2:
_tile_overlayer_lowered:
.L_overlay_start_2:
0xd8: {  	(tag) =	ssettag $0x2  }
0xd9: {  	s0 =	rddreg [dreg:$0x0];
	s2 =	stileid.u32  }
0xda: {  	s1 =	rddreg [dreg:$0x1];
	p0 =	sne.s32 s2, $0x0  }
0xdb: {  	s3 =	rddreg [dreg:$0x2];
	[bflag:$0x3] =	sbarrier.arrive $0xFFFF;
	s2 =	simm.s32 @!p0 $0x1C03  }
0xdc: {  	[timem:s3], [sflag:s2] =	dma.local @!p0 [hbm:s0], s1  }
0xdd: {  	s0 =	simm.s32 @!p0 $0x3  }
0xde: {  	_ =	swait.ge @!p0 [sflag:s0], s1  }
0xdf: {  	s1 =	ssub.s32 @!p0 $0x0, s1;
	[sflag:s0] =	ssyncset.done @!p0 $0x0  }
0xe0: {  	[sflag:s0] =	ssyncadd.s32 @!p0 s1  }
0xe1: {  	[bflag:$0x3] =	sbarrier.arrive $0xFFFF  }
0xe2: {  	_ =	shalt  }

</sc_bundles>
